<compile_context>
chip_gen: v7x
topology: tpu7x:2x2x1
jax: 0.10.2.dev20260603
libtpu: 0.0.44.dev20260713+nightly
codegen_flags: <defaults>
</compile_context>

<pallas_src>
import functools

import jax
import jax.numpy as jnp
from jax import lax
from jax.experimental import pallas as pl
from jax.experimental.pallas import tpu as pltpu
from jax.experimental.pallas import tpu_sc as plsc

_N = 10000
_E = 320000
_D = 128
_NG = 256
_NPAD = 10112
_NC, _NS = 2, 16
_NT = _NC * _NS
_EPT = _E // _NT
_CH = 128
_MCH = 80
_NCH = _E // _MCH
_CPT = _NCH // _NT
_NFULL = _EPT // _CH
_TAIL = _EPT - _NFULL * _CH
_RPC = _NPAD // _NS
_BR = _NPAD // 16

_HIGH = lax.Precision.HIGHEST


def _dot(a, b):
    return jnp.dot(a, b, preferred_element_type=jnp.float32, precision=_HIGH)



def _bond_table(b0, b1, b2):
    i4096 = lax.broadcasted_iota(jnp.int32, (4096, 1), 0)
    i16 = lax.broadcasted_iota(jnp.int32, (1, 16), 1)
    oh0 = ((i4096 // 256) == i16).astype(jnp.float32)
    oh1 = (((i4096 // 16) % 16) == i16).astype(jnp.float32)
    oh2 = ((i4096 % 16) == i16).astype(jnp.float32)
    return _dot(oh0, b0) + _dot(oh1, b1) + _dot(oh2, b2)


def _encode_body(x_ref, aemb_ref, b00_ref, b01_ref, b02_ref,
                 b10_ref, b11_ref, b12_ref, h_ref, t0_ref, t1_ref):
    i = pl.program_id(0)
    i64 = lax.broadcasted_iota(jnp.int32, (1, 64), 1)
    h = None
    for f in range(9):
        oh = (x_ref[:, f : f + 1] == i64).astype(jnp.float32)
        part = _dot(oh, aemb_ref[f])
        h = part if h is None else h + part
    h_ref[...] = h

    @pl.when(i == 0)
    def _():
        t0_ref[...] = _bond_table(b00_ref[...], b01_ref[...], b02_ref[...])
        t1_ref[...] = _bond_table(b10_ref[...], b11_ref[...], b12_ref[...])


def _mlp_body(relu_out, h_ref, ag_ref, eps_ref, w1_ref, b1_ref, g1_ref,
              be1_ref, w2_ref, b2_ref, go_ref, bo_ref, hout_ref,
              hh1_ref, hh2_ref, st_ref):
    ph = pl.program_id(0)
    i = pl.program_id(1)
    valid = (lax.broadcasted_iota(jnp.int32, (_BR, 1), 0) + i * _BR) < _N

    @pl.when(ph == 0)
    def _():
        pre = h_ref[...] * (1.0 + eps_ref[0, 0]) + ag_ref[0] + ag_ref[1]
        hh = _dot(pre, w1_ref[...]) + b1_ref[...]
        hh = jnp.where(valid, hh, 0.0)
        hh1_ref[pl.ds(i * _BR, _BR), :] = hh

        @pl.when(i == 0)
        def _():
            st_ref[...] = jnp.zeros((8, 2 * _D), jnp.float32)
        st_ref[0:1, :] = st_ref[0:1, :] + jnp.sum(hh, axis=0, keepdims=True)
        st_ref[1:2, :] = st_ref[1:2, :] + jnp.sum(hh * hh, axis=0,
                                                  keepdims=True)

    @pl.when(ph == 1)
    def _():
        m = st_ref[0:1, :] / _N
        v = st_ref[1:2, :] / _N - m * m
        hh = hh1_ref[pl.ds(i * _BR, _BR), :]
        hh = (hh - m) / jnp.sqrt(v + 1e-5) * g1_ref[...] + be1_ref[...]
        hh = jnp.maximum(hh, 0.0)
        hh = _dot(hh, w2_ref[...]) + b2_ref[...]
        hh = jnp.where(valid, hh, 0.0)
        hh2_ref[pl.ds(i * _BR, _BR), :] = hh

        @pl.when(i == 0)
        def _():
            st_ref[2:4, :] = jnp.zeros((2, 2 * _D), jnp.float32)
        st_ref[2:3, 0:_D] = (st_ref[2:3, 0:_D]
                             + jnp.sum(hh, axis=0, keepdims=True))
        st_ref[3:4, 0:_D] = (st_ref[3:4, 0:_D]
                             + jnp.sum(hh * hh, axis=0, keepdims=True))

    @pl.when(ph == 2)
    def _():
        m = st_ref[2:3, 0:_D] / _N
        v = st_ref[3:4, 0:_D] / _N - m * m
        hh = hh2_ref[pl.ds(i * _BR, _BR), :]
        hh = (hh - m) / jnp.sqrt(v + 1e-5) * go_ref[...] + bo_ref[...]
        if relu_out:
            hh = jnp.maximum(hh, 0.0)
        hout_ref[...] = hh + h_ref[...]


def _head_body(h_ref, batch_ref, wcat_ref, bvec_ref, p_ref, r_ref):
    i = pl.program_id(0)
    valid = (lax.broadcasted_iota(jnp.int32, (_BR, 1), 0) + i * _BR) < _N
    h = h_ref[...]
    p = _dot(h, wcat_ref[...]) + bvec_ref[...]
    nk = 1.0 / (1.0 + jnp.exp(-p[:, 0:1]))
    lane = lax.broadcasted_iota(jnp.int32, (_BR, _D), 1)
    nk_b = jnp.broadcast_to(nk, (_BR, _D))
    p_ref[...] = jnp.where(lane == 0, nk_b, p)
    i256 = lax.broadcasted_iota(jnp.int32, (_NG, 1), 0)
    ot = (i256 == batch_ref[0]).astype(jnp.float32)
    m = jnp.where(lane == 0, nk_b, jnp.where(lane == 1, 1.0 - nk_b, 0.0))
    m = jnp.where(valid, m, 0.0)
    rpart = _dot(ot, m)

    @pl.when(i == 0)
    def _():
        r_ref[...] = rpart + 1e-8

    @pl.when(i > 0)
    def _():
        r_ref[...] = r_ref[...] + rpart


def _fin_body(pk_ref, pc_ref, out_ref):
    k = jnp.sum(pk_ref[...], axis=0, keepdims=True)
    c = jnp.sum(pc_ref[...], axis=0, keepdims=True)
    out_ref[0:1, :] = k + 1e-8
    out_ref[1:2, :] = (c - k) + 1e-8



def _relu_add(hv, bv):
    def rowop(i, _):
        for jj in range(_D // 16):
            s = pl.ds(jj * 16, 16)
            hv[i, s] = jnp.maximum(hv[i, s] + bv[i, s], 0.0)
        return 0
    lax.fori_loop(0, _MCH, rowop, 0)


def _msg_body(h_hbm, t_hbm, pk_hbm, aggr_hbm,
              idx0, hrow0, brow0, idx1, hrow1, brow1,
              semh0, semt0, semh1, semt1, aggr_sh):
    cid = lax.axis_index("c")
    sid = lax.axis_index("s")
    wid = cid * _NS + sid
    zero = jnp.zeros((16,), jnp.float32)

    def zrow(i, _):
        for j in range(_D // 16):
            hrow0[i, pl.ds(j * 16, 16)] = zero
        return 0
    lax.fori_loop(0, _MCH, zrow, 0)
    rbase = sid * _RPC
    for k in range(_RPC // _MCH):
        pltpu.sync_copy(hrow0, aggr_sh.at[pl.ds(rbase + k * _MCH, _MCH)])
    rem = _RPC - (_RPC // _MCH) * _MCH
    if rem:
        pltpu.sync_copy(hrow0.at[pl.ds(0, rem)],
                        aggr_sh.at[pl.ds(rbase + (_RPC // _MCH) * _MCH, rem)])
    plsc.subcore_barrier()

    bufs = ((idx0, hrow0, brow0, semh0, semt0),
            (idx1, hrow1, brow1, semh1, semt1))
    cbase = wid * _CPT

    for b in range(2):
        idxb, hv, bv, sh, st_ = bufs[b]
        pltpu.sync_copy(pk_hbm.at[cbase + b], idxb)
        pltpu.async_copy(h_hbm.at[idxb.at[0]], hv, sh)
        pltpu.async_copy(t_hbm.at[idxb.at[2]], bv, st_)

    def pairbody(g, _):
        for b in range(2):
            idxb, hv, bv, sh, st_ = bufs[b]
            c = g * 2 + b
            pltpu.make_async_copy(h_hbm.at[idxb.at[0]], hv, sh).wait()
            pltpu.make_async_copy(t_hbm.at[idxb.at[2]], bv, st_).wait()
            _relu_add(hv, bv)
            pltpu.sync_copy(hv, aggr_sh.at[idxb.at[1]], add=True)

            @pl.when(c + 2 < _CPT)
            def _():
                pltpu.sync_copy(pk_hbm.at[cbase + c + 2], idxb)
                pltpu.async_copy(h_hbm.at[idxb.at[0]], hv, sh)
                pltpu.async_copy(t_hbm.at[idxb.at[2]], bv, st_)
        return 0
    lax.fori_loop(0, _CPT // 2, pairbody, 0)

    idxb, hv, bv, sh, st_ = bufs[0]
    pltpu.make_async_copy(h_hbm.at[idxb.at[0]], hv, sh).wait()
    pltpu.make_async_copy(t_hbm.at[idxb.at[2]], bv, st_).wait()
    _relu_add(hv, bv)
    pltpu.sync_copy(hv, aggr_sh.at[idxb.at[1]], add=True)

    plsc.subcore_barrier()

    obase = cid * _NPAD + rbase
    for k in range(_RPC // _MCH):
        pltpu.sync_copy(aggr_sh.at[pl.ds(rbase + k * _MCH, _MCH)], hrow0)
        pltpu.sync_copy(hrow0, aggr_hbm.at[pl.ds(obase + k * _MCH, _MCH)])
    if rem:
        pltpu.sync_copy(aggr_sh.at[pl.ds(rbase + (_RPC // _MCH) * _MCH, rem)],
                        hrow0.at[pl.ds(0, rem)])
        pltpu.sync_copy(hrow0.at[pl.ds(0, rem)],
                        aggr_hbm.at[pl.ds(obase + (_RPC // _MCH) * _MCH, rem)])


def _ehead_body(a_hbm, c_hbm, batch_hbm, row_hbm, col_hbm,
                ek_hbm, pk_hbm, pc_hbm,
                rowv, colv, av, cv, sgv, ekv,
                trowv, tcolv, tav, tcv, tsgv, tekv,
                acck, accc, foldv, sem1, sem2, sem3):
    cid = lax.axis_index("c")
    sid = lax.axis_index("s")
    wid = cid * _NS + sid
    zero = jnp.zeros((16,), jnp.float32)
    ones = jnp.ones((16,), jnp.float32)
    lanes = lax.iota(jnp.int32, 16)

    def zacc(i, _):
        acck[pl.ds(i * 16, 16)] = zero
        accc[pl.ds(i * 16, 16)] = zero
        return 0
    lax.fori_loop(0, 16 * _NG // 16, zacc, 0)

    ebase = wid * _EPT

    def do_group(src_a, src_c, src_sg, dst_ek, g):
        z = src_a[pl.ds(g * 16, 16)] + src_c[pl.ds(g * 16, 16)]
        ek = 1.0 / (1.0 + jnp.exp(-z))
        dst_ek[pl.ds(g * 16, 16)] = ek
        idx = lanes * _NG + src_sg[pl.ds(g * 16, 16)]
        plsc.addupdate_scatter(acck, [idx], ek)
        plsc.addupdate_scatter(accc, [idx], ones)

    def chunk(j, _):
        off = ebase + j * _CH
        pltpu.sync_copy(row_hbm.at[pl.ds(off, _CH)], rowv)
        pltpu.sync_copy(col_hbm.at[pl.ds(off, _CH)], colv)
        c1 = pltpu.async_copy(a_hbm.at[rowv], av, sem1)
        c2 = pltpu.async_copy(c_hbm.at[colv], cv, sem2)
        c3 = pltpu.async_copy(batch_hbm.at[rowv], sgv, sem3)
        c1.wait()
        c2.wait()
        c3.wait()
        for g in range(_CH // 16):
            do_group(av, cv, sgv, ekv, g)
        pltpu.sync_copy(ekv, ek_hbm.at[pl.ds(off, _CH)])
        return 0
    lax.fori_loop(0, _NFULL, chunk, 0)

    offt = ebase + _NFULL * _CH
    pltpu.sync_copy(row_hbm.at[pl.ds(offt, _TAIL)], trowv)
    pltpu.sync_copy(col_hbm.at[pl.ds(offt, _TAIL)], tcolv)
    c1 = pltpu.async_copy(a_hbm.at[trowv], tav, sem1)
    c2 = pltpu.async_copy(c_hbm.at[tcolv], tcv, sem2)
    c3 = pltpu.async_copy(batch_hbm.at[trowv], tsgv, sem3)
    c1.wait()
    c2.wait()
    c3.wait()
    do_group(tav, tcv, tsgv, tekv, 0)
    pltpu.sync_copy(tekv, ek_hbm.at[pl.ds(offt, _TAIL)])

    for acc, dst in ((acck, pk_hbm), (accc, pc_hbm)):
        def foldop(v, _):
            s = zero
            for l in range(16):
                s = s + acc[pl.ds(l * _NG + v * 16, 16)]
            foldv[pl.ds(v * 16, 16)] = s
            return 0
        lax.fori_loop(0, _NG // 16, foldop, 0)
        pltpu.sync_copy(foldv, dst.at[pl.ds(wid * _NG, _NG)])



@functools.lru_cache(maxsize=None)
def _sc_kernels():
    mesh = plsc.VectorSubcoreMesh(core_axis_name="c", subcore_axis_name="s",
                                  num_cores=_NC, num_subcores=_NS)
    msg = pl.kernel(
        _msg_body,
        out_type=jax.ShapeDtypeStruct((_NC * _NPAD, _D), jnp.float32),
        mesh=mesh,
        scratch_types=[
            pltpu.VMEM((3, _MCH), jnp.int32),
            pltpu.VMEM((_MCH, _D), jnp.float32),
            pltpu.VMEM((_MCH, _D), jnp.float32),
            pltpu.VMEM((3, _MCH), jnp.int32),
            pltpu.VMEM((_MCH, _D), jnp.float32),
            pltpu.VMEM((_MCH, _D), jnp.float32),
            pltpu.SemaphoreType.DMA,
            pltpu.SemaphoreType.DMA,
            pltpu.SemaphoreType.DMA,
            pltpu.SemaphoreType.DMA,
            pltpu.VMEM_SHARED((_NPAD, _D), jnp.float32),
        ],
    )

    ehead = pl.kernel(
        _ehead_body,
        out_type=(
            jax.ShapeDtypeStruct((_E,), jnp.float32),
            jax.ShapeDtypeStruct((_NT * _NG,), jnp.float32),
            jax.ShapeDtypeStruct((_NT * _NG,), jnp.float32),
        ),
        mesh=mesh,
        compiler_params=pltpu.CompilerParams(needs_layout_passes=False),
        scratch_types=[
            pltpu.VMEM((_CH,), jnp.int32),
            pltpu.VMEM((_CH,), jnp.int32),
            pltpu.VMEM((_CH,), jnp.float32),
            pltpu.VMEM((_CH,), jnp.float32),
            pltpu.VMEM((_CH,), jnp.int32),
            pltpu.VMEM((_CH,), jnp.float32),
            pltpu.VMEM((_TAIL,), jnp.int32),
            pltpu.VMEM((_TAIL,), jnp.int32),
            pltpu.VMEM((_TAIL,), jnp.float32),
            pltpu.VMEM((_TAIL,), jnp.float32),
            pltpu.VMEM((_TAIL,), jnp.int32),
            pltpu.VMEM((_TAIL,), jnp.float32),
            pltpu.VMEM((16 * _NG,), jnp.float32),
            pltpu.VMEM((16 * _NG,), jnp.float32),
            pltpu.VMEM((_NG,), jnp.float32),
            pltpu.SemaphoreType.DMA,
            pltpu.SemaphoreType.DMA,
            pltpu.SemaphoreType.DMA,
        ],
    )
    return msg, ehead

def _full(shape):
    nd = len(shape)
    return pl.BlockSpec(shape, lambda *ids: (0,) * nd)


def _build_tc(interpret=False):
    encode = pl.pallas_call(
        _encode_body,
        grid=(16,),
        in_specs=[
            pl.BlockSpec((_BR, 9), lambda i: (i, 0)),
            _full((9, 64, _D)),
            _full((16, _D)), _full((16, _D)), _full((16, _D)),
            _full((16, _D)), _full((16, _D)), _full((16, _D)),
        ],
        out_specs=(
            pl.BlockSpec((_BR, _D), lambda i: (i, 0)),
            _full((4096, _D)),
            _full((4096, _D)),
        ),
        out_shape=(
            jax.ShapeDtypeStruct((_NPAD, _D), jnp.float32),
            jax.ShapeDtypeStruct((4096, _D), jnp.float32),
            jax.ShapeDtypeStruct((4096, _D), jnp.float32),
        ),
        interpret=interpret,
    )

    def mlp(relu_out):
        return pl.pallas_call(
            functools.partial(_mlp_body, relu_out),
            grid=(3, 16),
            in_specs=[
                pl.BlockSpec((_BR, _D), lambda p, i: (i, 0)),
                pl.BlockSpec((2, _BR, _D), lambda p, i: (0, i, 0)),
                _full((1, 1)),
                _full((_D, 2 * _D)), _full((1, 2 * _D)),
                _full((1, 2 * _D)), _full((1, 2 * _D)),
                _full((2 * _D, _D)), _full((1, _D)),
                _full((1, _D)), _full((1, _D)),
            ],
            out_specs=pl.BlockSpec((_BR, _D), lambda p, i: (i, 0)),
            out_shape=jax.ShapeDtypeStruct((_NPAD, _D), jnp.float32),
            scratch_shapes=[
                pltpu.VMEM((_NPAD, 2 * _D), jnp.float32),
                pltpu.VMEM((_NPAD, _D), jnp.float32),
                pltpu.VMEM((8, 2 * _D), jnp.float32),
            ],
            interpret=interpret,
        )

    head = pl.pallas_call(
        _head_body,
        grid=(16,),
        in_specs=[
            pl.BlockSpec((_BR, _D), lambda i: (i, 0)),
            pl.BlockSpec((1, 1, _BR), lambda i: (i, 0, 0)),
            _full((_D, _D)),
            _full((1, _D)),
        ],
        out_specs=(
            pl.BlockSpec((_BR, _D), lambda i: (i, 0)),
            _full((_NG, _D)),
        ),
        out_shape=(
            jax.ShapeDtypeStruct((_NPAD, _D), jnp.float32),
            jax.ShapeDtypeStruct((_NG, _D), jnp.float32),
        ),
        interpret=interpret,
    )

    fin = pl.pallas_call(
        _fin_body,
        out_shape=jax.ShapeDtypeStruct((2, _NG), jnp.float32),
        interpret=interpret,
    )
    return encode, mlp(True), mlp(False), head, fin


_encode, _mlp0, _mlp1, _head, _fin = _build_tc()


def kernel(x, edge_index, edge_attr, batch, params):
    row = edge_index[0]
    col = edge_index[1]
    pidx = edge_attr[:, 0] * 256 + edge_attr[:, 1] * 16 + edge_attr[:, 2]
    pk = jnp.stack([row.reshape(_NCH, _MCH), col.reshape(_NCH, _MCH),
                    pidx.reshape(_NCH, _MCH)], axis=1)
    l0, l1 = params['layers']
    _msg, _ehead = _sc_kernels()

    h0, t0, t1 = _encode(x, params['atom_emb'],
                         l0['bond_emb'][0], l0['bond_emb'][1],
                         l0['bond_emb'][2],
                         l1['bond_emb'][0], l1['bond_emb'][1],
                         l1['bond_emb'][2])
    ag0 = _msg(h0, t0, pk)
    eps0 = l0['eps'].reshape(1, 1)
    h1 = _mlp0(h0, ag0.reshape(_NC, _NPAD, _D), eps0,
               l0['W1'], l0['b1'].reshape(1, -1),
               l0['bn1_g'].reshape(1, -1), l0['bn1_b'].reshape(1, -1),
               l0['W2'], l0['b2'].reshape(1, -1),
               l0['bno_g'].reshape(1, -1), l0['bno_b'].reshape(1, -1))
    ag1 = _msg(h1, t1, pk)
    eps1 = l1['eps'].reshape(1, 1)
    h2 = _mlp1(h1, ag1.reshape(_NC, _NPAD, _D), eps1,
               l1['W1'], l1['b1'].reshape(1, -1),
               l1['bn1_g'].reshape(1, -1), l1['bn1_b'].reshape(1, -1),
               l1['W2'], l1['b2'].reshape(1, -1),
               l1['bno_g'].reshape(1, -1), l1['bno_b'].reshape(1, -1))

    wcat = jnp.zeros((_D, _D), jnp.float32)
    wcat = wcat.at[:, 0].set(params['node_att_W'][:, 0])
    wcat = wcat.at[:, 1].set(params['edge_att_W'][:_D, 0])
    wcat = wcat.at[:, 2].set(params['edge_att_W'][_D:, 0])
    bvec = jnp.zeros((1, _D), jnp.float32)
    bvec = bvec.at[0, 0].set(params['node_att_b'][0])
    bvec = bvec.at[0, 1].set(params['edge_att_b'][0])

    batch_pad = jnp.concatenate(
        [batch, jnp.zeros((_NPAD - _N,), jnp.int32)]).reshape(16, 1, _BR)
    p, r = _head(h2, batch_pad, wcat, bvec)
    p = p[:_N]
    a = p[:, 1]
    c = p[:, 2]
    ek, pk, pc = _ehead(a, c, batch, row, col)
    fin = _fin(pk.reshape(_NT, _NG), pc.reshape(_NT, _NG))

    node_key = p[:, 0:1]
    edge_key = ek.reshape(_E, 1)
    node_key_num = r[:, 0:1]
    node_env_num = r[:, 1:2]
    edge_key_num = fin[0].reshape(_NG, 1)
    edge_env_num = fin[1].reshape(_NG, 1)
    return (node_key, edge_key, node_key_num, node_env_num,
            edge_key_num, edge_env_num)

# --- scband reference (transcript-rebuilt; emitter-appended) ---
"""Pipeline reference for scband-graph-mol-masker-9251359555632 (READ-ONLY COPY).

The authoritative reference and input builder live on the scoring server;
editing this copy changes nothing except your own understanding.
"""

import jax, jax.numpy as jnp
import numpy as np

N = 10000
E = 320000
D = 128
L = 2
ATOM_VOCAB = 64
BOND_VOCAB = 16
NGRAPH = 256


def _bn(h, g, b):
    m = jnp.mean(h, axis=0, keepdims=True)
    v = jnp.var(h, axis=0, keepdims=True)
    return (h - m) / jnp.sqrt(v + 1e-5) * g + b


def make_params(key):
    ks = jax.random.split(key, 3 + L * 3)

    def g(shape, k, scale=0.05):
        return jax.random.normal(k, shape, dtype=jnp.float32) * scale

    params = {}
    params['atom_emb'] = g((9, ATOM_VOCAB, D), ks[0])
    params['node_att_W'] = g((D, 1), ks[1])
    params['node_att_b'] = jnp.zeros((1,), dtype=jnp.float32)
    params['edge_att_W'] = g((2 * D, 1), ks[2])
    params['edge_att_b'] = jnp.zeros((1,), dtype=jnp.float32)
    layers = []
    for l in range(L):
        base = 3 + l * 3
        layers.append({
            'bond_emb': g((3, BOND_VOCAB, D), ks[base]),
            'eps': jnp.zeros((), dtype=jnp.float32),
            'W1': g((D, 2 * D), ks[base + 1]),
            'b1': jnp.zeros((2 * D,), jnp.float32),
            'bn1_g': jnp.ones((2 * D,), jnp.float32),
            'bn1_b': jnp.zeros((2 * D,), jnp.float32),
            'W2': g((2 * D, D), ks[base + 2]),
            'b2': jnp.zeros((D,), jnp.float32),
            'bno_g': jnp.ones((D,), jnp.float32),
            'bno_b': jnp.zeros((D,), jnp.float32),
        })
    params['layers'] = layers
    return params


def _forward(params, x, edge_index, edge_attr, batch):
    row = edge_index[0]
    col = edge_index[1]
    # AtomEncoder: sum of per-feature embedding lookups
    h = params['atom_emb'][0][x[:, 0]]
    for f in range(1, 9):
        h = h + params['atom_emb'][f][x[:, f]]
    h_list = [h]
    for l in range(L):
        p = params['layers'][l]
        # BondEncoder (per-layer)
        eemb = p['bond_emb'][0][edge_attr[:, 0]]
        for f in range(1, 3):
            eemb = eemb + p['bond_emb'][f][edge_attr[:, f]]
        # message: relu(x_j + edge_attr), aggr='add' at dst
        msg = jax.nn.relu(h_list[l][row] + eemb)
        aggr = jax.ops.segment_sum(msg, col, num_segments=N)
        pre = (1.0 + p['eps']) * h_list[l] + aggr
        # mlp: Linear(D,2D) -> BN(2D) -> ReLU -> Linear(2D,D)
        hh = pre @ p['W1'] + p['b1']
        hh = _bn(hh, p['bn1_g'], p['bn1_b'])
        hh = jax.nn.relu(hh)
        hh = hh @ p['W2'] + p['b2']
        # outer BatchNorm1d(D)
        hh = _bn(hh, p['bno_g'], p['bno_b'])
        if l < L - 1:
            hh = jax.nn.relu(hh)
        # dropout treated as identity (eval); residual
        hh = hh + h_list[l]
        h_list.append(hh)
    node_rep = h_list[-1]  # JK='last'
    edge_rep = jnp.concatenate([node_rep[row], node_rep[col]], axis=-1)
    node_key = jax.nn.sigmoid(node_rep @ params['node_att_W'] + params['node_att_b'])
    edge_key = jax.nn.sigmoid(edge_rep @ params['edge_att_W'] + params['edge_att_b'])
    edge_batch = batch[row]

    def reg_mask(mask, seg):
        key_num = jax.ops.segment_sum(mask, seg, num_segments=NGRAPH)
        env_num = jax.ops.segment_sum(1.0 - mask, seg, num_segments=NGRAPH)
        nz = jax.ops.segment_sum((mask > 0).astype(jnp.float32), seg, num_segments=NGRAPH)
        am = jax.ops.segment_sum(jnp.ones_like(mask), seg, num_segments=NGRAPH)
        ratio = nz / (am + 1e-8)
        return key_num + 1e-8, env_num + 1e-8, ratio

    node_key_num, node_env_num, _ = reg_mask(node_key, batch)
    edge_key_num, edge_env_num, _ = reg_mask(edge_key, edge_batch)
    return (node_key, edge_key, node_key_num, node_env_num, edge_key_num, edge_env_num)


def setup_inputs(seed: int = 0) -> dict:
    key = jax.random.key(seed)
    k1, k2, k3, k4, k5 = jax.random.split(key, 5)
    x = jax.random.randint(k1, (N, 9), 0, ATOM_VOCAB, dtype=jnp.int32)
    edge_index = jax.random.randint(k2, (2, E), 0, N, dtype=jnp.int32)
    edge_attr = jax.random.randint(k3, (E, 3), 0, BOND_VOCAB, dtype=jnp.int32)
    batch = jnp.sort(jax.random.randint(k4, (N,), 0, NGRAPH, dtype=jnp.int32))
    batch = batch.at[0].set(0).at[-1].set(NGRAPH - 1)
    params = make_params(k5)
    return {'x': x, 'edge_index': edge_index, 'edge_attr': edge_attr, 'batch': batch, 'params': params}


def reference(x, edge_index, edge_attr, batch, params):
    return _forward(params, x, edge_index, edge_attr, batch)


if False:  # reference __main__ guard neutralized (emitter)
    out = reference(**setup_inputs())
    print([o.shape for o in out])

if __name__ == "__main__":
    import jax
    _d = setup_inputs()
    print(jax.jit(kernel)(*tuple(_d.values())))

</pallas_src>

<mosaic_0001>
#map = affine_map<(d0, d1) -> (0, 0)>
#map1 = affine_map<(d0, d1) -> (0, 0, 0)>
module attributes {stable_mosaic.version = 14 : i64} {
  func.func @_msg_body(%arg0: i32, %arg1: i32, %arg2: memref<10112x128xf32, #tpu.memory_space<hbm>>, %arg3: memref<4096x128xf32, #tpu.memory_space<hbm>>, %arg4: memref<4000x3x80xi32, #tpu.memory_space<hbm>>, %arg5: memref<20224x128xf32, #tpu.memory_space<hbm>>, %arg6: memref<3x80xi32, #tpu.memory_space<vmem>>, %arg7: memref<80x128xf32, #tpu.memory_space<vmem>>, %arg8: memref<80x128xf32, #tpu.memory_space<vmem>>, %arg9: memref<3x80xi32, #tpu.memory_space<vmem>>, %arg10: memref<80x128xf32, #tpu.memory_space<vmem>>, %arg11: memref<80x128xf32, #tpu.memory_space<vmem>>, %arg12: memref<!tpu.dma_semaphore, #tpu.memory_space<semaphore_mem>>, %arg13: memref<!tpu.dma_semaphore, #tpu.memory_space<semaphore_mem>>, %arg14: memref<!tpu.dma_semaphore, #tpu.memory_space<semaphore_mem>>, %arg15: memref<!tpu.dma_semaphore, #tpu.memory_space<semaphore_mem>>, %arg16: memref<10112x128xf32, #tpu.memory_space<vmem_shared>>) attributes {dimension_semantics = [#tpu.dimension_semantics<core_parallel>, #tpu.dimension_semantics<subcore_parallel>], iteration_bounds = array<i64: 2, 16>, scalar_prefetch = 0 : i64, scratch_operands = 11 : i64, tpu.core_type = #tpu.core_type<sc_vector_subcore>, window_params = [{transform_indices = #map}, {transform_indices = #map}, {transform_indices = #map1}, {transform_indices = #map}]} {
    %mul3A = arith.constant 16 : i32
    %mul3A_0 = arith.muli %arg0, %mul3A : i32
    %add3A = arith.addi %mul3A_0, %arg1 : i32
    %broadcast_in_dim3A = arith.constant 0.000000e+00 : f32
    %broadcast_in_dim3A_1 = vector.broadcast %broadcast_in_dim3A : f32 to vector<16xf32>
    %scan3A = arith.constant 0 : i32
    %scan3A_2 = arith.constant 0 : i32
    %scan3A_3 = arith.constant 80 : i32
    %scan3A_4 = arith.addi %scan3A_2, %scan3A_3 : i32
    %scan3A_5 = arith.constant 1 : i32
    %scan3A_6 = scf.for %scan3A_122 = %scan3A_2 to %scan3A_4 step %scan3A_5 iter_args(%scan3A_123 = %scan3A) -> (i32)  : i32 {
      %swap3A = arith.index_cast %scan3A_122 : i32 to index
      %swap3A_124 = arith.constant 0 : index
      %swap3A_125 = tpu.vector_load %arg7[%swap3A, %swap3A_124] {strides = array<i32>} : memref<80x128xf32, #tpu.memory_space<vmem>>, vector<1x16xf32>,
      %swap3A_126 = vector.shape_cast %swap3A_125 : vector<1x16xf32> to vector<16xf32>
      %swap3A_127 = vector.shape_cast %broadcast_in_dim3A_1 : vector<16xf32> to vector<1x16xf32>
      tpu.vector_store %arg7[%swap3A, %swap3A_124], %swap3A_127 {strides = array<i32>} : memref<80x128xf32, #tpu.memory_space<vmem>>, vector<1x16xf32>,
      %swap3A_128 = arith.index_cast %scan3A_122 : i32 to index
      %swap3A_129 = arith.constant 16 : index
      %swap3A_130 = tpu.vector_load %arg7[%swap3A_128, %swap3A_129] {strides = array<i32>} : memref<80x128xf32, #tpu.memory_space<vmem>>, vector<1x16xf32>,
      %swap3A_131 = vector.shape_cast %swap3A_130 : vector<1x16xf32> to vector<16xf32>
      %swap3A_132 = vector.shape_cast %broadcast_in_dim3A_1 : vector<16xf32> to vector<1x16xf32>
      tpu.vector_store %arg7[%swap3A_128, %swap3A_129], %swap3A_132 {strides = array<i32>} : memref<80x128xf32, #tpu.memory_space<vmem>>, vector<1x16xf32>,
      %swap3A_133 = arith.index_cast %scan3A_122 : i32 to index
      %swap3A_134 = arith.constant 32 : index
      %swap3A_135 = tpu.vector_load %arg7[%swap3A_133, %swap3A_134] {strides = array<i32>} : memref<80x128xf32, #tpu.memory_space<vmem>>, vector<1x16xf32>,
      %swap3A_136 = vector.shape_cast %swap3A_135 : vector<1x16xf32> to vector<16xf32>
      %swap3A_137 = vector.shape_cast %broadcast_in_dim3A_1 : vector<16xf32> to vector<1x16xf32>
      tpu.vector_store %arg7[%swap3A_133, %swap3A_134], %swap3A_137 {strides = array<i32>} : memref<80x128xf32, #tpu.memory_space<vmem>>, vector<1x16xf32>,
      %swap3A_138 = arith.index_cast %scan3A_122 : i32 to index
      %swap3A_139 = arith.constant 48 : index
      %swap3A_140 = tpu.vector_load %arg7[%swap3A_138, %swap3A_139] {strides = array<i32>} : memref<80x128xf32, #tpu.memory_space<vmem>>, vector<1x16xf32>,
      %swap3A_141 = vector.shape_cast %swap3A_140 : vector<1x16xf32> to vector<16xf32>
      %swap3A_142 = vector.shape_cast %broadcast_in_dim3A_1 : vector<16xf32> to vector<1x16xf32>
      tpu.vector_store %arg7[%swap3A_138, %swap3A_139], %swap3A_142 {strides = array<i32>} : memref<80x128xf32, #tpu.memory_space<vmem>>, vector<1x16xf32>,
      %swap3A_143 = arith.index_cast %scan3A_122 : i32 to index
      %swap3A_144 = arith.constant 64 : index
      %swap3A_145 = tpu.vector_load %arg7[%swap3A_143, %swap3A_144] {strides = array<i32>} : memref<80x128xf32, #tpu.memory_space<vmem>>, vector<1x16xf32>,
      %swap3A_146 = vector.shape_cast %swap3A_145 : vector<1x16xf32> to vector<16xf32>
      %swap3A_147 = vector.shape_cast %broadcast_in_dim3A_1 : vector<16xf32> to vector<1x16xf32>
      tpu.vector_store %arg7[%swap3A_143, %swap3A_144], %swap3A_147 {strides = array<i32>} : memref<80x128xf32, #tpu.memory_space<vmem>>, vector<1x16xf32>,
      %swap3A_148 = arith.index_cast %scan3A_122 : i32 to index
      %swap3A_149 = arith.constant 80 : index
      %swap3A_150 = tpu.vector_load %arg7[%swap3A_148, %swap3A_149] {strides = array<i32>} : memref<80x128xf32, #tpu.memory_space<vmem>>, vector<1x16xf32>,
      %swap3A_151 = vector.shape_cast %swap3A_150 : vector<1x16xf32> to vector<16xf32>
      %swap3A_152 = vector.shape_cast %broadcast_in_dim3A_1 : vector<16xf32> to vector<1x16xf32>
      tpu.vector_store %arg7[%swap3A_148, %swap3A_149], %swap3A_152 {strides = array<i32>} : memref<80x128xf32, #tpu.memory_space<vmem>>, vector<1x16xf32>,
      %swap3A_153 = arith.index_cast %scan3A_122 : i32 to index
      %swap3A_154 = arith.constant 96 : index
      %swap3A_155 = tpu.vector_load %arg7[%swap3A_153, %swap3A_154] {strides = array<i32>} : memref<80x128xf32, #tpu.memory_space<vmem>>, vector<1x16xf32>,
      %swap3A_156 = vector.shape_cast %swap3A_155 : vector<1x16xf32> to vector<16xf32>
      %swap3A_157 = vector.shape_cast %broadcast_in_dim3A_1 : vector<16xf32> to vector<1x16xf32>
      tpu.vector_store %arg7[%swap3A_153, %swap3A_154], %swap3A_157 {strides = array<i32>} : memref<80x128xf32, #tpu.memory_space<vmem>>, vector<1x16xf32>,
      %swap3A_158 = arith.index_cast %scan3A_122 : i32 to index
      %swap3A_159 = arith.constant 112 : index
      %swap3A_160 = tpu.vector_load %arg7[%swap3A_158, %swap3A_159] {strides = array<i32>} : memref<80x128xf32, #tpu.memory_space<vmem>>, vector<1x16xf32>,
      %swap3A_161 = vector.shape_cast %swap3A_160 : vector<1x16xf32> to vector<16xf32>
      %swap3A_162 = vector.shape_cast %broadcast_in_dim3A_1 : vector<16xf32> to vector<1x16xf32>
      tpu.vector_store %arg7[%swap3A_158, %swap3A_159], %swap3A_162 {strides = array<i32>} : memref<80x128xf32, #tpu.memory_space<vmem>>, vector<1x16xf32>,
      %scan3A_163 = arith.constant 0 : i32
      scf.yield %scan3A_163 : i32
    }
    %scan3A_7 = arith.constant 80 : i32
    %mul3A_8 = arith.constant 632 : i32
    %mul3A_9 = arith.muli %arg1, %mul3A_8 : i32
    %add3A_10 = arith.constant 0 : i32
    %add3A_11 = arith.addi %mul3A_9, %add3A_10 : i32
    "tpu.region"() ({
      %run_scoped3A_122 = tpu.sem_alloc : memref<!tpu.dma_semaphore, #tpu.memory_space<semaphore_mem>>
      %dma_start3A_123 = arith.constant 0 : i32
      %dma_start3A_124 = tpu.memref_slice %arg16[%add3A_11, %dma_start3A_123] : memref<10112x128xf32, #tpu.memory_space<vmem_shared>> -> memref<80x128xf32, #tpu.memory_space<vmem_shared>>
      %dma_start3A_125 = arith.constant 0 : i32
      %dma_start3A_126 = tpu.memref_slice %arg16[%add3A_11, %dma_start3A_125] : memref<10112x128xf32, #tpu.memory_space<vmem_shared>> -> memref<80x128xf32, #tpu.memory_space<vmem_shared>>
      tpu.enqueue_dma source(%arg7 : memref<80x128xf32, #tpu.memory_space<vmem>>) target(%dma_start3A_126 : memref<80x128xf32, #tpu.memory_space<vmem_shared>>) target_semaphore(%run_scoped3A_122 : memref<!tpu.dma_semaphore, #tpu.memory_space<semaphore_mem>>)
      %dma_wait3A_127 = arith.constant 0 : i32
      %dma_wait3A_128 = tpu.memref_slice %arg16[%add3A_11, %dma_wait3A_127] : memref<10112x128xf32, #tpu.memory_space<vmem_shared>> -> memref<80x128xf32, #tpu.memory_space<vmem_shared>>
      %dma_wait3A_129 = arith.constant 0 : i32
      %dma_wait3A_130 = tpu.memref_slice %arg16[%add3A_11, %dma_wait3A_129] : memref<10112x128xf32, #tpu.memory_space<vmem_shared>> -> memref<80x128xf32, #tpu.memory_space<vmem_shared>>
      tpu.wait_dma2 semaphore(%run_scoped3A_122 : memref<!tpu.dma_semaphore, #tpu.memory_space<semaphore_mem>>) src(%arg7 : memref<80x128xf32, #tpu.memory_space<vmem>>) dst(%dma_wait3A_130 : memref<80x128xf32, #tpu.memory_space<vmem_shared>>)
      tpu.yield
    }) : () -> ()
    %add3A_12 = arith.constant 80 : i32
    %add3A_13 = arith.addi %mul3A_9, %add3A_12 : i32
    "tpu.region"() ({
      %run_scoped3A_122 = tpu.sem_alloc : memref<!tpu.dma_semaphore, #tpu.memory_space<semaphore_mem>>
      %dma_start3A_123 = arith.constant 0 : i32
      %dma_start3A_124 = tpu.memref_slice %arg16[%add3A_13, %dma_start3A_123] : memref<10112x128xf32, #tpu.memory_space<vmem_shared>> -> memref<80x128xf32, #tpu.memory_space<vmem_shared>>
      %dma_start3A_125 = arith.constant 0 : i32
      %dma_start3A_126 = tpu.memref_slice %arg16[%add3A_13, %dma_start3A_125] : memref<10112x128xf32, #tpu.memory_space<vmem_shared>> -> memref<80x128xf32, #tpu.memory_space<vmem_shared>>
      tpu.enqueue_dma source(%arg7 : memref<80x128xf32, #tpu.memory_space<vmem>>) target(%dma_start3A_126 : memref<80x128xf32, #tpu.memory_space<vmem_shared>>) target_semaphore(%run_scoped3A_122 : memref<!tpu.dma_semaphore, #tpu.memory_space<semaphore_mem>>)
      %dma_wait3A_127 = arith.constant 0 : i32
      %dma_wait3A_128 = tpu.memref_slice %arg16[%add3A_13, %dma_wait3A_127] : memref<10112x128xf32, #tpu.memory_space<vmem_shared>> -> memref<80x128xf32, #tpu.memory_space<vmem_shared>>
      %dma_wait3A_129 = arith.constant 0 : i32
      %dma_wait3A_130 = tpu.memref_slice %arg16[%add3A_13, %dma_wait3A_129] : memref<10112x128xf32, #tpu.memory_space<vmem_shared>> -> memref<80x128xf32, #tpu.memory_space<vmem_shared>>
      tpu.wait_dma2 semaphore(%run_scoped3A_122 : memref<!tpu.dma_semaphore, #tpu.memory_space<semaphore_mem>>) src(%arg7 : memref<80x128xf32, #tpu.memory_space<vmem>>) dst(%dma_wait3A_130 : memref<80x128xf32, #tpu.memory_space<vmem_shared>>)
      tpu.yield
    }) : () -> ()
    %add3A_14 = arith.constant 160 : i32
    %add3A_15 = arith.addi %mul3A_9, %add3A_14 : i32
    "tpu.region"() ({
      %run_scoped3A_122 = tpu.sem_alloc : memref<!tpu.dma_semaphore, #tpu.memory_space<semaphore_mem>>
      %dma_start3A_123 = arith.constant 0 : i32
      %dma_start3A_124 = tpu.memref_slice %arg16[%add3A_15, %dma_start3A_123] : memref<10112x128xf32, #tpu.memory_space<vmem_shared>> -> memref<80x128xf32, #tpu.memory_space<vmem_shared>>
      %dma_start3A_125 = arith.constant 0 : i32
      %dma_start3A_126 = tpu.memref_slice %arg16[%add3A_15, %dma_start3A_125] : memref<10112x128xf32, #tpu.memory_space<vmem_shared>> -> memref<80x128xf32, #tpu.memory_space<vmem_shared>>
      tpu.enqueue_dma source(%arg7 : memref<80x128xf32, #tpu.memory_space<vmem>>) target(%dma_start3A_126 : memref<80x128xf32, #tpu.memory_space<vmem_shared>>) target_semaphore(%run_scoped3A_122 : memref<!tpu.dma_semaphore, #tpu.memory_space<semaphore_mem>>)
      %dma_wait3A_127 = arith.constant 0 : i32
      %dma_wait3A_128 = tpu.memref_slice %arg16[%add3A_15, %dma_wait3A_127] : memref<10112x128xf32, #tpu.memory_space<vmem_shared>> -> memref<80x128xf32, #tpu.memory_space<vmem_shared>>
      %dma_wait3A_129 = arith.constant 0 : i32
      %dma_wait3A_130 = tpu.memref_slice %arg16[%add3A_15, %dma_wait3A_129] : memref<10112x128xf32, #tpu.memory_space<vmem_shared>> -> memref<80x128xf32, #tpu.memory_space<vmem_shared>>
      tpu.wait_dma2 semaphore(%run_scoped3A_122 : memref<!tpu.dma_semaphore, #tpu.memory_space<semaphore_mem>>) src(%arg7 : memref<80x128xf32, #tpu.memory_space<vmem>>) dst(%dma_wait3A_130 : memref<80x128xf32, #tpu.memory_space<vmem_shared>>)
      tpu.yield
    }) : () -> ()
    %add3A_16 = arith.constant 240 : i32
    %add3A_17 = arith.addi %mul3A_9, %add3A_16 : i32
    "tpu.region"() ({
      %run_scoped3A_122 = tpu.sem_alloc : memref<!tpu.dma_semaphore, #tpu.memory_space<semaphore_mem>>
      %dma_start3A_123 = arith.constant 0 : i32
      %dma_start3A_124 = tpu.memref_slice %arg16[%add3A_17, %dma_start3A_123] : memref<10112x128xf32, #tpu.memory_space<vmem_shared>> -> memref<80x128xf32, #tpu.memory_space<vmem_shared>>
      %dma_start3A_125 = arith.constant 0 : i32
      %dma_start3A_126 = tpu.memref_slice %arg16[%add3A_17, %dma_start3A_125] : memref<10112x128xf32, #tpu.memory_space<vmem_shared>> -> memref<80x128xf32, #tpu.memory_space<vmem_shared>>
      tpu.enqueue_dma source(%arg7 : memref<80x128xf32, #tpu.memory_space<vmem>>) target(%dma_start3A_126 : memref<80x128xf32, #tpu.memory_space<vmem_shared>>) target_semaphore(%run_scoped3A_122 : memref<!tpu.dma_semaphore, #tpu.memory_space<semaphore_mem>>)
      %dma_wait3A_127 = arith.constant 0 : i32
      %dma_wait3A_128 = tpu.memref_slice %arg16[%add3A_17, %dma_wait3A_127] : memref<10112x128xf32, #tpu.memory_space<vmem_shared>> -> memref<80x128xf32, #tpu.memory_space<vmem_shared>>
      %dma_wait3A_129 = arith.constant 0 : i32
      %dma_wait3A_130 = tpu.memref_slice %arg16[%add3A_17, %dma_wait3A_129] : memref<10112x128xf32, #tpu.memory_space<vmem_shared>> -> memref<80x128xf32, #tpu.memory_space<vmem_shared>>
      tpu.wait_dma2 semaphore(%run_scoped3A_122 : memref<!tpu.dma_semaphore, #tpu.memory_space<semaphore_mem>>) src(%arg7 : memref<80x128xf32, #tpu.memory_space<vmem>>) dst(%dma_wait3A_130 : memref<80x128xf32, #tpu.memory_space<vmem_shared>>)
      tpu.yield
    }) : () -> ()
    %add3A_18 = arith.constant 320 : i32
    %add3A_19 = arith.addi %mul3A_9, %add3A_18 : i32
    "tpu.region"() ({
      %run_scoped3A_122 = tpu.sem_alloc : memref<!tpu.dma_semaphore, #tpu.memory_space<semaphore_mem>>
      %dma_start3A_123 = arith.constant 0 : i32
      %dma_start3A_124 = tpu.memref_slice %arg16[%add3A_19, %dma_start3A_123] : memref<10112x128xf32, #tpu.memory_space<vmem_shared>> -> memref<80x128xf32, #tpu.memory_space<vmem_shared>>
      %dma_start3A_125 = arith.constant 0 : i32
      %dma_start3A_126 = tpu.memref_slice %arg16[%add3A_19, %dma_start3A_125] : memref<10112x128xf32, #tpu.memory_space<vmem_shared>> -> memref<80x128xf32, #tpu.memory_space<vmem_shared>>
      tpu.enqueue_dma source(%arg7 : memref<80x128xf32, #tpu.memory_space<vmem>>) target(%dma_start3A_126 : memref<80x128xf32, #tpu.memory_space<vmem_shared>>) target_semaphore(%run_scoped3A_122 : memref<!tpu.dma_semaphore, #tpu.memory_space<semaphore_mem>>)
      %dma_wait3A_127 = arith.constant 0 : i32
      %dma_wait3A_128 = tpu.memref_slice %arg16[%add3A_19, %dma_wait3A_127] : memref<10112x128xf32, #tpu.memory_space<vmem_shared>> -> memref<80x128xf32, #tpu.memory_space<vmem_shared>>
      %dma_wait3A_129 = arith.constant 0 : i32
      %dma_wait3A_130 = tpu.memref_slice %arg16[%add3A_19, %dma_wait3A_129] : memref<10112x128xf32, #tpu.memory_space<vmem_shared>> -> memref<80x128xf32, #tpu.memory_space<vmem_shared>>
      tpu.wait_dma2 semaphore(%run_scoped3A_122 : memref<!tpu.dma_semaphore, #tpu.memory_space<semaphore_mem>>) src(%arg7 : memref<80x128xf32, #tpu.memory_space<vmem>>) dst(%dma_wait3A_130 : memref<80x128xf32, #tpu.memory_space<vmem_shared>>)
      tpu.yield
    }) : () -> ()
    %add3A_20 = arith.constant 400 : i32
    %add3A_21 = arith.addi %mul3A_9, %add3A_20 : i32
    "tpu.region"() ({
      %run_scoped3A_122 = tpu.sem_alloc : memref<!tpu.dma_semaphore, #tpu.memory_space<semaphore_mem>>
      %dma_start3A_123 = arith.constant 0 : i32
      %dma_start3A_124 = tpu.memref_slice %arg16[%add3A_21, %dma_start3A_123] : memref<10112x128xf32, #tpu.memory_space<vmem_shared>> -> memref<80x128xf32, #tpu.memory_space<vmem_shared>>
      %dma_start3A_125 = arith.constant 0 : i32
      %dma_start3A_126 = tpu.memref_slice %arg16[%add3A_21, %dma_start3A_125] : memref<10112x128xf32, #tpu.memory_space<vmem_shared>> -> memref<80x128xf32, #tpu.memory_space<vmem_shared>>
      tpu.enqueue_dma source(%arg7 : memref<80x128xf32, #tpu.memory_space<vmem>>) target(%dma_start3A_126 : memref<80x128xf32, #tpu.memory_space<vmem_shared>>) target_semaphore(%run_scoped3A_122 : memref<!tpu.dma_semaphore, #tpu.memory_space<semaphore_mem>>)
      %dma_wait3A_127 = arith.constant 0 : i32
      %dma_wait3A_128 = tpu.memref_slice %arg16[%add3A_21, %dma_wait3A_127] : memref<10112x128xf32, #tpu.memory_space<vmem_shared>> -> memref<80x128xf32, #tpu.memory_space<vmem_shared>>
      %dma_wait3A_129 = arith.constant 0 : i32
      %dma_wait3A_130 = tpu.memref_slice %arg16[%add3A_21, %dma_wait3A_129] : memref<10112x128xf32, #tpu.memory_space<vmem_shared>> -> memref<80x128xf32, #tpu.memory_space<vmem_shared>>
      tpu.wait_dma2 semaphore(%run_scoped3A_122 : memref<!tpu.dma_semaphore, #tpu.memory_space<semaphore_mem>>) src(%arg7 : memref<80x128xf32, #tpu.memory_space<vmem>>) dst(%dma_wait3A_130 : memref<80x128xf32, #tpu.memory_space<vmem_shared>>)
      tpu.yield
    }) : () -> ()
    %add3A_22 = arith.constant 480 : i32
    %add3A_23 = arith.addi %mul3A_9, %add3A_22 : i32
    "tpu.region"() ({
      %run_scoped3A_122 = tpu.sem_alloc : memref<!tpu.dma_semaphore, #tpu.memory_space<semaphore_mem>>
      %dma_start3A_123 = arith.constant 0 : i32
      %dma_start3A_124 = tpu.memref_slice %arg16[%add3A_23, %dma_start3A_123] : memref<10112x128xf32, #tpu.memory_space<vmem_shared>> -> memref<80x128xf32, #tpu.memory_space<vmem_shared>>
      %dma_start3A_125 = arith.constant 0 : i32
      %dma_start3A_126 = tpu.memref_slice %arg16[%add3A_23, %dma_start3A_125] : memref<10112x128xf32, #tpu.memory_space<vmem_shared>> -> memref<80x128xf32, #tpu.memory_space<vmem_shared>>
      tpu.enqueue_dma source(%arg7 : memref<80x128xf32, #tpu.memory_space<vmem>>) target(%dma_start3A_126 : memref<80x128xf32, #tpu.memory_space<vmem_shared>>) target_semaphore(%run_scoped3A_122 : memref<!tpu.dma_semaphore, #tpu.memory_space<semaphore_mem>>)
      %dma_wait3A_127 = arith.constant 0 : i32
      %dma_wait3A_128 = tpu.memref_slice %arg16[%add3A_23, %dma_wait3A_127] : memref<10112x128xf32, #tpu.memory_space<vmem_shared>> -> memref<80x128xf32, #tpu.memory_space<vmem_shared>>
      %dma_wait3A_129 = arith.constant 0 : i32
      %dma_wait3A_130 = tpu.memref_slice %arg16[%add3A_23, %dma_wait3A_129] : memref<10112x128xf32, #tpu.memory_space<vmem_shared>> -> memref<80x128xf32, #tpu.memory_space<vmem_shared>>
      tpu.wait_dma2 semaphore(%run_scoped3A_122 : memref<!tpu.dma_semaphore, #tpu.memory_space<semaphore_mem>>) src(%arg7 : memref<80x128xf32, #tpu.memory_space<vmem>>) dst(%dma_wait3A_130 : memref<80x128xf32, #tpu.memory_space<vmem_shared>>)
      tpu.yield
    }) : () -> ()
    %add3A_24 = arith.constant 560 : i32
    %add3A_25 = arith.addi %mul3A_9, %add3A_24 : i32
    "tpu.region"() ({
      %run_scoped3A_122 = tpu.sem_alloc : memref<!tpu.dma_semaphore, #tpu.memory_space<semaphore_mem>>
      %dma_start3A_123 = arith.constant 0 : i32
      %dma_start3A_124 = arith.constant 0 : i32
      %dma_start3A_125 = tpu.memref_slice %arg7[%dma_start3A_123, %dma_start3A_124] : memref<80x128xf32, #tpu.memory_space<vmem>> -> memref<72x128xf32, #tpu.memory_space<vmem>>
      %dma_start3A_126 = arith.constant 0 : i32
      %dma_start3A_127 = tpu.memref_slice %arg16[%add3A_25, %dma_start3A_126] : memref<10112x128xf32, #tpu.memory_space<vmem_shared>> -> memref<72x128xf32, #tpu.memory_space<vmem_shared>>
      %dma_start3A_128 = arith.constant 0 : i32
      %dma_start3A_129 = tpu.memref_slice %arg16[%add3A_25, %dma_start3A_128] : memref<10112x128xf32, #tpu.memory_space<vmem_shared>> -> memref<72x128xf32, #tpu.memory_space<vmem_shared>>
      %dma_start3A_130 = arith.constant 0 : i32
      %dma_start3A_131 = arith.constant 0 : i32
      %dma_start3A_132 = tpu.memref_slice %arg7[%dma_start3A_130, %dma_start3A_131] : memref<80x128xf32, #tpu.memory_space<vmem>> -> memref<72x128xf32, #tpu.memory_space<vmem>>
      tpu.enqueue_dma source(%dma_start3A_132 : memref<72x128xf32, #tpu.memory_space<vmem>>) target(%dma_start3A_129 : memref<72x128xf32, #tpu.memory_space<vmem_shared>>) target_semaphore(%run_scoped3A_122 : memref<!tpu.dma_semaphore, #tpu.memory_space<semaphore_mem>>)
      %dma_wait3A_133 = arith.constant 0 : i32
      %dma_wait3A_134 = arith.constant 0 : i32
      %dma_wait3A_135 = tpu.memref_slice %arg7[%dma_wait3A_133, %dma_wait3A_134] : memref<80x128xf32, #tpu.memory_space<vmem>> -> memref<72x128xf32, #tpu.memory_space<vmem>>
      %dma_wait3A_136 = arith.constant 0 : i32
      %dma_wait3A_137 = tpu.memref_slice %arg16[%add3A_25, %dma_wait3A_136] : memref<10112x128xf32, #tpu.memory_space<vmem_shared>> -> memref<72x128xf32, #tpu.memory_space<vmem_shared>>
      %dma_wait3A_138 = arith.constant 0 : i32
      %dma_wait3A_139 = tpu.memref_slice %arg16[%add3A_25, %dma_wait3A_138] : memref<10112x128xf32, #tpu.memory_space<vmem_shared>> -> memref<72x128xf32, #tpu.memory_space<vmem_shared>>
      %dma_wait3A_140 = arith.constant 0 : i32
      %dma_wait3A_141 = arith.constant 0 : i32
      %dma_wait3A_142 = tpu.memref_slice %arg7[%dma_wait3A_140, %dma_wait3A_141] : memref<80x128xf32, #tpu.memory_space<vmem>> -> memref<72x128xf32, #tpu.memory_space<vmem>>
      tpu.wait_dma2 semaphore(%run_scoped3A_122 : memref<!tpu.dma_semaphore, #tpu.memory_space<semaphore_mem>>) src(%dma_wait3A_142 : memref<72x128xf32, #tpu.memory_space<vmem>>) dst(%dma_wait3A_139 : memref<72x128xf32, #tpu.memory_space<vmem_shared>>)
      tpu.yield
    }) : () -> ()
    %barrier3A = arith.constant 0 : index
    tpu.barrier barrier_id(%barrier3A)
    %mul3A_26 = arith.constant 125 : i32
    %mul3A_27 = arith.muli %add3A, %mul3A_26 : i32
    %add3A_28 = arith.constant 0 : i32
    %add3A_29 = arith.addi %mul3A_27, %add3A_28 : i32
    "tpu.region"() ({
      %run_scoped3A_122 = tpu.sem_alloc : memref<!tpu.dma_semaphore, #tpu.memory_space<semaphore_mem>>
      %dma_start3A_123 = arith.constant 0 : i32
      %dma_start3A_124 = arith.constant 0 : i32
      %dma_start3A_125 = tpu.memref_slice %arg4[%add3A_29, %dma_start3A_123, %dma_start3A_124] : memref<4000x3x80xi32, #tpu.memory_space<hbm>> -> memref<1x3x80xi32, #tpu.memory_space<hbm>>
      %dma_start3A_126 = tpu.memref_squeeze %dma_start3A_125 : memref<1x3x80xi32, #tpu.memory_space<hbm>> -> memref<3x80xi32, #tpu.memory_space<hbm>>
      %dma_start3A_127 = arith.constant 0 : i32
      %dma_start3A_128 = arith.constant 0 : i32
      %dma_start3A_129 = tpu.memref_slice %arg4[%add3A_29, %dma_start3A_127, %dma_start3A_128] : memref<4000x3x80xi32, #tpu.memory_space<hbm>> -> memref<1x3x80xi32, #tpu.memory_space<hbm>>
      %dma_start3A_130 = tpu.memref_squeeze %dma_start3A_129 : memref<1x3x80xi32, #tpu.memory_space<hbm>> -> memref<3x80xi32, #tpu.memory_space<hbm>>
      tpu.enqueue_dma source(%dma_start3A_130 : memref<3x80xi32, #tpu.memory_space<hbm>>) target(%arg6 : memref<3x80xi32, #tpu.memory_space<vmem>>) target_semaphore(%run_scoped3A_122 : memref<!tpu.dma_semaphore, #tpu.memory_space<semaphore_mem>>)
      %dma_wait3A_131 = arith.constant 0 : i32
      %dma_wait3A_132 = arith.constant 0 : i32
      %dma_wait3A_133 = tpu.memref_slice %arg4[%add3A_29, %dma_wait3A_131, %dma_wait3A_132] : memref<4000x3x80xi32, #tpu.memory_space<hbm>> -> memref<1x3x80xi32, #tpu.memory_space<hbm>>
      %dma_wait3A_134 = tpu.memref_squeeze %dma_wait3A_133 : memref<1x3x80xi32, #tpu.memory_space<hbm>> -> memref<3x80xi32, #tpu.memory_space<hbm>>
      %dma_wait3A_135 = arith.constant 0 : i32
      %dma_wait3A_136 = arith.constant 0 : i32
      %dma_wait3A_137 = tpu.memref_slice %arg4[%add3A_29, %dma_wait3A_135, %dma_wait3A_136] : memref<4000x3x80xi32, #tpu.memory_space<hbm>> -> memref<1x3x80xi32, #tpu.memory_space<hbm>>
      %dma_wait3A_138 = tpu.memref_squeeze %dma_wait3A_137 : memref<1x3x80xi32, #tpu.memory_space<hbm>> -> memref<3x80xi32, #tpu.memory_space<hbm>>
      tpu.wait_dma2 semaphore(%run_scoped3A_122 : memref<!tpu.dma_semaphore, #tpu.memory_space<semaphore_mem>>) src(%dma_wait3A_138 : memref<3x80xi32, #tpu.memory_space<hbm>>) dst(%arg6 : memref<3x80xi32, #tpu.memory_space<vmem>>)
      tpu.yield
    }) : () -> ()
    %dma_start3A = arith.constant 0 : i32
    %dma_start3A_30 = arith.constant 0 : i32
    %dma_start3A_31 = tpu.memref_slice %arg6[%dma_start3A, %dma_start3A_30] : memref<3x80xi32, #tpu.memory_space<vmem>> -> memref<1x80xi32, #tpu.memory_space<vmem>>
    %dma_start3A_32 = tpu.memref_squeeze %dma_start3A_31 : memref<1x80xi32, #tpu.memory_space<vmem>> -> memref<80xi32, #tpu.memory_space<vmem>>
    %dma_start3A_33 = arith.constant 0 : i32
    %dma_start3A_34 = arith.constant 0 : i32
    %dma_start3A_35 = tpu.memref_slice %arg2[%dma_start3A_33, %dma_start3A_34] : memref<10112x128xf32, #tpu.memory_space<hbm>> -> memref<10112x128xf32, #tpu.memory_space<hbm>>
    tpu.enqueue_indirect_dma source(%dma_start3A_35 : memref<10112x128xf32, #tpu.memory_space<hbm>>) target(%arg7 : memref<80x128xf32, #tpu.memory_space<vmem>>) offsets(%dma_start3A_32 : memref<80xi32, #tpu.memory_space<vmem>>) semaphore(%arg12 : memref<!tpu.dma_semaphore, #tpu.memory_space<semaphore_mem>>)
    %dma_start3A_36 = arith.constant 2 : i32
    %dma_start3A_37 = arith.constant 0 : i32
    %dma_start3A_38 = tpu.memref_slice %arg6[%dma_start3A_36, %dma_start3A_37] : memref<3x80xi32, #tpu.memory_space<vmem>> -> memref<1x80xi32, #tpu.memory_space<vmem>>
    %dma_start3A_39 = tpu.memref_squeeze %dma_start3A_38 : memref<1x80xi32, #tpu.memory_space<vmem>> -> memref<80xi32, #tpu.memory_space<vmem>>
    %dma_start3A_40 = arith.constant 0 : i32
    %dma_start3A_41 = arith.constant 0 : i32
    %dma_start3A_42 = tpu.memref_slice %arg3[%dma_start3A_40, %dma_start3A_41] : memref<4096x128xf32, #tpu.memory_space<hbm>> -> memref<4096x128xf32, #tpu.memory_space<hbm>>
    tpu.enqueue_indirect_dma source(%dma_start3A_42 : memref<4096x128xf32, #tpu.memory_space<hbm>>) target(%arg8 : memref<80x128xf32, #tpu.memory_space<vmem>>) offsets(%dma_start3A_39 : memref<80xi32, #tpu.memory_space<vmem>>) semaphore(%arg13 : memref<!tpu.dma_semaphore, #tpu.memory_space<semaphore_mem>>)
    %add3A_43 = arith.constant 1 : i32
    %add3A_44 = arith.addi %mul3A_27, %add3A_43 : i32
    "tpu.region"() ({
      %run_scoped3A_122 = tpu.sem_alloc : memref<!tpu.dma_semaphore, #tpu.memory_space<semaphore_mem>>
      %dma_start3A_123 = arith.constant 0 : i32
      %dma_start3A_124 = arith.constant 0 : i32
      %dma_start3A_125 = tpu.memref_slice %arg4[%add3A_44, %dma_start3A_123, %dma_start3A_124] : memref<4000x3x80xi32, #tpu.memory_space<hbm>> -> memref<1x3x80xi32, #tpu.memory_space<hbm>>
      %dma_start3A_126 = tpu.memref_squeeze %dma_start3A_125 : memref<1x3x80xi32, #tpu.memory_space<hbm>> -> memref<3x80xi32, #tpu.memory_space<hbm>>
      %dma_start3A_127 = arith.constant 0 : i32
      %dma_start3A_128 = arith.constant 0 : i32
      %dma_start3A_129 = tpu.memref_slice %arg4[%add3A_44, %dma_start3A_127, %dma_start3A_128] : memref<4000x3x80xi32, #tpu.memory_space<hbm>> -> memref<1x3x80xi32, #tpu.memory_space<hbm>>
      %dma_start3A_130 = tpu.memref_squeeze %dma_start3A_129 : memref<1x3x80xi32, #tpu.memory_space<hbm>> -> memref<3x80xi32, #tpu.memory_space<hbm>>
      tpu.enqueue_dma source(%dma_start3A_130 : memref<3x80xi32, #tpu.memory_space<hbm>>) target(%arg9 : memref<3x80xi32, #tpu.memory_space<vmem>>) target_semaphore(%run_scoped3A_122 : memref<!tpu.dma_semaphore, #tpu.memory_space<semaphore_mem>>)
      %dma_wait3A_131 = arith.constant 0 : i32
      %dma_wait3A_132 = arith.constant 0 : i32
      %dma_wait3A_133 = tpu.memref_slice %arg4[%add3A_44, %dma_wait3A_131, %dma_wait3A_132] : memref<4000x3x80xi32, #tpu.memory_space<hbm>> -> memref<1x3x80xi32, #tpu.memory_space<hbm>>
      %dma_wait3A_134 = tpu.memref_squeeze %dma_wait3A_133 : memref<1x3x80xi32, #tpu.memory_space<hbm>> -> memref<3x80xi32, #tpu.memory_space<hbm>>
      %dma_wait3A_135 = arith.constant 0 : i32
      %dma_wait3A_136 = arith.constant 0 : i32
      %dma_wait3A_137 = tpu.memref_slice %arg4[%add3A_44, %dma_wait3A_135, %dma_wait3A_136] : memref<4000x3x80xi32, #tpu.memory_space<hbm>> -> memref<1x3x80xi32, #tpu.memory_space<hbm>>
      %dma_wait3A_138 = tpu.memref_squeeze %dma_wait3A_137 : memref<1x3x80xi32, #tpu.memory_space<hbm>> -> memref<3x80xi32, #tpu.memory_space<hbm>>
      tpu.wait_dma2 semaphore(%run_scoped3A_122 : memref<!tpu.dma_semaphore, #tpu.memory_space<semaphore_mem>>) src(%dma_wait3A_138 : memref<3x80xi32, #tpu.memory_space<hbm>>) dst(%arg9 : memref<3x80xi32, #tpu.memory_space<vmem>>)
      tpu.yield
    }) : () -> ()
    %dma_start3A_45 = arith.constant 0 : i32
    %dma_start3A_46 = arith.constant 0 : i32
    %dma_start3A_47 = tpu.memref_slice %arg9[%dma_start3A_45, %dma_start3A_46] : memref<3x80xi32, #tpu.memory_space<vmem>> -> memref<1x80xi32, #tpu.memory_space<vmem>>
    %dma_start3A_48 = tpu.memref_squeeze %dma_start3A_47 : memref<1x80xi32, #tpu.memory_space<vmem>> -> memref<80xi32, #tpu.memory_space<vmem>>
    %dma_start3A_49 = arith.constant 0 : i32
    %dma_start3A_50 = arith.constant 0 : i32
    %dma_start3A_51 = tpu.memref_slice %arg2[%dma_start3A_49, %dma_start3A_50] : memref<10112x128xf32, #tpu.memory_space<hbm>> -> memref<10112x128xf32, #tpu.memory_space<hbm>>
    tpu.enqueue_indirect_dma source(%dma_start3A_51 : memref<10112x128xf32, #tpu.memory_space<hbm>>) target(%arg10 : memref<80x128xf32, #tpu.memory_space<vmem>>) offsets(%dma_start3A_48 : memref<80xi32, #tpu.memory_space<vmem>>) semaphore(%arg14 : memref<!tpu.dma_semaphore, #tpu.memory_space<semaphore_mem>>)
    %dma_start3A_52 = arith.constant 2 : i32
    %dma_start3A_53 = arith.constant 0 : i32
    %dma_start3A_54 = tpu.memref_slice %arg9[%dma_start3A_52, %dma_start3A_53] : memref<3x80xi32, #tpu.memory_space<vmem>> -> memref<1x80xi32, #tpu.memory_space<vmem>>
    %dma_start3A_55 = tpu.memref_squeeze %dma_start3A_54 : memref<1x80xi32, #tpu.memory_space<vmem>> -> memref<80xi32, #tpu.memory_space<vmem>>
    %dma_start3A_56 = arith.constant 0 : i32
    %dma_start3A_57 = arith.constant 0 : i32
    %dma_start3A_58 = tpu.memref_slice %arg3[%dma_start3A_56, %dma_start3A_57] : memref<4096x128xf32, #tpu.memory_space<hbm>> -> memref<4096x128xf32, #tpu.memory_space<hbm>>
    tpu.enqueue_indirect_dma source(%dma_start3A_58 : memref<4096x128xf32, #tpu.memory_space<hbm>>) target(%arg11 : memref<80x128xf32, #tpu.memory_space<vmem>>) offsets(%dma_start3A_55 : memref<80xi32, #tpu.memory_space<vmem>>) semaphore(%arg15 : memref<!tpu.dma_semaphore, #tpu.memory_space<semaphore_mem>>)
    %scan3A_59 = arith.constant 0 : i32
    %scan3A_60 = arith.constant 0 : i32
    %scan3A_61 = arith.constant 62 : i32
    %scan3A_62 = arith.addi %scan3A_60, %scan3A_61 : i32
    %scan3A_63 = arith.constant 1 : i32
    %scan3A_64 = scf.for %scan3A_122 = %scan3A_60 to %scan3A_62 step %scan3A_63 iter_args(%scan3A_123 = %scan3A_59) -> (i32)  : i32 {
      %mul3A_124 = arith.constant 2 : i32
      %mul3A_125 = arith.muli %scan3A_122, %mul3A_124 : i32
      %add3A_126 = arith.constant 0 : i32
      %add3A_127 = arith.addi %mul3A_125, %add3A_126 : i32
      %dma_wait3A_128 = arith.constant 0 : i32
      %dma_wait3A_129 = arith.constant 0 : i32
      %dma_wait3A_130 = tpu.memref_slice %arg6[%dma_wait3A_128, %dma_wait3A_129] : memref<3x80xi32, #tpu.memory_space<vmem>> -> memref<1x80xi32, #tpu.memory_space<vmem>>
      %dma_wait3A_131 = tpu.memref_squeeze %dma_wait3A_130 : memref<1x80xi32, #tpu.memory_space<vmem>> -> memref<80xi32, #tpu.memory_space<vmem>>
      %dma_wait3A_132 = arith.constant 0 : i32
      %dma_wait3A_133 = arith.constant 0 : i32
      %dma_wait3A_134 = tpu.memref_slice %arg2[%dma_wait3A_132, %dma_wait3A_133] : memref<10112x128xf32, #tpu.memory_space<hbm>> -> memref<10112x128xf32, #tpu.memory_space<hbm>>
      tpu.wait_indirect_dma semaphore(%arg12 : memref<!tpu.dma_semaphore, #tpu.memory_space<semaphore_mem>>) src(%dma_wait3A_134 : memref<10112x128xf32, #tpu.memory_space<hbm>>) dst(%arg7 : memref<80x128xf32, #tpu.memory_space<vmem>>)
      %dma_wait3A_135 = arith.constant 2 : i32
      %dma_wait3A_136 = arith.constant 0 : i32
      %dma_wait3A_137 = tpu.memref_slice %arg6[%dma_wait3A_135, %dma_wait3A_136] : memref<3x80xi32, #tpu.memory_space<vmem>> -> memref<1x80xi32, #tpu.memory_space<vmem>>
      %dma_wait3A_138 = tpu.memref_squeeze %dma_wait3A_137 : memref<1x80xi32, #tpu.memory_space<vmem>> -> memref<80xi32, #tpu.memory_space<vmem>>
      %dma_wait3A_139 = arith.constant 0 : i32
      %dma_wait3A_140 = arith.constant 0 : i32
      %dma_wait3A_141 = tpu.memref_slice %arg3[%dma_wait3A_139, %dma_wait3A_140] : memref<4096x128xf32, #tpu.memory_space<hbm>> -> memref<4096x128xf32, #tpu.memory_space<hbm>>
      tpu.wait_indirect_dma semaphore(%arg13 : memref<!tpu.dma_semaphore, #tpu.memory_space<semaphore_mem>>) src(%dma_wait3A_141 : memref<4096x128xf32, #tpu.memory_space<hbm>>) dst(%arg8 : memref<80x128xf32, #tpu.memory_space<vmem>>)
      %scan3A_142 = arith.constant 0 : i32
      %scan3A_143 = arith.constant 0 : i32
      %scan3A_144 = arith.constant 80 : i32
      %scan3A_145 = arith.addi %scan3A_143, %scan3A_144 : i32
      %scan3A_146 = arith.constant 1 : i32
      %scan3A_147 = scf.for %scan3A_188 = %scan3A_143 to %scan3A_145 step %scan3A_146 iter_args(%scan3A_189 = %scan3A_142) -> (i32)  : i32 {
        %get3A = arith.index_cast %scan3A_188 : i32 to index
        %get3A_190 = arith.constant 0 : index
        %get3A_191 = tpu.vector_load %arg7[%get3A, %get3A_190] {strides = array<i32>} : memref<80x128xf32, #tpu.memory_space<vmem>>, vector<1x16xf32>,
        %get3A_192 = vector.shape_cast %get3A_191 : vector<1x16xf32> to vector<16xf32>
        %get3A_193 = arith.index_cast %scan3A_188 : i32 to index
        %get3A_194 = arith.constant 0 : index
        %get3A_195 = tpu.vector_load %arg8[%get3A_193, %get3A_194] {strides = array<i32>} : memref<80x128xf32, #tpu.memory_space<vmem>>, vector<1x16xf32>,
        %get3A_196 = vector.shape_cast %get3A_195 : vector<1x16xf32> to vector<16xf32>
        %add3A_197 = arith.addf %get3A_192, %get3A_196 : vector<16xf32>
        %max3A = arith.constant 0.000000e+00 : f32
        %max3A_198 = vector.broadcast %max3A : f32 to vector<16xf32>
        %max3A_199 = arith.maximumf %add3A_197, %max3A_198 : vector<16xf32>
        %swap3A = arith.index_cast %scan3A_188 : i32 to index
        %swap3A_200 = arith.constant 0 : index
        %swap3A_201 = tpu.vector_load %arg7[%swap3A, %swap3A_200] {strides = array<i32>} : memref<80x128xf32, #tpu.memory_space<vmem>>, vector<1x16xf32>,
        %swap3A_202 = vector.shape_cast %swap3A_201 : vector<1x16xf32> to vector<16xf32>
        %swap3A_203 = vector.shape_cast %max3A_199 : vector<16xf32> to vector<1x16xf32>
        tpu.vector_store %arg7[%swap3A, %swap3A_200], %swap3A_203 {strides = array<i32>} : memref<80x128xf32, #tpu.memory_space<vmem>>, vector<1x16xf32>,
        %get3A_204 = arith.index_cast %scan3A_188 : i32 to index
        %get3A_205 = arith.constant 16 : index
        %get3A_206 = tpu.vector_load %arg7[%get3A_204, %get3A_205] {strides = array<i32>} : memref<80x128xf32, #tpu.memory_space<vmem>>, vector<1x16xf32>,
        %get3A_207 = vector.shape_cast %get3A_206 : vector<1x16xf32> to vector<16xf32>
        %get3A_208 = arith.index_cast %scan3A_188 : i32 to index
        %get3A_209 = arith.constant 16 : index
        %get3A_210 = tpu.vector_load %arg8[%get3A_208, %get3A_209] {strides = array<i32>} : memref<80x128xf32, #tpu.memory_space<vmem>>, vector<1x16xf32>,
        %get3A_211 = vector.shape_cast %get3A_210 : vector<1x16xf32> to vector<16xf32>
        %add3A_212 = arith.addf %get3A_207, %get3A_211 : vector<16xf32>
        %max3A_213 = arith.constant 0.000000e+00 : f32
        %max3A_214 = vector.broadcast %max3A_213 : f32 to vector<16xf32>
        %max3A_215 = arith.maximumf %add3A_212, %max3A_214 : vector<16xf32>
        %swap3A_216 = arith.index_cast %scan3A_188 : i32 to index
        %swap3A_217 = arith.constant 16 : index
        %swap3A_218 = tpu.vector_load %arg7[%swap3A_216, %swap3A_217] {strides = array<i32>} : memref<80x128xf32, #tpu.memory_space<vmem>>, vector<1x16xf32>,
        %swap3A_219 = vector.shape_cast %swap3A_218 : vector<1x16xf32> to vector<16xf32>
        %swap3A_220 = vector.shape_cast %max3A_215 : vector<16xf32> to vector<1x16xf32>
        tpu.vector_store %arg7[%swap3A_216, %swap3A_217], %swap3A_220 {strides = array<i32>} : memref<80x128xf32, #tpu.memory_space<vmem>>, vector<1x16xf32>,
        %get3A_221 = arith.index_cast %scan3A_188 : i32 to index
        %get3A_222 = arith.constant 32 : index
        %get3A_223 = tpu.vector_load %arg7[%get3A_221, %get3A_222] {strides = array<i32>} : memref<80x128xf32, #tpu.memory_space<vmem>>, vector<1x16xf32>,
        %get3A_224 = vector.shape_cast %get3A_223 : vector<1x16xf32> to vector<16xf32>
        %get3A_225 = arith.index_cast %scan3A_188 : i32 to index
        %get3A_226 = arith.constant 32 : index
        %get3A_227 = tpu.vector_load %arg8[%get3A_225, %get3A_226] {strides = array<i32>} : memref<80x128xf32, #tpu.memory_space<vmem>>, vector<1x16xf32>,
        %get3A_228 = vector.shape_cast %get3A_227 : vector<1x16xf32> to vector<16xf32>
        %add3A_229 = arith.addf %get3A_224, %get3A_228 : vector<16xf32>
        %max3A_230 = arith.constant 0.000000e+00 : f32
        %max3A_231 = vector.broadcast %max3A_230 : f32 to vector<16xf32>
        %max3A_232 = arith.maximumf %add3A_229, %max3A_231 : vector<16xf32>
        %swap3A_233 = arith.index_cast %scan3A_188 : i32 to index
        %swap3A_234 = arith.constant 32 : index
        %swap3A_235 = tpu.vector_load %arg7[%swap3A_233, %swap3A_234] {strides = array<i32>} : memref<80x128xf32, #tpu.memory_space<vmem>>, vector<1x16xf32>,
        %swap3A_236 = vector.shape_cast %swap3A_235 : vector<1x16xf32> to vector<16xf32>
        %swap3A_237 = vector.shape_cast %max3A_232 : vector<16xf32> to vector<1x16xf32>
        tpu.vector_store %arg7[%swap3A_233, %swap3A_234], %swap3A_237 {strides = array<i32>} : memref<80x128xf32, #tpu.memory_space<vmem>>, vector<1x16xf32>,
        %get3A_238 = arith.index_cast %scan3A_188 : i32 to index
        %get3A_239 = arith.constant 48 : index
        %get3A_240 = tpu.vector_load %arg7[%get3A_238, %get3A_239] {strides = array<i32>} : memref<80x128xf32, #tpu.memory_space<vmem>>, vector<1x16xf32>,
        %get3A_241 = vector.shape_cast %get3A_240 : vector<1x16xf32> to vector<16xf32>
        %get3A_242 = arith.index_cast %scan3A_188 : i32 to index
        %get3A_243 = arith.constant 48 : index
        %get3A_244 = tpu.vector_load %arg8[%get3A_242, %get3A_243] {strides = array<i32>} : memref<80x128xf32, #tpu.memory_space<vmem>>, vector<1x16xf32>,
        %get3A_245 = vector.shape_cast %get3A_244 : vector<1x16xf32> to vector<16xf32>
        %add3A_246 = arith.addf %get3A_241, %get3A_245 : vector<16xf32>
        %max3A_247 = arith.constant 0.000000e+00 : f32
        %max3A_248 = vector.broadcast %max3A_247 : f32 to vector<16xf32>
        %max3A_249 = arith.maximumf %add3A_246, %max3A_248 : vector<16xf32>
        %swap3A_250 = arith.index_cast %scan3A_188 : i32 to index
        %swap3A_251 = arith.constant 48 : index
        %swap3A_252 = tpu.vector_load %arg7[%swap3A_250, %swap3A_251] {strides = array<i32>} : memref<80x128xf32, #tpu.memory_space<vmem>>, vector<1x16xf32>,
        %swap3A_253 = vector.shape_cast %swap3A_252 : vector<1x16xf32> to vector<16xf32>
        %swap3A_254 = vector.shape_cast %max3A_249 : vector<16xf32> to vector<1x16xf32>
        tpu.vector_store %arg7[%swap3A_250, %swap3A_251], %swap3A_254 {strides = array<i32>} : memref<80x128xf32, #tpu.memory_space<vmem>>, vector<1x16xf32>,
        %get3A_255 = arith.index_cast %scan3A_188 : i32 to index
        %get3A_256 = arith.constant 64 : index
        %get3A_257 = tpu.vector_load %arg7[%get3A_255, %get3A_256] {strides = array<i32>} : memref<80x128xf32, #tpu.memory_space<vmem>>, vector<1x16xf32>,
        %get3A_258 = vector.shape_cast %get3A_257 : vector<1x16xf32> to vector<16xf32>
        %get3A_259 = arith.index_cast %scan3A_188 : i32 to index
        %get3A_260 = arith.constant 64 : index
        %get3A_261 = tpu.vector_load %arg8[%get3A_259, %get3A_260] {strides = array<i32>} : memref<80x128xf32, #tpu.memory_space<vmem>>, vector<1x16xf32>,
        %get3A_262 = vector.shape_cast %get3A_261 : vector<1x16xf32> to vector<16xf32>
        %add3A_263 = arith.addf %get3A_258, %get3A_262 : vector<16xf32>
        %max3A_264 = arith.constant 0.000000e+00 : f32
        %max3A_265 = vector.broadcast %max3A_264 : f32 to vector<16xf32>
        %max3A_266 = arith.maximumf %add3A_263, %max3A_265 : vector<16xf32>
        %swap3A_267 = arith.index_cast %scan3A_188 : i32 to index
        %swap3A_268 = arith.constant 64 : index
        %swap3A_269 = tpu.vector_load %arg7[%swap3A_267, %swap3A_268] {strides = array<i32>} : memref<80x128xf32, #tpu.memory_space<vmem>>, vector<1x16xf32>,
        %swap3A_270 = vector.shape_cast %swap3A_269 : vector<1x16xf32> to vector<16xf32>
        %swap3A_271 = vector.shape_cast %max3A_266 : vector<16xf32> to vector<1x16xf32>
        tpu.vector_store %arg7[%swap3A_267, %swap3A_268], %swap3A_271 {strides = array<i32>} : memref<80x128xf32, #tpu.memory_space<vmem>>, vector<1x16xf32>,
        %get3A_272 = arith.index_cast %scan3A_188 : i32 to index
        %get3A_273 = arith.constant 80 : index
        %get3A_274 = tpu.vector_load %arg7[%get3A_272, %get3A_273] {strides = array<i32>} : memref<80x128xf32, #tpu.memory_space<vmem>>, vector<1x16xf32>,
        %get3A_275 = vector.shape_cast %get3A_274 : vector<1x16xf32> to vector<16xf32>
        %get3A_276 = arith.index_cast %scan3A_188 : i32 to index
        %get3A_277 = arith.constant 80 : index
        %get3A_278 = tpu.vector_load %arg8[%get3A_276, %get3A_277] {strides = array<i32>} : memref<80x128xf32, #tpu.memory_space<vmem>>, vector<1x16xf32>,
        %get3A_279 = vector.shape_cast %get3A_278 : vector<1x16xf32> to vector<16xf32>
        %add3A_280 = arith.addf %get3A_275, %get3A_279 : vector<16xf32>
        %max3A_281 = arith.constant 0.000000e+00 : f32
        %max3A_282 = vector.broadcast %max3A_281 : f32 to vector<16xf32>
        %max3A_283 = arith.maximumf %add3A_280, %max3A_282 : vector<16xf32>
        %swap3A_284 = arith.index_cast %scan3A_188 : i32 to index
        %swap3A_285 = arith.constant 80 : index
        %swap3A_286 = tpu.vector_load %arg7[%swap3A_284, %swap3A_285] {strides = array<i32>} : memref<80x128xf32, #tpu.memory_space<vmem>>, vector<1x16xf32>,
        %swap3A_287 = vector.shape_cast %swap3A_286 : vector<1x16xf32> to vector<16xf32>
        %swap3A_288 = vector.shape_cast %max3A_283 : vector<16xf32> to vector<1x16xf32>
        tpu.vector_store %arg7[%swap3A_284, %swap3A_285], %swap3A_288 {strides = array<i32>} : memref<80x128xf32, #tpu.memory_space<vmem>>, vector<1x16xf32>,
        %get3A_289 = arith.index_cast %scan3A_188 : i32 to index
        %get3A_290 = arith.constant 96 : index
        %get3A_291 = tpu.vector_load %arg7[%get3A_289, %get3A_290] {strides = array<i32>} : memref<80x128xf32, #tpu.memory_space<vmem>>, vector<1x16xf32>,
        %get3A_292 = vector.shape_cast %get3A_291 : vector<1x16xf32> to vector<16xf32>
        %get3A_293 = arith.index_cast %scan3A_188 : i32 to index
        %get3A_294 = arith.constant 96 : index
        %get3A_295 = tpu.vector_load %arg8[%get3A_293, %get3A_294] {strides = array<i32>} : memref<80x128xf32, #tpu.memory_space<vmem>>, vector<1x16xf32>,
        %get3A_296 = vector.shape_cast %get3A_295 : vector<1x16xf32> to vector<16xf32>
        %add3A_297 = arith.addf %get3A_292, %get3A_296 : vector<16xf32>
        %max3A_298 = arith.constant 0.000000e+00 : f32
        %max3A_299 = vector.broadcast %max3A_298 : f32 to vector<16xf32>
        %max3A_300 = arith.maximumf %add3A_297, %max3A_299 : vector<16xf32>
        %swap3A_301 = arith.index_cast %scan3A_188 : i32 to index
        %swap3A_302 = arith.constant 96 : index
        %swap3A_303 = tpu.vector_load %arg7[%swap3A_301, %swap3A_302] {strides = array<i32>} : memref<80x128xf32, #tpu.memory_space<vmem>>, vector<1x16xf32>,
        %swap3A_304 = vector.shape_cast %swap3A_303 : vector<1x16xf32> to vector<16xf32>
        %swap3A_305 = vector.shape_cast %max3A_300 : vector<16xf32> to vector<1x16xf32>
        tpu.vector_store %arg7[%swap3A_301, %swap3A_302], %swap3A_305 {strides = array<i32>} : memref<80x128xf32, #tpu.memory_space<vmem>>, vector<1x16xf32>,
        %get3A_306 = arith.index_cast %scan3A_188 : i32 to index
        %get3A_307 = arith.constant 112 : index
        %get3A_308 = tpu.vector_load %arg7[%get3A_306, %get3A_307] {strides = array<i32>} : memref<80x128xf32, #tpu.memory_space<vmem>>, vector<1x16xf32>,
        %get3A_309 = vector.shape_cast %get3A_308 : vector<1x16xf32> to vector<16xf32>
        %get3A_310 = arith.index_cast %scan3A_188 : i32 to index
        %get3A_311 = arith.constant 112 : index
        %get3A_312 = tpu.vector_load %arg8[%get3A_310, %get3A_311] {strides = array<i32>} : memref<80x128xf32, #tpu.memory_space<vmem>>, vector<1x16xf32>,
        %get3A_313 = vector.shape_cast %get3A_312 : vector<1x16xf32> to vector<16xf32>
        %add3A_314 = arith.addf %get3A_309, %get3A_313 : vector<16xf32>
        %max3A_315 = arith.constant 0.000000e+00 : f32
        %max3A_316 = vector.broadcast %max3A_315 : f32 to vector<16xf32>
        %max3A_317 = arith.maximumf %add3A_314, %max3A_316 : vector<16xf32>
        %swap3A_318 = arith.index_cast %scan3A_188 : i32 to index
        %swap3A_319 = arith.constant 112 : index
        %swap3A_320 = tpu.vector_load %arg7[%swap3A_318, %swap3A_319] {strides = array<i32>} : memref<80x128xf32, #tpu.memory_space<vmem>>, vector<1x16xf32>,
        %swap3A_321 = vector.shape_cast %swap3A_320 : vector<1x16xf32> to vector<16xf32>
        %swap3A_322 = vector.shape_cast %max3A_317 : vector<16xf32> to vector<1x16xf32>
        tpu.vector_store %arg7[%swap3A_318, %swap3A_319], %swap3A_322 {strides = array<i32>} : memref<80x128xf32, #tpu.memory_space<vmem>>, vector<1x16xf32>,
        %scan3A_323 = arith.constant 0 : i32
        scf.yield %scan3A_323 : i32
      }
      %scan3A_148 = arith.constant 80 : i32
      %run_scoped3A_149 = arith.constant 1 : i32
      "tpu.region"() ({
        %run_scoped3A_188 = tpu.sem_alloc : memref<!tpu.dma_semaphore, #tpu.memory_space<semaphore_mem>>
        %dma_start3A_189 = arith.constant 0 : i32
        %dma_start3A_190 = tpu.memref_slice %arg6[%run_scoped3A_149, %dma_start3A_189] : memref<3x80xi32, #tpu.memory_space<vmem>> -> memref<1x80xi32, #tpu.memory_space<vmem>>
        %dma_start3A_191 = tpu.memref_squeeze %dma_start3A_190 : memref<1x80xi32, #tpu.memory_space<vmem>> -> memref<80xi32, #tpu.memory_space<vmem>>
        %dma_start3A_192 = arith.constant 0 : i32
        %dma_start3A_193 = arith.constant 0 : i32
        %dma_start3A_194 = tpu.memref_slice %arg16[%dma_start3A_192, %dma_start3A_193] : memref<10112x128xf32, #tpu.memory_space<vmem_shared>> -> memref<10112x128xf32, #tpu.memory_space<vmem_shared>>
        tpu.enqueue_indirect_dma source(%arg7 : memref<80x128xf32, #tpu.memory_space<vmem>>) target(%dma_start3A_194 : memref<10112x128xf32, #tpu.memory_space<vmem_shared>>) offsets(%dma_start3A_191 : memref<80xi32, #tpu.memory_space<vmem>>) semaphore(%run_scoped3A_188 : memref<!tpu.dma_semaphore, #tpu.memory_space<semaphore_mem>>) {add = true}
        %dma_wait3A_195 = arith.constant 0 : i32
        %dma_wait3A_196 = tpu.memref_slice %arg6[%run_scoped3A_149, %dma_wait3A_195] : memref<3x80xi32, #tpu.memory_space<vmem>> -> memref<1x80xi32, #tpu.memory_space<vmem>>
        %dma_wait3A_197 = tpu.memref_squeeze %dma_wait3A_196 : memref<1x80xi32, #tpu.memory_space<vmem>> -> memref<80xi32, #tpu.memory_space<vmem>>
        %dma_wait3A_198 = arith.constant 0 : i32
        %dma_wait3A_199 = arith.constant 0 : i32
        %dma_wait3A_200 = tpu.memref_slice %arg16[%dma_wait3A_198, %dma_wait3A_199] : memref<10112x128xf32, #tpu.memory_space<vmem_shared>> -> memref<10112x128xf32, #tpu.memory_space<vmem_shared>>
        tpu.wait_indirect_dma semaphore(%run_scoped3A_188 : memref<!tpu.dma_semaphore, #tpu.memory_space<semaphore_mem>>) src(%arg7 : memref<80x128xf32, #tpu.memory_space<vmem>>) dst(%dma_wait3A_200 : memref<10112x128xf32, #tpu.memory_space<vmem_shared>>)
        tpu.yield
      }) : () -> ()
      %add3A_150 = arith.constant 2 : i32
      %add3A_151 = arith.addi %add3A_127, %add3A_150 : i32
      %lt3A = arith.constant 125 : i32
      %lt3A_152 = arith.cmpi slt, %add3A_151, %lt3A : i32
      %convert_element_type3A = arith.extui %lt3A_152 : i1 to i32
      %cond3A = arith.constant 0 : i32
      %cond3A_153 = arith.cmpi ne, %convert_element_type3A, %cond3A : i32
      scf.if %cond3A_153 {
        %add3A_188 = arith.addi %mul3A_27, %add3A_127 : i32
        %add3A_189 = arith.constant 2 : i32
        %add3A_190 = arith.addi %add3A_188, %add3A_189 : i32
        "tpu.region"() ({
          %run_scoped3A_205 = tpu.sem_alloc : memref<!tpu.dma_semaphore, #tpu.memory_space<semaphore_mem>>
          %dma_start3A_206 = arith.constant 0 : i32
          %dma_start3A_207 = arith.constant 0 : i32
          %dma_start3A_208 = tpu.memref_slice %arg4[%add3A_190, %dma_start3A_206, %dma_start3A_207] : memref<4000x3x80xi32, #tpu.memory_space<hbm>> -> memref<1x3x80xi32, #tpu.memory_space<hbm>>
          %dma_start3A_209 = tpu.memref_squeeze %dma_start3A_208 : memref<1x3x80xi32, #tpu.memory_space<hbm>> -> memref<3x80xi32, #tpu.memory_space<hbm>>
          %dma_start3A_210 = arith.constant 0 : i32
          %dma_start3A_211 = arith.constant 0 : i32
          %dma_start3A_212 = tpu.memref_slice %arg4[%add3A_190, %dma_start3A_210, %dma_start3A_211] : memref<4000x3x80xi32, #tpu.memory_space<hbm>> -> memref<1x3x80xi32, #tpu.memory_space<hbm>>
          %dma_start3A_213 = tpu.memref_squeeze %dma_start3A_212 : memref<1x3x80xi32, #tpu.memory_space<hbm>> -> memref<3x80xi32, #tpu.memory_space<hbm>>
          tpu.enqueue_dma source(%dma_start3A_213 : memref<3x80xi32, #tpu.memory_space<hbm>>) target(%arg6 : memref<3x80xi32, #tpu.memory_space<vmem>>) target_semaphore(%run_scoped3A_205 : memref<!tpu.dma_semaphore, #tpu.memory_space<semaphore_mem>>)
          %dma_wait3A_214 = arith.constant 0 : i32
          %dma_wait3A_215 = arith.constant 0 : i32
          %dma_wait3A_216 = tpu.memref_slice %arg4[%add3A_190, %dma_wait3A_214, %dma_wait3A_215] : memref<4000x3x80xi32, #tpu.memory_space<hbm>> -> memref<1x3x80xi32, #tpu.memory_space<hbm>>
          %dma_wait3A_217 = tpu.memref_squeeze %dma_wait3A_216 : memref<1x3x80xi32, #tpu.memory_space<hbm>> -> memref<3x80xi32, #tpu.memory_space<hbm>>
          %dma_wait3A_218 = arith.constant 0 : i32
          %dma_wait3A_219 = arith.constant 0 : i32
          %dma_wait3A_220 = tpu.memref_slice %arg4[%add3A_190, %dma_wait3A_218, %dma_wait3A_219] : memref<4000x3x80xi32, #tpu.memory_space<hbm>> -> memref<1x3x80xi32, #tpu.memory_space<hbm>>
          %dma_wait3A_221 = tpu.memref_squeeze %dma_wait3A_220 : memref<1x3x80xi32, #tpu.memory_space<hbm>> -> memref<3x80xi32, #tpu.memory_space<hbm>>
          tpu.wait_dma2 semaphore(%run_scoped3A_205 : memref<!tpu.dma_semaphore, #tpu.memory_space<semaphore_mem>>) src(%dma_wait3A_221 : memref<3x80xi32, #tpu.memory_space<hbm>>) dst(%arg6 : memref<3x80xi32, #tpu.memory_space<vmem>>)
          tpu.yield
        }) : () -> ()
        %dma_start3A_191 = arith.constant 0 : i32
        %dma_start3A_192 = arith.constant 0 : i32
        %dma_start3A_193 = tpu.memref_slice %arg6[%dma_start3A_191, %dma_start3A_192] : memref<3x80xi32, #tpu.memory_space<vmem>> -> memref<1x80xi32, #tpu.memory_space<vmem>>
        %dma_start3A_194 = tpu.memref_squeeze %dma_start3A_193 : memref<1x80xi32, #tpu.memory_space<vmem>> -> memref<80xi32, #tpu.memory_space<vmem>>
        %dma_start3A_195 = arith.constant 0 : i32
        %dma_start3A_196 = arith.constant 0 : i32
        %dma_start3A_197 = tpu.memref_slice %arg2[%dma_start3A_195, %dma_start3A_196] : memref<10112x128xf32, #tpu.memory_space<hbm>> -> memref<10112x128xf32, #tpu.memory_space<hbm>>
        tpu.enqueue_indirect_dma source(%dma_start3A_197 : memref<10112x128xf32, #tpu.memory_space<hbm>>) target(%arg7 : memref<80x128xf32, #tpu.memory_space<vmem>>) offsets(%dma_start3A_194 : memref<80xi32, #tpu.memory_space<vmem>>) semaphore(%arg12 : memref<!tpu.dma_semaphore, #tpu.memory_space<semaphore_mem>>)
        %dma_start3A_198 = arith.constant 2 : i32
        %dma_start3A_199 = arith.constant 0 : i32
        %dma_start3A_200 = tpu.memref_slice %arg6[%dma_start3A_198, %dma_start3A_199] : memref<3x80xi32, #tpu.memory_space<vmem>> -> memref<1x80xi32, #tpu.memory_space<vmem>>
        %dma_start3A_201 = tpu.memref_squeeze %dma_start3A_200 : memref<1x80xi32, #tpu.memory_space<vmem>> -> memref<80xi32, #tpu.memory_space<vmem>>
        %dma_start3A_202 = arith.constant 0 : i32
        %dma_start3A_203 = arith.constant 0 : i32
        %dma_start3A_204 = tpu.memref_slice %arg3[%dma_start3A_202, %dma_start3A_203] : memref<4096x128xf32, #tpu.memory_space<hbm>> -> memref<4096x128xf32, #tpu.memory_space<hbm>>
        tpu.enqueue_indirect_dma source(%dma_start3A_204 : memref<4096x128xf32, #tpu.memory_space<hbm>>) target(%arg8 : memref<80x128xf32, #tpu.memory_space<vmem>>) offsets(%dma_start3A_201 : memref<80xi32, #tpu.memory_space<vmem>>) semaphore(%arg13 : memref<!tpu.dma_semaphore, #tpu.memory_space<semaphore_mem>>)
      } else {
      }
      %mul3A_154 = arith.constant 2 : i32
      %mul3A_155 = arith.muli %scan3A_122, %mul3A_154 : i32
      %add3A_156 = arith.constant 1 : i32
      %add3A_157 = arith.addi %mul3A_155, %add3A_156 : i32
      %dma_wait3A_158 = arith.constant 0 : i32
      %dma_wait3A_159 = arith.constant 0 : i32
      %dma_wait3A_160 = tpu.memref_slice %arg9[%dma_wait3A_158, %dma_wait3A_159] : memref<3x80xi32, #tpu.memory_space<vmem>> -> memref<1x80xi32, #tpu.memory_space<vmem>>
      %dma_wait3A_161 = tpu.memref_squeeze %dma_wait3A_160 : memref<1x80xi32, #tpu.memory_space<vmem>> -> memref<80xi32, #tpu.memory_space<vmem>>
      %dma_wait3A_162 = arith.constant 0 : i32
      %dma_wait3A_163 = arith.constant 0 : i32
      %dma_wait3A_164 = tpu.memref_slice %arg2[%dma_wait3A_162, %dma_wait3A_163] : memref<10112x128xf32, #tpu.memory_space<hbm>> -> memref<10112x128xf32, #tpu.memory_space<hbm>>
      tpu.wait_indirect_dma semaphore(%arg14 : memref<!tpu.dma_semaphore, #tpu.memory_space<semaphore_mem>>) src(%dma_wait3A_164 : memref<10112x128xf32, #tpu.memory_space<hbm>>) dst(%arg10 : memref<80x128xf32, #tpu.memory_space<vmem>>)
      %dma_wait3A_165 = arith.constant 2 : i32
      %dma_wait3A_166 = arith.constant 0 : i32
      %dma_wait3A_167 = tpu.memref_slice %arg9[%dma_wait3A_165, %dma_wait3A_166] : memref<3x80xi32, #tpu.memory_space<vmem>> -> memref<1x80xi32, #tpu.memory_space<vmem>>
      %dma_wait3A_168 = tpu.memref_squeeze %dma_wait3A_167 : memref<1x80xi32, #tpu.memory_space<vmem>> -> memref<80xi32, #tpu.memory_space<vmem>>
      %dma_wait3A_169 = arith.constant 0 : i32
      %dma_wait3A_170 = arith.constant 0 : i32
      %dma_wait3A_171 = tpu.memref_slice %arg3[%dma_wait3A_169, %dma_wait3A_170] : memref<4096x128xf32, #tpu.memory_space<hbm>> -> memref<4096x128xf32, #tpu.memory_space<hbm>>
      tpu.wait_indirect_dma semaphore(%arg15 : memref<!tpu.dma_semaphore, #tpu.memory_space<semaphore_mem>>) src(%dma_wait3A_171 : memref<4096x128xf32, #tpu.memory_space<hbm>>) dst(%arg11 : memref<80x128xf32, #tpu.memory_space<vmem>>)
      %scan3A_172 = arith.constant 0 : i32
      %scan3A_173 = arith.constant 0 : i32
      %scan3A_174 = arith.constant 80 : i32
      %scan3A_175 = arith.addi %scan3A_173, %scan3A_174 : i32
      %scan3A_176 = arith.constant 1 : i32
      %scan3A_177 = scf.for %scan3A_188 = %scan3A_173 to %scan3A_175 step %scan3A_176 iter_args(%scan3A_189 = %scan3A_172) -> (i32)  : i32 {
        %get3A = arith.index_cast %scan3A_188 : i32 to index
        %get3A_190 = arith.constant 0 : index
        %get3A_191 = tpu.vector_load %arg10[%get3A, %get3A_190] {strides = array<i32>} : memref<80x128xf32, #tpu.memory_space<vmem>>, vector<1x16xf32>,
        %get3A_192 = vector.shape_cast %get3A_191 : vector<1x16xf32> to vector<16xf32>
        %get3A_193 = arith.index_cast %scan3A_188 : i32 to index
        %get3A_194 = arith.constant 0 : index
        %get3A_195 = tpu.vector_load %arg11[%get3A_193, %get3A_194] {strides = array<i32>} : memref<80x128xf32, #tpu.memory_space<vmem>>, vector<1x16xf32>,
        %get3A_196 = vector.shape_cast %get3A_195 : vector<1x16xf32> to vector<16xf32>
        %add3A_197 = arith.addf %get3A_192, %get3A_196 : vector<16xf32>
        %max3A = arith.constant 0.000000e+00 : f32
        %max3A_198 = vector.broadcast %max3A : f32 to vector<16xf32>
        %max3A_199 = arith.maximumf %add3A_197, %max3A_198 : vector<16xf32>
        %swap3A = arith.index_cast %scan3A_188 : i32 to index
        %swap3A_200 = arith.constant 0 : index
        %swap3A_201 = tpu.vector_load %arg10[%swap3A, %swap3A_200] {strides = array<i32>} : memref<80x128xf32, #tpu.memory_space<vmem>>, vector<1x16xf32>,
        %swap3A_202 = vector.shape_cast %swap3A_201 : vector<1x16xf32> to vector<16xf32>
        %swap3A_203 = vector.shape_cast %max3A_199 : vector<16xf32> to vector<1x16xf32>
        tpu.vector_store %arg10[%swap3A, %swap3A_200], %swap3A_203 {strides = array<i32>} : memref<80x128xf32, #tpu.memory_space<vmem>>, vector<1x16xf32>,
        %get3A_204 = arith.index_cast %scan3A_188 : i32 to index
        %get3A_205 = arith.constant 16 : index
        %get3A_206 = tpu.vector_load %arg10[%get3A_204, %get3A_205] {strides = array<i32>} : memref<80x128xf32, #tpu.memory_space<vmem>>, vector<1x16xf32>,
        %get3A_207 = vector.shape_cast %get3A_206 : vector<1x16xf32> to vector<16xf32>
        %get3A_208 = arith.index_cast %scan3A_188 : i32 to index
        %get3A_209 = arith.constant 16 : index
        %get3A_210 = tpu.vector_load %arg11[%get3A_208, %get3A_209] {strides = array<i32>} : memref<80x128xf32, #tpu.memory_space<vmem>>, vector<1x16xf32>,
        %get3A_211 = vector.shape_cast %get3A_210 : vector<1x16xf32> to vector<16xf32>
        %add3A_212 = arith.addf %get3A_207, %get3A_211 : vector<16xf32>
        %max3A_213 = arith.constant 0.000000e+00 : f32
        %max3A_214 = vector.broadcast %max3A_213 : f32 to vector<16xf32>
        %max3A_215 = arith.maximumf %add3A_212, %max3A_214 : vector<16xf32>
        %swap3A_216 = arith.index_cast %scan3A_188 : i32 to index
        %swap3A_217 = arith.constant 16 : index
        %swap3A_218 = tpu.vector_load %arg10[%swap3A_216, %swap3A_217] {strides = array<i32>} : memref<80x128xf32, #tpu.memory_space<vmem>>, vector<1x16xf32>,
        %swap3A_219 = vector.shape_cast %swap3A_218 : vector<1x16xf32> to vector<16xf32>
        %swap3A_220 = vector.shape_cast %max3A_215 : vector<16xf32> to vector<1x16xf32>
        tpu.vector_store %arg10[%swap3A_216, %swap3A_217], %swap3A_220 {strides = array<i32>} : memref<80x128xf32, #tpu.memory_space<vmem>>, vector<1x16xf32>,
        %get3A_221 = arith.index_cast %scan3A_188 : i32 to index
        %get3A_222 = arith.constant 32 : index
        %get3A_223 = tpu.vector_load %arg10[%get3A_221, %get3A_222] {strides = array<i32>} : memref<80x128xf32, #tpu.memory_space<vmem>>, vector<1x16xf32>,
        %get3A_224 = vector.shape_cast %get3A_223 : vector<1x16xf32> to vector<16xf32>
        %get3A_225 = arith.index_cast %scan3A_188 : i32 to index
        %get3A_226 = arith.constant 32 : index
        %get3A_227 = tpu.vector_load %arg11[%get3A_225, %get3A_226] {strides = array<i32>} : memref<80x128xf32, #tpu.memory_space<vmem>>, vector<1x16xf32>,
        %get3A_228 = vector.shape_cast %get3A_227 : vector<1x16xf32> to vector<16xf32>
        %add3A_229 = arith.addf %get3A_224, %get3A_228 : vector<16xf32>
        %max3A_230 = arith.constant 0.000000e+00 : f32
        %max3A_231 = vector.broadcast %max3A_230 : f32 to vector<16xf32>
        %max3A_232 = arith.maximumf %add3A_229, %max3A_231 : vector<16xf32>
        %swap3A_233 = arith.index_cast %scan3A_188 : i32 to index
        %swap3A_234 = arith.constant 32 : index
        %swap3A_235 = tpu.vector_load %arg10[%swap3A_233, %swap3A_234] {strides = array<i32>} : memref<80x128xf32, #tpu.memory_space<vmem>>, vector<1x16xf32>,
        %swap3A_236 = vector.shape_cast %swap3A_235 : vector<1x16xf32> to vector<16xf32>
        %swap3A_237 = vector.shape_cast %max3A_232 : vector<16xf32> to vector<1x16xf32>
        tpu.vector_store %arg10[%swap3A_233, %swap3A_234], %swap3A_237 {strides = array<i32>} : memref<80x128xf32, #tpu.memory_space<vmem>>, vector<1x16xf32>,
        %get3A_238 = arith.index_cast %scan3A_188 : i32 to index
        %get3A_239 = arith.constant 48 : index
        %get3A_240 = tpu.vector_load %arg10[%get3A_238, %get3A_239] {strides = array<i32>} : memref<80x128xf32, #tpu.memory_space<vmem>>, vector<1x16xf32>,
        %get3A_241 = vector.shape_cast %get3A_240 : vector<1x16xf32> to vector<16xf32>
        %get3A_242 = arith.index_cast %scan3A_188 : i32 to index
        %get3A_243 = arith.constant 48 : index
        %get3A_244 = tpu.vector_load %arg11[%get3A_242, %get3A_243] {strides = array<i32>} : memref<80x128xf32, #tpu.memory_space<vmem>>, vector<1x16xf32>,
        %get3A_245 = vector.shape_cast %get3A_244 : vector<1x16xf32> to vector<16xf32>
        %add3A_246 = arith.addf %get3A_241, %get3A_245 : vector<16xf32>
        %max3A_247 = arith.constant 0.000000e+00 : f32
        %max3A_248 = vector.broadcast %max3A_247 : f32 to vector<16xf32>
        %max3A_249 = arith.maximumf %add3A_246, %max3A_248 : vector<16xf32>
        %swap3A_250 = arith.index_cast %scan3A_188 : i32 to index
        %swap3A_251 = arith.constant 48 : index
        %swap3A_252 = tpu.vector_load %arg10[%swap3A_250, %swap3A_251] {strides = array<i32>} : memref<80x128xf32, #tpu.memory_space<vmem>>, vector<1x16xf32>,
        %swap3A_253 = vector.shape_cast %swap3A_252 : vector<1x16xf32> to vector<16xf32>
        %swap3A_254 = vector.shape_cast %max3A_249 : vector<16xf32> to vector<1x16xf32>
        tpu.vector_store %arg10[%swap3A_250, %swap3A_251], %swap3A_254 {strides = array<i32>} : memref<80x128xf32, #tpu.memory_space<vmem>>, vector<1x16xf32>,
        %get3A_255 = arith.index_cast %scan3A_188 : i32 to index
        %get3A_256 = arith.constant 64 : index
        %get3A_257 = tpu.vector_load %arg10[%get3A_255, %get3A_256] {strides = array<i32>} : memref<80x128xf32, #tpu.memory_space<vmem>>, vector<1x16xf32>,
        %get3A_258 = vector.shape_cast %get3A_257 : vector<1x16xf32> to vector<16xf32>
        %get3A_259 = arith.index_cast %scan3A_188 : i32 to index
        %get3A_260 = arith.constant 64 : index
        %get3A_261 = tpu.vector_load %arg11[%get3A_259, %get3A_260] {strides = array<i32>} : memref<80x128xf32, #tpu.memory_space<vmem>>, vector<1x16xf32>,
        %get3A_262 = vector.shape_cast %get3A_261 : vector<1x16xf32> to vector<16xf32>
        %add3A_263 = arith.addf %get3A_258, %get3A_262 : vector<16xf32>
        %max3A_264 = arith.constant 0.000000e+00 : f32
        %max3A_265 = vector.broadcast %max3A_264 : f32 to vector<16xf32>
        %max3A_266 = arith.maximumf %add3A_263, %max3A_265 : vector<16xf32>
        %swap3A_267 = arith.index_cast %scan3A_188 : i32 to index
        %swap3A_268 = arith.constant 64 : index
        %swap3A_269 = tpu.vector_load %arg10[%swap3A_267, %swap3A_268] {strides = array<i32>} : memref<80x128xf32, #tpu.memory_space<vmem>>, vector<1x16xf32>,
        %swap3A_270 = vector.shape_cast %swap3A_269 : vector<1x16xf32> to vector<16xf32>
        %swap3A_271 = vector.shape_cast %max3A_266 : vector<16xf32> to vector<1x16xf32>
        tpu.vector_store %arg10[%swap3A_267, %swap3A_268], %swap3A_271 {strides = array<i32>} : memref<80x128xf32, #tpu.memory_space<vmem>>, vector<1x16xf32>,
        %get3A_272 = arith.index_cast %scan3A_188 : i32 to index
        %get3A_273 = arith.constant 80 : index
        %get3A_274 = tpu.vector_load %arg10[%get3A_272, %get3A_273] {strides = array<i32>} : memref<80x128xf32, #tpu.memory_space<vmem>>, vector<1x16xf32>,
        %get3A_275 = vector.shape_cast %get3A_274 : vector<1x16xf32> to vector<16xf32>
        %get3A_276 = arith.index_cast %scan3A_188 : i32 to index
        %get3A_277 = arith.constant 80 : index
        %get3A_278 = tpu.vector_load %arg11[%get3A_276, %get3A_277] {strides = array<i32>} : memref<80x128xf32, #tpu.memory_space<vmem>>, vector<1x16xf32>,
        %get3A_279 = vector.shape_cast %get3A_278 : vector<1x16xf32> to vector<16xf32>
        %add3A_280 = arith.addf %get3A_275, %get3A_279 : vector<16xf32>
        %max3A_281 = arith.constant 0.000000e+00 : f32
        %max3A_282 = vector.broadcast %max3A_281 : f32 to vector<16xf32>
        %max3A_283 = arith.maximumf %add3A_280, %max3A_282 : vector<16xf32>
        %swap3A_284 = arith.index_cast %scan3A_188 : i32 to index
        %swap3A_285 = arith.constant 80 : index
        %swap3A_286 = tpu.vector_load %arg10[%swap3A_284, %swap3A_285] {strides = array<i32>} : memref<80x128xf32, #tpu.memory_space<vmem>>, vector<1x16xf32>,
        %swap3A_287 = vector.shape_cast %swap3A_286 : vector<1x16xf32> to vector<16xf32>
        %swap3A_288 = vector.shape_cast %max3A_283 : vector<16xf32> to vector<1x16xf32>
        tpu.vector_store %arg10[%swap3A_284, %swap3A_285], %swap3A_288 {strides = array<i32>} : memref<80x128xf32, #tpu.memory_space<vmem>>, vector<1x16xf32>,
        %get3A_289 = arith.index_cast %scan3A_188 : i32 to index
        %get3A_290 = arith.constant 96 : index
        %get3A_291 = tpu.vector_load %arg10[%get3A_289, %get3A_290] {strides = array<i32>} : memref<80x128xf32, #tpu.memory_space<vmem>>, vector<1x16xf32>,
        %get3A_292 = vector.shape_cast %get3A_291 : vector<1x16xf32> to vector<16xf32>
        %get3A_293 = arith.index_cast %scan3A_188 : i32 to index
        %get3A_294 = arith.constant 96 : index
        %get3A_295 = tpu.vector_load %arg11[%get3A_293, %get3A_294] {strides = array<i32>} : memref<80x128xf32, #tpu.memory_space<vmem>>, vector<1x16xf32>,
        %get3A_296 = vector.shape_cast %get3A_295 : vector<1x16xf32> to vector<16xf32>
        %add3A_297 = arith.addf %get3A_292, %get3A_296 : vector<16xf32>
        %max3A_298 = arith.constant 0.000000e+00 : f32
        %max3A_299 = vector.broadcast %max3A_298 : f32 to vector<16xf32>
        %max3A_300 = arith.maximumf %add3A_297, %max3A_299 : vector<16xf32>
        %swap3A_301 = arith.index_cast %scan3A_188 : i32 to index
        %swap3A_302 = arith.constant 96 : index
        %swap3A_303 = tpu.vector_load %arg10[%swap3A_301, %swap3A_302] {strides = array<i32>} : memref<80x128xf32, #tpu.memory_space<vmem>>, vector<1x16xf32>,
        %swap3A_304 = vector.shape_cast %swap3A_303 : vector<1x16xf32> to vector<16xf32>
        %swap3A_305 = vector.shape_cast %max3A_300 : vector<16xf32> to vector<1x16xf32>
        tpu.vector_store %arg10[%swap3A_301, %swap3A_302], %swap3A_305 {strides = array<i32>} : memref<80x128xf32, #tpu.memory_space<vmem>>, vector<1x16xf32>,
        %get3A_306 = arith.index_cast %scan3A_188 : i32 to index
        %get3A_307 = arith.constant 112 : index
        %get3A_308 = tpu.vector_load %arg10[%get3A_306, %get3A_307] {strides = array<i32>} : memref<80x128xf32, #tpu.memory_space<vmem>>, vector<1x16xf32>,
        %get3A_309 = vector.shape_cast %get3A_308 : vector<1x16xf32> to vector<16xf32>
        %get3A_310 = arith.index_cast %scan3A_188 : i32 to index
        %get3A_311 = arith.constant 112 : index
        %get3A_312 = tpu.vector_load %arg11[%get3A_310, %get3A_311] {strides = array<i32>} : memref<80x128xf32, #tpu.memory_space<vmem>>, vector<1x16xf32>,
        %get3A_313 = vector.shape_cast %get3A_312 : vector<1x16xf32> to vector<16xf32>
        %add3A_314 = arith.addf %get3A_309, %get3A_313 : vector<16xf32>
        %max3A_315 = arith.constant 0.000000e+00 : f32
        %max3A_316 = vector.broadcast %max3A_315 : f32 to vector<16xf32>
        %max3A_317 = arith.maximumf %add3A_314, %max3A_316 : vector<16xf32>
        %swap3A_318 = arith.index_cast %scan3A_188 : i32 to index
        %swap3A_319 = arith.constant 112 : index
        %swap3A_320 = tpu.vector_load %arg10[%swap3A_318, %swap3A_319] {strides = array<i32>} : memref<80x128xf32, #tpu.memory_space<vmem>>, vector<1x16xf32>,
        %swap3A_321 = vector.shape_cast %swap3A_320 : vector<1x16xf32> to vector<16xf32>
        %swap3A_322 = vector.shape_cast %max3A_317 : vector<16xf32> to vector<1x16xf32>
        tpu.vector_store %arg10[%swap3A_318, %swap3A_319], %swap3A_322 {strides = array<i32>} : memref<80x128xf32, #tpu.memory_space<vmem>>, vector<1x16xf32>,
        %scan3A_323 = arith.constant 0 : i32
        scf.yield %scan3A_323 : i32
      }
      %scan3A_178 = arith.constant 80 : i32
      %run_scoped3A_179 = arith.constant 1 : i32
      "tpu.region"() ({
        %run_scoped3A_188 = tpu.sem_alloc : memref<!tpu.dma_semaphore, #tpu.memory_space<semaphore_mem>>
        %dma_start3A_189 = arith.constant 0 : i32
        %dma_start3A_190 = tpu.memref_slice %arg9[%run_scoped3A_179, %dma_start3A_189] : memref<3x80xi32, #tpu.memory_space<vmem>> -> memref<1x80xi32, #tpu.memory_space<vmem>>
        %dma_start3A_191 = tpu.memref_squeeze %dma_start3A_190 : memref<1x80xi32, #tpu.memory_space<vmem>> -> memref<80xi32, #tpu.memory_space<vmem>>
        %dma_start3A_192 = arith.constant 0 : i32
        %dma_start3A_193 = arith.constant 0 : i32
        %dma_start3A_194 = tpu.memref_slice %arg16[%dma_start3A_192, %dma_start3A_193] : memref<10112x128xf32, #tpu.memory_space<vmem_shared>> -> memref<10112x128xf32, #tpu.memory_space<vmem_shared>>
        tpu.enqueue_indirect_dma source(%arg10 : memref<80x128xf32, #tpu.memory_space<vmem>>) target(%dma_start3A_194 : memref<10112x128xf32, #tpu.memory_space<vmem_shared>>) offsets(%dma_start3A_191 : memref<80xi32, #tpu.memory_space<vmem>>) semaphore(%run_scoped3A_188 : memref<!tpu.dma_semaphore, #tpu.memory_space<semaphore_mem>>) {add = true}
        %dma_wait3A_195 = arith.constant 0 : i32
        %dma_wait3A_196 = tpu.memref_slice %arg9[%run_scoped3A_179, %dma_wait3A_195] : memref<3x80xi32, #tpu.memory_space<vmem>> -> memref<1x80xi32, #tpu.memory_space<vmem>>
        %dma_wait3A_197 = tpu.memref_squeeze %dma_wait3A_196 : memref<1x80xi32, #tpu.memory_space<vmem>> -> memref<80xi32, #tpu.memory_space<vmem>>
        %dma_wait3A_198 = arith.constant 0 : i32
        %dma_wait3A_199 = arith.constant 0 : i32
        %dma_wait3A_200 = tpu.memref_slice %arg16[%dma_wait3A_198, %dma_wait3A_199] : memref<10112x128xf32, #tpu.memory_space<vmem_shared>> -> memref<10112x128xf32, #tpu.memory_space<vmem_shared>>
        tpu.wait_indirect_dma semaphore(%run_scoped3A_188 : memref<!tpu.dma_semaphore, #tpu.memory_space<semaphore_mem>>) src(%arg10 : memref<80x128xf32, #tpu.memory_space<vmem>>) dst(%dma_wait3A_200 : memref<10112x128xf32, #tpu.memory_space<vmem_shared>>)
        tpu.yield
      }) : () -> ()
      %add3A_180 = arith.constant 2 : i32
      %add3A_181 = arith.addi %add3A_157, %add3A_180 : i32
      %lt3A_182 = arith.constant 125 : i32
      %lt3A_183 = arith.cmpi slt, %add3A_181, %lt3A_182 : i32
      %convert_element_type3A_184 = arith.extui %lt3A_183 : i1 to i32
      %cond3A_185 = arith.constant 0 : i32
      %cond3A_186 = arith.cmpi ne, %convert_element_type3A_184, %cond3A_185 : i32
      scf.if %cond3A_186 {
        %add3A_188 = arith.addi %mul3A_27, %add3A_157 : i32
        %add3A_189 = arith.constant 2 : i32
        %add3A_190 = arith.addi %add3A_188, %add3A_189 : i32
        "tpu.region"() ({
          %run_scoped3A_205 = tpu.sem_alloc : memref<!tpu.dma_semaphore, #tpu.memory_space<semaphore_mem>>
          %dma_start3A_206 = arith.constant 0 : i32
          %dma_start3A_207 = arith.constant 0 : i32
          %dma_start3A_208 = tpu.memref_slice %arg4[%add3A_190, %dma_start3A_206, %dma_start3A_207] : memref<4000x3x80xi32, #tpu.memory_space<hbm>> -> memref<1x3x80xi32, #tpu.memory_space<hbm>>
          %dma_start3A_209 = tpu.memref_squeeze %dma_start3A_208 : memref<1x3x80xi32, #tpu.memory_space<hbm>> -> memref<3x80xi32, #tpu.memory_space<hbm>>
          %dma_start3A_210 = arith.constant 0 : i32
          %dma_start3A_211 = arith.constant 0 : i32
          %dma_start3A_212 = tpu.memref_slice %arg4[%add3A_190, %dma_start3A_210, %dma_start3A_211] : memref<4000x3x80xi32, #tpu.memory_space<hbm>> -> memref<1x3x80xi32, #tpu.memory_space<hbm>>
          %dma_start3A_213 = tpu.memref_squeeze %dma_start3A_212 : memref<1x3x80xi32, #tpu.memory_space<hbm>> -> memref<3x80xi32, #tpu.memory_space<hbm>>
          tpu.enqueue_dma source(%dma_start3A_213 : memref<3x80xi32, #tpu.memory_space<hbm>>) target(%arg9 : memref<3x80xi32, #tpu.memory_space<vmem>>) target_semaphore(%run_scoped3A_205 : memref<!tpu.dma_semaphore, #tpu.memory_space<semaphore_mem>>)
          %dma_wait3A_214 = arith.constant 0 : i32
          %dma_wait3A_215 = arith.constant 0 : i32
          %dma_wait3A_216 = tpu.memref_slice %arg4[%add3A_190, %dma_wait3A_214, %dma_wait3A_215] : memref<4000x3x80xi32, #tpu.memory_space<hbm>> -> memref<1x3x80xi32, #tpu.memory_space<hbm>>
          %dma_wait3A_217 = tpu.memref_squeeze %dma_wait3A_216 : memref<1x3x80xi32, #tpu.memory_space<hbm>> -> memref<3x80xi32, #tpu.memory_space<hbm>>
          %dma_wait3A_218 = arith.constant 0 : i32
          %dma_wait3A_219 = arith.constant 0 : i32
          %dma_wait3A_220 = tpu.memref_slice %arg4[%add3A_190, %dma_wait3A_218, %dma_wait3A_219] : memref<4000x3x80xi32, #tpu.memory_space<hbm>> -> memref<1x3x80xi32, #tpu.memory_space<hbm>>
          %dma_wait3A_221 = tpu.memref_squeeze %dma_wait3A_220 : memref<1x3x80xi32, #tpu.memory_space<hbm>> -> memref<3x80xi32, #tpu.memory_space<hbm>>
          tpu.wait_dma2 semaphore(%run_scoped3A_205 : memref<!tpu.dma_semaphore, #tpu.memory_space<semaphore_mem>>) src(%dma_wait3A_221 : memref<3x80xi32, #tpu.memory_space<hbm>>) dst(%arg9 : memref<3x80xi32, #tpu.memory_space<vmem>>)
          tpu.yield
        }) : () -> ()
        %dma_start3A_191 = arith.constant 0 : i32
        %dma_start3A_192 = arith.constant 0 : i32
        %dma_start3A_193 = tpu.memref_slice %arg9[%dma_start3A_191, %dma_start3A_192] : memref<3x80xi32, #tpu.memory_space<vmem>> -> memref<1x80xi32, #tpu.memory_space<vmem>>
        %dma_start3A_194 = tpu.memref_squeeze %dma_start3A_193 : memref<1x80xi32, #tpu.memory_space<vmem>> -> memref<80xi32, #tpu.memory_space<vmem>>
        %dma_start3A_195 = arith.constant 0 : i32
        %dma_start3A_196 = arith.constant 0 : i32
        %dma_start3A_197 = tpu.memref_slice %arg2[%dma_start3A_195, %dma_start3A_196] : memref<10112x128xf32, #tpu.memory_space<hbm>> -> memref<10112x128xf32, #tpu.memory_space<hbm>>
        tpu.enqueue_indirect_dma source(%dma_start3A_197 : memref<10112x128xf32, #tpu.memory_space<hbm>>) target(%arg10 : memref<80x128xf32, #tpu.memory_space<vmem>>) offsets(%dma_start3A_194 : memref<80xi32, #tpu.memory_space<vmem>>) semaphore(%arg14 : memref<!tpu.dma_semaphore, #tpu.memory_space<semaphore_mem>>)
        %dma_start3A_198 = arith.constant 2 : i32
        %dma_start3A_199 = arith.constant 0 : i32
        %dma_start3A_200 = tpu.memref_slice %arg9[%dma_start3A_198, %dma_start3A_199] : memref<3x80xi32, #tpu.memory_space<vmem>> -> memref<1x80xi32, #tpu.memory_space<vmem>>
        %dma_start3A_201 = tpu.memref_squeeze %dma_start3A_200 : memref<1x80xi32, #tpu.memory_space<vmem>> -> memref<80xi32, #tpu.memory_space<vmem>>
        %dma_start3A_202 = arith.constant 0 : i32
        %dma_start3A_203 = arith.constant 0 : i32
        %dma_start3A_204 = tpu.memref_slice %arg3[%dma_start3A_202, %dma_start3A_203] : memref<4096x128xf32, #tpu.memory_space<hbm>> -> memref<4096x128xf32, #tpu.memory_space<hbm>>
        tpu.enqueue_indirect_dma source(%dma_start3A_204 : memref<4096x128xf32, #tpu.memory_space<hbm>>) target(%arg11 : memref<80x128xf32, #tpu.memory_space<vmem>>) offsets(%dma_start3A_201 : memref<80xi32, #tpu.memory_space<vmem>>) semaphore(%arg15 : memref<!tpu.dma_semaphore, #tpu.memory_space<semaphore_mem>>)
      } else {
      }
      %scan3A_187 = arith.constant 0 : i32
      scf.yield %scan3A_187 : i32
    }
    %scan3A_65 = arith.constant 62 : i32
    %dma_wait3A = arith.constant 0 : i32
    %dma_wait3A_66 = arith.constant 0 : i32
    %dma_wait3A_67 = tpu.memref_slice %arg6[%dma_wait3A, %dma_wait3A_66] : memref<3x80xi32, #tpu.memory_space<vmem>> -> memref<1x80xi32, #tpu.memory_space<vmem>>
    %dma_wait3A_68 = tpu.memref_squeeze %dma_wait3A_67 : memref<1x80xi32, #tpu.memory_space<vmem>> -> memref<80xi32, #tpu.memory_space<vmem>>
    %dma_wait3A_69 = arith.constant 0 : i32
    %dma_wait3A_70 = arith.constant 0 : i32
    %dma_wait3A_71 = tpu.memref_slice %arg2[%dma_wait3A_69, %dma_wait3A_70] : memref<10112x128xf32, #tpu.memory_space<hbm>> -> memref<10112x128xf32, #tpu.memory_space<hbm>>
    tpu.wait_indirect_dma semaphore(%arg12 : memref<!tpu.dma_semaphore, #tpu.memory_space<semaphore_mem>>) src(%dma_wait3A_71 : memref<10112x128xf32, #tpu.memory_space<hbm>>) dst(%arg7 : memref<80x128xf32, #tpu.memory_space<vmem>>)
    %dma_wait3A_72 = arith.constant 2 : i32
    %dma_wait3A_73 = arith.constant 0 : i32
    %dma_wait3A_74 = tpu.memref_slice %arg6[%dma_wait3A_72, %dma_wait3A_73] : memref<3x80xi32, #tpu.memory_space<vmem>> -> memref<1x80xi32, #tpu.memory_space<vmem>>
    %dma_wait3A_75 = tpu.memref_squeeze %dma_wait3A_74 : memref<1x80xi32, #tpu.memory_space<vmem>> -> memref<80xi32, #tpu.memory_space<vmem>>
    %dma_wait3A_76 = arith.constant 0 : i32
    %dma_wait3A_77 = arith.constant 0 : i32
    %dma_wait3A_78 = tpu.memref_slice %arg3[%dma_wait3A_76, %dma_wait3A_77] : memref<4096x128xf32, #tpu.memory_space<hbm>> -> memref<4096x128xf32, #tpu.memory_space<hbm>>
    tpu.wait_indirect_dma semaphore(%arg13 : memref<!tpu.dma_semaphore, #tpu.memory_space<semaphore_mem>>) src(%dma_wait3A_78 : memref<4096x128xf32, #tpu.memory_space<hbm>>) dst(%arg8 : memref<80x128xf32, #tpu.memory_space<vmem>>)
    %scan3A_79 = arith.constant 0 : i32
    %scan3A_80 = arith.constant 0 : i32
    %scan3A_81 = arith.constant 80 : i32
    %scan3A_82 = arith.addi %scan3A_80, %scan3A_81 : i32
    %scan3A_83 = arith.constant 1 : i32
    %scan3A_84 = scf.for %scan3A_122 = %scan3A_80 to %scan3A_82 step %scan3A_83 iter_args(%scan3A_123 = %scan3A_79) -> (i32)  : i32 {
      %get3A = arith.index_cast %scan3A_122 : i32 to index
      %get3A_124 = arith.constant 0 : index
      %get3A_125 = tpu.vector_load %arg7[%get3A, %get3A_124] {strides = array<i32>} : memref<80x128xf32, #tpu.memory_space<vmem>>, vector<1x16xf32>,
      %get3A_126 = vector.shape_cast %get3A_125 : vector<1x16xf32> to vector<16xf32>
      %get3A_127 = arith.index_cast %scan3A_122 : i32 to index
      %get3A_128 = arith.constant 0 : index
      %get3A_129 = tpu.vector_load %arg8[%get3A_127, %get3A_128] {strides = array<i32>} : memref<80x128xf32, #tpu.memory_space<vmem>>, vector<1x16xf32>,
      %get3A_130 = vector.shape_cast %get3A_129 : vector<1x16xf32> to vector<16xf32>
      %add3A_131 = arith.addf %get3A_126, %get3A_130 : vector<16xf32>
      %max3A = arith.constant 0.000000e+00 : f32
      %max3A_132 = vector.broadcast %max3A : f32 to vector<16xf32>
      %max3A_133 = arith.maximumf %add3A_131, %max3A_132 : vector<16xf32>
      %swap3A = arith.index_cast %scan3A_122 : i32 to index
      %swap3A_134 = arith.constant 0 : index
      %swap3A_135 = tpu.vector_load %arg7[%swap3A, %swap3A_134] {strides = array<i32>} : memref<80x128xf32, #tpu.memory_space<vmem>>, vector<1x16xf32>,
      %swap3A_136 = vector.shape_cast %swap3A_135 : vector<1x16xf32> to vector<16xf32>
      %swap3A_137 = vector.shape_cast %max3A_133 : vector<16xf32> to vector<1x16xf32>
      tpu.vector_store %arg7[%swap3A, %swap3A_134], %swap3A_137 {strides = array<i32>} : memref<80x128xf32, #tpu.memory_space<vmem>>, vector<1x16xf32>,
      %get3A_138 = arith.index_cast %scan3A_122 : i32 to index
      %get3A_139 = arith.constant 16 : index
      %get3A_140 = tpu.vector_load %arg7[%get3A_138, %get3A_139] {strides = array<i32>} : memref<80x128xf32, #tpu.memory_space<vmem>>, vector<1x16xf32>,
      %get3A_141 = vector.shape_cast %get3A_140 : vector<1x16xf32> to vector<16xf32>
      %get3A_142 = arith.index_cast %scan3A_122 : i32 to index
      %get3A_143 = arith.constant 16 : index
      %get3A_144 = tpu.vector_load %arg8[%get3A_142, %get3A_143] {strides = array<i32>} : memref<80x128xf32, #tpu.memory_space<vmem>>, vector<1x16xf32>,
      %get3A_145 = vector.shape_cast %get3A_144 : vector<1x16xf32> to vector<16xf32>
      %add3A_146 = arith.addf %get3A_141, %get3A_145 : vector<16xf32>
      %max3A_147 = arith.constant 0.000000e+00 : f32
      %max3A_148 = vector.broadcast %max3A_147 : f32 to vector<16xf32>
      %max3A_149 = arith.maximumf %add3A_146, %max3A_148 : vector<16xf32>
      %swap3A_150 = arith.index_cast %scan3A_122 : i32 to index
      %swap3A_151 = arith.constant 16 : index
      %swap3A_152 = tpu.vector_load %arg7[%swap3A_150, %swap3A_151] {strides = array<i32>} : memref<80x128xf32, #tpu.memory_space<vmem>>, vector<1x16xf32>,
      %swap3A_153 = vector.shape_cast %swap3A_152 : vector<1x16xf32> to vector<16xf32>
      %swap3A_154 = vector.shape_cast %max3A_149 : vector<16xf32> to vector<1x16xf32>
      tpu.vector_store %arg7[%swap3A_150, %swap3A_151], %swap3A_154 {strides = array<i32>} : memref<80x128xf32, #tpu.memory_space<vmem>>, vector<1x16xf32>,
      %get3A_155 = arith.index_cast %scan3A_122 : i32 to index
      %get3A_156 = arith.constant 32 : index
      %get3A_157 = tpu.vector_load %arg7[%get3A_155, %get3A_156] {strides = array<i32>} : memref<80x128xf32, #tpu.memory_space<vmem>>, vector<1x16xf32>,
      %get3A_158 = vector.shape_cast %get3A_157 : vector<1x16xf32> to vector<16xf32>
      %get3A_159 = arith.index_cast %scan3A_122 : i32 to index
      %get3A_160 = arith.constant 32 : index
      %get3A_161 = tpu.vector_load %arg8[%get3A_159, %get3A_160] {strides = array<i32>} : memref<80x128xf32, #tpu.memory_space<vmem>>, vector<1x16xf32>,
      %get3A_162 = vector.shape_cast %get3A_161 : vector<1x16xf32> to vector<16xf32>
      %add3A_163 = arith.addf %get3A_158, %get3A_162 : vector<16xf32>
      %max3A_164 = arith.constant 0.000000e+00 : f32
      %max3A_165 = vector.broadcast %max3A_164 : f32 to vector<16xf32>
      %max3A_166 = arith.maximumf %add3A_163, %max3A_165 : vector<16xf32>
      %swap3A_167 = arith.index_cast %scan3A_122 : i32 to index
      %swap3A_168 = arith.constant 32 : index
      %swap3A_169 = tpu.vector_load %arg7[%swap3A_167, %swap3A_168] {strides = array<i32>} : memref<80x128xf32, #tpu.memory_space<vmem>>, vector<1x16xf32>,
      %swap3A_170 = vector.shape_cast %swap3A_169 : vector<1x16xf32> to vector<16xf32>
      %swap3A_171 = vector.shape_cast %max3A_166 : vector<16xf32> to vector<1x16xf32>
      tpu.vector_store %arg7[%swap3A_167, %swap3A_168], %swap3A_171 {strides = array<i32>} : memref<80x128xf32, #tpu.memory_space<vmem>>, vector<1x16xf32>,
      %get3A_172 = arith.index_cast %scan3A_122 : i32 to index
      %get3A_173 = arith.constant 48 : index
      %get3A_174 = tpu.vector_load %arg7[%get3A_172, %get3A_173] {strides = array<i32>} : memref<80x128xf32, #tpu.memory_space<vmem>>, vector<1x16xf32>,
      %get3A_175 = vector.shape_cast %get3A_174 : vector<1x16xf32> to vector<16xf32>
      %get3A_176 = arith.index_cast %scan3A_122 : i32 to index
      %get3A_177 = arith.constant 48 : index
      %get3A_178 = tpu.vector_load %arg8[%get3A_176, %get3A_177] {strides = array<i32>} : memref<80x128xf32, #tpu.memory_space<vmem>>, vector<1x16xf32>,
      %get3A_179 = vector.shape_cast %get3A_178 : vector<1x16xf32> to vector<16xf32>
      %add3A_180 = arith.addf %get3A_175, %get3A_179 : vector<16xf32>
      %max3A_181 = arith.constant 0.000000e+00 : f32
      %max3A_182 = vector.broadcast %max3A_181 : f32 to vector<16xf32>
      %max3A_183 = arith.maximumf %add3A_180, %max3A_182 : vector<16xf32>
      %swap3A_184 = arith.index_cast %scan3A_122 : i32 to index
      %swap3A_185 = arith.constant 48 : index
      %swap3A_186 = tpu.vector_load %arg7[%swap3A_184, %swap3A_185] {strides = array<i32>} : memref<80x128xf32, #tpu.memory_space<vmem>>, vector<1x16xf32>,
      %swap3A_187 = vector.shape_cast %swap3A_186 : vector<1x16xf32> to vector<16xf32>
      %swap3A_188 = vector.shape_cast %max3A_183 : vector<16xf32> to vector<1x16xf32>
      tpu.vector_store %arg7[%swap3A_184, %swap3A_185], %swap3A_188 {strides = array<i32>} : memref<80x128xf32, #tpu.memory_space<vmem>>, vector<1x16xf32>,
      %get3A_189 = arith.index_cast %scan3A_122 : i32 to index
      %get3A_190 = arith.constant 64 : index
      %get3A_191 = tpu.vector_load %arg7[%get3A_189, %get3A_190] {strides = array<i32>} : memref<80x128xf32, #tpu.memory_space<vmem>>, vector<1x16xf32>,
      %get3A_192 = vector.shape_cast %get3A_191 : vector<1x16xf32> to vector<16xf32>
      %get3A_193 = arith.index_cast %scan3A_122 : i32 to index
      %get3A_194 = arith.constant 64 : index
      %get3A_195 = tpu.vector_load %arg8[%get3A_193, %get3A_194] {strides = array<i32>} : memref<80x128xf32, #tpu.memory_space<vmem>>, vector<1x16xf32>,
      %get3A_196 = vector.shape_cast %get3A_195 : vector<1x16xf32> to vector<16xf32>
      %add3A_197 = arith.addf %get3A_192, %get3A_196 : vector<16xf32>
      %max3A_198 = arith.constant 0.000000e+00 : f32
      %max3A_199 = vector.broadcast %max3A_198 : f32 to vector<16xf32>
      %max3A_200 = arith.maximumf %add3A_197, %max3A_199 : vector<16xf32>
      %swap3A_201 = arith.index_cast %scan3A_122 : i32 to index
      %swap3A_202 = arith.constant 64 : index
      %swap3A_203 = tpu.vector_load %arg7[%swap3A_201, %swap3A_202] {strides = array<i32>} : memref<80x128xf32, #tpu.memory_space<vmem>>, vector<1x16xf32>,
      %swap3A_204 = vector.shape_cast %swap3A_203 : vector<1x16xf32> to vector<16xf32>
      %swap3A_205 = vector.shape_cast %max3A_200 : vector<16xf32> to vector<1x16xf32>
      tpu.vector_store %arg7[%swap3A_201, %swap3A_202], %swap3A_205 {strides = array<i32>} : memref<80x128xf32, #tpu.memory_space<vmem>>, vector<1x16xf32>,
      %get3A_206 = arith.index_cast %scan3A_122 : i32 to index
      %get3A_207 = arith.constant 80 : index
      %get3A_208 = tpu.vector_load %arg7[%get3A_206, %get3A_207] {strides = array<i32>} : memref<80x128xf32, #tpu.memory_space<vmem>>, vector<1x16xf32>,
      %get3A_209 = vector.shape_cast %get3A_208 : vector<1x16xf32> to vector<16xf32>
      %get3A_210 = arith.index_cast %scan3A_122 : i32 to index
      %get3A_211 = arith.constant 80 : index
      %get3A_212 = tpu.vector_load %arg8[%get3A_210, %get3A_211] {strides = array<i32>} : memref<80x128xf32, #tpu.memory_space<vmem>>, vector<1x16xf32>,
      %get3A_213 = vector.shape_cast %get3A_212 : vector<1x16xf32> to vector<16xf32>
      %add3A_214 = arith.addf %get3A_209, %get3A_213 : vector<16xf32>
      %max3A_215 = arith.constant 0.000000e+00 : f32
      %max3A_216 = vector.broadcast %max3A_215 : f32 to vector<16xf32>
      %max3A_217 = arith.maximumf %add3A_214, %max3A_216 : vector<16xf32>
      %swap3A_218 = arith.index_cast %scan3A_122 : i32 to index
      %swap3A_219 = arith.constant 80 : index
      %swap3A_220 = tpu.vector_load %arg7[%swap3A_218, %swap3A_219] {strides = array<i32>} : memref<80x128xf32, #tpu.memory_space<vmem>>, vector<1x16xf32>,
      %swap3A_221 = vector.shape_cast %swap3A_220 : vector<1x16xf32> to vector<16xf32>
      %swap3A_222 = vector.shape_cast %max3A_217 : vector<16xf32> to vector<1x16xf32>
      tpu.vector_store %arg7[%swap3A_218, %swap3A_219], %swap3A_222 {strides = array<i32>} : memref<80x128xf32, #tpu.memory_space<vmem>>, vector<1x16xf32>,
      %get3A_223 = arith.index_cast %scan3A_122 : i32 to index
      %get3A_224 = arith.constant 96 : index
      %get3A_225 = tpu.vector_load %arg7[%get3A_223, %get3A_224] {strides = array<i32>} : memref<80x128xf32, #tpu.memory_space<vmem>>, vector<1x16xf32>,
      %get3A_226 = vector.shape_cast %get3A_225 : vector<1x16xf32> to vector<16xf32>
      %get3A_227 = arith.index_cast %scan3A_122 : i32 to index
      %get3A_228 = arith.constant 96 : index
      %get3A_229 = tpu.vector_load %arg8[%get3A_227, %get3A_228] {strides = array<i32>} : memref<80x128xf32, #tpu.memory_space<vmem>>, vector<1x16xf32>,
      %get3A_230 = vector.shape_cast %get3A_229 : vector<1x16xf32> to vector<16xf32>
      %add3A_231 = arith.addf %get3A_226, %get3A_230 : vector<16xf32>
      %max3A_232 = arith.constant 0.000000e+00 : f32
      %max3A_233 = vector.broadcast %max3A_232 : f32 to vector<16xf32>
      %max3A_234 = arith.maximumf %add3A_231, %max3A_233 : vector<16xf32>
      %swap3A_235 = arith.index_cast %scan3A_122 : i32 to index
      %swap3A_236 = arith.constant 96 : index
      %swap3A_237 = tpu.vector_load %arg7[%swap3A_235, %swap3A_236] {strides = array<i32>} : memref<80x128xf32, #tpu.memory_space<vmem>>, vector<1x16xf32>,
      %swap3A_238 = vector.shape_cast %swap3A_237 : vector<1x16xf32> to vector<16xf32>
      %swap3A_239 = vector.shape_cast %max3A_234 : vector<16xf32> to vector<1x16xf32>
      tpu.vector_store %arg7[%swap3A_235, %swap3A_236], %swap3A_239 {strides = array<i32>} : memref<80x128xf32, #tpu.memory_space<vmem>>, vector<1x16xf32>,
      %get3A_240 = arith.index_cast %scan3A_122 : i32 to index
      %get3A_241 = arith.constant 112 : index
      %get3A_242 = tpu.vector_load %arg7[%get3A_240, %get3A_241] {strides = array<i32>} : memref<80x128xf32, #tpu.memory_space<vmem>>, vector<1x16xf32>,
      %get3A_243 = vector.shape_cast %get3A_242 : vector<1x16xf32> to vector<16xf32>
      %get3A_244 = arith.index_cast %scan3A_122 : i32 to index
      %get3A_245 = arith.constant 112 : index
      %get3A_246 = tpu.vector_load %arg8[%get3A_244, %get3A_245] {strides = array<i32>} : memref<80x128xf32, #tpu.memory_space<vmem>>, vector<1x16xf32>,
      %get3A_247 = vector.shape_cast %get3A_246 : vector<1x16xf32> to vector<16xf32>
      %add3A_248 = arith.addf %get3A_243, %get3A_247 : vector<16xf32>
      %max3A_249 = arith.constant 0.000000e+00 : f32
      %max3A_250 = vector.broadcast %max3A_249 : f32 to vector<16xf32>
      %max3A_251 = arith.maximumf %add3A_248, %max3A_250 : vector<16xf32>
      %swap3A_252 = arith.index_cast %scan3A_122 : i32 to index
      %swap3A_253 = arith.constant 112 : index
      %swap3A_254 = tpu.vector_load %arg7[%swap3A_252, %swap3A_253] {strides = array<i32>} : memref<80x128xf32, #tpu.memory_space<vmem>>, vector<1x16xf32>,
      %swap3A_255 = vector.shape_cast %swap3A_254 : vector<1x16xf32> to vector<16xf32>
      %swap3A_256 = vector.shape_cast %max3A_251 : vector<16xf32> to vector<1x16xf32>
      tpu.vector_store %arg7[%swap3A_252, %swap3A_253], %swap3A_256 {strides = array<i32>} : memref<80x128xf32, #tpu.memory_space<vmem>>, vector<1x16xf32>,
      %scan3A_257 = arith.constant 0 : i32
      scf.yield %scan3A_257 : i32
    }
    %scan3A_85 = arith.constant 80 : i32
    %run_scoped3A = arith.constant 1 : i32
    "tpu.region"() ({
      %run_scoped3A_122 = tpu.sem_alloc : memref<!tpu.dma_semaphore, #tpu.memory_space<semaphore_mem>>
      %dma_start3A_123 = arith.constant 0 : i32
      %dma_start3A_124 = tpu.memref_slice %arg6[%run_scoped3A, %dma_start3A_123] : memref<3x80xi32, #tpu.memory_space<vmem>> -> memref<1x80xi32, #tpu.memory_space<vmem>>
      %dma_start3A_125 = tpu.memref_squeeze %dma_start3A_124 : memref<1x80xi32, #tpu.memory_space<vmem>> -> memref<80xi32, #tpu.memory_space<vmem>>
      %dma_start3A_126 = arith.constant 0 : i32
      %dma_start3A_127 = arith.constant 0 : i32
      %dma_start3A_128 = tpu.memref_slice %arg16[%dma_start3A_126, %dma_start3A_127] : memref<10112x128xf32, #tpu.memory_space<vmem_shared>> -> memref<10112x128xf32, #tpu.memory_space<vmem_shared>>
      tpu.enqueue_indirect_dma source(%arg7 : memref<80x128xf32, #tpu.memory_space<vmem>>) target(%dma_start3A_128 : memref<10112x128xf32, #tpu.memory_space<vmem_shared>>) offsets(%dma_start3A_125 : memref<80xi32, #tpu.memory_space<vmem>>) semaphore(%run_scoped3A_122 : memref<!tpu.dma_semaphore, #tpu.memory_space<semaphore_mem>>) {add = true}
      %dma_wait3A_129 = arith.constant 0 : i32
      %dma_wait3A_130 = tpu.memref_slice %arg6[%run_scoped3A, %dma_wait3A_129] : memref<3x80xi32, #tpu.memory_space<vmem>> -> memref<1x80xi32, #tpu.memory_space<vmem>>
      %dma_wait3A_131 = tpu.memref_squeeze %dma_wait3A_130 : memref<1x80xi32, #tpu.memory_space<vmem>> -> memref<80xi32, #tpu.memory_space<vmem>>
      %dma_wait3A_132 = arith.constant 0 : i32
      %dma_wait3A_133 = arith.constant 0 : i32
      %dma_wait3A_134 = tpu.memref_slice %arg16[%dma_wait3A_132, %dma_wait3A_133] : memref<10112x128xf32, #tpu.memory_space<vmem_shared>> -> memref<10112x128xf32, #tpu.memory_space<vmem_shared>>
      tpu.wait_indirect_dma semaphore(%run_scoped3A_122 : memref<!tpu.dma_semaphore, #tpu.memory_space<semaphore_mem>>) src(%arg7 : memref<80x128xf32, #tpu.memory_space<vmem>>) dst(%dma_wait3A_134 : memref<10112x128xf32, #tpu.memory_space<vmem_shared>>)
      tpu.yield
    }) : () -> ()
    %barrier3A_86 = arith.constant 0 : index
    tpu.barrier barrier_id(%barrier3A_86)
    %mul3A_87 = arith.constant 10112 : i32
    %mul3A_88 = arith.muli %arg0, %mul3A_87 : i32
    %add3A_89 = arith.addi %mul3A_88, %mul3A_9 : i32
    %add3A_90 = arith.constant 0 : i32
    %add3A_91 = arith.addi %mul3A_9, %add3A_90 : i32
    "tpu.region"() ({
      %run_scoped3A_122 = tpu.sem_alloc : memref<!tpu.dma_semaphore, #tpu.memory_space<semaphore_mem>>
      %dma_start3A_123 = arith.constant 0 : i32
      %dma_start3A_124 = tpu.memref_slice %arg16[%add3A_91, %dma_start3A_123] : memref<10112x128xf32, #tpu.memory_space<vmem_shared>> -> memref<80x128xf32, #tpu.memory_space<vmem_shared>>
      %dma_start3A_125 = arith.constant 0 : i32
      %dma_start3A_126 = tpu.memref_slice %arg16[%add3A_91, %dma_start3A_125] : memref<10112x128xf32, #tpu.memory_space<vmem_shared>> -> memref<80x128xf32, #tpu.memory_space<vmem_shared>>
      tpu.enqueue_dma source(%dma_start3A_126 : memref<80x128xf32, #tpu.memory_space<vmem_shared>>) target(%arg7 : memref<80x128xf32, #tpu.memory_space<vmem>>) target_semaphore(%run_scoped3A_122 : memref<!tpu.dma_semaphore, #tpu.memory_space<semaphore_mem>>)
      %dma_wait3A_127 = arith.constant 0 : i32
      %dma_wait3A_128 = tpu.memref_slice %arg16[%add3A_91, %dma_wait3A_127] : memref<10112x128xf32, #tpu.memory_space<vmem_shared>> -> memref<80x128xf32, #tpu.memory_space<vmem_shared>>
      %dma_wait3A_129 = arith.constant 0 : i32
      %dma_wait3A_130 = tpu.memref_slice %arg16[%add3A_91, %dma_wait3A_129] : memref<10112x128xf32, #tpu.memory_space<vmem_shared>> -> memref<80x128xf32, #tpu.memory_space<vmem_shared>>
      tpu.wait_dma2 semaphore(%run_scoped3A_122 : memref<!tpu.dma_semaphore, #tpu.memory_space<semaphore_mem>>) src(%dma_wait3A_130 : memref<80x128xf32, #tpu.memory_space<vmem_shared>>) dst(%arg7 : memref<80x128xf32, #tpu.memory_space<vmem>>)
      tpu.yield
    }) : () -> ()
    %add3A_92 = arith.constant 0 : i32
    %add3A_93 = arith.addi %add3A_89, %add3A_92 : i32
    "tpu.region"() ({
      %run_scoped3A_122 = tpu.sem_alloc : memref<!tpu.dma_semaphore, #tpu.memory_space<semaphore_mem>>
      %dma_start3A_123 = arith.constant 0 : i32
      %dma_start3A_124 = tpu.memref_slice %arg5[%add3A_93, %dma_start3A_123] : memref<20224x128xf32, #tpu.memory_space<hbm>> -> memref<80x128xf32, #tpu.memory_space<hbm>>
      %dma_start3A_125 = arith.constant 0 : i32
      %dma_start3A_126 = tpu.memref_slice %arg5[%add3A_93, %dma_start3A_125] : memref<20224x128xf32, #tpu.memory_space<hbm>> -> memref<80x128xf32, #tpu.memory_space<hbm>>
      tpu.enqueue_dma source(%arg7 : memref<80x128xf32, #tpu.memory_space<vmem>>) target(%dma_start3A_126 : memref<80x128xf32, #tpu.memory_space<hbm>>) target_semaphore(%run_scoped3A_122 : memref<!tpu.dma_semaphore, #tpu.memory_space<semaphore_mem>>)
      %dma_wait3A_127 = arith.constant 0 : i32
      %dma_wait3A_128 = tpu.memref_slice %arg5[%add3A_93, %dma_wait3A_127] : memref<20224x128xf32, #tpu.memory_space<hbm>> -> memref<80x128xf32, #tpu.memory_space<hbm>>
      %dma_wait3A_129 = arith.constant 0 : i32
      %dma_wait3A_130 = tpu.memref_slice %arg5[%add3A_93, %dma_wait3A_129] : memref<20224x128xf32, #tpu.memory_space<hbm>> -> memref<80x128xf32, #tpu.memory_space<hbm>>
      tpu.wait_dma2 semaphore(%run_scoped3A_122 : memref<!tpu.dma_semaphore, #tpu.memory_space<semaphore_mem>>) src(%arg7 : memref<80x128xf32, #tpu.memory_space<vmem>>) dst(%dma_wait3A_130 : memref<80x128xf32, #tpu.memory_space<hbm>>)
      tpu.yield
    }) : () -> ()
    %add3A_94 = arith.constant 80 : i32
    %add3A_95 = arith.addi %mul3A_9, %add3A_94 : i32
    "tpu.region"() ({
      %run_scoped3A_122 = tpu.sem_alloc : memref<!tpu.dma_semaphore, #tpu.memory_space<semaphore_mem>>
      %dma_start3A_123 = arith.constant 0 : i32
      %dma_start3A_124 = tpu.memref_slice %arg16[%add3A_95, %dma_start3A_123] : memref<10112x128xf32, #tpu.memory_space<vmem_shared>> -> memref<80x128xf32, #tpu.memory_space<vmem_shared>>
      %dma_start3A_125 = arith.constant 0 : i32
      %dma_start3A_126 = tpu.memref_slice %arg16[%add3A_95, %dma_start3A_125] : memref<10112x128xf32, #tpu.memory_space<vmem_shared>> -> memref<80x128xf32, #tpu.memory_space<vmem_shared>>
      tpu.enqueue_dma source(%dma_start3A_126 : memref<80x128xf32, #tpu.memory_space<vmem_shared>>) target(%arg7 : memref<80x128xf32, #tpu.memory_space<vmem>>) target_semaphore(%run_scoped3A_122 : memref<!tpu.dma_semaphore, #tpu.memory_space<semaphore_mem>>)
      %dma_wait3A_127 = arith.constant 0 : i32
      %dma_wait3A_128 = tpu.memref_slice %arg16[%add3A_95, %dma_wait3A_127] : memref<10112x128xf32, #tpu.memory_space<vmem_shared>> -> memref<80x128xf32, #tpu.memory_space<vmem_shared>>
      %dma_wait3A_129 = arith.constant 0 : i32
      %dma_wait3A_130 = tpu.memref_slice %arg16[%add3A_95, %dma_wait3A_129] : memref<10112x128xf32, #tpu.memory_space<vmem_shared>> -> memref<80x128xf32, #tpu.memory_space<vmem_shared>>
      tpu.wait_dma2 semaphore(%run_scoped3A_122 : memref<!tpu.dma_semaphore, #tpu.memory_space<semaphore_mem>>) src(%dma_wait3A_130 : memref<80x128xf32, #tpu.memory_space<vmem_shared>>) dst(%arg7 : memref<80x128xf32, #tpu.memory_space<vmem>>)
      tpu.yield
    }) : () -> ()
    %add3A_96 = arith.constant 80 : i32
    %add3A_97 = arith.addi %add3A_89, %add3A_96 : i32
    "tpu.region"() ({
      %run_scoped3A_122 = tpu.sem_alloc : memref<!tpu.dma_semaphore, #tpu.memory_space<semaphore_mem>>
      %dma_start3A_123 = arith.constant 0 : i32
      %dma_start3A_124 = tpu.memref_slice %arg5[%add3A_97, %dma_start3A_123] : memref<20224x128xf32, #tpu.memory_space<hbm>> -> memref<80x128xf32, #tpu.memory_space<hbm>>
      %dma_start3A_125 = arith.constant 0 : i32
      %dma_start3A_126 = tpu.memref_slice %arg5[%add3A_97, %dma_start3A_125] : memref<20224x128xf32, #tpu.memory_space<hbm>> -> memref<80x128xf32, #tpu.memory_space<hbm>>
      tpu.enqueue_dma source(%arg7 : memref<80x128xf32, #tpu.memory_space<vmem>>) target(%dma_start3A_126 : memref<80x128xf32, #tpu.memory_space<hbm>>) target_semaphore(%run_scoped3A_122 : memref<!tpu.dma_semaphore, #tpu.memory_space<semaphore_mem>>)
      %dma_wait3A_127 = arith.constant 0 : i32
      %dma_wait3A_128 = tpu.memref_slice %arg5[%add3A_97, %dma_wait3A_127] : memref<20224x128xf32, #tpu.memory_space<hbm>> -> memref<80x128xf32, #tpu.memory_space<hbm>>
      %dma_wait3A_129 = arith.constant 0 : i32
      %dma_wait3A_130 = tpu.memref_slice %arg5[%add3A_97, %dma_wait3A_129] : memref<20224x128xf32, #tpu.memory_space<hbm>> -> memref<80x128xf32, #tpu.memory_space<hbm>>
      tpu.wait_dma2 semaphore(%run_scoped3A_122 : memref<!tpu.dma_semaphore, #tpu.memory_space<semaphore_mem>>) src(%arg7 : memref<80x128xf32, #tpu.memory_space<vmem>>) dst(%dma_wait3A_130 : memref<80x128xf32, #tpu.memory_space<hbm>>)
      tpu.yield
    }) : () -> ()
    %add3A_98 = arith.constant 160 : i32
    %add3A_99 = arith.addi %mul3A_9, %add3A_98 : i32
    "tpu.region"() ({
      %run_scoped3A_122 = tpu.sem_alloc : memref<!tpu.dma_semaphore, #tpu.memory_space<semaphore_mem>>
      %dma_start3A_123 = arith.constant 0 : i32
      %dma_start3A_124 = tpu.memref_slice %arg16[%add3A_99, %dma_start3A_123] : memref<10112x128xf32, #tpu.memory_space<vmem_shared>> -> memref<80x128xf32, #tpu.memory_space<vmem_shared>>
      %dma_start3A_125 = arith.constant 0 : i32
      %dma_start3A_126 = tpu.memref_slice %arg16[%add3A_99, %dma_start3A_125] : memref<10112x128xf32, #tpu.memory_space<vmem_shared>> -> memref<80x128xf32, #tpu.memory_space<vmem_shared>>
      tpu.enqueue_dma source(%dma_start3A_126 : memref<80x128xf32, #tpu.memory_space<vmem_shared>>) target(%arg7 : memref<80x128xf32, #tpu.memory_space<vmem>>) target_semaphore(%run_scoped3A_122 : memref<!tpu.dma_semaphore, #tpu.memory_space<semaphore_mem>>)
      %dma_wait3A_127 = arith.constant 0 : i32
      %dma_wait3A_128 = tpu.memref_slice %arg16[%add3A_99, %dma_wait3A_127] : memref<10112x128xf32, #tpu.memory_space<vmem_shared>> -> memref<80x128xf32, #tpu.memory_space<vmem_shared>>
      %dma_wait3A_129 = arith.constant 0 : i32
      %dma_wait3A_130 = tpu.memref_slice %arg16[%add3A_99, %dma_wait3A_129] : memref<10112x128xf32, #tpu.memory_space<vmem_shared>> -> memref<80x128xf32, #tpu.memory_space<vmem_shared>>
      tpu.wait_dma2 semaphore(%run_scoped3A_122 : memref<!tpu.dma_semaphore, #tpu.memory_space<semaphore_mem>>) src(%dma_wait3A_130 : memref<80x128xf32, #tpu.memory_space<vmem_shared>>) dst(%arg7 : memref<80x128xf32, #tpu.memory_space<vmem>>)
      tpu.yield
    }) : () -> ()
    %add3A_100 = arith.constant 160 : i32
    %add3A_101 = arith.addi %add3A_89, %add3A_100 : i32
    "tpu.region"() ({
      %run_scoped3A_122 = tpu.sem_alloc : memref<!tpu.dma_semaphore, #tpu.memory_space<semaphore_mem>>
      %dma_start3A_123 = arith.constant 0 : i32
      %dma_start3A_124 = tpu.memref_slice %arg5[%add3A_101, %dma_start3A_123] : memref<20224x128xf32, #tpu.memory_space<hbm>> -> memref<80x128xf32, #tpu.memory_space<hbm>>
      %dma_start3A_125 = arith.constant 0 : i32
      %dma_start3A_126 = tpu.memref_slice %arg5[%add3A_101, %dma_start3A_125] : memref<20224x128xf32, #tpu.memory_space<hbm>> -> memref<80x128xf32, #tpu.memory_space<hbm>>
      tpu.enqueue_dma source(%arg7 : memref<80x128xf32, #tpu.memory_space<vmem>>) target(%dma_start3A_126 : memref<80x128xf32, #tpu.memory_space<hbm>>) target_semaphore(%run_scoped3A_122 : memref<!tpu.dma_semaphore, #tpu.memory_space<semaphore_mem>>)
      %dma_wait3A_127 = arith.constant 0 : i32
      %dma_wait3A_128 = tpu.memref_slice %arg5[%add3A_101, %dma_wait3A_127] : memref<20224x128xf32, #tpu.memory_space<hbm>> -> memref<80x128xf32, #tpu.memory_space<hbm>>
      %dma_wait3A_129 = arith.constant 0 : i32
      %dma_wait3A_130 = tpu.memref_slice %arg5[%add3A_101, %dma_wait3A_129] : memref<20224x128xf32, #tpu.memory_space<hbm>> -> memref<80x128xf32, #tpu.memory_space<hbm>>
      tpu.wait_dma2 semaphore(%run_scoped3A_122 : memref<!tpu.dma_semaphore, #tpu.memory_space<semaphore_mem>>) src(%arg7 : memref<80x128xf32, #tpu.memory_space<vmem>>) dst(%dma_wait3A_130 : memref<80x128xf32, #tpu.memory_space<hbm>>)
      tpu.yield
    }) : () -> ()
    %add3A_102 = arith.constant 240 : i32
    %add3A_103 = arith.addi %mul3A_9, %add3A_102 : i32
    "tpu.region"() ({
      %run_scoped3A_122 = tpu.sem_alloc : memref<!tpu.dma_semaphore, #tpu.memory_space<semaphore_mem>>
      %dma_start3A_123 = arith.constant 0 : i32
      %dma_start3A_124 = tpu.memref_slice %arg16[%add3A_103, %dma_start3A_123] : memref<10112x128xf32, #tpu.memory_space<vmem_shared>> -> memref<80x128xf32, #tpu.memory_space<vmem_shared>>
      %dma_start3A_125 = arith.constant 0 : i32
      %dma_start3A_126 = tpu.memref_slice %arg16[%add3A_103, %dma_start3A_125] : memref<10112x128xf32, #tpu.memory_space<vmem_shared>> -> memref<80x128xf32, #tpu.memory_space<vmem_shared>>
      tpu.enqueue_dma source(%dma_start3A_126 : memref<80x128xf32, #tpu.memory_space<vmem_shared>>) target(%arg7 : memref<80x128xf32, #tpu.memory_space<vmem>>) target_semaphore(%run_scoped3A_122 : memref<!tpu.dma_semaphore, #tpu.memory_space<semaphore_mem>>)
      %dma_wait3A_127 = arith.constant 0 : i32
      %dma_wait3A_128 = tpu.memref_slice %arg16[%add3A_103, %dma_wait3A_127] : memref<10112x128xf32, #tpu.memory_space<vmem_shared>> -> memref<80x128xf32, #tpu.memory_space<vmem_shared>>
      %dma_wait3A_129 = arith.constant 0 : i32
      %dma_wait3A_130 = tpu.memref_slice %arg16[%add3A_103, %dma_wait3A_129] : memref<10112x128xf32, #tpu.memory_space<vmem_shared>> -> memref<80x128xf32, #tpu.memory_space<vmem_shared>>
      tpu.wait_dma2 semaphore(%run_scoped3A_122 : memref<!tpu.dma_semaphore, #tpu.memory_space<semaphore_mem>>) src(%dma_wait3A_130 : memref<80x128xf32, #tpu.memory_space<vmem_shared>>) dst(%arg7 : memref<80x128xf32, #tpu.memory_space<vmem>>)
      tpu.yield
    }) : () -> ()
    %add3A_104 = arith.constant 240 : i32
    %add3A_105 = arith.addi %add3A_89, %add3A_104 : i32
    "tpu.region"() ({
      %run_scoped3A_122 = tpu.sem_alloc : memref<!tpu.dma_semaphore, #tpu.memory_space<semaphore_mem>>
      %dma_start3A_123 = arith.constant 0 : i32
      %dma_start3A_124 = tpu.memref_slice %arg5[%add3A_105, %dma_start3A_123] : memref<20224x128xf32, #tpu.memory_space<hbm>> -> memref<80x128xf32, #tpu.memory_space<hbm>>
      %dma_start3A_125 = arith.constant 0 : i32
      %dma_start3A_126 = tpu.memref_slice %arg5[%add3A_105, %dma_start3A_125] : memref<20224x128xf32, #tpu.memory_space<hbm>> -> memref<80x128xf32, #tpu.memory_space<hbm>>
      tpu.enqueue_dma source(%arg7 : memref<80x128xf32, #tpu.memory_space<vmem>>) target(%dma_start3A_126 : memref<80x128xf32, #tpu.memory_space<hbm>>) target_semaphore(%run_scoped3A_122 : memref<!tpu.dma_semaphore, #tpu.memory_space<semaphore_mem>>)
      %dma_wait3A_127 = arith.constant 0 : i32
      %dma_wait3A_128 = tpu.memref_slice %arg5[%add3A_105, %dma_wait3A_127] : memref<20224x128xf32, #tpu.memory_space<hbm>> -> memref<80x128xf32, #tpu.memory_space<hbm>>
      %dma_wait3A_129 = arith.constant 0 : i32
      %dma_wait3A_130 = tpu.memref_slice %arg5[%add3A_105, %dma_wait3A_129] : memref<20224x128xf32, #tpu.memory_space<hbm>> -> memref<80x128xf32, #tpu.memory_space<hbm>>
      tpu.wait_dma2 semaphore(%run_scoped3A_122 : memref<!tpu.dma_semaphore, #tpu.memory_space<semaphore_mem>>) src(%arg7 : memref<80x128xf32, #tpu.memory_space<vmem>>) dst(%dma_wait3A_130 : memref<80x128xf32, #tpu.memory_space<hbm>>)
      tpu.yield
    }) : () -> ()
    %add3A_106 = arith.constant 320 : i32
    %add3A_107 = arith.addi %mul3A_9, %add3A_106 : i32
    "tpu.region"() ({
      %run_scoped3A_122 = tpu.sem_alloc : memref<!tpu.dma_semaphore, #tpu.memory_space<semaphore_mem>>
      %dma_start3A_123 = arith.constant 0 : i32
      %dma_start3A_124 = tpu.memref_slice %arg16[%add3A_107, %dma_start3A_123] : memref<10112x128xf32, #tpu.memory_space<vmem_shared>> -> memref<80x128xf32, #tpu.memory_space<vmem_shared>>
      %dma_start3A_125 = arith.constant 0 : i32
      %dma_start3A_126 = tpu.memref_slice %arg16[%add3A_107, %dma_start3A_125] : memref<10112x128xf32, #tpu.memory_space<vmem_shared>> -> memref<80x128xf32, #tpu.memory_space<vmem_shared>>
      tpu.enqueue_dma source(%dma_start3A_126 : memref<80x128xf32, #tpu.memory_space<vmem_shared>>) target(%arg7 : memref<80x128xf32, #tpu.memory_space<vmem>>) target_semaphore(%run_scoped3A_122 : memref<!tpu.dma_semaphore, #tpu.memory_space<semaphore_mem>>)
      %dma_wait3A_127 = arith.constant 0 : i32
      %dma_wait3A_128 = tpu.memref_slice %arg16[%add3A_107, %dma_wait3A_127] : memref<10112x128xf32, #tpu.memory_space<vmem_shared>> -> memref<80x128xf32, #tpu.memory_space<vmem_shared>>
      %dma_wait3A_129 = arith.constant 0 : i32
      %dma_wait3A_130 = tpu.memref_slice %arg16[%add3A_107, %dma_wait3A_129] : memref<10112x128xf32, #tpu.memory_space<vmem_shared>> -> memref<80x128xf32, #tpu.memory_space<vmem_shared>>
      tpu.wait_dma2 semaphore(%run_scoped3A_122 : memref<!tpu.dma_semaphore, #tpu.memory_space<semaphore_mem>>) src(%dma_wait3A_130 : memref<80x128xf32, #tpu.memory_space<vmem_shared>>) dst(%arg7 : memref<80x128xf32, #tpu.memory_space<vmem>>)
      tpu.yield
    }) : () -> ()
    %add3A_108 = arith.constant 320 : i32
    %add3A_109 = arith.addi %add3A_89, %add3A_108 : i32
    "tpu.region"() ({
      %run_scoped3A_122 = tpu.sem_alloc : memref<!tpu.dma_semaphore, #tpu.memory_space<semaphore_mem>>
      %dma_start3A_123 = arith.constant 0 : i32
      %dma_start3A_124 = tpu.memref_slice %arg5[%add3A_109, %dma_start3A_123] : memref<20224x128xf32, #tpu.memory_space<hbm>> -> memref<80x128xf32, #tpu.memory_space<hbm>>
      %dma_start3A_125 = arith.constant 0 : i32
      %dma_start3A_126 = tpu.memref_slice %arg5[%add3A_109, %dma_start3A_125] : memref<20224x128xf32, #tpu.memory_space<hbm>> -> memref<80x128xf32, #tpu.memory_space<hbm>>
      tpu.enqueue_dma source(%arg7 : memref<80x128xf32, #tpu.memory_space<vmem>>) target(%dma_start3A_126 : memref<80x128xf32, #tpu.memory_space<hbm>>) target_semaphore(%run_scoped3A_122 : memref<!tpu.dma_semaphore, #tpu.memory_space<semaphore_mem>>)
      %dma_wait3A_127 = arith.constant 0 : i32
      %dma_wait3A_128 = tpu.memref_slice %arg5[%add3A_109, %dma_wait3A_127] : memref<20224x128xf32, #tpu.memory_space<hbm>> -> memref<80x128xf32, #tpu.memory_space<hbm>>
      %dma_wait3A_129 = arith.constant 0 : i32
      %dma_wait3A_130 = tpu.memref_slice %arg5[%add3A_109, %dma_wait3A_129] : memref<20224x128xf32, #tpu.memory_space<hbm>> -> memref<80x128xf32, #tpu.memory_space<hbm>>
      tpu.wait_dma2 semaphore(%run_scoped3A_122 : memref<!tpu.dma_semaphore, #tpu.memory_space<semaphore_mem>>) src(%arg7 : memref<80x128xf32, #tpu.memory_space<vmem>>) dst(%dma_wait3A_130 : memref<80x128xf32, #tpu.memory_space<hbm>>)
      tpu.yield
    }) : () -> ()
    %add3A_110 = arith.constant 400 : i32
    %add3A_111 = arith.addi %mul3A_9, %add3A_110 : i32
    "tpu.region"() ({
      %run_scoped3A_122 = tpu.sem_alloc : memref<!tpu.dma_semaphore, #tpu.memory_space<semaphore_mem>>
      %dma_start3A_123 = arith.constant 0 : i32
      %dma_start3A_124 = tpu.memref_slice %arg16[%add3A_111, %dma_start3A_123] : memref<10112x128xf32, #tpu.memory_space<vmem_shared>> -> memref<80x128xf32, #tpu.memory_space<vmem_shared>>
      %dma_start3A_125 = arith.constant 0 : i32
      %dma_start3A_126 = tpu.memref_slice %arg16[%add3A_111, %dma_start3A_125] : memref<10112x128xf32, #tpu.memory_space<vmem_shared>> -> memref<80x128xf32, #tpu.memory_space<vmem_shared>>
      tpu.enqueue_dma source(%dma_start3A_126 : memref<80x128xf32, #tpu.memory_space<vmem_shared>>) target(%arg7 : memref<80x128xf32, #tpu.memory_space<vmem>>) target_semaphore(%run_scoped3A_122 : memref<!tpu.dma_semaphore, #tpu.memory_space<semaphore_mem>>)
      %dma_wait3A_127 = arith.constant 0 : i32
      %dma_wait3A_128 = tpu.memref_slice %arg16[%add3A_111, %dma_wait3A_127] : memref<10112x128xf32, #tpu.memory_space<vmem_shared>> -> memref<80x128xf32, #tpu.memory_space<vmem_shared>>
      %dma_wait3A_129 = arith.constant 0 : i32
      %dma_wait3A_130 = tpu.memref_slice %arg16[%add3A_111, %dma_wait3A_129] : memref<10112x128xf32, #tpu.memory_space<vmem_shared>> -> memref<80x128xf32, #tpu.memory_space<vmem_shared>>
      tpu.wait_dma2 semaphore(%run_scoped3A_122 : memref<!tpu.dma_semaphore, #tpu.memory_space<semaphore_mem>>) src(%dma_wait3A_130 : memref<80x128xf32, #tpu.memory_space<vmem_shared>>) dst(%arg7 : memref<80x128xf32, #tpu.memory_space<vmem>>)
      tpu.yield
    }) : () -> ()
    %add3A_112 = arith.constant 400 : i32
    %add3A_113 = arith.addi %add3A_89, %add3A_112 : i32
    "tpu.region"() ({
      %run_scoped3A_122 = tpu.sem_alloc : memref<!tpu.dma_semaphore, #tpu.memory_space<semaphore_mem>>
      %dma_start3A_123 = arith.constant 0 : i32
      %dma_start3A_124 = tpu.memref_slice %arg5[%add3A_113, %dma_start3A_123] : memref<20224x128xf32, #tpu.memory_space<hbm>> -> memref<80x128xf32, #tpu.memory_space<hbm>>
      %dma_start3A_125 = arith.constant 0 : i32
      %dma_start3A_126 = tpu.memref_slice %arg5[%add3A_113, %dma_start3A_125] : memref<20224x128xf32, #tpu.memory_space<hbm>> -> memref<80x128xf32, #tpu.memory_space<hbm>>
      tpu.enqueue_dma source(%arg7 : memref<80x128xf32, #tpu.memory_space<vmem>>) target(%dma_start3A_126 : memref<80x128xf32, #tpu.memory_space<hbm>>) target_semaphore(%run_scoped3A_122 : memref<!tpu.dma_semaphore, #tpu.memory_space<semaphore_mem>>)
      %dma_wait3A_127 = arith.constant 0 : i32
      %dma_wait3A_128 = tpu.memref_slice %arg5[%add3A_113, %dma_wait3A_127] : memref<20224x128xf32, #tpu.memory_space<hbm>> -> memref<80x128xf32, #tpu.memory_space<hbm>>
      %dma_wait3A_129 = arith.constant 0 : i32
      %dma_wait3A_130 = tpu.memref_slice %arg5[%add3A_113, %dma_wait3A_129] : memref<20224x128xf32, #tpu.memory_space<hbm>> -> memref<80x128xf32, #tpu.memory_space<hbm>>
      tpu.wait_dma2 semaphore(%run_scoped3A_122 : memref<!tpu.dma_semaphore, #tpu.memory_space<semaphore_mem>>) src(%arg7 : memref<80x128xf32, #tpu.memory_space<vmem>>) dst(%dma_wait3A_130 : memref<80x128xf32, #tpu.memory_space<hbm>>)
      tpu.yield
    }) : () -> ()
    %add3A_114 = arith.constant 480 : i32
    %add3A_115 = arith.addi %mul3A_9, %add3A_114 : i32
    "tpu.region"() ({
      %run_scoped3A_122 = tpu.sem_alloc : memref<!tpu.dma_semaphore, #tpu.memory_space<semaphore_mem>>
      %dma_start3A_123 = arith.constant 0 : i32
      %dma_start3A_124 = tpu.memref_slice %arg16[%add3A_115, %dma_start3A_123] : memref<10112x128xf32, #tpu.memory_space<vmem_shared>> -> memref<80x128xf32, #tpu.memory_space<vmem_shared>>
      %dma_start3A_125 = arith.constant 0 : i32
      %dma_start3A_126 = tpu.memref_slice %arg16[%add3A_115, %dma_start3A_125] : memref<10112x128xf32, #tpu.memory_space<vmem_shared>> -> memref<80x128xf32, #tpu.memory_space<vmem_shared>>
      tpu.enqueue_dma source(%dma_start3A_126 : memref<80x128xf32, #tpu.memory_space<vmem_shared>>) target(%arg7 : memref<80x128xf32, #tpu.memory_space<vmem>>) target_semaphore(%run_scoped3A_122 : memref<!tpu.dma_semaphore, #tpu.memory_space<semaphore_mem>>)
      %dma_wait3A_127 = arith.constant 0 : i32
      %dma_wait3A_128 = tpu.memref_slice %arg16[%add3A_115, %dma_wait3A_127] : memref<10112x128xf32, #tpu.memory_space<vmem_shared>> -> memref<80x128xf32, #tpu.memory_space<vmem_shared>>
      %dma_wait3A_129 = arith.constant 0 : i32
      %dma_wait3A_130 = tpu.memref_slice %arg16[%add3A_115, %dma_wait3A_129] : memref<10112x128xf32, #tpu.memory_space<vmem_shared>> -> memref<80x128xf32, #tpu.memory_space<vmem_shared>>
      tpu.wait_dma2 semaphore(%run_scoped3A_122 : memref<!tpu.dma_semaphore, #tpu.memory_space<semaphore_mem>>) src(%dma_wait3A_130 : memref<80x128xf32, #tpu.memory_space<vmem_shared>>) dst(%arg7 : memref<80x128xf32, #tpu.memory_space<vmem>>)
      tpu.yield
    }) : () -> ()
    %add3A_116 = arith.constant 480 : i32
    %add3A_117 = arith.addi %add3A_89, %add3A_116 : i32
    "tpu.region"() ({
      %run_scoped3A_122 = tpu.sem_alloc : memref<!tpu.dma_semaphore, #tpu.memory_space<semaphore_mem>>
      %dma_start3A_123 = arith.constant 0 : i32
      %dma_start3A_124 = tpu.memref_slice %arg5[%add3A_117, %dma_start3A_123] : memref<20224x128xf32, #tpu.memory_space<hbm>> -> memref<80x128xf32, #tpu.memory_space<hbm>>
      %dma_start3A_125 = arith.constant 0 : i32
      %dma_start3A_126 = tpu.memref_slice %arg5[%add3A_117, %dma_start3A_125] : memref<20224x128xf32, #tpu.memory_space<hbm>> -> memref<80x128xf32, #tpu.memory_space<hbm>>
      tpu.enqueue_dma source(%arg7 : memref<80x128xf32, #tpu.memory_space<vmem>>) target(%dma_start3A_126 : memref<80x128xf32, #tpu.memory_space<hbm>>) target_semaphore(%run_scoped3A_122 : memref<!tpu.dma_semaphore, #tpu.memory_space<semaphore_mem>>)
      %dma_wait3A_127 = arith.constant 0 : i32
      %dma_wait3A_128 = tpu.memref_slice %arg5[%add3A_117, %dma_wait3A_127] : memref<20224x128xf32, #tpu.memory_space<hbm>> -> memref<80x128xf32, #tpu.memory_space<hbm>>
      %dma_wait3A_129 = arith.constant 0 : i32
      %dma_wait3A_130 = tpu.memref_slice %arg5[%add3A_117, %dma_wait3A_129] : memref<20224x128xf32, #tpu.memory_space<hbm>> -> memref<80x128xf32, #tpu.memory_space<hbm>>
      tpu.wait_dma2 semaphore(%run_scoped3A_122 : memref<!tpu.dma_semaphore, #tpu.memory_space<semaphore_mem>>) src(%arg7 : memref<80x128xf32, #tpu.memory_space<vmem>>) dst(%dma_wait3A_130 : memref<80x128xf32, #tpu.memory_space<hbm>>)
      tpu.yield
    }) : () -> ()
    %add3A_118 = arith.constant 560 : i32
    %add3A_119 = arith.addi %mul3A_9, %add3A_118 : i32
    "tpu.region"() ({
      %run_scoped3A_122 = tpu.sem_alloc : memref<!tpu.dma_semaphore, #tpu.memory_space<semaphore_mem>>
      %dma_start3A_123 = arith.constant 0 : i32
      %dma_start3A_124 = arith.constant 0 : i32
      %dma_start3A_125 = tpu.memref_slice %arg7[%dma_start3A_123, %dma_start3A_124] : memref<80x128xf32, #tpu.memory_space<vmem>> -> memref<72x128xf32, #tpu.memory_space<vmem>>
      %dma_start3A_126 = arith.constant 0 : i32
      %dma_start3A_127 = tpu.memref_slice %arg16[%add3A_119, %dma_start3A_126] : memref<10112x128xf32, #tpu.memory_space<vmem_shared>> -> memref<72x128xf32, #tpu.memory_space<vmem_shared>>
      %dma_start3A_128 = arith.constant 0 : i32
      %dma_start3A_129 = arith.constant 0 : i32
      %dma_start3A_130 = tpu.memref_slice %arg7[%dma_start3A_128, %dma_start3A_129] : memref<80x128xf32, #tpu.memory_space<vmem>> -> memref<72x128xf32, #tpu.memory_space<vmem>>
      %dma_start3A_131 = arith.constant 0 : i32
      %dma_start3A_132 = tpu.memref_slice %arg16[%add3A_119, %dma_start3A_131] : memref<10112x128xf32, #tpu.memory_space<vmem_shared>> -> memref<72x128xf32, #tpu.memory_space<vmem_shared>>
      tpu.enqueue_dma source(%dma_start3A_132 : memref<72x128xf32, #tpu.memory_space<vmem_shared>>) target(%dma_start3A_130 : memref<72x128xf32, #tpu.memory_space<vmem>>) target_semaphore(%run_scoped3A_122 : memref<!tpu.dma_semaphore, #tpu.memory_space<semaphore_mem>>)
      %dma_wait3A_133 = arith.constant 0 : i32
      %dma_wait3A_134 = arith.constant 0 : i32
      %dma_wait3A_135 = tpu.memref_slice %arg7[%dma_wait3A_133, %dma_wait3A_134] : memref<80x128xf32, #tpu.memory_space<vmem>> -> memref<72x128xf32, #tpu.memory_space<vmem>>
      %dma_wait3A_136 = arith.constant 0 : i32
      %dma_wait3A_137 = tpu.memref_slice %arg16[%add3A_119, %dma_wait3A_136] : memref<10112x128xf32, #tpu.memory_space<vmem_shared>> -> memref<72x128xf32, #tpu.memory_space<vmem_shared>>
      %dma_wait3A_138 = arith.constant 0 : i32
      %dma_wait3A_139 = arith.constant 0 : i32
      %dma_wait3A_140 = tpu.memref_slice %arg7[%dma_wait3A_138, %dma_wait3A_139] : memref<80x128xf32, #tpu.memory_space<vmem>> -> memref<72x128xf32, #tpu.memory_space<vmem>>
      %dma_wait3A_141 = arith.constant 0 : i32
      %dma_wait3A_142 = tpu.memref_slice %arg16[%add3A_119, %dma_wait3A_141] : memref<10112x128xf32, #tpu.memory_space<vmem_shared>> -> memref<72x128xf32, #tpu.memory_space<vmem_shared>>
      tpu.wait_dma2 semaphore(%run_scoped3A_122 : memref<!tpu.dma_semaphore, #tpu.memory_space<semaphore_mem>>) src(%dma_wait3A_142 : memref<72x128xf32, #tpu.memory_space<vmem_shared>>) dst(%dma_wait3A_140 : memref<72x128xf32, #tpu.memory_space<vmem>>)
      tpu.yield
    }) : () -> ()
    %add3A_120 = arith.constant 560 : i32
    %add3A_121 = arith.addi %add3A_89, %add3A_120 : i32
    "tpu.region"() ({
      %run_scoped3A_122 = tpu.sem_alloc : memref<!tpu.dma_semaphore, #tpu.memory_space<semaphore_mem>>
      %dma_start3A_123 = arith.constant 0 : i32
      %dma_start3A_124 = arith.constant 0 : i32
      %dma_start3A_125 = tpu.memref_slice %arg7[%dma_start3A_123, %dma_start3A_124] : memref<80x128xf32, #tpu.memory_space<vmem>> -> memref<72x128xf32, #tpu.memory_space<vmem>>
      %dma_start3A_126 = arith.constant 0 : i32
      %dma_start3A_127 = tpu.memref_slice %arg5[%add3A_121, %dma_start3A_126] : memref<20224x128xf32, #tpu.memory_space<hbm>> -> memref<72x128xf32, #tpu.memory_space<hbm>>
      %dma_start3A_128 = arith.constant 0 : i32
      %dma_start3A_129 = tpu.memref_slice %arg5[%add3A_121, %dma_start3A_128] : memref<20224x128xf32, #tpu.memory_space<hbm>> -> memref<72x128xf32, #tpu.memory_space<hbm>>
      %dma_start3A_130 = arith.constant 0 : i32
      %dma_start3A_131 = arith.constant 0 : i32
      %dma_start3A_132 = tpu.memref_slice %arg7[%dma_start3A_130, %dma_start3A_131] : memref<80x128xf32, #tpu.memory_space<vmem>> -> memref<72x128xf32, #tpu.memory_space<vmem>>
      tpu.enqueue_dma source(%dma_start3A_132 : memref<72x128xf32, #tpu.memory_space<vmem>>) target(%dma_start3A_129 : memref<72x128xf32, #tpu.memory_space<hbm>>) target_semaphore(%run_scoped3A_122 : memref<!tpu.dma_semaphore, #tpu.memory_space<semaphore_mem>>)
      %dma_wait3A_133 = arith.constant 0 : i32
      %dma_wait3A_134 = arith.constant 0 : i32
      %dma_wait3A_135 = tpu.memref_slice %arg7[%dma_wait3A_133, %dma_wait3A_134] : memref<80x128xf32, #tpu.memory_space<vmem>> -> memref<72x128xf32, #tpu.memory_space<vmem>>
      %dma_wait3A_136 = arith.constant 0 : i32
      %dma_wait3A_137 = tpu.memref_slice %arg5[%add3A_121, %dma_wait3A_136] : memref<20224x128xf32, #tpu.memory_space<hbm>> -> memref<72x128xf32, #tpu.memory_space<hbm>>
      %dma_wait3A_138 = arith.constant 0 : i32
      %dma_wait3A_139 = tpu.memref_slice %arg5[%add3A_121, %dma_wait3A_138] : memref<20224x128xf32, #tpu.memory_space<hbm>> -> memref<72x128xf32, #tpu.memory_space<hbm>>
      %dma_wait3A_140 = arith.constant 0 : i32
      %dma_wait3A_141 = arith.constant 0 : i32
      %dma_wait3A_142 = tpu.memref_slice %arg7[%dma_wait3A_140, %dma_wait3A_141] : memref<80x128xf32, #tpu.memory_space<vmem>> -> memref<72x128xf32, #tpu.memory_space<vmem>>
      tpu.wait_dma2 semaphore(%run_scoped3A_122 : memref<!tpu.dma_semaphore, #tpu.memory_space<semaphore_mem>>) src(%dma_wait3A_142 : memref<72x128xf32, #tpu.memory_space<vmem>>) dst(%dma_wait3A_139 : memref<72x128xf32, #tpu.memory_space<hbm>>)
      tpu.yield
    }) : () -> ()
    return
  }
}

#map = affine_map<(d0, d1) -> (0, 0)>
#map1 = affine_map<(d0, d1) -> (0, 0, 0)>
module attributes {stable_mosaic.version = 14 : i64} {
  func.func @_msg_body(%arg0: i32, %arg1: i32, %arg2: memref<10112x128xf32, #tpu.memory_space<hbm>>, %arg3: memref<4096x128xf32, #tpu.memory_space<hbm>>, %arg4: memref<4000x3x80xi32, #tpu.memory_space<hbm>>, %arg5: memref<20224x128xf32, #tpu.memory_space<hbm>>, %arg6: memref<3x80xi32, #tpu.memory_space<vmem>>, %arg7: memref<80x128xf32, #tpu.memory_space<vmem>>, %arg8: memref<80x128xf32, #tpu.memory_space<vmem>>, %arg9: memref<3x80xi32, #tpu.memory_space<vmem>>, %arg10: memref<80x128xf32, #tpu.memory_space<vmem>>, %arg11: memref<80x128xf32, #tpu.memory_space<vmem>>, %arg12: memref<!tpu.dma_semaphore, #tpu.memory_space<semaphore_mem>>, %arg13: memref<!tpu.dma_semaphore, #tpu.memory_space<semaphore_mem>>, %arg14: memref<!tpu.dma_semaphore, #tpu.memory_space<semaphore_mem>>, %arg15: memref<!tpu.dma_semaphore, #tpu.memory_space<semaphore_mem>>, %arg16: memref<10112x128xf32, #tpu.memory_space<vmem_shared>>) attributes {dimension_semantics = [#tpu.dimension_semantics<core_parallel>, #tpu.dimension_semantics<subcore_parallel>], iteration_bounds = array<i64: 2, 16>, scalar_prefetch = 0 : i64, scratch_operands = 11 : i64, tpu.core_type = #tpu.core_type<sc_vector_subcore>, window_params = [{transform_indices = #map}, {transform_indices = #map}, {transform_indices = #map1}, {transform_indices = #map}]} {
    %mul3A = arith.constant 16 : i32
    %mul3A_0 = arith.muli %arg0, %mul3A : i32
    %add3A = arith.addi %mul3A_0, %arg1 : i32
    %broadcast_in_dim3A = arith.constant 0.000000e+00 : f32
    %broadcast_in_dim3A_1 = vector.broadcast %broadcast_in_dim3A : f32 to vector<16xf32>
    %scan3A = arith.constant 0 : i32
    %scan3A_2 = arith.constant 0 : i32
    %scan3A_3 = arith.constant 80 : i32
    %scan3A_4 = arith.addi %scan3A_2, %scan3A_3 : i32
    %scan3A_5 = arith.constant 1 : i32
    %scan3A_6 = scf.for %scan3A_122 = %scan3A_2 to %scan3A_4 step %scan3A_5 iter_args(%scan3A_123 = %scan3A) -> (i32)  : i32 {
      %swap3A = arith.index_cast %scan3A_122 : i32 to index
      %swap3A_124 = arith.constant 0 : index
      %swap3A_125 = tpu.vector_load %arg7[%swap3A, %swap3A_124] {strides = array<i32>} : memref<80x128xf32, #tpu.memory_space<vmem>>, vector<1x16xf32>,
      %swap3A_126 = vector.shape_cast %swap3A_125 : vector<1x16xf32> to vector<16xf32>
      %swap3A_127 = vector.shape_cast %broadcast_in_dim3A_1 : vector<16xf32> to vector<1x16xf32>
      tpu.vector_store %arg7[%swap3A, %swap3A_124], %swap3A_127 {strides = array<i32>} : memref<80x128xf32, #tpu.memory_space<vmem>>, vector<1x16xf32>,
      %swap3A_128 = arith.index_cast %scan3A_122 : i32 to index
      %swap3A_129 = arith.constant 16 : index
      %swap3A_130 = tpu.vector_load %arg7[%swap3A_128, %swap3A_129] {strides = array<i32>} : memref<80x128xf32, #tpu.memory_space<vmem>>, vector<1x16xf32>,
      %swap3A_131 = vector.shape_cast %swap3A_130 : vector<1x16xf32> to vector<16xf32>
      %swap3A_132 = vector.shape_cast %broadcast_in_dim3A_1 : vector<16xf32> to vector<1x16xf32>
      tpu.vector_store %arg7[%swap3A_128, %swap3A_129], %swap3A_132 {strides = array<i32>} : memref<80x128xf32, #tpu.memory_space<vmem>>, vector<1x16xf32>,
      %swap3A_133 = arith.index_cast %scan3A_122 : i32 to index
      %swap3A_134 = arith.constant 32 : index
      %swap3A_135 = tpu.vector_load %arg7[%swap3A_133, %swap3A_134] {strides = array<i32>} : memref<80x128xf32, #tpu.memory_space<vmem>>, vector<1x16xf32>,
      %swap3A_136 = vector.shape_cast %swap3A_135 : vector<1x16xf32> to vector<16xf32>
      %swap3A_137 = vector.shape_cast %broadcast_in_dim3A_1 : vector<16xf32> to vector<1x16xf32>
      tpu.vector_store %arg7[%swap3A_133, %swap3A_134], %swap3A_137 {strides = array<i32>} : memref<80x128xf32, #tpu.memory_space<vmem>>, vector<1x16xf32>,
      %swap3A_138 = arith.index_cast %scan3A_122 : i32 to index
      %swap3A_139 = arith.constant 48 : index
      %swap3A_140 = tpu.vector_load %arg7[%swap3A_138, %swap3A_139] {strides = array<i32>} : memref<80x128xf32, #tpu.memory_space<vmem>>, vector<1x16xf32>,
      %swap3A_141 = vector.shape_cast %swap3A_140 : vector<1x16xf32> to vector<16xf32>
      %swap3A_142 = vector.shape_cast %broadcast_in_dim3A_1 : vector<16xf32> to vector<1x16xf32>
      tpu.vector_store %arg7[%swap3A_138, %swap3A_139], %swap3A_142 {strides = array<i32>} : memref<80x128xf32, #tpu.memory_space<vmem>>, vector<1x16xf32>,
      %swap3A_143 = arith.index_cast %scan3A_122 : i32 to index
      %swap3A_144 = arith.constant 64 : index
      %swap3A_145 = tpu.vector_load %arg7[%swap3A_143, %swap3A_144] {strides = array<i32>} : memref<80x128xf32, #tpu.memory_space<vmem>>, vector<1x16xf32>,
      %swap3A_146 = vector.shape_cast %swap3A_145 : vector<1x16xf32> to vector<16xf32>
      %swap3A_147 = vector.shape_cast %broadcast_in_dim3A_1 : vector<16xf32> to vector<1x16xf32>
      tpu.vector_store %arg7[%swap3A_143, %swap3A_144], %swap3A_147 {strides = array<i32>} : memref<80x128xf32, #tpu.memory_space<vmem>>, vector<1x16xf32>,
      %swap3A_148 = arith.index_cast %scan3A_122 : i32 to index
      %swap3A_149 = arith.constant 80 : index
      %swap3A_150 = tpu.vector_load %arg7[%swap3A_148, %swap3A_149] {strides = array<i32>} : memref<80x128xf32, #tpu.memory_space<vmem>>, vector<1x16xf32>,
      %swap3A_151 = vector.shape_cast %swap3A_150 : vector<1x16xf32> to vector<16xf32>
      %swap3A_152 = vector.shape_cast %broadcast_in_dim3A_1 : vector<16xf32> to vector<1x16xf32>
      tpu.vector_store %arg7[%swap3A_148, %swap3A_149], %swap3A_152 {strides = array<i32>} : memref<80x128xf32, #tpu.memory_space<vmem>>, vector<1x16xf32>,
      %swap3A_153 = arith.index_cast %scan3A_122 : i32 to index
      %swap3A_154 = arith.constant 96 : index
      %swap3A_155 = tpu.vector_load %arg7[%swap3A_153, %swap3A_154] {strides = array<i32>} : memref<80x128xf32, #tpu.memory_space<vmem>>, vector<1x16xf32>,
      %swap3A_156 = vector.shape_cast %swap3A_155 : vector<1x16xf32> to vector<16xf32>
      %swap3A_157 = vector.shape_cast %broadcast_in_dim3A_1 : vector<16xf32> to vector<1x16xf32>
      tpu.vector_store %arg7[%swap3A_153, %swap3A_154], %swap3A_157 {strides = array<i32>} : memref<80x128xf32, #tpu.memory_space<vmem>>, vector<1x16xf32>,
      %swap3A_158 = arith.index_cast %scan3A_122 : i32 to index
      %swap3A_159 = arith.constant 112 : index
      %swap3A_160 = tpu.vector_load %arg7[%swap3A_158, %swap3A_159] {strides = array<i32>} : memref<80x128xf32, #tpu.memory_space<vmem>>, vector<1x16xf32>,
      %swap3A_161 = vector.shape_cast %swap3A_160 : vector<1x16xf32> to vector<16xf32>
      %swap3A_162 = vector.shape_cast %broadcast_in_dim3A_1 : vector<16xf32> to vector<1x16xf32>
      tpu.vector_store %arg7[%swap3A_158, %swap3A_159], %swap3A_162 {strides = array<i32>} : memref<80x128xf32, #tpu.memory_space<vmem>>, vector<1x16xf32>,
      %scan3A_163 = arith.constant 0 : i32
      scf.yield %scan3A_163 : i32
    }
    %scan3A_7 = arith.constant 80 : i32
    %mul3A_8 = arith.constant 632 : i32
    %mul3A_9 = arith.muli %arg1, %mul3A_8 : i32
    %add3A_10 = arith.constant 0 : i32
    %add3A_11 = arith.addi %mul3A_9, %add3A_10 : i32
    "tpu.region"() ({
      %run_scoped3A_122 = tpu.sem_alloc : memref<!tpu.dma_semaphore, #tpu.memory_space<semaphore_mem>>
      %dma_start3A_123 = arith.constant 0 : i32
      %dma_start3A_124 = tpu.memref_slice %arg16[%add3A_11, %dma_start3A_123] : memref<10112x128xf32, #tpu.memory_space<vmem_shared>> -> memref<80x128xf32, #tpu.memory_space<vmem_shared>>
      %dma_start3A_125 = arith.constant 0 : i32
      %dma_start3A_126 = tpu.memref_slice %arg16[%add3A_11, %dma_start3A_125] : memref<10112x128xf32, #tpu.memory_space<vmem_shared>> -> memref<80x128xf32, #tpu.memory_space<vmem_shared>>
      tpu.enqueue_dma source(%arg7 : memref<80x128xf32, #tpu.memory_space<vmem>>) target(%dma_start3A_126 : memref<80x128xf32, #tpu.memory_space<vmem_shared>>) target_semaphore(%run_scoped3A_122 : memref<!tpu.dma_semaphore, #tpu.memory_space<semaphore_mem>>)
      %dma_wait3A_127 = arith.constant 0 : i32
      %dma_wait3A_128 = tpu.memref_slice %arg16[%add3A_11, %dma_wait3A_127] : memref<10112x128xf32, #tpu.memory_space<vmem_shared>> -> memref<80x128xf32, #tpu.memory_space<vmem_shared>>
      %dma_wait3A_129 = arith.constant 0 : i32
      %dma_wait3A_130 = tpu.memref_slice %arg16[%add3A_11, %dma_wait3A_129] : memref<10112x128xf32, #tpu.memory_space<vmem_shared>> -> memref<80x128xf32, #tpu.memory_space<vmem_shared>>
      tpu.wait_dma2 semaphore(%run_scoped3A_122 : memref<!tpu.dma_semaphore, #tpu.memory_space<semaphore_mem>>) src(%arg7 : memref<80x128xf32, #tpu.memory_space<vmem>>) dst(%dma_wait3A_130 : memref<80x128xf32, #tpu.memory_space<vmem_shared>>)
      tpu.yield
    }) : () -> ()
    %add3A_12 = arith.constant 80 : i32
    %add3A_13 = arith.addi %mul3A_9, %add3A_12 : i32
    "tpu.region"() ({
      %run_scoped3A_122 = tpu.sem_alloc : memref<!tpu.dma_semaphore, #tpu.memory_space<semaphore_mem>>
      %dma_start3A_123 = arith.constant 0 : i32
      %dma_start3A_124 = tpu.memref_slice %arg16[%add3A_13, %dma_start3A_123] : memref<10112x128xf32, #tpu.memory_space<vmem_shared>> -> memref<80x128xf32, #tpu.memory_space<vmem_shared>>
      %dma_start3A_125 = arith.constant 0 : i32
      %dma_start3A_126 = tpu.memref_slice %arg16[%add3A_13, %dma_start3A_125] : memref<10112x128xf32, #tpu.memory_space<vmem_shared>> -> memref<80x128xf32, #tpu.memory_space<vmem_shared>>
      tpu.enqueue_dma source(%arg7 : memref<80x128xf32, #tpu.memory_space<vmem>>) target(%dma_start3A_126 : memref<80x128xf32, #tpu.memory_space<vmem_shared>>) target_semaphore(%run_scoped3A_122 : memref<!tpu.dma_semaphore, #tpu.memory_space<semaphore_mem>>)
      %dma_wait3A_127 = arith.constant 0 : i32
      %dma_wait3A_128 = tpu.memref_slice %arg16[%add3A_13, %dma_wait3A_127] : memref<10112x128xf32, #tpu.memory_space<vmem_shared>> -> memref<80x128xf32, #tpu.memory_space<vmem_shared>>
      %dma_wait3A_129 = arith.constant 0 : i32
      %dma_wait3A_130 = tpu.memref_slice %arg16[%add3A_13, %dma_wait3A_129] : memref<10112x128xf32, #tpu.memory_space<vmem_shared>> -> memref<80x128xf32, #tpu.memory_space<vmem_shared>>
      tpu.wait_dma2 semaphore(%run_scoped3A_122 : memref<!tpu.dma_semaphore, #tpu.memory_space<semaphore_mem>>) src(%arg7 : memref<80x128xf32, #tpu.memory_space<vmem>>) dst(%dma_wait3A_130 : memref<80x128xf32, #tpu.memory_space<vmem_shared>>)
      tpu.yield
    }) : () -> ()
    %add3A_14 = arith.constant 160 : i32
    %add3A_15 = arith.addi %mul3A_9, %add3A_14 : i32
    "tpu.region"() ({
      %run_scoped3A_122 = tpu.sem_alloc : memref<!tpu.dma_semaphore, #tpu.memory_space<semaphore_mem>>
      %dma_start3A_123 = arith.constant 0 : i32
      %dma_start3A_124 = tpu.memref_slice %arg16[%add3A_15, %dma_start3A_123] : memref<10112x128xf32, #tpu.memory_space<vmem_shared>> -> memref<80x128xf32, #tpu.memory_space<vmem_shared>>
      %dma_start3A_125 = arith.constant 0 : i32
      %dma_start3A_126 = tpu.memref_slice %arg16[%add3A_15, %dma_start3A_125] : memref<10112x128xf32, #tpu.memory_space<vmem_shared>> -> memref<80x128xf32, #tpu.memory_space<vmem_shared>>
      tpu.enqueue_dma source(%arg7 : memref<80x128xf32, #tpu.memory_space<vmem>>) target(%dma_start3A_126 : memref<80x128xf32, #tpu.memory_space<vmem_shared>>) target_semaphore(%run_scoped3A_122 : memref<!tpu.dma_semaphore, #tpu.memory_space<semaphore_mem>>)
      %dma_wait3A_127 = arith.constant 0 : i32
      %dma_wait3A_128 = tpu.memref_slice %arg16[%add3A_15, %dma_wait3A_127] : memref<10112x128xf32, #tpu.memory_space<vmem_shared>> -> memref<80x128xf32, #tpu.memory_space<vmem_shared>>
      %dma_wait3A_129 = arith.constant 0 : i32
      %dma_wait3A_130 = tpu.memref_slice %arg16[%add3A_15, %dma_wait3A_129] : memref<10112x128xf32, #tpu.memory_space<vmem_shared>> -> memref<80x128xf32, #tpu.memory_space<vmem_shared>>
      tpu.wait_dma2 semaphore(%run_scoped3A_122 : memref<!tpu.dma_semaphore, #tpu.memory_space<semaphore_mem>>) src(%arg7 : memref<80x128xf32, #tpu.memory_space<vmem>>) dst(%dma_wait3A_130 : memref<80x128xf32, #tpu.memory_space<vmem_shared>>)
      tpu.yield
    }) : () -> ()
    %add3A_16 = arith.constant 240 : i32
    %add3A_17 = arith.addi %mul3A_9, %add3A_16 : i32
    "tpu.region"() ({
      %run_scoped3A_122 = tpu.sem_alloc : memref<!tpu.dma_semaphore, #tpu.memory_space<semaphore_mem>>
      %dma_start3A_123 = arith.constant 0 : i32
      %dma_start3A_124 = tpu.memref_slice %arg16[%add3A_17, %dma_start3A_123] : memref<10112x128xf32, #tpu.memory_space<vmem_shared>> -> memref<80x128xf32, #tpu.memory_space<vmem_shared>>
      %dma_start3A_125 = arith.constant 0 : i32
      %dma_start3A_126 = tpu.memref_slice %arg16[%add3A_17, %dma_start3A_125] : memref<10112x128xf32, #tpu.memory_space<vmem_shared>> -> memref<80x128xf32, #tpu.memory_space<vmem_shared>>
      tpu.enqueue_dma source(%arg7 : memref<80x128xf32, #tpu.memory_space<vmem>>) target(%dma_start3A_126 : memref<80x128xf32, #tpu.memory_space<vmem_shared>>) target_semaphore(%run_scoped3A_122 : memref<!tpu.dma_semaphore, #tpu.memory_space<semaphore_mem>>)
      %dma_wait3A_127 = arith.constant 0 : i32
      %dma_wait3A_128 = tpu.memref_slice %arg16[%add3A_17, %dma_wait3A_127] : memref<10112x128xf32, #tpu.memory_space<vmem_shared>> -> memref<80x128xf32, #tpu.memory_space<vmem_shared>>
      %dma_wait3A_129 = arith.constant 0 : i32
      %dma_wait3A_130 = tpu.memref_slice %arg16[%add3A_17, %dma_wait3A_129] : memref<10112x128xf32, #tpu.memory_space<vmem_shared>> -> memref<80x128xf32, #tpu.memory_space<vmem_shared>>
      tpu.wait_dma2 semaphore(%run_scoped3A_122 : memref<!tpu.dma_semaphore, #tpu.memory_space<semaphore_mem>>) src(%arg7 : memref<80x128xf32, #tpu.memory_space<vmem>>) dst(%dma_wait3A_130 : memref<80x128xf32, #tpu.memory_space<vmem_shared>>)
      tpu.yield
    }) : () -> ()
    %add3A_18 = arith.constant 320 : i32
    %add3A_19 = arith.addi %mul3A_9, %add3A_18 : i32
    "tpu.region"() ({
      %run_scoped3A_122 = tpu.sem_alloc : memref<!tpu.dma_semaphore, #tpu.memory_space<semaphore_mem>>
      %dma_start3A_123 = arith.constant 0 : i32
      %dma_start3A_124 = tpu.memref_slice %arg16[%add3A_19, %dma_start3A_123] : memref<10112x128xf32, #tpu.memory_space<vmem_shared>> -> memref<80x128xf32, #tpu.memory_space<vmem_shared>>
      %dma_start3A_125 = arith.constant 0 : i32
      %dma_start3A_126 = tpu.memref_slice %arg16[%add3A_19, %dma_start3A_125] : memref<10112x128xf32, #tpu.memory_space<vmem_shared>> -> memref<80x128xf32, #tpu.memory_space<vmem_shared>>
      tpu.enqueue_dma source(%arg7 : memref<80x128xf32, #tpu.memory_space<vmem>>) target(%dma_start3A_126 : memref<80x128xf32, #tpu.memory_space<vmem_shared>>) target_semaphore(%run_scoped3A_122 : memref<!tpu.dma_semaphore, #tpu.memory_space<semaphore_mem>>)
      %dma_wait3A_127 = arith.constant 0 : i32
      %dma_wait3A_128 = tpu.memref_slice %arg16[%add3A_19, %dma_wait3A_127] : memref<10112x128xf32, #tpu.memory_space<vmem_shared>> -> memref<80x128xf32, #tpu.memory_space<vmem_shared>>
      %dma_wait3A_129 = arith.constant 0 : i32
      %dma_wait3A_130 = tpu.memref_slice %arg16[%add3A_19, %dma_wait3A_129] : memref<10112x128xf32, #tpu.memory_space<vmem_shared>> -> memref<80x128xf32, #tpu.memory_space<vmem_shared>>
      tpu.wait_dma2 semaphore(%run_scoped3A_122 : memref<!tpu.dma_semaphore, #tpu.memory_space<semaphore_mem>>) src(%arg7 : memref<80x128xf32, #tpu.memory_space<vmem>>) dst(%dma_wait3A_130 : memref<80x128xf32, #tpu.memory_space<vmem_shared>>)
      tpu.yield
    }) : () -> ()
    %add3A_20 = arith.constant 400 : i32
    %add3A_21 = arith.addi %mul3A_9, %add3A_20 : i32
    "tpu.region"() ({
      %run_scoped3A_122 = tpu.sem_alloc : memref<!tpu.dma_semaphore, #tpu.memory_space<semaphore_mem>>
      %dma_start3A_123 = arith.constant 0 : i32
      %dma_start3A_124 = tpu.memref_slice %arg16[%add3A_21, %dma_start3A_123] : memref<10112x128xf32, #tpu.memory_space<vmem_shared>> -> memref<80x128xf32, #tpu.memory_space<vmem_shared>>
      %dma_start3A_125 = arith.constant 0 : i32
      %dma_start3A_126 = tpu.memref_slice %arg16[%add3A_21, %dma_start3A_125] : memref<10112x128xf32, #tpu.memory_space<vmem_shared>> -> memref<80x128xf32, #tpu.memory_space<vmem_shared>>
      tpu.enqueue_dma source(%arg7 : memref<80x128xf32, #tpu.memory_space<vmem>>) target(%dma_start3A_126 : memref<80x128xf32, #tpu.memory_space<vmem_shared>>) target_semaphore(%run_scoped3A_122 : memref<!tpu.dma_semaphore, #tpu.memory_space<semaphore_mem>>)
      %dma_wait3A_127 = arith.constant 0 : i32
      %dma_wait3A_128 = tpu.memref_slice %arg16[%add3A_21, %dma_wait3A_127] : memref<10112x128xf32, #tpu.memory_space<vmem_shared>> -> memref<80x128xf32, #tpu.memory_space<vmem_shared>>
      %dma_wait3A_129 = arith.constant 0 : i32
      %dma_wait3A_130 = tpu.memref_slice %arg16[%add3A_21, %dma_wait3A_129] : memref<10112x128xf32, #tpu.memory_space<vmem_shared>> -> memref<80x128xf32, #tpu.memory_space<vmem_shared>>
      tpu.wait_dma2 semaphore(%run_scoped3A_122 : memref<!tpu.dma_semaphore, #tpu.memory_space<semaphore_mem>>) src(%arg7 : memref<80x128xf32, #tpu.memory_space<vmem>>) dst(%dma_wait3A_130 : memref<80x128xf32, #tpu.memory_space<vmem_shared>>)
      tpu.yield
    }) : () -> ()
    %add3A_22 = arith.constant 480 : i32
    %add3A_23 = arith.addi %mul3A_9, %add3A_22 : i32
    "tpu.region"() ({
      %run_scoped3A_122 = tpu.sem_alloc : memref<!tpu.dma_semaphore, #tpu.memory_space<semaphore_mem>>
      %dma_start3A_123 = arith.constant 0 : i32
      %dma_start3A_124 = tpu.memref_slice %arg16[%add3A_23, %dma_start3A_123] : memref<10112x128xf32, #tpu.memory_space<vmem_shared>> -> memref<80x128xf32, #tpu.memory_space<vmem_shared>>
      %dma_start3A_125 = arith.constant 0 : i32
      %dma_start3A_126 = tpu.memref_slice %arg16[%add3A_23, %dma_start3A_125] : memref<10112x128xf32, #tpu.memory_space<vmem_shared>> -> memref<80x128xf32, #tpu.memory_space<vmem_shared>>
      tpu.enqueue_dma source(%arg7 : memref<80x128xf32, #tpu.memory_space<vmem>>) target(%dma_start3A_126 : memref<80x128xf32, #tpu.memory_space<vmem_shared>>) target_semaphore(%run_scoped3A_122 : memref<!tpu.dma_semaphore, #tpu.memory_space<semaphore_mem>>)
      %dma_wait3A_127 = arith.constant 0 : i32
      %dma_wait3A_128 = tpu.memref_slice %arg16[%add3A_23, %dma_wait3A_127] : memref<10112x128xf32, #tpu.memory_space<vmem_shared>> -> memref<80x128xf32, #tpu.memory_space<vmem_shared>>
      %dma_wait3A_129 = arith.constant 0 : i32
      %dma_wait3A_130 = tpu.memref_slice %arg16[%add3A_23, %dma_wait3A_129] : memref<10112x128xf32, #tpu.memory_space<vmem_shared>> -> memref<80x128xf32, #tpu.memory_space<vmem_shared>>
      tpu.wait_dma2 semaphore(%run_scoped3A_122 : memref<!tpu.dma_semaphore, #tpu.memory_space<semaphore_mem>>) src(%arg7 : memref<80x128xf32, #tpu.memory_space<vmem>>) dst(%dma_wait3A_130 : memref<80x128xf32, #tpu.memory_space<vmem_shared>>)
      tpu.yield
    }) : () -> ()
    %add3A_24 = arith.constant 560 : i32
    %add3A_25 = arith.addi %mul3A_9, %add3A_24 : i32
    "tpu.region"() ({
      %run_scoped3A_122 = tpu.sem_alloc : memref<!tpu.dma_semaphore, #tpu.memory_space<semaphore_mem>>
      %dma_start3A_123 = arith.constant 0 : i32
      %dma_start3A_124 = arith.constant 0 : i32
      %dma_start3A_125 = tpu.memref_slice %arg7[%dma_start3A_123, %dma_start3A_124] : memref<80x128xf32, #tpu.memory_space<vmem>> -> memref<72x128xf32, #tpu.memory_space<vmem>>
      %dma_start3A_126 = arith.constant 0 : i32
      %dma_start3A_127 = tpu.memref_slice %arg16[%add3A_25, %dma_start3A_126] : memref<10112x128xf32, #tpu.memory_space<vmem_shared>> -> memref<72x128xf32, #tpu.memory_space<vmem_shared>>
      %dma_start3A_128 = arith.constant 0 : i32
      %dma_start3A_129 = tpu.memref_slice %arg16[%add3A_25, %dma_start3A_128] : memref<10112x128xf32, #tpu.memory_space<vmem_shared>> -> memref<72x128xf32, #tpu.memory_space<vmem_shared>>
      %dma_start3A_130 = arith.constant 0 : i32
      %dma_start3A_131 = arith.constant 0 : i32
      %dma_start3A_132 = tpu.memref_slice %arg7[%dma_start3A_130, %dma_start3A_131] : memref<80x128xf32, #tpu.memory_space<vmem>> -> memref<72x128xf32, #tpu.memory_space<vmem>>
      tpu.enqueue_dma source(%dma_start3A_132 : memref<72x128xf32, #tpu.memory_space<vmem>>) target(%dma_start3A_129 : memref<72x128xf32, #tpu.memory_space<vmem_shared>>) target_semaphore(%run_scoped3A_122 : memref<!tpu.dma_semaphore, #tpu.memory_space<semaphore_mem>>)
      %dma_wait3A_133 = arith.constant 0 : i32
      %dma_wait3A_134 = arith.constant 0 : i32
      %dma_wait3A_135 = tpu.memref_slice %arg7[%dma_wait3A_133, %dma_wait3A_134] : memref<80x128xf32, #tpu.memory_space<vmem>> -> memref<72x128xf32, #tpu.memory_space<vmem>>
      %dma_wait3A_136 = arith.constant 0 : i32
      %dma_wait3A_137 = tpu.memref_slice %arg16[%add3A_25, %dma_wait3A_136] : memref<10112x128xf32, #tpu.memory_space<vmem_shared>> -> memref<72x128xf32, #tpu.memory_space<vmem_shared>>
      %dma_wait3A_138 = arith.constant 0 : i32
      %dma_wait3A_139 = tpu.memref_slice %arg16[%add3A_25, %dma_wait3A_138] : memref<10112x128xf32, #tpu.memory_space<vmem_shared>> -> memref<72x128xf32, #tpu.memory_space<vmem_shared>>
      %dma_wait3A_140 = arith.constant 0 : i32
      %dma_wait3A_141 = arith.constant 0 : i32
      %dma_wait3A_142 = tpu.memref_slice %arg7[%dma_wait3A_140, %dma_wait3A_141] : memref<80x128xf32, #tpu.memory_space<vmem>> -> memref<72x128xf32, #tpu.memory_space<vmem>>
      tpu.wait_dma2 semaphore(%run_scoped3A_122 : memref<!tpu.dma_semaphore, #tpu.memory_space<semaphore_mem>>) src(%dma_wait3A_142 : memref<72x128xf32, #tpu.memory_space<vmem>>) dst(%dma_wait3A_139 : memref<72x128xf32, #tpu.memory_space<vmem_shared>>)
      tpu.yield
    }) : () -> ()
    %barrier3A = arith.constant 0 : index
    tpu.barrier barrier_id(%barrier3A)
    %mul3A_26 = arith.constant 125 : i32
    %mul3A_27 = arith.muli %add3A, %mul3A_26 : i32
    %add3A_28 = arith.constant 0 : i32
    %add3A_29 = arith.addi %mul3A_27, %add3A_28 : i32
    "tpu.region"() ({
      %run_scoped3A_122 = tpu.sem_alloc : memref<!tpu.dma_semaphore, #tpu.memory_space<semaphore_mem>>
      %dma_start3A_123 = arith.constant 0 : i32
      %dma_start3A_124 = arith.constant 0 : i32
      %dma_start3A_125 = tpu.memref_slice %arg4[%add3A_29, %dma_start3A_123, %dma_start3A_124] : memref<4000x3x80xi32, #tpu.memory_space<hbm>> -> memref<1x3x80xi32, #tpu.memory_space<hbm>>
      %dma_start3A_126 = tpu.memref_squeeze %dma_start3A_125 : memref<1x3x80xi32, #tpu.memory_space<hbm>> -> memref<3x80xi32, #tpu.memory_space<hbm>>
      %dma_start3A_127 = arith.constant 0 : i32
      %dma_start3A_128 = arith.constant 0 : i32
      %dma_start3A_129 = tpu.memref_slice %arg4[%add3A_29, %dma_start3A_127, %dma_start3A_128] : memref<4000x3x80xi32, #tpu.memory_space<hbm>> -> memref<1x3x80xi32, #tpu.memory_space<hbm>>
      %dma_start3A_130 = tpu.memref_squeeze %dma_start3A_129 : memref<1x3x80xi32, #tpu.memory_space<hbm>> -> memref<3x80xi32, #tpu.memory_space<hbm>>
      tpu.enqueue_dma source(%dma_start3A_130 : memref<3x80xi32, #tpu.memory_space<hbm>>) target(%arg6 : memref<3x80xi32, #tpu.memory_space<vmem>>) target_semaphore(%run_scoped3A_122 : memref<!tpu.dma_semaphore, #tpu.memory_space<semaphore_mem>>)
      %dma_wait3A_131 = arith.constant 0 : i32
      %dma_wait3A_132 = arith.constant 0 : i32
      %dma_wait3A_133 = tpu.memref_slice %arg4[%add3A_29, %dma_wait3A_131, %dma_wait3A_132] : memref<4000x3x80xi32, #tpu.memory_space<hbm>> -> memref<1x3x80xi32, #tpu.memory_space<hbm>>
      %dma_wait3A_134 = tpu.memref_squeeze %dma_wait3A_133 : memref<1x3x80xi32, #tpu.memory_space<hbm>> -> memref<3x80xi32, #tpu.memory_space<hbm>>
      %dma_wait3A_135 = arith.constant 0 : i32
      %dma_wait3A_136 = arith.constant 0 : i32
      %dma_wait3A_137 = tpu.memref_slice %arg4[%add3A_29, %dma_wait3A_135, %dma_wait3A_136] : memref<4000x3x80xi32, #tpu.memory_space<hbm>> -> memref<1x3x80xi32, #tpu.memory_space<hbm>>
      %dma_wait3A_138 = tpu.memref_squeeze %dma_wait3A_137 : memref<1x3x80xi32, #tpu.memory_space<hbm>> -> memref<3x80xi32, #tpu.memory_space<hbm>>
      tpu.wait_dma2 semaphore(%run_scoped3A_122 : memref<!tpu.dma_semaphore, #tpu.memory_space<semaphore_mem>>) src(%dma_wait3A_138 : memref<3x80xi32, #tpu.memory_space<hbm>>) dst(%arg6 : memref<3x80xi32, #tpu.memory_space<vmem>>)
      tpu.yield
    }) : () -> ()
    %dma_start3A = arith.constant 0 : i32
    %dma_start3A_30 = arith.constant 0 : i32
    %dma_start3A_31 = tpu.memref_slice %arg6[%dma_start3A, %dma_start3A_30] : memref<3x80xi32, #tpu.memory_space<vmem>> -> memref<1x80xi32, #tpu.memory_space<vmem>>
    %dma_start3A_32 = tpu.memref_squeeze %dma_start3A_31 : memref<1x80xi32, #tpu.memory_space<vmem>> -> memref<80xi32, #tpu.memory_space<vmem>>
    %dma_start3A_33 = arith.constant 0 : i32
    %dma_start3A_34 = arith.constant 0 : i32
    %dma_start3A_35 = tpu.memref_slice %arg2[%dma_start3A_33, %dma_start3A_34] : memref<10112x128xf32, #tpu.memory_space<hbm>> -> memref<10112x128xf32, #tpu.memory_space<hbm>>
    tpu.enqueue_indirect_dma source(%dma_start3A_35 : memref<10112x128xf32, #tpu.memory_space<hbm>>) target(%arg7 : memref<80x128xf32, #tpu.memory_space<vmem>>) offsets(%dma_start3A_32 : memref<80xi32, #tpu.memory_space<vmem>>) semaphore(%arg12 : memref<!tpu.dma_semaphore, #tpu.memory_space<semaphore_mem>>)
    %dma_start3A_36 = arith.constant 2 : i32
    %dma_start3A_37 = arith.constant 0 : i32
    %dma_start3A_38 = tpu.memref_slice %arg6[%dma_start3A_36, %dma_start3A_37] : memref<3x80xi32, #tpu.memory_space<vmem>> -> memref<1x80xi32, #tpu.memory_space<vmem>>
    %dma_start3A_39 = tpu.memref_squeeze %dma_start3A_38 : memref<1x80xi32, #tpu.memory_space<vmem>> -> memref<80xi32, #tpu.memory_space<vmem>>
    %dma_start3A_40 = arith.constant 0 : i32
    %dma_start3A_41 = arith.constant 0 : i32
    %dma_start3A_42 = tpu.memref_slice %arg3[%dma_start3A_40, %dma_start3A_41] : memref<4096x128xf32, #tpu.memory_space<hbm>> -> memref<4096x128xf32, #tpu.memory_space<hbm>>
    tpu.enqueue_indirect_dma source(%dma_start3A_42 : memref<4096x128xf32, #tpu.memory_space<hbm>>) target(%arg8 : memref<80x128xf32, #tpu.memory_space<vmem>>) offsets(%dma_start3A_39 : memref<80xi32, #tpu.memory_space<vmem>>) semaphore(%arg13 : memref<!tpu.dma_semaphore, #tpu.memory_space<semaphore_mem>>)
    %add3A_43 = arith.constant 1 : i32
    %add3A_44 = arith.addi %mul3A_27, %add3A_43 : i32
    "tpu.region"() ({
      %run_scoped3A_122 = tpu.sem_alloc : memref<!tpu.dma_semaphore, #tpu.memory_space<semaphore_mem>>
      %dma_start3A_123 = arith.constant 0 : i32
      %dma_start3A_124 = arith.constant 0 : i32
      %dma_start3A_125 = tpu.memref_slice %arg4[%add3A_44, %dma_start3A_123, %dma_start3A_124] : memref<4000x3x80xi32, #tpu.memory_space<hbm>> -> memref<1x3x80xi32, #tpu.memory_space<hbm>>
      %dma_start3A_126 = tpu.memref_squeeze %dma_start3A_125 : memref<1x3x80xi32, #tpu.memory_space<hbm>> -> memref<3x80xi32, #tpu.memory_space<hbm>>
      %dma_start3A_127 = arith.constant 0 : i32
      %dma_start3A_128 = arith.constant 0 : i32
      %dma_start3A_129 = tpu.memref_slice %arg4[%add3A_44, %dma_start3A_127, %dma_start3A_128] : memref<4000x3x80xi32, #tpu.memory_space<hbm>> -> memref<1x3x80xi32, #tpu.memory_space<hbm>>
      %dma_start3A_130 = tpu.memref_squeeze %dma_start3A_129 : memref<1x3x80xi32, #tpu.memory_space<hbm>> -> memref<3x80xi32, #tpu.memory_space<hbm>>
      tpu.enqueue_dma source(%dma_start3A_130 : memref<3x80xi32, #tpu.memory_space<hbm>>) target(%arg9 : memref<3x80xi32, #tpu.memory_space<vmem>>) target_semaphore(%run_scoped3A_122 : memref<!tpu.dma_semaphore, #tpu.memory_space<semaphore_mem>>)
      %dma_wait3A_131 = arith.constant 0 : i32
      %dma_wait3A_132 = arith.constant 0 : i32
      %dma_wait3A_133 = tpu.memref_slice %arg4[%add3A_44, %dma_wait3A_131, %dma_wait3A_132] : memref<4000x3x80xi32, #tpu.memory_space<hbm>> -> memref<1x3x80xi32, #tpu.memory_space<hbm>>
      %dma_wait3A_134 = tpu.memref_squeeze %dma_wait3A_133 : memref<1x3x80xi32, #tpu.memory_space<hbm>> -> memref<3x80xi32, #tpu.memory_space<hbm>>
      %dma_wait3A_135 = arith.constant 0 : i32
      %dma_wait3A_136 = arith.constant 0 : i32
      %dma_wait3A_137 = tpu.memref_slice %arg4[%add3A_44, %dma_wait3A_135, %dma_wait3A_136] : memref<4000x3x80xi32, #tpu.memory_space<hbm>> -> memref<1x3x80xi32, #tpu.memory_space<hbm>>
      %dma_wait3A_138 = tpu.memref_squeeze %dma_wait3A_137 : memref<1x3x80xi32, #tpu.memory_space<hbm>> -> memref<3x80xi32, #tpu.memory_space<hbm>>
      tpu.wait_dma2 semaphore(%run_scoped3A_122 : memref<!tpu.dma_semaphore, #tpu.memory_space<semaphore_mem>>) src(%dma_wait3A_138 : memref<3x80xi32, #tpu.memory_space<hbm>>) dst(%arg9 : memref<3x80xi32, #tpu.memory_space<vmem>>)
      tpu.yield
    }) : () -> ()
    %dma_start3A_45 = arith.constant 0 : i32
    %dma_start3A_46 = arith.constant 0 : i32
    %dma_start3A_47 = tpu.memref_slice %arg9[%dma_start3A_45, %dma_start3A_46] : memref<3x80xi32, #tpu.memory_space<vmem>> -> memref<1x80xi32, #tpu.memory_space<vmem>>
    %dma_start3A_48 = tpu.memref_squeeze %dma_start3A_47 : memref<1x80xi32, #tpu.memory_space<vmem>> -> memref<80xi32, #tpu.memory_space<vmem>>
    %dma_start3A_49 = arith.constant 0 : i32
    %dma_start3A_50 = arith.constant 0 : i32
    %dma_start3A_51 = tpu.memref_slice %arg2[%dma_start3A_49, %dma_start3A_50] : memref<10112x128xf32, #tpu.memory_space<hbm>> -> memref<10112x128xf32, #tpu.memory_space<hbm>>
    tpu.enqueue_indirect_dma source(%dma_start3A_51 : memref<10112x128xf32, #tpu.memory_space<hbm>>) target(%arg10 : memref<80x128xf32, #tpu.memory_space<vmem>>) offsets(%dma_start3A_48 : memref<80xi32, #tpu.memory_space<vmem>>) semaphore(%arg14 : memref<!tpu.dma_semaphore, #tpu.memory_space<semaphore_mem>>)
    %dma_start3A_52 = arith.constant 2 : i32
    %dma_start3A_53 = arith.constant 0 : i32
    %dma_start3A_54 = tpu.memref_slice %arg9[%dma_start3A_52, %dma_start3A_53] : memref<3x80xi32, #tpu.memory_space<vmem>> -> memref<1x80xi32, #tpu.memory_space<vmem>>
    %dma_start3A_55 = tpu.memref_squeeze %dma_start3A_54 : memref<1x80xi32, #tpu.memory_space<vmem>> -> memref<80xi32, #tpu.memory_space<vmem>>
    %dma_start3A_56 = arith.constant 0 : i32
    %dma_start3A_57 = arith.constant 0 : i32
    %dma_start3A_58 = tpu.memref_slice %arg3[%dma_start3A_56, %dma_start3A_57] : memref<4096x128xf32, #tpu.memory_space<hbm>> -> memref<4096x128xf32, #tpu.memory_space<hbm>>
    tpu.enqueue_indirect_dma source(%dma_start3A_58 : memref<4096x128xf32, #tpu.memory_space<hbm>>) target(%arg11 : memref<80x128xf32, #tpu.memory_space<vmem>>) offsets(%dma_start3A_55 : memref<80xi32, #tpu.memory_space<vmem>>) semaphore(%arg15 : memref<!tpu.dma_semaphore, #tpu.memory_space<semaphore_mem>>)
    %scan3A_59 = arith.constant 0 : i32
    %scan3A_60 = arith.constant 0 : i32
    %scan3A_61 = arith.constant 62 : i32
    %scan3A_62 = arith.addi %scan3A_60, %scan3A_61 : i32
    %scan3A_63 = arith.constant 1 : i32
    %scan3A_64 = scf.for %scan3A_122 = %scan3A_60 to %scan3A_62 step %scan3A_63 iter_args(%scan3A_123 = %scan3A_59) -> (i32)  : i32 {
      %mul3A_124 = arith.constant 2 : i32
      %mul3A_125 = arith.muli %scan3A_122, %mul3A_124 : i32
      %add3A_126 = arith.constant 0 : i32
      %add3A_127 = arith.addi %mul3A_125, %add3A_126 : i32
      %dma_wait3A_128 = arith.constant 0 : i32
      %dma_wait3A_129 = arith.constant 0 : i32
      %dma_wait3A_130 = tpu.memref_slice %arg6[%dma_wait3A_128, %dma_wait3A_129] : memref<3x80xi32, #tpu.memory_space<vmem>> -> memref<1x80xi32, #tpu.memory_space<vmem>>
      %dma_wait3A_131 = tpu.memref_squeeze %dma_wait3A_130 : memref<1x80xi32, #tpu.memory_space<vmem>> -> memref<80xi32, #tpu.memory_space<vmem>>
      %dma_wait3A_132 = arith.constant 0 : i32
      %dma_wait3A_133 = arith.constant 0 : i32
      %dma_wait3A_134 = tpu.memref_slice %arg2[%dma_wait3A_132, %dma_wait3A_133] : memref<10112x128xf32, #tpu.memory_space<hbm>> -> memref<10112x128xf32, #tpu.memory_space<hbm>>
      tpu.wait_indirect_dma semaphore(%arg12 : memref<!tpu.dma_semaphore, #tpu.memory_space<semaphore_mem>>) src(%dma_wait3A_134 : memref<10112x128xf32, #tpu.memory_space<hbm>>) dst(%arg7 : memref<80x128xf32, #tpu.memory_space<vmem>>)
      %dma_wait3A_135 = arith.constant 2 : i32
      %dma_wait3A_136 = arith.constant 0 : i32
      %dma_wait3A_137 = tpu.memref_slice %arg6[%dma_wait3A_135, %dma_wait3A_136] : memref<3x80xi32, #tpu.memory_space<vmem>> -> memref<1x80xi32, #tpu.memory_space<vmem>>
      %dma_wait3A_138 = tpu.memref_squeeze %dma_wait3A_137 : memref<1x80xi32, #tpu.memory_space<vmem>> -> memref<80xi32, #tpu.memory_space<vmem>>
      %dma_wait3A_139 = arith.constant 0 : i32
      %dma_wait3A_140 = arith.constant 0 : i32
      %dma_wait3A_141 = tpu.memref_slice %arg3[%dma_wait3A_139, %dma_wait3A_140] : memref<4096x128xf32, #tpu.memory_space<hbm>> -> memref<4096x128xf32, #tpu.memory_space<hbm>>
      tpu.wait_indirect_dma semaphore(%arg13 : memref<!tpu.dma_semaphore, #tpu.memory_space<semaphore_mem>>) src(%dma_wait3A_141 : memref<4096x128xf32, #tpu.memory_space<hbm>>) dst(%arg8 : memref<80x128xf32, #tpu.memory_space<vmem>>)
      %scan3A_142 = arith.constant 0 : i32
      %scan3A_143 = arith.constant 0 : i32
      %scan3A_144 = arith.constant 80 : i32
      %scan3A_145 = arith.addi %scan3A_143, %scan3A_144 : i32
      %scan3A_146 = arith.constant 1 : i32
      %scan3A_147 = scf.for %scan3A_188 = %scan3A_143 to %scan3A_145 step %scan3A_146 iter_args(%scan3A_189 = %scan3A_142) -> (i32)  : i32 {
        %get3A = arith.index_cast %scan3A_188 : i32 to index
        %get3A_190 = arith.constant 0 : index
        %get3A_191 = tpu.vector_load %arg7[%get3A, %get3A_190] {strides = array<i32>} : memref<80x128xf32, #tpu.memory_space<vmem>>, vector<1x16xf32>,
        %get3A_192 = vector.shape_cast %get3A_191 : vector<1x16xf32> to vector<16xf32>
        %get3A_193 = arith.index_cast %scan3A_188 : i32 to index
        %get3A_194 = arith.constant 0 : index
        %get3A_195 = tpu.vector_load %arg8[%get3A_193, %get3A_194] {strides = array<i32>} : memref<80x128xf32, #tpu.memory_space<vmem>>, vector<1x16xf32>,
        %get3A_196 = vector.shape_cast %get3A_195 : vector<1x16xf32> to vector<16xf32>
        %add3A_197 = arith.addf %get3A_192, %get3A_196 : vector<16xf32>
        %max3A = arith.constant 0.000000e+00 : f32
        %max3A_198 = vector.broadcast %max3A : f32 to vector<16xf32>
        %max3A_199 = arith.maximumf %add3A_197, %max3A_198 : vector<16xf32>
        %swap3A = arith.index_cast %scan3A_188 : i32 to index
        %swap3A_200 = arith.constant 0 : index
        %swap3A_201 = tpu.vector_load %arg7[%swap3A, %swap3A_200] {strides = array<i32>} : memref<80x128xf32, #tpu.memory_space<vmem>>, vector<1x16xf32>,
        %swap3A_202 = vector.shape_cast %swap3A_201 : vector<1x16xf32> to vector<16xf32>
        %swap3A_203 = vector.shape_cast %max3A_199 : vector<16xf32> to vector<1x16xf32>
        tpu.vector_store %arg7[%swap3A, %swap3A_200], %swap3A_203 {strides = array<i32>} : memref<80x128xf32, #tpu.memory_space<vmem>>, vector<1x16xf32>,
        %get3A_204 = arith.index_cast %scan3A_188 : i32 to index
        %get3A_205 = arith.constant 16 : index
        %get3A_206 = tpu.vector_load %arg7[%get3A_204, %get3A_205] {strides = array<i32>} : memref<80x128xf32, #tpu.memory_space<vmem>>, vector<1x16xf32>,
        %get3A_207 = vector.shape_cast %get3A_206 : vector<1x16xf32> to vector<16xf32>
        %get3A_208 = arith.index_cast %scan3A_188 : i32 to index
        %get3A_209 = arith.constant 16 : index
        %get3A_210 = tpu.vector_load %arg8[%get3A_208, %get3A_209] {strides = array<i32>} : memref<80x128xf32, #tpu.memory_space<vmem>>, vector<1x16xf32>,
        %get3A_211 = vector.shape_cast %get3A_210 : vector<1x16xf32> to vector<16xf32>
        %add3A_212 = arith.addf %get3A_207, %get3A_211 : vector<16xf32>
        %max3A_213 = arith.constant 0.000000e+00 : f32
        %max3A_214 = vector.broadcast %max3A_213 : f32 to vector<16xf32>
        %max3A_215 = arith.maximumf %add3A_212, %max3A_214 : vector<16xf32>
        %swap3A_216 = arith.index_cast %scan3A_188 : i32 to index
        %swap3A_217 = arith.constant 16 : index
        %swap3A_218 = tpu.vector_load %arg7[%swap3A_216, %swap3A_217] {strides = array<i32>} : memref<80x128xf32, #tpu.memory_space<vmem>>, vector<1x16xf32>,
        %swap3A_219 = vector.shape_cast %swap3A_218 : vector<1x16xf32> to vector<16xf32>
        %swap3A_220 = vector.shape_cast %max3A_215 : vector<16xf32> to vector<1x16xf32>
        tpu.vector_store %arg7[%swap3A_216, %swap3A_217], %swap3A_220 {strides = array<i32>} : memref<80x128xf32, #tpu.memory_space<vmem>>, vector<1x16xf32>,
        %get3A_221 = arith.index_cast %scan3A_188 : i32 to index
        %get3A_222 = arith.constant 32 : index
        %get3A_223 = tpu.vector_load %arg7[%get3A_221, %get3A_222] {strides = array<i32>} : memref<80x128xf32, #tpu.memory_space<vmem>>, vector<1x16xf32>,
        %get3A_224 = vector.shape_cast %get3A_223 : vector<1x16xf32> to vector<16xf32>
        %get3A_225 = arith.index_cast %scan3A_188 : i32 to index
        %get3A_226 = arith.constant 32 : index
        %get3A_227 = tpu.vector_load %arg8[%get3A_225, %get3A_226] {strides = array<i32>} : memref<80x128xf32, #tpu.memory_space<vmem>>, vector<1x16xf32>,
        %get3A_228 = vector.shape_cast %get3A_227 : vector<1x16xf32> to vector<16xf32>
        %add3A_229 = arith.addf %get3A_224, %get3A_228 : vector<16xf32>
        %max3A_230 = arith.constant 0.000000e+00 : f32
        %max3A_231 = vector.broadcast %max3A_230 : f32 to vector<16xf32>
        %max3A_232 = arith.maximumf %add3A_229, %max3A_231 : vector<16xf32>
        %swap3A_233 = arith.index_cast %scan3A_188 : i32 to index
        %swap3A_234 = arith.constant 32 : index
        %swap3A_235 = tpu.vector_load %arg7[%swap3A_233, %swap3A_234] {strides = array<i32>} : memref<80x128xf32, #tpu.memory_space<vmem>>, vector<1x16xf32>,
        %swap3A_236 = vector.shape_cast %swap3A_235 : vector<1x16xf32> to vector<16xf32>
        %swap3A_237 = vector.shape_cast %max3A_232 : vector<16xf32> to vector<1x16xf32>
        tpu.vector_store %arg7[%swap3A_233, %swap3A_234], %swap3A_237 {strides = array<i32>} : memref<80x128xf32, #tpu.memory_space<vmem>>, vector<1x16xf32>,
        %get3A_238 = arith.index_cast %scan3A_188 : i32 to index
        %get3A_239 = arith.constant 48 : index
        %get3A_240 = tpu.vector_load %arg7[%get3A_238, %get3A_239] {strides = array<i32>} : memref<80x128xf32, #tpu.memory_space<vmem>>, vector<1x16xf32>,
        %get3A_241 = vector.shape_cast %get3A_240 : vector<1x16xf32> to vector<16xf32>
        %get3A_242 = arith.index_cast %scan3A_188 : i32 to index
        %get3A_243 = arith.constant 48 : index
        %get3A_244 = tpu.vector_load %arg8[%get3A_242, %get3A_243] {strides = array<i32>} : memref<80x128xf32, #tpu.memory_space<vmem>>, vector<1x16xf32>,
        %get3A_245 = vector.shape_cast %get3A_244 : vector<1x16xf32> to vector<16xf32>
        %add3A_246 = arith.addf %get3A_241, %get3A_245 : vector<16xf32>
        %max3A_247 = arith.constant 0.000000e+00 : f32
        %max3A_248 = vector.broadcast %max3A_247 : f32 to vector<16xf32>
        %max3A_249 = arith.maximumf %add3A_246, %max3A_248 : vector<16xf32>
        %swap3A_250 = arith.index_cast %scan3A_188 : i32 to index
        %swap3A_251 = arith.constant 48 : index
        %swap3A_252 = tpu.vector_load %arg7[%swap3A_250, %swap3A_251] {strides = array<i32>} : memref<80x128xf32, #tpu.memory_space<vmem>>, vector<1x16xf32>,
        %swap3A_253 = vector.shape_cast %swap3A_252 : vector<1x16xf32> to vector<16xf32>
        %swap3A_254 = vector.shape_cast %max3A_249 : vector<16xf32> to vector<1x16xf32>
        tpu.vector_store %arg7[%swap3A_250, %swap3A_251], %swap3A_254 {strides = array<i32>} : memref<80x128xf32, #tpu.memory_space<vmem>>, vector<1x16xf32>,
        %get3A_255 = arith.index_cast %scan3A_188 : i32 to index
        %get3A_256 = arith.constant 64 : index
        %get3A_257 = tpu.vector_load %arg7[%get3A_255, %get3A_256] {strides = array<i32>} : memref<80x128xf32, #tpu.memory_space<vmem>>, vector<1x16xf32>,
        %get3A_258 = vector.shape_cast %get3A_257 : vector<1x16xf32> to vector<16xf32>
        %get3A_259 = arith.index_cast %scan3A_188 : i32 to index
        %get3A_260 = arith.constant 64 : index
        %get3A_261 = tpu.vector_load %arg8[%get3A_259, %get3A_260] {strides = array<i32>} : memref<80x128xf32, #tpu.memory_space<vmem>>, vector<1x16xf32>,
        %get3A_262 = vector.shape_cast %get3A_261 : vector<1x16xf32> to vector<16xf32>
        %add3A_263 = arith.addf %get3A_258, %get3A_262 : vector<16xf32>
        %max3A_264 = arith.constant 0.000000e+00 : f32
        %max3A_265 = vector.broadcast %max3A_264 : f32 to vector<16xf32>
        %max3A_266 = arith.maximumf %add3A_263, %max3A_265 : vector<16xf32>
        %swap3A_267 = arith.index_cast %scan3A_188 : i32 to index
        %swap3A_268 = arith.constant 64 : index
        %swap3A_269 = tpu.vector_load %arg7[%swap3A_267, %swap3A_268] {strides = array<i32>} : memref<80x128xf32, #tpu.memory_space<vmem>>, vector<1x16xf32>,
        %swap3A_270 = vector.shape_cast %swap3A_269 : vector<1x16xf32> to vector<16xf32>
        %swap3A_271 = vector.shape_cast %max3A_266 : vector<16xf32> to vector<1x16xf32>
        tpu.vector_store %arg7[%swap3A_267, %swap3A_268], %swap3A_271 {strides = array<i32>} : memref<80x128xf32, #tpu.memory_space<vmem>>, vector<1x16xf32>,
        %get3A_272 = arith.index_cast %scan3A_188 : i32 to index
        %get3A_273 = arith.constant 80 : index
        %get3A_274 = tpu.vector_load %arg7[%get3A_272, %get3A_273] {strides = array<i32>} : memref<80x128xf32, #tpu.memory_space<vmem>>, vector<1x16xf32>,
        %get3A_275 = vector.shape_cast %get3A_274 : vector<1x16xf32> to vector<16xf32>
        %get3A_276 = arith.index_cast %scan3A_188 : i32 to index
        %get3A_277 = arith.constant 80 : index
        %get3A_278 = tpu.vector_load %arg8[%get3A_276, %get3A_277] {strides = array<i32>} : memref<80x128xf32, #tpu.memory_space<vmem>>, vector<1x16xf32>,
        %get3A_279 = vector.shape_cast %get3A_278 : vector<1x16xf32> to vector<16xf32>
        %add3A_280 = arith.addf %get3A_275, %get3A_279 : vector<16xf32>
        %max3A_281 = arith.constant 0.000000e+00 : f32
        %max3A_282 = vector.broadcast %max3A_281 : f32 to vector<16xf32>
        %max3A_283 = arith.maximumf %add3A_280, %max3A_282 : vector<16xf32>
        %swap3A_284 = arith.index_cast %scan3A_188 : i32 to index
        %swap3A_285 = arith.constant 80 : index
        %swap3A_286 = tpu.vector_load %arg7[%swap3A_284, %swap3A_285] {strides = array<i32>} : memref<80x128xf32, #tpu.memory_space<vmem>>, vector<1x16xf32>,
        %swap3A_287 = vector.shape_cast %swap3A_286 : vector<1x16xf32> to vector<16xf32>
        %swap3A_288 = vector.shape_cast %max3A_283 : vector<16xf32> to vector<1x16xf32>
        tpu.vector_store %arg7[%swap3A_284, %swap3A_285], %swap3A_288 {strides = array<i32>} : memref<80x128xf32, #tpu.memory_space<vmem>>, vector<1x16xf32>,
        %get3A_289 = arith.index_cast %scan3A_188 : i32 to index
        %get3A_290 = arith.constant 96 : index
        %get3A_291 = tpu.vector_load %arg7[%get3A_289, %get3A_290] {strides = array<i32>} : memref<80x128xf32, #tpu.memory_space<vmem>>, vector<1x16xf32>,
        %get3A_292 = vector.shape_cast %get3A_291 : vector<1x16xf32> to vector<16xf32>
        %get3A_293 = arith.index_cast %scan3A_188 : i32 to index
        %get3A_294 = arith.constant 96 : index
        %get3A_295 = tpu.vector_load %arg8[%get3A_293, %get3A_294] {strides = array<i32>} : memref<80x128xf32, #tpu.memory_space<vmem>>, vector<1x16xf32>,
        %get3A_296 = vector.shape_cast %get3A_295 : vector<1x16xf32> to vector<16xf32>
        %add3A_297 = arith.addf %get3A_292, %get3A_296 : vector<16xf32>
        %max3A_298 = arith.constant 0.000000e+00 : f32
        %max3A_299 = vector.broadcast %max3A_298 : f32 to vector<16xf32>
        %max3A_300 = arith.maximumf %add3A_297, %max3A_299 : vector<16xf32>
        %swap3A_301 = arith.index_cast %scan3A_188 : i32 to index
        %swap3A_302 = arith.constant 96 : index
        %swap3A_303 = tpu.vector_load %arg7[%swap3A_301, %swap3A_302] {strides = array<i32>} : memref<80x128xf32, #tpu.memory_space<vmem>>, vector<1x16xf32>,
        %swap3A_304 = vector.shape_cast %swap3A_303 : vector<1x16xf32> to vector<16xf32>
        %swap3A_305 = vector.shape_cast %max3A_300 : vector<16xf32> to vector<1x16xf32>
        tpu.vector_store %arg7[%swap3A_301, %swap3A_302], %swap3A_305 {strides = array<i32>} : memref<80x128xf32, #tpu.memory_space<vmem>>, vector<1x16xf32>,
        %get3A_306 = arith.index_cast %scan3A_188 : i32 to index
        %get3A_307 = arith.constant 112 : index
        %get3A_308 = tpu.vector_load %arg7[%get3A_306, %get3A_307] {strides = array<i32>} : memref<80x128xf32, #tpu.memory_space<vmem>>, vector<1x16xf32>,
        %get3A_309 = vector.shape_cast %get3A_308 : vector<1x16xf32> to vector<16xf32>
        %get3A_310 = arith.index_cast %scan3A_188 : i32 to index
        %get3A_311 = arith.constant 112 : index
        %get3A_312 = tpu.vector_load %arg8[%get3A_310, %get3A_311] {strides = array<i32>} : memref<80x128xf32, #tpu.memory_space<vmem>>, vector<1x16xf32>,
        %get3A_313 = vector.shape_cast %get3A_312 : vector<1x16xf32> to vector<16xf32>
        %add3A_314 = arith.addf %get3A_309, %get3A_313 : vector<16xf32>
        %max3A_315 = arith.constant 0.000000e+00 : f32
        %max3A_316 = vector.broadcast %max3A_315 : f32 to vector<16xf32>
        %max3A_317 = arith.maximumf %add3A_314, %max3A_316 : vector<16xf32>
        %swap3A_318 = arith.index_cast %scan3A_188 : i32 to index
        %swap3A_319 = arith.constant 112 : index
        %swap3A_320 = tpu.vector_load %arg7[%swap3A_318, %swap3A_319] {strides = array<i32>} : memref<80x128xf32, #tpu.memory_space<vmem>>, vector<1x16xf32>,
        %swap3A_321 = vector.shape_cast %swap3A_320 : vector<1x16xf32> to vector<16xf32>
        %swap3A_322 = vector.shape_cast %max3A_317 : vector<16xf32> to vector<1x16xf32>
        tpu.vector_store %arg7[%swap3A_318, %swap3A_319], %swap3A_322 {strides = array<i32>} : memref<80x128xf32, #tpu.memory_space<vmem>>, vector<1x16xf32>,
        %scan3A_323 = arith.constant 0 : i32
        scf.yield %scan3A_323 : i32
      }
      %scan3A_148 = arith.constant 80 : i32
      %run_scoped3A_149 = arith.constant 1 : i32
      "tpu.region"() ({
        %run_scoped3A_188 = tpu.sem_alloc : memref<!tpu.dma_semaphore, #tpu.memory_space<semaphore_mem>>
        %dma_start3A_189 = arith.constant 0 : i32
        %dma_start3A_190 = tpu.memref_slice %arg6[%run_scoped3A_149, %dma_start3A_189] : memref<3x80xi32, #tpu.memory_space<vmem>> -> memref<1x80xi32, #tpu.memory_space<vmem>>
        %dma_start3A_191 = tpu.memref_squeeze %dma_start3A_190 : memref<1x80xi32, #tpu.memory_space<vmem>> -> memref<80xi32, #tpu.memory_space<vmem>>
        %dma_start3A_192 = arith.constant 0 : i32
        %dma_start3A_193 = arith.constant 0 : i32
        %dma_start3A_194 = tpu.memref_slice %arg16[%dma_start3A_192, %dma_start3A_193] : memref<10112x128xf32, #tpu.memory_space<vmem_shared>> -> memref<10112x128xf32, #tpu.memory_space<vmem_shared>>
        tpu.enqueue_indirect_dma source(%arg7 : memref<80x128xf32, #tpu.memory_space<vmem>>) target(%dma_start3A_194 : memref<10112x128xf32, #tpu.memory_space<vmem_shared>>) offsets(%dma_start3A_191 : memref<80xi32, #tpu.memory_space<vmem>>) semaphore(%run_scoped3A_188 : memref<!tpu.dma_semaphore, #tpu.memory_space<semaphore_mem>>) {add = true}
        %dma_wait3A_195 = arith.constant 0 : i32
        %dma_wait3A_196 = tpu.memref_slice %arg6[%run_scoped3A_149, %dma_wait3A_195] : memref<3x80xi32, #tpu.memory_space<vmem>> -> memref<1x80xi32, #tpu.memory_space<vmem>>
        %dma_wait3A_197 = tpu.memref_squeeze %dma_wait3A_196 : memref<1x80xi32, #tpu.memory_space<vmem>> -> memref<80xi32, #tpu.memory_space<vmem>>
        %dma_wait3A_198 = arith.constant 0 : i32
        %dma_wait3A_199 = arith.constant 0 : i32
        %dma_wait3A_200 = tpu.memref_slice %arg16[%dma_wait3A_198, %dma_wait3A_199] : memref<10112x128xf32, #tpu.memory_space<vmem_shared>> -> memref<10112x128xf32, #tpu.memory_space<vmem_shared>>
        tpu.wait_indirect_dma semaphore(%run_scoped3A_188 : memref<!tpu.dma_semaphore, #tpu.memory_space<semaphore_mem>>) src(%arg7 : memref<80x128xf32, #tpu.memory_space<vmem>>) dst(%dma_wait3A_200 : memref<10112x128xf32, #tpu.memory_space<vmem_shared>>)
        tpu.yield
      }) : () -> ()
      %add3A_150 = arith.constant 2 : i32
      %add3A_151 = arith.addi %add3A_127, %add3A_150 : i32
      %lt3A = arith.constant 125 : i32
      %lt3A_152 = arith.cmpi slt, %add3A_151, %lt3A : i32
      %convert_element_type3A = arith.extui %lt3A_152 : i1 to i32
      %cond3A = arith.constant 0 : i32
      %cond3A_153 = arith.cmpi ne, %convert_element_type3A, %cond3A : i32
      scf.if %cond3A_153 {
        %add3A_188 = arith.addi %mul3A_27, %add3A_127 : i32
        %add3A_189 = arith.constant 2 : i32
        %add3A_190 = arith.addi %add3A_188, %add3A_189 : i32
        "tpu.region"() ({
          %run_scoped3A_205 = tpu.sem_alloc : memref<!tpu.dma_semaphore, #tpu.memory_space<semaphore_mem>>
          %dma_start3A_206 = arith.constant 0 : i32
          %dma_start3A_207 = arith.constant 0 : i32
          %dma_start3A_208 = tpu.memref_slice %arg4[%add3A_190, %dma_start3A_206, %dma_start3A_207] : memref<4000x3x80xi32, #tpu.memory_space<hbm>> -> memref<1x3x80xi32, #tpu.memory_space<hbm>>
          %dma_start3A_209 = tpu.memref_squeeze %dma_start3A_208 : memref<1x3x80xi32, #tpu.memory_space<hbm>> -> memref<3x80xi32, #tpu.memory_space<hbm>>
          %dma_start3A_210 = arith.constant 0 : i32
          %dma_start3A_211 = arith.constant 0 : i32
          %dma_start3A_212 = tpu.memref_slice %arg4[%add3A_190, %dma_start3A_210, %dma_start3A_211] : memref<4000x3x80xi32, #tpu.memory_space<hbm>> -> memref<1x3x80xi32, #tpu.memory_space<hbm>>
          %dma_start3A_213 = tpu.memref_squeeze %dma_start3A_212 : memref<1x3x80xi32, #tpu.memory_space<hbm>> -> memref<3x80xi32, #tpu.memory_space<hbm>>
          tpu.enqueue_dma source(%dma_start3A_213 : memref<3x80xi32, #tpu.memory_space<hbm>>) target(%arg6 : memref<3x80xi32, #tpu.memory_space<vmem>>) target_semaphore(%run_scoped3A_205 : memref<!tpu.dma_semaphore, #tpu.memory_space<semaphore_mem>>)
          %dma_wait3A_214 = arith.constant 0 : i32
          %dma_wait3A_215 = arith.constant 0 : i32
          %dma_wait3A_216 = tpu.memref_slice %arg4[%add3A_190, %dma_wait3A_214, %dma_wait3A_215] : memref<4000x3x80xi32, #tpu.memory_space<hbm>> -> memref<1x3x80xi32, #tpu.memory_space<hbm>>
          %dma_wait3A_217 = tpu.memref_squeeze %dma_wait3A_216 : memref<1x3x80xi32, #tpu.memory_space<hbm>> -> memref<3x80xi32, #tpu.memory_space<hbm>>
          %dma_wait3A_218 = arith.constant 0 : i32
          %dma_wait3A_219 = arith.constant 0 : i32
          %dma_wait3A_220 = tpu.memref_slice %arg4[%add3A_190, %dma_wait3A_218, %dma_wait3A_219] : memref<4000x3x80xi32, #tpu.memory_space<hbm>> -> memref<1x3x80xi32, #tpu.memory_space<hbm>>
          %dma_wait3A_221 = tpu.memref_squeeze %dma_wait3A_220 : memref<1x3x80xi32, #tpu.memory_space<hbm>> -> memref<3x80xi32, #tpu.memory_space<hbm>>
          tpu.wait_dma2 semaphore(%run_scoped3A_205 : memref<!tpu.dma_semaphore, #tpu.memory_space<semaphore_mem>>) src(%dma_wait3A_221 : memref<3x80xi32, #tpu.memory_space<hbm>>) dst(%arg6 : memref<3x80xi32, #tpu.memory_space<vmem>>)
          tpu.yield
        }) : () -> ()
        %dma_start3A_191 = arith.constant 0 : i32
        %dma_start3A_192 = arith.constant 0 : i32
        %dma_start3A_193 = tpu.memref_slice %arg6[%dma_start3A_191, %dma_start3A_192] : memref<3x80xi32, #tpu.memory_space<vmem>> -> memref<1x80xi32, #tpu.memory_space<vmem>>
        %dma_start3A_194 = tpu.memref_squeeze %dma_start3A_193 : memref<1x80xi32, #tpu.memory_space<vmem>> -> memref<80xi32, #tpu.memory_space<vmem>>
        %dma_start3A_195 = arith.constant 0 : i32
        %dma_start3A_196 = arith.constant 0 : i32
        %dma_start3A_197 = tpu.memref_slice %arg2[%dma_start3A_195, %dma_start3A_196] : memref<10112x128xf32, #tpu.memory_space<hbm>> -> memref<10112x128xf32, #tpu.memory_space<hbm>>
        tpu.enqueue_indirect_dma source(%dma_start3A_197 : memref<10112x128xf32, #tpu.memory_space<hbm>>) target(%arg7 : memref<80x128xf32, #tpu.memory_space<vmem>>) offsets(%dma_start3A_194 : memref<80xi32, #tpu.memory_space<vmem>>) semaphore(%arg12 : memref<!tpu.dma_semaphore, #tpu.memory_space<semaphore_mem>>)
        %dma_start3A_198 = arith.constant 2 : i32
        %dma_start3A_199 = arith.constant 0 : i32
        %dma_start3A_200 = tpu.memref_slice %arg6[%dma_start3A_198, %dma_start3A_199] : memref<3x80xi32, #tpu.memory_space<vmem>> -> memref<1x80xi32, #tpu.memory_space<vmem>>
        %dma_start3A_201 = tpu.memref_squeeze %dma_start3A_200 : memref<1x80xi32, #tpu.memory_space<vmem>> -> memref<80xi32, #tpu.memory_space<vmem>>
        %dma_start3A_202 = arith.constant 0 : i32
        %dma_start3A_203 = arith.constant 0 : i32
        %dma_start3A_204 = tpu.memref_slice %arg3[%dma_start3A_202, %dma_start3A_203] : memref<4096x128xf32, #tpu.memory_space<hbm>> -> memref<4096x128xf32, #tpu.memory_space<hbm>>
        tpu.enqueue_indirect_dma source(%dma_start3A_204 : memref<4096x128xf32, #tpu.memory_space<hbm>>) target(%arg8 : memref<80x128xf32, #tpu.memory_space<vmem>>) offsets(%dma_start3A_201 : memref<80xi32, #tpu.memory_space<vmem>>) semaphore(%arg13 : memref<!tpu.dma_semaphore, #tpu.memory_space<semaphore_mem>>)
      } else {
      }
      %mul3A_154 = arith.constant 2 : i32
      %mul3A_155 = arith.muli %scan3A_122, %mul3A_154 : i32
      %add3A_156 = arith.constant 1 : i32
      %add3A_157 = arith.addi %mul3A_155, %add3A_156 : i32
      %dma_wait3A_158 = arith.constant 0 : i32
      %dma_wait3A_159 = arith.constant 0 : i32
      %dma_wait3A_160 = tpu.memref_slice %arg9[%dma_wait3A_158, %dma_wait3A_159] : memref<3x80xi32, #tpu.memory_space<vmem>> -> memref<1x80xi32, #tpu.memory_space<vmem>>
      %dma_wait3A_161 = tpu.memref_squeeze %dma_wait3A_160 : memref<1x80xi32, #tpu.memory_space<vmem>> -> memref<80xi32, #tpu.memory_space<vmem>>
      %dma_wait3A_162 = arith.constant 0 : i32
      %dma_wait3A_163 = arith.constant 0 : i32
      %dma_wait3A_164 = tpu.memref_slice %arg2[%dma_wait3A_162, %dma_wait3A_163] : memref<10112x128xf32, #tpu.memory_space<hbm>> -> memref<10112x128xf32, #tpu.memory_space<hbm>>
      tpu.wait_indirect_dma semaphore(%arg14 : memref<!tpu.dma_semaphore, #tpu.memory_space<semaphore_mem>>) src(%dma_wait3A_164 : memref<10112x128xf32, #tpu.memory_space<hbm>>) dst(%arg10 : memref<80x128xf32, #tpu.memory_space<vmem>>)
      %dma_wait3A_165 = arith.constant 2 : i32
      %dma_wait3A_166 = arith.constant 0 : i32
      %dma_wait3A_167 = tpu.memref_slice %arg9[%dma_wait3A_165, %dma_wait3A_166] : memref<3x80xi32, #tpu.memory_space<vmem>> -> memref<1x80xi32, #tpu.memory_space<vmem>>
      %dma_wait3A_168 = tpu.memref_squeeze %dma_wait3A_167 : memref<1x80xi32, #tpu.memory_space<vmem>> -> memref<80xi32, #tpu.memory_space<vmem>>
      %dma_wait3A_169 = arith.constant 0 : i32
      %dma_wait3A_170 = arith.constant 0 : i32
      %dma_wait3A_171 = tpu.memref_slice %arg3[%dma_wait3A_169, %dma_wait3A_170] : memref<4096x128xf32, #tpu.memory_space<hbm>> -> memref<4096x128xf32, #tpu.memory_space<hbm>>
      tpu.wait_indirect_dma semaphore(%arg15 : memref<!tpu.dma_semaphore, #tpu.memory_space<semaphore_mem>>) src(%dma_wait3A_171 : memref<4096x128xf32, #tpu.memory_space<hbm>>) dst(%arg11 : memref<80x128xf32, #tpu.memory_space<vmem>>)
      %scan3A_172 = arith.constant 0 : i32
      %scan3A_173 = arith.constant 0 : i32
      %scan3A_174 = arith.constant 80 : i32
      %scan3A_175 = arith.addi %scan3A_173, %scan3A_174 : i32
      %scan3A_176 = arith.constant 1 : i32
      %scan3A_177 = scf.for %scan3A_188 = %scan3A_173 to %scan3A_175 step %scan3A_176 iter_args(%scan3A_189 = %scan3A_172) -> (i32)  : i32 {
        %get3A = arith.index_cast %scan3A_188 : i32 to index
        %get3A_190 = arith.constant 0 : index
        %get3A_191 = tpu.vector_load %arg10[%get3A, %get3A_190] {strides = array<i32>} : memref<80x128xf32, #tpu.memory_space<vmem>>, vector<1x16xf32>,
        %get3A_192 = vector.shape_cast %get3A_191 : vector<1x16xf32> to vector<16xf32>
        %get3A_193 = arith.index_cast %scan3A_188 : i32 to index
        %get3A_194 = arith.constant 0 : index
        %get3A_195 = tpu.vector_load %arg11[%get3A_193, %get3A_194] {strides = array<i32>} : memref<80x128xf32, #tpu.memory_space<vmem>>, vector<1x16xf32>,
        %get3A_196 = vector.shape_cast %get3A_195 : vector<1x16xf32> to vector<16xf32>
        %add3A_197 = arith.addf %get3A_192, %get3A_196 : vector<16xf32>
        %max3A = arith.constant 0.000000e+00 : f32
        %max3A_198 = vector.broadcast %max3A : f32 to vector<16xf32>
        %max3A_199 = arith.maximumf %add3A_197, %max3A_198 : vector<16xf32>
        %swap3A = arith.index_cast %scan3A_188 : i32 to index
        %swap3A_200 = arith.constant 0 : index
        %swap3A_201 = tpu.vector_load %arg10[%swap3A, %swap3A_200] {strides = array<i32>} : memref<80x128xf32, #tpu.memory_space<vmem>>, vector<1x16xf32>,
        %swap3A_202 = vector.shape_cast %swap3A_201 : vector<1x16xf32> to vector<16xf32>
        %swap3A_203 = vector.shape_cast %max3A_199 : vector<16xf32> to vector<1x16xf32>
        tpu.vector_store %arg10[%swap3A, %swap3A_200], %swap3A_203 {strides = array<i32>} : memref<80x128xf32, #tpu.memory_space<vmem>>, vector<1x16xf32>,
        %get3A_204 = arith.index_cast %scan3A_188 : i32 to index
        %get3A_205 = arith.constant 16 : index
        %get3A_206 = tpu.vector_load %arg10[%get3A_204, %get3A_205] {strides = array<i32>} : memref<80x128xf32, #tpu.memory_space<vmem>>, vector<1x16xf32>,
        %get3A_207 = vector.shape_cast %get3A_206 : vector<1x16xf32> to vector<16xf32>
        %get3A_208 = arith.index_cast %scan3A_188 : i32 to index
        %get3A_209 = arith.constant 16 : index
        %get3A_210 = tpu.vector_load %arg11[%get3A_208, %get3A_209] {strides = array<i32>} : memref<80x128xf32, #tpu.memory_space<vmem>>, vector<1x16xf32>,
        %get3A_211 = vector.shape_cast %get3A_210 : vector<1x16xf32> to vector<16xf32>
        %add3A_212 = arith.addf %get3A_207, %get3A_211 : vector<16xf32>
        %max3A_213 = arith.constant 0.000000e+00 : f32
        %max3A_214 = vector.broadcast %max3A_213 : f32 to vector<16xf32>
        %max3A_215 = arith.maximumf %add3A_212, %max3A_214 : vector<16xf32>
        %swap3A_216 = arith.index_cast %scan3A_188 : i32 to index
        %swap3A_217 = arith.constant 16 : index
        %swap3A_218 = tpu.vector_load %arg10[%swap3A_216, %swap3A_217] {strides = array<i32>} : memref<80x128xf32, #tpu.memory_space<vmem>>, vector<1x16xf32>,
        %swap3A_219 = vector.shape_cast %swap3A_218 : vector<1x16xf32> to vector<16xf32>
        %swap3A_220 = vector.shape_cast %max3A_215 : vector<16xf32> to vector<1x16xf32>
        tpu.vector_store %arg10[%swap3A_216, %swap3A_217], %swap3A_220 {strides = array<i32>} : memref<80x128xf32, #tpu.memory_space<vmem>>, vector<1x16xf32>,
        %get3A_221 = arith.index_cast %scan3A_188 : i32 to index
        %get3A_222 = arith.constant 32 : index
        %get3A_223 = tpu.vector_load %arg10[%get3A_221, %get3A_222] {strides = array<i32>} : memref<80x128xf32, #tpu.memory_space<vmem>>, vector<1x16xf32>,
        %get3A_224 = vector.shape_cast %get3A_223 : vector<1x16xf32> to vector<16xf32>
        %get3A_225 = arith.index_cast %scan3A_188 : i32 to index
        %get3A_226 = arith.constant 32 : index
        %get3A_227 = tpu.vector_load %arg11[%get3A_225, %get3A_226] {strides = array<i32>} : memref<80x128xf32, #tpu.memory_space<vmem>>, vector<1x16xf32>,
        %get3A_228 = vector.shape_cast %get3A_227 : vector<1x16xf32> to vector<16xf32>
        %add3A_229 = arith.addf %get3A_224, %get3A_228 : vector<16xf32>
        %max3A_230 = arith.constant 0.000000e+00 : f32
        %max3A_231 = vector.broadcast %max3A_230 : f32 to vector<16xf32>
        %max3A_232 = arith.maximumf %add3A_229, %max3A_231 : vector<16xf32>
        %swap3A_233 = arith.index_cast %scan3A_188 : i32 to index
        %swap3A_234 = arith.constant 32 : index
        %swap3A_235 = tpu.vector_load %arg10[%swap3A_233, %swap3A_234] {strides = array<i32>} : memref<80x128xf32, #tpu.memory_space<vmem>>, vector<1x16xf32>,
        %swap3A_236 = vector.shape_cast %swap3A_235 : vector<1x16xf32> to vector<16xf32>
        %swap3A_237 = vector.shape_cast %max3A_232 : vector<16xf32> to vector<1x16xf32>
        tpu.vector_store %arg10[%swap3A_233, %swap3A_234], %swap3A_237 {strides = array<i32>} : memref<80x128xf32, #tpu.memory_space<vmem>>, vector<1x16xf32>,
        %get3A_238 = arith.index_cast %scan3A_188 : i32 to index
        %get3A_239 = arith.constant 48 : index
        %get3A_240 = tpu.vector_load %arg10[%get3A_238, %get3A_239] {strides = array<i32>} : memref<80x128xf32, #tpu.memory_space<vmem>>, vector<1x16xf32>,
        %get3A_241 = vector.shape_cast %get3A_240 : vector<1x16xf32> to vector<16xf32>
        %get3A_242 = arith.index_cast %scan3A_188 : i32 to index
        %get3A_243 = arith.constant 48 : index
        %get3A_244 = tpu.vector_load %arg11[%get3A_242, %get3A_243] {strides = array<i32>} : memref<80x128xf32, #tpu.memory_space<vmem>>, vector<1x16xf32>,
        %get3A_245 = vector.shape_cast %get3A_244 : vector<1x16xf32> to vector<16xf32>
        %add3A_246 = arith.addf %get3A_241, %get3A_245 : vector<16xf32>
        %max3A_247 = arith.constant 0.000000e+00 : f32
        %max3A_248 = vector.broadcast %max3A_247 : f32 to vector<16xf32>
        %max3A_249 = arith.maximumf %add3A_246, %max3A_248 : vector<16xf32>
        %swap3A_250 = arith.index_cast %scan3A_188 : i32 to index
        %swap3A_251 = arith.constant 48 : index
        %swap3A_252 = tpu.vector_load %arg10[%swap3A_250, %swap3A_251] {strides = array<i32>} : memref<80x128xf32, #tpu.memory_space<vmem>>, vector<1x16xf32>,
        %swap3A_253 = vector.shape_cast %swap3A_252 : vector<1x16xf32> to vector<16xf32>
        %swap3A_254 = vector.shape_cast %max3A_249 : vector<16xf32> to vector<1x16xf32>
        tpu.vector_store %arg10[%swap3A_250, %swap3A_251], %swap3A_254 {strides = array<i32>} : memref<80x128xf32, #tpu.memory_space<vmem>>, vector<1x16xf32>,
        %get3A_255 = arith.index_cast %scan3A_188 : i32 to index
        %get3A_256 = arith.constant 64 : index
        %get3A_257 = tpu.vector_load %arg10[%get3A_255, %get3A_256] {strides = array<i32>} : memref<80x128xf32, #tpu.memory_space<vmem>>, vector<1x16xf32>,
        %get3A_258 = vector.shape_cast %get3A_257 : vector<1x16xf32> to vector<16xf32>
        %get3A_259 = arith.index_cast %scan3A_188 : i32 to index
        %get3A_260 = arith.constant 64 : index
        %get3A_261 = tpu.vector_load %arg11[%get3A_259, %get3A_260] {strides = array<i32>} : memref<80x128xf32, #tpu.memory_space<vmem>>, vector<1x16xf32>,
        %get3A_262 = vector.shape_cast %get3A_261 : vector<1x16xf32> to vector<16xf32>
        %add3A_263 = arith.addf %get3A_258, %get3A_262 : vector<16xf32>
        %max3A_264 = arith.constant 0.000000e+00 : f32
        %max3A_265 = vector.broadcast %max3A_264 : f32 to vector<16xf32>
        %max3A_266 = arith.maximumf %add3A_263, %max3A_265 : vector<16xf32>
        %swap3A_267 = arith.index_cast %scan3A_188 : i32 to index
        %swap3A_268 = arith.constant 64 : index
        %swap3A_269 = tpu.vector_load %arg10[%swap3A_267, %swap3A_268] {strides = array<i32>} : memref<80x128xf32, #tpu.memory_space<vmem>>, vector<1x16xf32>,
        %swap3A_270 = vector.shape_cast %swap3A_269 : vector<1x16xf32> to vector<16xf32>
        %swap3A_271 = vector.shape_cast %max3A_266 : vector<16xf32> to vector<1x16xf32>
        tpu.vector_store %arg10[%swap3A_267, %swap3A_268], %swap3A_271 {strides = array<i32>} : memref<80x128xf32, #tpu.memory_space<vmem>>, vector<1x16xf32>,
        %get3A_272 = arith.index_cast %scan3A_188 : i32 to index
        %get3A_273 = arith.constant 80 : index
        %get3A_274 = tpu.vector_load %arg10[%get3A_272, %get3A_273] {strides = array<i32>} : memref<80x128xf32, #tpu.memory_space<vmem>>, vector<1x16xf32>,
        %get3A_275 = vector.shape_cast %get3A_274 : vector<1x16xf32> to vector<16xf32>
        %get3A_276 = arith.index_cast %scan3A_188 : i32 to index
        %get3A_277 = arith.constant 80 : index
        %get3A_278 = tpu.vector_load %arg11[%get3A_276, %get3A_277] {strides = array<i32>} : memref<80x128xf32, #tpu.memory_space<vmem>>, vector<1x16xf32>,
        %get3A_279 = vector.shape_cast %get3A_278 : vector<1x16xf32> to vector<16xf32>
        %add3A_280 = arith.addf %get3A_275, %get3A_279 : vector<16xf32>
        %max3A_281 = arith.constant 0.000000e+00 : f32
        %max3A_282 = vector.broadcast %max3A_281 : f32 to vector<16xf32>
        %max3A_283 = arith.maximumf %add3A_280, %max3A_282 : vector<16xf32>
        %swap3A_284 = arith.index_cast %scan3A_188 : i32 to index
        %swap3A_285 = arith.constant 80 : index
        %swap3A_286 = tpu.vector_load %arg10[%swap3A_284, %swap3A_285] {strides = array<i32>} : memref<80x128xf32, #tpu.memory_space<vmem>>, vector<1x16xf32>,
        %swap3A_287 = vector.shape_cast %swap3A_286 : vector<1x16xf32> to vector<16xf32>
        %swap3A_288 = vector.shape_cast %max3A_283 : vector<16xf32> to vector<1x16xf32>
        tpu.vector_store %arg10[%swap3A_284, %swap3A_285], %swap3A_288 {strides = array<i32>} : memref<80x128xf32, #tpu.memory_space<vmem>>, vector<1x16xf32>,
        %get3A_289 = arith.index_cast %scan3A_188 : i32 to index
        %get3A_290 = arith.constant 96 : index
        %get3A_291 = tpu.vector_load %arg10[%get3A_289, %get3A_290] {strides = array<i32>} : memref<80x128xf32, #tpu.memory_space<vmem>>, vector<1x16xf32>,
        %get3A_292 = vector.shape_cast %get3A_291 : vector<1x16xf32> to vector<16xf32>
        %get3A_293 = arith.index_cast %scan3A_188 : i32 to index
        %get3A_294 = arith.constant 96 : index
        %get3A_295 = tpu.vector_load %arg11[%get3A_293, %get3A_294] {strides = array<i32>} : memref<80x128xf32, #tpu.memory_space<vmem>>, vector<1x16xf32>,
        %get3A_296 = vector.shape_cast %get3A_295 : vector<1x16xf32> to vector<16xf32>
        %add3A_297 = arith.addf %get3A_292, %get3A_296 : vector<16xf32>
        %max3A_298 = arith.constant 0.000000e+00 : f32
        %max3A_299 = vector.broadcast %max3A_298 : f32 to vector<16xf32>
        %max3A_300 = arith.maximumf %add3A_297, %max3A_299 : vector<16xf32>
        %swap3A_301 = arith.index_cast %scan3A_188 : i32 to index
        %swap3A_302 = arith.constant 96 : index
        %swap3A_303 = tpu.vector_load %arg10[%swap3A_301, %swap3A_302] {strides = array<i32>} : memref<80x128xf32, #tpu.memory_space<vmem>>, vector<1x16xf32>,
        %swap3A_304 = vector.shape_cast %swap3A_303 : vector<1x16xf32> to vector<16xf32>
        %swap3A_305 = vector.shape_cast %max3A_300 : vector<16xf32> to vector<1x16xf32>
        tpu.vector_store %arg10[%swap3A_301, %swap3A_302], %swap3A_305 {strides = array<i32>} : memref<80x128xf32, #tpu.memory_space<vmem>>, vector<1x16xf32>,
        %get3A_306 = arith.index_cast %scan3A_188 : i32 to index
        %get3A_307 = arith.constant 112 : index
        %get3A_308 = tpu.vector_load %arg10[%get3A_306, %get3A_307] {strides = array<i32>} : memref<80x128xf32, #tpu.memory_space<vmem>>, vector<1x16xf32>,
        %get3A_309 = vector.shape_cast %get3A_308 : vector<1x16xf32> to vector<16xf32>
        %get3A_310 = arith.index_cast %scan3A_188 : i32 to index
        %get3A_311 = arith.constant 112 : index
        %get3A_312 = tpu.vector_load %arg11[%get3A_310, %get3A_311] {strides = array<i32>} : memref<80x128xf32, #tpu.memory_space<vmem>>, vector<1x16xf32>,
        %get3A_313 = vector.shape_cast %get3A_312 : vector<1x16xf32> to vector<16xf32>
        %add3A_314 = arith.addf %get3A_309, %get3A_313 : vector<16xf32>
        %max3A_315 = arith.constant 0.000000e+00 : f32
        %max3A_316 = vector.broadcast %max3A_315 : f32 to vector<16xf32>
        %max3A_317 = arith.maximumf %add3A_314, %max3A_316 : vector<16xf32>
        %swap3A_318 = arith.index_cast %scan3A_188 : i32 to index
        %swap3A_319 = arith.constant 112 : index
        %swap3A_320 = tpu.vector_load %arg10[%swap3A_318, %swap3A_319] {strides = array<i32>} : memref<80x128xf32, #tpu.memory_space<vmem>>, vector<1x16xf32>,
        %swap3A_321 = vector.shape_cast %swap3A_320 : vector<1x16xf32> to vector<16xf32>
        %swap3A_322 = vector.shape_cast %max3A_317 : vector<16xf32> to vector<1x16xf32>
        tpu.vector_store %arg10[%swap3A_318, %swap3A_319], %swap3A_322 {strides = array<i32>} : memref<80x128xf32, #tpu.memory_space<vmem>>, vector<1x16xf32>,
        %scan3A_323 = arith.constant 0 : i32
        scf.yield %scan3A_323 : i32
      }
      %scan3A_178 = arith.constant 80 : i32
      %run_scoped3A_179 = arith.constant 1 : i32
      "tpu.region"() ({
        %run_scoped3A_188 = tpu.sem_alloc : memref<!tpu.dma_semaphore, #tpu.memory_space<semaphore_mem>>
        %dma_start3A_189 = arith.constant 0 : i32
        %dma_start3A_190 = tpu.memref_slice %arg9[%run_scoped3A_179, %dma_start3A_189] : memref<3x80xi32, #tpu.memory_space<vmem>> -> memref<1x80xi32, #tpu.memory_space<vmem>>
        %dma_start3A_191 = tpu.memref_squeeze %dma_start3A_190 : memref<1x80xi32, #tpu.memory_space<vmem>> -> memref<80xi32, #tpu.memory_space<vmem>>
        %dma_start3A_192 = arith.constant 0 : i32
        %dma_start3A_193 = arith.constant 0 : i32
        %dma_start3A_194 = tpu.memref_slice %arg16[%dma_start3A_192, %dma_start3A_193] : memref<10112x128xf32, #tpu.memory_space<vmem_shared>> -> memref<10112x128xf32, #tpu.memory_space<vmem_shared>>
        tpu.enqueue_indirect_dma source(%arg10 : memref<80x128xf32, #tpu.memory_space<vmem>>) target(%dma_start3A_194 : memref<10112x128xf32, #tpu.memory_space<vmem_shared>>) offsets(%dma_start3A_191 : memref<80xi32, #tpu.memory_space<vmem>>) semaphore(%run_scoped3A_188 : memref<!tpu.dma_semaphore, #tpu.memory_space<semaphore_mem>>) {add = true}
        %dma_wait3A_195 = arith.constant 0 : i32
        %dma_wait3A_196 = tpu.memref_slice %arg9[%run_scoped3A_179, %dma_wait3A_195] : memref<3x80xi32, #tpu.memory_space<vmem>> -> memref<1x80xi32, #tpu.memory_space<vmem>>
        %dma_wait3A_197 = tpu.memref_squeeze %dma_wait3A_196 : memref<1x80xi32, #tpu.memory_space<vmem>> -> memref<80xi32, #tpu.memory_space<vmem>>
        %dma_wait3A_198 = arith.constant 0 : i32
        %dma_wait3A_199 = arith.constant 0 : i32
        %dma_wait3A_200 = tpu.memref_slice %arg16[%dma_wait3A_198, %dma_wait3A_199] : memref<10112x128xf32, #tpu.memory_space<vmem_shared>> -> memref<10112x128xf32, #tpu.memory_space<vmem_shared>>
        tpu.wait_indirect_dma semaphore(%run_scoped3A_188 : memref<!tpu.dma_semaphore, #tpu.memory_space<semaphore_mem>>) src(%arg10 : memref<80x128xf32, #tpu.memory_space<vmem>>) dst(%dma_wait3A_200 : memref<10112x128xf32, #tpu.memory_space<vmem_shared>>)
        tpu.yield
      }) : () -> ()
      %add3A_180 = arith.constant 2 : i32
      %add3A_181 = arith.addi %add3A_157, %add3A_180 : i32
      %lt3A_182 = arith.constant 125 : i32
      %lt3A_183 = arith.cmpi slt, %add3A_181, %lt3A_182 : i32
      %convert_element_type3A_184 = arith.extui %lt3A_183 : i1 to i32
      %cond3A_185 = arith.constant 0 : i32
      %cond3A_186 = arith.cmpi ne, %convert_element_type3A_184, %cond3A_185 : i32
      scf.if %cond3A_186 {
        %add3A_188 = arith.addi %mul3A_27, %add3A_157 : i32
        %add3A_189 = arith.constant 2 : i32
        %add3A_190 = arith.addi %add3A_188, %add3A_189 : i32
        "tpu.region"() ({
          %run_scoped3A_205 = tpu.sem_alloc : memref<!tpu.dma_semaphore, #tpu.memory_space<semaphore_mem>>
          %dma_start3A_206 = arith.constant 0 : i32
          %dma_start3A_207 = arith.constant 0 : i32
          %dma_start3A_208 = tpu.memref_slice %arg4[%add3A_190, %dma_start3A_206, %dma_start3A_207] : memref<4000x3x80xi32, #tpu.memory_space<hbm>> -> memref<1x3x80xi32, #tpu.memory_space<hbm>>
          %dma_start3A_209 = tpu.memref_squeeze %dma_start3A_208 : memref<1x3x80xi32, #tpu.memory_space<hbm>> -> memref<3x80xi32, #tpu.memory_space<hbm>>
          %dma_start3A_210 = arith.constant 0 : i32
          %dma_start3A_211 = arith.constant 0 : i32
          %dma_start3A_212 = tpu.memref_slice %arg4[%add3A_190, %dma_start3A_210, %dma_start3A_211] : memref<4000x3x80xi32, #tpu.memory_space<hbm>> -> memref<1x3x80xi32, #tpu.memory_space<hbm>>
          %dma_start3A_213 = tpu.memref_squeeze %dma_start3A_212 : memref<1x3x80xi32, #tpu.memory_space<hbm>> -> memref<3x80xi32, #tpu.memory_space<hbm>>
          tpu.enqueue_dma source(%dma_start3A_213 : memref<3x80xi32, #tpu.memory_space<hbm>>) target(%arg9 : memref<3x80xi32, #tpu.memory_space<vmem>>) target_semaphore(%run_scoped3A_205 : memref<!tpu.dma_semaphore, #tpu.memory_space<semaphore_mem>>)
          %dma_wait3A_214 = arith.constant 0 : i32
          %dma_wait3A_215 = arith.constant 0 : i32
          %dma_wait3A_216 = tpu.memref_slice %arg4[%add3A_190, %dma_wait3A_214, %dma_wait3A_215] : memref<4000x3x80xi32, #tpu.memory_space<hbm>> -> memref<1x3x80xi32, #tpu.memory_space<hbm>>
          %dma_wait3A_217 = tpu.memref_squeeze %dma_wait3A_216 : memref<1x3x80xi32, #tpu.memory_space<hbm>> -> memref<3x80xi32, #tpu.memory_space<hbm>>
          %dma_wait3A_218 = arith.constant 0 : i32
          %dma_wait3A_219 = arith.constant 0 : i32
          %dma_wait3A_220 = tpu.memref_slice %arg4[%add3A_190, %dma_wait3A_218, %dma_wait3A_219] : memref<4000x3x80xi32, #tpu.memory_space<hbm>> -> memref<1x3x80xi32, #tpu.memory_space<hbm>>
          %dma_wait3A_221 = tpu.memref_squeeze %dma_wait3A_220 : memref<1x3x80xi32, #tpu.memory_space<hbm>> -> memref<3x80xi32, #tpu.memory_space<hbm>>
          tpu.wait_dma2 semaphore(%run_scoped3A_205 : memref<!tpu.dma_semaphore, #tpu.memory_space<semaphore_mem>>) src(%dma_wait3A_221 : memref<3x80xi32, #tpu.memory_space<hbm>>) dst(%arg9 : memref<3x80xi32, #tpu.memory_space<vmem>>)
          tpu.yield
        }) : () -> ()
        %dma_start3A_191 = arith.constant 0 : i32
        %dma_start3A_192 = arith.constant 0 : i32
        %dma_start3A_193 = tpu.memref_slice %arg9[%dma_start3A_191, %dma_start3A_192] : memref<3x80xi32, #tpu.memory_space<vmem>> -> memref<1x80xi32, #tpu.memory_space<vmem>>
        %dma_start3A_194 = tpu.memref_squeeze %dma_start3A_193 : memref<1x80xi32, #tpu.memory_space<vmem>> -> memref<80xi32, #tpu.memory_space<vmem>>
        %dma_start3A_195 = arith.constant 0 : i32
        %dma_start3A_196 = arith.constant 0 : i32
        %dma_start3A_197 = tpu.memref_slice %arg2[%dma_start3A_195, %dma_start3A_196] : memref<10112x128xf32, #tpu.memory_space<hbm>> -> memref<10112x128xf32, #tpu.memory_space<hbm>>
        tpu.enqueue_indirect_dma source(%dma_start3A_197 : memref<10112x128xf32, #tpu.memory_space<hbm>>) target(%arg10 : memref<80x128xf32, #tpu.memory_space<vmem>>) offsets(%dma_start3A_194 : memref<80xi32, #tpu.memory_space<vmem>>) semaphore(%arg14 : memref<!tpu.dma_semaphore, #tpu.memory_space<semaphore_mem>>)
        %dma_start3A_198 = arith.constant 2 : i32
        %dma_start3A_199 = arith.constant 0 : i32
        %dma_start3A_200 = tpu.memref_slice %arg9[%dma_start3A_198, %dma_start3A_199] : memref<3x80xi32, #tpu.memory_space<vmem>> -> memref<1x80xi32, #tpu.memory_space<vmem>>
        %dma_start3A_201 = tpu.memref_squeeze %dma_start3A_200 : memref<1x80xi32, #tpu.memory_space<vmem>> -> memref<80xi32, #tpu.memory_space<vmem>>
        %dma_start3A_202 = arith.constant 0 : i32
        %dma_start3A_203 = arith.constant 0 : i32
        %dma_start3A_204 = tpu.memref_slice %arg3[%dma_start3A_202, %dma_start3A_203] : memref<4096x128xf32, #tpu.memory_space<hbm>> -> memref<4096x128xf32, #tpu.memory_space<hbm>>
        tpu.enqueue_indirect_dma source(%dma_start3A_204 : memref<4096x128xf32, #tpu.memory_space<hbm>>) target(%arg11 : memref<80x128xf32, #tpu.memory_space<vmem>>) offsets(%dma_start3A_201 : memref<80xi32, #tpu.memory_space<vmem>>) semaphore(%arg15 : memref<!tpu.dma_semaphore, #tpu.memory_space<semaphore_mem>>)
      } else {
      }
      %scan3A_187 = arith.constant 0 : i32
      scf.yield %scan3A_187 : i32
    }
    %scan3A_65 = arith.constant 62 : i32
    %dma_wait3A = arith.constant 0 : i32
    %dma_wait3A_66 = arith.constant 0 : i32
    %dma_wait3A_67 = tpu.memref_slice %arg6[%dma_wait3A, %dma_wait3A_66] : memref<3x80xi32, #tpu.memory_space<vmem>> -> memref<1x80xi32, #tpu.memory_space<vmem>>
    %dma_wait3A_68 = tpu.memref_squeeze %dma_wait3A_67 : memref<1x80xi32, #tpu.memory_space<vmem>> -> memref<80xi32, #tpu.memory_space<vmem>>
    %dma_wait3A_69 = arith.constant 0 : i32
    %dma_wait3A_70 = arith.constant 0 : i32
    %dma_wait3A_71 = tpu.memref_slice %arg2[%dma_wait3A_69, %dma_wait3A_70] : memref<10112x128xf32, #tpu.memory_space<hbm>> -> memref<10112x128xf32, #tpu.memory_space<hbm>>
    tpu.wait_indirect_dma semaphore(%arg12 : memref<!tpu.dma_semaphore, #tpu.memory_space<semaphore_mem>>) src(%dma_wait3A_71 : memref<10112x128xf32, #tpu.memory_space<hbm>>) dst(%arg7 : memref<80x128xf32, #tpu.memory_space<vmem>>)
    %dma_wait3A_72 = arith.constant 2 : i32
    %dma_wait3A_73 = arith.constant 0 : i32
    %dma_wait3A_74 = tpu.memref_slice %arg6[%dma_wait3A_72, %dma_wait3A_73] : memref<3x80xi32, #tpu.memory_space<vmem>> -> memref<1x80xi32, #tpu.memory_space<vmem>>
    %dma_wait3A_75 = tpu.memref_squeeze %dma_wait3A_74 : memref<1x80xi32, #tpu.memory_space<vmem>> -> memref<80xi32, #tpu.memory_space<vmem>>
    %dma_wait3A_76 = arith.constant 0 : i32
    %dma_wait3A_77 = arith.constant 0 : i32
    %dma_wait3A_78 = tpu.memref_slice %arg3[%dma_wait3A_76, %dma_wait3A_77] : memref<4096x128xf32, #tpu.memory_space<hbm>> -> memref<4096x128xf32, #tpu.memory_space<hbm>>
    tpu.wait_indirect_dma semaphore(%arg13 : memref<!tpu.dma_semaphore, #tpu.memory_space<semaphore_mem>>) src(%dma_wait3A_78 : memref<4096x128xf32, #tpu.memory_space<hbm>>) dst(%arg8 : memref<80x128xf32, #tpu.memory_space<vmem>>)
    %scan3A_79 = arith.constant 0 : i32
    %scan3A_80 = arith.constant 0 : i32
    %scan3A_81 = arith.constant 80 : i32
    %scan3A_82 = arith.addi %scan3A_80, %scan3A_81 : i32
    %scan3A_83 = arith.constant 1 : i32
    %scan3A_84 = scf.for %scan3A_122 = %scan3A_80 to %scan3A_82 step %scan3A_83 iter_args(%scan3A_123 = %scan3A_79) -> (i32)  : i32 {
      %get3A = arith.index_cast %scan3A_122 : i32 to index
      %get3A_124 = arith.constant 0 : index
      %get3A_125 = tpu.vector_load %arg7[%get3A, %get3A_124] {strides = array<i32>} : memref<80x128xf32, #tpu.memory_space<vmem>>, vector<1x16xf32>,
      %get3A_126 = vector.shape_cast %get3A_125 : vector<1x16xf32> to vector<16xf32>
      %get3A_127 = arith.index_cast %scan3A_122 : i32 to index
      %get3A_128 = arith.constant 0 : index
      %get3A_129 = tpu.vector_load %arg8[%get3A_127, %get3A_128] {strides = array<i32>} : memref<80x128xf32, #tpu.memory_space<vmem>>, vector<1x16xf32>,
      %get3A_130 = vector.shape_cast %get3A_129 : vector<1x16xf32> to vector<16xf32>
      %add3A_131 = arith.addf %get3A_126, %get3A_130 : vector<16xf32>
      %max3A = arith.constant 0.000000e+00 : f32
      %max3A_132 = vector.broadcast %max3A : f32 to vector<16xf32>
      %max3A_133 = arith.maximumf %add3A_131, %max3A_132 : vector<16xf32>
      %swap3A = arith.index_cast %scan3A_122 : i32 to index
      %swap3A_134 = arith.constant 0 : index
      %swap3A_135 = tpu.vector_load %arg7[%swap3A, %swap3A_134] {strides = array<i32>} : memref<80x128xf32, #tpu.memory_space<vmem>>, vector<1x16xf32>,
      %swap3A_136 = vector.shape_cast %swap3A_135 : vector<1x16xf32> to vector<16xf32>
      %swap3A_137 = vector.shape_cast %max3A_133 : vector<16xf32> to vector<1x16xf32>
      tpu.vector_store %arg7[%swap3A, %swap3A_134], %swap3A_137 {strides = array<i32>} : memref<80x128xf32, #tpu.memory_space<vmem>>, vector<1x16xf32>,
      %get3A_138 = arith.index_cast %scan3A_122 : i32 to index
      %get3A_139 = arith.constant 16 : index
      %get3A_140 = tpu.vector_load %arg7[%get3A_138, %get3A_139] {strides = array<i32>} : memref<80x128xf32, #tpu.memory_space<vmem>>, vector<1x16xf32>,
      %get3A_141 = vector.shape_cast %get3A_140 : vector<1x16xf32> to vector<16xf32>
      %get3A_142 = arith.index_cast %scan3A_122 : i32 to index
      %get3A_143 = arith.constant 16 : index
      %get3A_144 = tpu.vector_load %arg8[%get3A_142, %get3A_143] {strides = array<i32>} : memref<80x128xf32, #tpu.memory_space<vmem>>, vector<1x16xf32>,
      %get3A_145 = vector.shape_cast %get3A_144 : vector<1x16xf32> to vector<16xf32>
      %add3A_146 = arith.addf %get3A_141, %get3A_145 : vector<16xf32>
      %max3A_147 = arith.constant 0.000000e+00 : f32
      %max3A_148 = vector.broadcast %max3A_147 : f32 to vector<16xf32>
      %max3A_149 = arith.maximumf %add3A_146, %max3A_148 : vector<16xf32>
      %swap3A_150 = arith.index_cast %scan3A_122 : i32 to index
      %swap3A_151 = arith.constant 16 : index
      %swap3A_152 = tpu.vector_load %arg7[%swap3A_150, %swap3A_151] {strides = array<i32>} : memref<80x128xf32, #tpu.memory_space<vmem>>, vector<1x16xf32>,
      %swap3A_153 = vector.shape_cast %swap3A_152 : vector<1x16xf32> to vector<16xf32>
      %swap3A_154 = vector.shape_cast %max3A_149 : vector<16xf32> to vector<1x16xf32>
      tpu.vector_store %arg7[%swap3A_150, %swap3A_151], %swap3A_154 {strides = array<i32>} : memref<80x128xf32, #tpu.memory_space<vmem>>, vector<1x16xf32>,
      %get3A_155 = arith.index_cast %scan3A_122 : i32 to index
      %get3A_156 = arith.constant 32 : index
      %get3A_157 = tpu.vector_load %arg7[%get3A_155, %get3A_156] {strides = array<i32>} : memref<80x128xf32, #tpu.memory_space<vmem>>, vector<1x16xf32>,
      %get3A_158 = vector.shape_cast %get3A_157 : vector<1x16xf32> to vector<16xf32>
      %get3A_159 = arith.index_cast %scan3A_122 : i32 to index
      %get3A_160 = arith.constant 32 : index
      %get3A_161 = tpu.vector_load %arg8[%get3A_159, %get3A_160] {strides = array<i32>} : memref<80x128xf32, #tpu.memory_space<vmem>>, vector<1x16xf32>,
      %get3A_162 = vector.shape_cast %get3A_161 : vector<1x16xf32> to vector<16xf32>
      %add3A_163 = arith.addf %get3A_158, %get3A_162 : vector<16xf32>
      %max3A_164 = arith.constant 0.000000e+00 : f32
      %max3A_165 = vector.broadcast %max3A_164 : f32 to vector<16xf32>
      %max3A_166 = arith.maximumf %add3A_163, %max3A_165 : vector<16xf32>
      %swap3A_167 = arith.index_cast %scan3A_122 : i32 to index
      %swap3A_168 = arith.constant 32 : index
      %swap3A_169 = tpu.vector_load %arg7[%swap3A_167, %swap3A_168] {strides = array<i32>} : memref<80x128xf32, #tpu.memory_space<vmem>>, vector<1x16xf32>,
      %swap3A_170 = vector.shape_cast %swap3A_169 : vector<1x16xf32> to vector<16xf32>
      %swap3A_171 = vector.shape_cast %max3A_166 : vector<16xf32> to vector<1x16xf32>
      tpu.vector_store %arg7[%swap3A_167, %swap3A_168], %swap3A_171 {strides = array<i32>} : memref<80x128xf32, #tpu.memory_space<vmem>>, vector<1x16xf32>,
      %get3A_172 = arith.index_cast %scan3A_122 : i32 to index
      %get3A_173 = arith.constant 48 : index
      %get3A_174 = tpu.vector_load %arg7[%get3A_172, %get3A_173] {strides = array<i32>} : memref<80x128xf32, #tpu.memory_space<vmem>>, vector<1x16xf32>,
      %get3A_175 = vector.shape_cast %get3A_174 : vector<1x16xf32> to vector<16xf32>
      %get3A_176 = arith.index_cast %scan3A_122 : i32 to index
      %get3A_177 = arith.constant 48 : index
      %get3A_178 = tpu.vector_load %arg8[%get3A_176, %get3A_177] {strides = array<i32>} : memref<80x128xf32, #tpu.memory_space<vmem>>, vector<1x16xf32>,
      %get3A_179 = vector.shape_cast %get3A_178 : vector<1x16xf32> to vector<16xf32>
      %add3A_180 = arith.addf %get3A_175, %get3A_179 : vector<16xf32>
      %max3A_181 = arith.constant 0.000000e+00 : f32
      %max3A_182 = vector.broadcast %max3A_181 : f32 to vector<16xf32>
      %max3A_183 = arith.maximumf %add3A_180, %max3A_182 : vector<16xf32>
      %swap3A_184 = arith.index_cast %scan3A_122 : i32 to index
      %swap3A_185 = arith.constant 48 : index
      %swap3A_186 = tpu.vector_load %arg7[%swap3A_184, %swap3A_185] {strides = array<i32>} : memref<80x128xf32, #tpu.memory_space<vmem>>, vector<1x16xf32>,
      %swap3A_187 = vector.shape_cast %swap3A_186 : vector<1x16xf32> to vector<16xf32>
      %swap3A_188 = vector.shape_cast %max3A_183 : vector<16xf32> to vector<1x16xf32>
      tpu.vector_store %arg7[%swap3A_184, %swap3A_185], %swap3A_188 {strides = array<i32>} : memref<80x128xf32, #tpu.memory_space<vmem>>, vector<1x16xf32>,
      %get3A_189 = arith.index_cast %scan3A_122 : i32 to index
      %get3A_190 = arith.constant 64 : index
      %get3A_191 = tpu.vector_load %arg7[%get3A_189, %get3A_190] {strides = array<i32>} : memref<80x128xf32, #tpu.memory_space<vmem>>, vector<1x16xf32>,
      %get3A_192 = vector.shape_cast %get3A_191 : vector<1x16xf32> to vector<16xf32>
      %get3A_193 = arith.index_cast %scan3A_122 : i32 to index
      %get3A_194 = arith.constant 64 : index
      %get3A_195 = tpu.vector_load %arg8[%get3A_193, %get3A_194] {strides = array<i32>} : memref<80x128xf32, #tpu.memory_space<vmem>>, vector<1x16xf32>,
      %get3A_196 = vector.shape_cast %get3A_195 : vector<1x16xf32> to vector<16xf32>
      %add3A_197 = arith.addf %get3A_192, %get3A_196 : vector<16xf32>
      %max3A_198 = arith.constant 0.000000e+00 : f32
      %max3A_199 = vector.broadcast %max3A_198 : f32 to vector<16xf32>
      %max3A_200 = arith.maximumf %add3A_197, %max3A_199 : vector<16xf32>
      %swap3A_201 = arith.index_cast %scan3A_122 : i32 to index
      %swap3A_202 = arith.constant 64 : index
      %swap3A_203 = tpu.vector_load %arg7[%swap3A_201, %swap3A_202] {strides = array<i32>} : memref<80x128xf32, #tpu.memory_space<vmem>>, vector<1x16xf32>,
      %swap3A_204 = vector.shape_cast %swap3A_203 : vector<1x16xf32> to vector<16xf32>
      %swap3A_205 = vector.shape_cast %max3A_200 : vector<16xf32> to vector<1x16xf32>
      tpu.vector_store %arg7[%swap3A_201, %swap3A_202], %swap3A_205 {strides = array<i32>} : memref<80x128xf32, #tpu.memory_space<vmem>>, vector<1x16xf32>,
      %get3A_206 = arith.index_cast %scan3A_122 : i32 to index
      %get3A_207 = arith.constant 80 : index
      %get3A_208 = tpu.vector_load %arg7[%get3A_206, %get3A_207] {strides = array<i32>} : memref<80x128xf32, #tpu.memory_space<vmem>>, vector<1x16xf32>,
      %get3A_209 = vector.shape_cast %get3A_208 : vector<1x16xf32> to vector<16xf32>
      %get3A_210 = arith.index_cast %scan3A_122 : i32 to index
      %get3A_211 = arith.constant 80 : index
      %get3A_212 = tpu.vector_load %arg8[%get3A_210, %get3A_211] {strides = array<i32>} : memref<80x128xf32, #tpu.memory_space<vmem>>, vector<1x16xf32>,
      %get3A_213 = vector.shape_cast %get3A_212 : vector<1x16xf32> to vector<16xf32>
      %add3A_214 = arith.addf %get3A_209, %get3A_213 : vector<16xf32>
      %max3A_215 = arith.constant 0.000000e+00 : f32
      %max3A_216 = vector.broadcast %max3A_215 : f32 to vector<16xf32>
      %max3A_217 = arith.maximumf %add3A_214, %max3A_216 : vector<16xf32>
      %swap3A_218 = arith.index_cast %scan3A_122 : i32 to index
      %swap3A_219 = arith.constant 80 : index
      %swap3A_220 = tpu.vector_load %arg7[%swap3A_218, %swap3A_219] {strides = array<i32>} : memref<80x128xf32, #tpu.memory_space<vmem>>, vector<1x16xf32>,
      %swap3A_221 = vector.shape_cast %swap3A_220 : vector<1x16xf32> to vector<16xf32>
      %swap3A_222 = vector.shape_cast %max3A_217 : vector<16xf32> to vector<1x16xf32>
      tpu.vector_store %arg7[%swap3A_218, %swap3A_219], %swap3A_222 {strides = array<i32>} : memref<80x128xf32, #tpu.memory_space<vmem>>, vector<1x16xf32>,
      %get3A_223 = arith.index_cast %scan3A_122 : i32 to index
      %get3A_224 = arith.constant 96 : index
      %get3A_225 = tpu.vector_load %arg7[%get3A_223, %get3A_224] {strides = array<i32>} : memref<80x128xf32, #tpu.memory_space<vmem>>, vector<1x16xf32>,
      %get3A_226 = vector.shape_cast %get3A_225 : vector<1x16xf32> to vector<16xf32>
      %get3A_227 = arith.index_cast %scan3A_122 : i32 to index
      %get3A_228 = arith.constant 96 : index
      %get3A_229 = tpu.vector_load %arg8[%get3A_227, %get3A_228] {strides = array<i32>} : memref<80x128xf32, #tpu.memory_space<vmem>>, vector<1x16xf32>,
      %get3A_230 = vector.shape_cast %get3A_229 : vector<1x16xf32> to vector<16xf32>
      %add3A_231 = arith.addf %get3A_226, %get3A_230 : vector<16xf32>
      %max3A_232 = arith.constant 0.000000e+00 : f32
      %max3A_233 = vector.broadcast %max3A_232 : f32 to vector<16xf32>
      %max3A_234 = arith.maximumf %add3A_231, %max3A_233 : vector<16xf32>
      %swap3A_235 = arith.index_cast %scan3A_122 : i32 to index
      %swap3A_236 = arith.constant 96 : index
      %swap3A_237 = tpu.vector_load %arg7[%swap3A_235, %swap3A_236] {strides = array<i32>} : memref<80x128xf32, #tpu.memory_space<vmem>>, vector<1x16xf32>,
      %swap3A_238 = vector.shape_cast %swap3A_237 : vector<1x16xf32> to vector<16xf32>
      %swap3A_239 = vector.shape_cast %max3A_234 : vector<16xf32> to vector<1x16xf32>
      tpu.vector_store %arg7[%swap3A_235, %swap3A_236], %swap3A_239 {strides = array<i32>} : memref<80x128xf32, #tpu.memory_space<vmem>>, vector<1x16xf32>,
      %get3A_240 = arith.index_cast %scan3A_122 : i32 to index
      %get3A_241 = arith.constant 112 : index
      %get3A_242 = tpu.vector_load %arg7[%get3A_240, %get3A_241] {strides = array<i32>} : memref<80x128xf32, #tpu.memory_space<vmem>>, vector<1x16xf32>,
      %get3A_243 = vector.shape_cast %get3A_242 : vector<1x16xf32> to vector<16xf32>
      %get3A_244 = arith.index_cast %scan3A_122 : i32 to index
      %get3A_245 = arith.constant 112 : index
      %get3A_246 = tpu.vector_load %arg8[%get3A_244, %get3A_245] {strides = array<i32>} : memref<80x128xf32, #tpu.memory_space<vmem>>, vector<1x16xf32>,
      %get3A_247 = vector.shape_cast %get3A_246 : vector<1x16xf32> to vector<16xf32>
      %add3A_248 = arith.addf %get3A_243, %get3A_247 : vector<16xf32>
      %max3A_249 = arith.constant 0.000000e+00 : f32
      %max3A_250 = vector.broadcast %max3A_249 : f32 to vector<16xf32>
      %max3A_251 = arith.maximumf %add3A_248, %max3A_250 : vector<16xf32>
      %swap3A_252 = arith.index_cast %scan3A_122 : i32 to index
      %swap3A_253 = arith.constant 112 : index
      %swap3A_254 = tpu.vector_load %arg7[%swap3A_252, %swap3A_253] {strides = array<i32>} : memref<80x128xf32, #tpu.memory_space<vmem>>, vector<1x16xf32>,
      %swap3A_255 = vector.shape_cast %swap3A_254 : vector<1x16xf32> to vector<16xf32>
      %swap3A_256 = vector.shape_cast %max3A_251 : vector<16xf32> to vector<1x16xf32>
      tpu.vector_store %arg7[%swap3A_252, %swap3A_253], %swap3A_256 {strides = array<i32>} : memref<80x128xf32, #tpu.memory_space<vmem>>, vector<1x16xf32>,
      %scan3A_257 = arith.constant 0 : i32
      scf.yield %scan3A_257 : i32
    }
    %scan3A_85 = arith.constant 80 : i32
    %run_scoped3A = arith.constant 1 : i32
    "tpu.region"() ({
      %run_scoped3A_122 = tpu.sem_alloc : memref<!tpu.dma_semaphore, #tpu.memory_space<semaphore_mem>>
      %dma_start3A_123 = arith.constant 0 : i32
      %dma_start3A_124 = tpu.memref_slice %arg6[%run_scoped3A, %dma_start3A_123] : memref<3x80xi32, #tpu.memory_space<vmem>> -> memref<1x80xi32, #tpu.memory_space<vmem>>
      %dma_start3A_125 = tpu.memref_squeeze %dma_start3A_124 : memref<1x80xi32, #tpu.memory_space<vmem>> -> memref<80xi32, #tpu.memory_space<vmem>>
      %dma_start3A_126 = arith.constant 0 : i32
      %dma_start3A_127 = arith.constant 0 : i32
      %dma_start3A_128 = tpu.memref_slice %arg16[%dma_start3A_126, %dma_start3A_127] : memref<10112x128xf32, #tpu.memory_space<vmem_shared>> -> memref<10112x128xf32, #tpu.memory_space<vmem_shared>>
      tpu.enqueue_indirect_dma source(%arg7 : memref<80x128xf32, #tpu.memory_space<vmem>>) target(%dma_start3A_128 : memref<10112x128xf32, #tpu.memory_space<vmem_shared>>) offsets(%dma_start3A_125 : memref<80xi32, #tpu.memory_space<vmem>>) semaphore(%run_scoped3A_122 : memref<!tpu.dma_semaphore, #tpu.memory_space<semaphore_mem>>) {add = true}
      %dma_wait3A_129 = arith.constant 0 : i32
      %dma_wait3A_130 = tpu.memref_slice %arg6[%run_scoped3A, %dma_wait3A_129] : memref<3x80xi32, #tpu.memory_space<vmem>> -> memref<1x80xi32, #tpu.memory_space<vmem>>
      %dma_wait3A_131 = tpu.memref_squeeze %dma_wait3A_130 : memref<1x80xi32, #tpu.memory_space<vmem>> -> memref<80xi32, #tpu.memory_space<vmem>>
      %dma_wait3A_132 = arith.constant 0 : i32
      %dma_wait3A_133 = arith.constant 0 : i32
      %dma_wait3A_134 = tpu.memref_slice %arg16[%dma_wait3A_132, %dma_wait3A_133] : memref<10112x128xf32, #tpu.memory_space<vmem_shared>> -> memref<10112x128xf32, #tpu.memory_space<vmem_shared>>
      tpu.wait_indirect_dma semaphore(%run_scoped3A_122 : memref<!tpu.dma_semaphore, #tpu.memory_space<semaphore_mem>>) src(%arg7 : memref<80x128xf32, #tpu.memory_space<vmem>>) dst(%dma_wait3A_134 : memref<10112x128xf32, #tpu.memory_space<vmem_shared>>)
      tpu.yield
    }) : () -> ()
    %barrier3A_86 = arith.constant 0 : index
    tpu.barrier barrier_id(%barrier3A_86)
    %mul3A_87 = arith.constant 10112 : i32
    %mul3A_88 = arith.muli %arg0, %mul3A_87 : i32
    %add3A_89 = arith.addi %mul3A_88, %mul3A_9 : i32
    %add3A_90 = arith.constant 0 : i32
    %add3A_91 = arith.addi %mul3A_9, %add3A_90 : i32
    "tpu.region"() ({
      %run_scoped3A_122 = tpu.sem_alloc : memref<!tpu.dma_semaphore, #tpu.memory_space<semaphore_mem>>
      %dma_start3A_123 = arith.constant 0 : i32
      %dma_start3A_124 = tpu.memref_slice %arg16[%add3A_91, %dma_start3A_123] : memref<10112x128xf32, #tpu.memory_space<vmem_shared>> -> memref<80x128xf32, #tpu.memory_space<vmem_shared>>
      %dma_start3A_125 = arith.constant 0 : i32
      %dma_start3A_126 = tpu.memref_slice %arg16[%add3A_91, %dma_start3A_125] : memref<10112x128xf32, #tpu.memory_space<vmem_shared>> -> memref<80x128xf32, #tpu.memory_space<vmem_shared>>
      tpu.enqueue_dma source(%dma_start3A_126 : memref<80x128xf32, #tpu.memory_space<vmem_shared>>) target(%arg7 : memref<80x128xf32, #tpu.memory_space<vmem>>) target_semaphore(%run_scoped3A_122 : memref<!tpu.dma_semaphore, #tpu.memory_space<semaphore_mem>>)
      %dma_wait3A_127 = arith.constant 0 : i32
      %dma_wait3A_128 = tpu.memref_slice %arg16[%add3A_91, %dma_wait3A_127] : memref<10112x128xf32, #tpu.memory_space<vmem_shared>> -> memref<80x128xf32, #tpu.memory_space<vmem_shared>>
      %dma_wait3A_129 = arith.constant 0 : i32
      %dma_wait3A_130 = tpu.memref_slice %arg16[%add3A_91, %dma_wait3A_129] : memref<10112x128xf32, #tpu.memory_space<vmem_shared>> -> memref<80x128xf32, #tpu.memory_space<vmem_shared>>
      tpu.wait_dma2 semaphore(%run_scoped3A_122 : memref<!tpu.dma_semaphore, #tpu.memory_space<semaphore_mem>>) src(%dma_wait3A_130 : memref<80x128xf32, #tpu.memory_space<vmem_shared>>) dst(%arg7 : memref<80x128xf32, #tpu.memory_space<vmem>>)
      tpu.yield
    }) : () -> ()
    %add3A_92 = arith.constant 0 : i32
    %add3A_93 = arith.addi %add3A_89, %add3A_92 : i32
    "tpu.region"() ({
      %run_scoped3A_122 = tpu.sem_alloc : memref<!tpu.dma_semaphore, #tpu.memory_space<semaphore_mem>>
      %dma_start3A_123 = arith.constant 0 : i32
      %dma_start3A_124 = tpu.memref_slice %arg5[%add3A_93, %dma_start3A_123] : memref<20224x128xf32, #tpu.memory_space<hbm>> -> memref<80x128xf32, #tpu.memory_space<hbm>>
      %dma_start3A_125 = arith.constant 0 : i32
      %dma_start3A_126 = tpu.memref_slice %arg5[%add3A_93, %dma_start3A_125] : memref<20224x128xf32, #tpu.memory_space<hbm>> -> memref<80x128xf32, #tpu.memory_space<hbm>>
      tpu.enqueue_dma source(%arg7 : memref<80x128xf32, #tpu.memory_space<vmem>>) target(%dma_start3A_126 : memref<80x128xf32, #tpu.memory_space<hbm>>) target_semaphore(%run_scoped3A_122 : memref<!tpu.dma_semaphore, #tpu.memory_space<semaphore_mem>>)
      %dma_wait3A_127 = arith.constant 0 : i32
      %dma_wait3A_128 = tpu.memref_slice %arg5[%add3A_93, %dma_wait3A_127] : memref<20224x128xf32, #tpu.memory_space<hbm>> -> memref<80x128xf32, #tpu.memory_space<hbm>>
      %dma_wait3A_129 = arith.constant 0 : i32
      %dma_wait3A_130 = tpu.memref_slice %arg5[%add3A_93, %dma_wait3A_129] : memref<20224x128xf32, #tpu.memory_space<hbm>> -> memref<80x128xf32, #tpu.memory_space<hbm>>
      tpu.wait_dma2 semaphore(%run_scoped3A_122 : memref<!tpu.dma_semaphore, #tpu.memory_space<semaphore_mem>>) src(%arg7 : memref<80x128xf32, #tpu.memory_space<vmem>>) dst(%dma_wait3A_130 : memref<80x128xf32, #tpu.memory_space<hbm>>)
      tpu.yield
    }) : () -> ()
    %add3A_94 = arith.constant 80 : i32
    %add3A_95 = arith.addi %mul3A_9, %add3A_94 : i32
    "tpu.region"() ({
      %run_scoped3A_122 = tpu.sem_alloc : memref<!tpu.dma_semaphore, #tpu.memory_space<semaphore_mem>>
      %dma_start3A_123 = arith.constant 0 : i32
      %dma_start3A_124 = tpu.memref_slice %arg16[%add3A_95, %dma_start3A_123] : memref<10112x128xf32, #tpu.memory_space<vmem_shared>> -> memref<80x128xf32, #tpu.memory_space<vmem_shared>>
      %dma_start3A_125 = arith.constant 0 : i32
      %dma_start3A_126 = tpu.memref_slice %arg16[%add3A_95, %dma_start3A_125] : memref<10112x128xf32, #tpu.memory_space<vmem_shared>> -> memref<80x128xf32, #tpu.memory_space<vmem_shared>>
      tpu.enqueue_dma source(%dma_start3A_126 : memref<80x128xf32, #tpu.memory_space<vmem_shared>>) target(%arg7 : memref<80x128xf32, #tpu.memory_space<vmem>>) target_semaphore(%run_scoped3A_122 : memref<!tpu.dma_semaphore, #tpu.memory_space<semaphore_mem>>)
      %dma_wait3A_127 = arith.constant 0 : i32
      %dma_wait3A_128 = tpu.memref_slice %arg16[%add3A_95, %dma_wait3A_127] : memref<10112x128xf32, #tpu.memory_space<vmem_shared>> -> memref<80x128xf32, #tpu.memory_space<vmem_shared>>
      %dma_wait3A_129 = arith.constant 0 : i32
      %dma_wait3A_130 = tpu.memref_slice %arg16[%add3A_95, %dma_wait3A_129] : memref<10112x128xf32, #tpu.memory_space<vmem_shared>> -> memref<80x128xf32, #tpu.memory_space<vmem_shared>>
      tpu.wait_dma2 semaphore(%run_scoped3A_122 : memref<!tpu.dma_semaphore, #tpu.memory_space<semaphore_mem>>) src(%dma_wait3A_130 : memref<80x128xf32, #tpu.memory_space<vmem_shared>>) dst(%arg7 : memref<80x128xf32, #tpu.memory_space<vmem>>)
      tpu.yield
    }) : () -> ()
    %add3A_96 = arith.constant 80 : i32
    %add3A_97 = arith.addi %add3A_89, %add3A_96 : i32
    "tpu.region"() ({
      %run_scoped3A_122 = tpu.sem_alloc : memref<!tpu.dma_semaphore, #tpu.memory_space<semaphore_mem>>
      %dma_start3A_123 = arith.constant 0 : i32
      %dma_start3A_124 = tpu.memref_slice %arg5[%add3A_97, %dma_start3A_123] : memref<20224x128xf32, #tpu.memory_space<hbm>> -> memref<80x128xf32, #tpu.memory_space<hbm>>
      %dma_start3A_125 = arith.constant 0 : i32
      %dma_start3A_126 = tpu.memref_slice %arg5[%add3A_97, %dma_start3A_125] : memref<20224x128xf32, #tpu.memory_space<hbm>> -> memref<80x128xf32, #tpu.memory_space<hbm>>
      tpu.enqueue_dma source(%arg7 : memref<80x128xf32, #tpu.memory_space<vmem>>) target(%dma_start3A_126 : memref<80x128xf32, #tpu.memory_space<hbm>>) target_semaphore(%run_scoped3A_122 : memref<!tpu.dma_semaphore, #tpu.memory_space<semaphore_mem>>)
      %dma_wait3A_127 = arith.constant 0 : i32
      %dma_wait3A_128 = tpu.memref_slice %arg5[%add3A_97, %dma_wait3A_127] : memref<20224x128xf32, #tpu.memory_space<hbm>> -> memref<80x128xf32, #tpu.memory_space<hbm>>
      %dma_wait3A_129 = arith.constant 0 : i32
      %dma_wait3A_130 = tpu.memref_slice %arg5[%add3A_97, %dma_wait3A_129] : memref<20224x128xf32, #tpu.memory_space<hbm>> -> memref<80x128xf32, #tpu.memory_space<hbm>>
      tpu.wait_dma2 semaphore(%run_scoped3A_122 : memref<!tpu.dma_semaphore, #tpu.memory_space<semaphore_mem>>) src(%arg7 : memref<80x128xf32, #tpu.memory_space<vmem>>) dst(%dma_wait3A_130 : memref<80x128xf32, #tpu.memory_space<hbm>>)
      tpu.yield
    }) : () -> ()
    %add3A_98 = arith.constant 160 : i32
    %add3A_99 = arith.addi %mul3A_9, %add3A_98 : i32
    "tpu.region"() ({
      %run_scoped3A_122 = tpu.sem_alloc : memref<!tpu.dma_semaphore, #tpu.memory_space<semaphore_mem>>
      %dma_start3A_123 = arith.constant 0 : i32
      %dma_start3A_124 = tpu.memref_slice %arg16[%add3A_99, %dma_start3A_123] : memref<10112x128xf32, #tpu.memory_space<vmem_shared>> -> memref<80x128xf32, #tpu.memory_space<vmem_shared>>
      %dma_start3A_125 = arith.constant 0 : i32
      %dma_start3A_126 = tpu.memref_slice %arg16[%add3A_99, %dma_start3A_125] : memref<10112x128xf32, #tpu.memory_space<vmem_shared>> -> memref<80x128xf32, #tpu.memory_space<vmem_shared>>
      tpu.enqueue_dma source(%dma_start3A_126 : memref<80x128xf32, #tpu.memory_space<vmem_shared>>) target(%arg7 : memref<80x128xf32, #tpu.memory_space<vmem>>) target_semaphore(%run_scoped3A_122 : memref<!tpu.dma_semaphore, #tpu.memory_space<semaphore_mem>>)
      %dma_wait3A_127 = arith.constant 0 : i32
      %dma_wait3A_128 = tpu.memref_slice %arg16[%add3A_99, %dma_wait3A_127] : memref<10112x128xf32, #tpu.memory_space<vmem_shared>> -> memref<80x128xf32, #tpu.memory_space<vmem_shared>>
      %dma_wait3A_129 = arith.constant 0 : i32
      %dma_wait3A_130 = tpu.memref_slice %arg16[%add3A_99, %dma_wait3A_129] : memref<10112x128xf32, #tpu.memory_space<vmem_shared>> -> memref<80x128xf32, #tpu.memory_space<vmem_shared>>
      tpu.wait_dma2 semaphore(%run_scoped3A_122 : memref<!tpu.dma_semaphore, #tpu.memory_space<semaphore_mem>>) src(%dma_wait3A_130 : memref<80x128xf32, #tpu.memory_space<vmem_shared>>) dst(%arg7 : memref<80x128xf32, #tpu.memory_space<vmem>>)
      tpu.yield
    }) : () -> ()
    %add3A_100 = arith.constant 160 : i32
    %add3A_101 = arith.addi %add3A_89, %add3A_100 : i32
    "tpu.region"() ({
      %run_scoped3A_122 = tpu.sem_alloc : memref<!tpu.dma_semaphore, #tpu.memory_space<semaphore_mem>>
      %dma_start3A_123 = arith.constant 0 : i32
      %dma_start3A_124 = tpu.memref_slice %arg5[%add3A_101, %dma_start3A_123] : memref<20224x128xf32, #tpu.memory_space<hbm>> -> memref<80x128xf32, #tpu.memory_space<hbm>>
      %dma_start3A_125 = arith.constant 0 : i32
      %dma_start3A_126 = tpu.memref_slice %arg5[%add3A_101, %dma_start3A_125] : memref<20224x128xf32, #tpu.memory_space<hbm>> -> memref<80x128xf32, #tpu.memory_space<hbm>>
      tpu.enqueue_dma source(%arg7 : memref<80x128xf32, #tpu.memory_space<vmem>>) target(%dma_start3A_126 : memref<80x128xf32, #tpu.memory_space<hbm>>) target_semaphore(%run_scoped3A_122 : memref<!tpu.dma_semaphore, #tpu.memory_space<semaphore_mem>>)
      %dma_wait3A_127 = arith.constant 0 : i32
      %dma_wait3A_128 = tpu.memref_slice %arg5[%add3A_101, %dma_wait3A_127] : memref<20224x128xf32, #tpu.memory_space<hbm>> -> memref<80x128xf32, #tpu.memory_space<hbm>>
      %dma_wait3A_129 = arith.constant 0 : i32
      %dma_wait3A_130 = tpu.memref_slice %arg5[%add3A_101, %dma_wait3A_129] : memref<20224x128xf32, #tpu.memory_space<hbm>> -> memref<80x128xf32, #tpu.memory_space<hbm>>
      tpu.wait_dma2 semaphore(%run_scoped3A_122 : memref<!tpu.dma_semaphore, #tpu.memory_space<semaphore_mem>>) src(%arg7 : memref<80x128xf32, #tpu.memory_space<vmem>>) dst(%dma_wait3A_130 : memref<80x128xf32, #tpu.memory_space<hbm>>)
      tpu.yield
    }) : () -> ()
    %add3A_102 = arith.constant 240 : i32
    %add3A_103 = arith.addi %mul3A_9, %add3A_102 : i32
    "tpu.region"() ({
      %run_scoped3A_122 = tpu.sem_alloc : memref<!tpu.dma_semaphore, #tpu.memory_space<semaphore_mem>>
      %dma_start3A_123 = arith.constant 0 : i32
      %dma_start3A_124 = tpu.memref_slice %arg16[%add3A_103, %dma_start3A_123] : memref<10112x128xf32, #tpu.memory_space<vmem_shared>> -> memref<80x128xf32, #tpu.memory_space<vmem_shared>>
      %dma_start3A_125 = arith.constant 0 : i32
      %dma_start3A_126 = tpu.memref_slice %arg16[%add3A_103, %dma_start3A_125] : memref<10112x128xf32, #tpu.memory_space<vmem_shared>> -> memref<80x128xf32, #tpu.memory_space<vmem_shared>>
      tpu.enqueue_dma source(%dma_start3A_126 : memref<80x128xf32, #tpu.memory_space<vmem_shared>>) target(%arg7 : memref<80x128xf32, #tpu.memory_space<vmem>>) target_semaphore(%run_scoped3A_122 : memref<!tpu.dma_semaphore, #tpu.memory_space<semaphore_mem>>)
      %dma_wait3A_127 = arith.constant 0 : i32
      %dma_wait3A_128 = tpu.memref_slice %arg16[%add3A_103, %dma_wait3A_127] : memref<10112x128xf32, #tpu.memory_space<vmem_shared>> -> memref<80x128xf32, #tpu.memory_space<vmem_shared>>
      %dma_wait3A_129 = arith.constant 0 : i32
      %dma_wait3A_130 = tpu.memref_slice %arg16[%add3A_103, %dma_wait3A_129] : memref<10112x128xf32, #tpu.memory_space<vmem_shared>> -> memref<80x128xf32, #tpu.memory_space<vmem_shared>>
      tpu.wait_dma2 semaphore(%run_scoped3A_122 : memref<!tpu.dma_semaphore, #tpu.memory_space<semaphore_mem>>) src(%dma_wait3A_130 : memref<80x128xf32, #tpu.memory_space<vmem_shared>>) dst(%arg7 : memref<80x128xf32, #tpu.memory_space<vmem>>)
      tpu.yield
    }) : () -> ()
    %add3A_104 = arith.constant 240 : i32
    %add3A_105 = arith.addi %add3A_89, %add3A_104 : i32
    "tpu.region"() ({
      %run_scoped3A_122 = tpu.sem_alloc : memref<!tpu.dma_semaphore, #tpu.memory_space<semaphore_mem>>
      %dma_start3A_123 = arith.constant 0 : i32
      %dma_start3A_124 = tpu.memref_slice %arg5[%add3A_105, %dma_start3A_123] : memref<20224x128xf32, #tpu.memory_space<hbm>> -> memref<80x128xf32, #tpu.memory_space<hbm>>
      %dma_start3A_125 = arith.constant 0 : i32
      %dma_start3A_126 = tpu.memref_slice %arg5[%add3A_105, %dma_start3A_125] : memref<20224x128xf32, #tpu.memory_space<hbm>> -> memref<80x128xf32, #tpu.memory_space<hbm>>
      tpu.enqueue_dma source(%arg7 : memref<80x128xf32, #tpu.memory_space<vmem>>) target(%dma_start3A_126 : memref<80x128xf32, #tpu.memory_space<hbm>>) target_semaphore(%run_scoped3A_122 : memref<!tpu.dma_semaphore, #tpu.memory_space<semaphore_mem>>)
      %dma_wait3A_127 = arith.constant 0 : i32
      %dma_wait3A_128 = tpu.memref_slice %arg5[%add3A_105, %dma_wait3A_127] : memref<20224x128xf32, #tpu.memory_space<hbm>> -> memref<80x128xf32, #tpu.memory_space<hbm>>
      %dma_wait3A_129 = arith.constant 0 : i32
      %dma_wait3A_130 = tpu.memref_slice %arg5[%add3A_105, %dma_wait3A_129] : memref<20224x128xf32, #tpu.memory_space<hbm>> -> memref<80x128xf32, #tpu.memory_space<hbm>>
      tpu.wait_dma2 semaphore(%run_scoped3A_122 : memref<!tpu.dma_semaphore, #tpu.memory_space<semaphore_mem>>) src(%arg7 : memref<80x128xf32, #tpu.memory_space<vmem>>) dst(%dma_wait3A_130 : memref<80x128xf32, #tpu.memory_space<hbm>>)
      tpu.yield
    }) : () -> ()
    %add3A_106 = arith.constant 320 : i32
    %add3A_107 = arith.addi %mul3A_9, %add3A_106 : i32
    "tpu.region"() ({
      %run_scoped3A_122 = tpu.sem_alloc : memref<!tpu.dma_semaphore, #tpu.memory_space<semaphore_mem>>
      %dma_start3A_123 = arith.constant 0 : i32
      %dma_start3A_124 = tpu.memref_slice %arg16[%add3A_107, %dma_start3A_123] : memref<10112x128xf32, #tpu.memory_space<vmem_shared>> -> memref<80x128xf32, #tpu.memory_space<vmem_shared>>
      %dma_start3A_125 = arith.constant 0 : i32
      %dma_start3A_126 = tpu.memref_slice %arg16[%add3A_107, %dma_start3A_125] : memref<10112x128xf32, #tpu.memory_space<vmem_shared>> -> memref<80x128xf32, #tpu.memory_space<vmem_shared>>
      tpu.enqueue_dma source(%dma_start3A_126 : memref<80x128xf32, #tpu.memory_space<vmem_shared>>) target(%arg7 : memref<80x128xf32, #tpu.memory_space<vmem>>) target_semaphore(%run_scoped3A_122 : memref<!tpu.dma_semaphore, #tpu.memory_space<semaphore_mem>>)
      %dma_wait3A_127 = arith.constant 0 : i32
      %dma_wait3A_128 = tpu.memref_slice %arg16[%add3A_107, %dma_wait3A_127] : memref<10112x128xf32, #tpu.memory_space<vmem_shared>> -> memref<80x128xf32, #tpu.memory_space<vmem_shared>>
      %dma_wait3A_129 = arith.constant 0 : i32
      %dma_wait3A_130 = tpu.memref_slice %arg16[%add3A_107, %dma_wait3A_129] : memref<10112x128xf32, #tpu.memory_space<vmem_shared>> -> memref<80x128xf32, #tpu.memory_space<vmem_shared>>
      tpu.wait_dma2 semaphore(%run_scoped3A_122 : memref<!tpu.dma_semaphore, #tpu.memory_space<semaphore_mem>>) src(%dma_wait3A_130 : memref<80x128xf32, #tpu.memory_space<vmem_shared>>) dst(%arg7 : memref<80x128xf32, #tpu.memory_space<vmem>>)
      tpu.yield
    }) : () -> ()
    %add3A_108 = arith.constant 320 : i32
    %add3A_109 = arith.addi %add3A_89, %add3A_108 : i32
    "tpu.region"() ({
      %run_scoped3A_122 = tpu.sem_alloc : memref<!tpu.dma_semaphore, #tpu.memory_space<semaphore_mem>>
      %dma_start3A_123 = arith.constant 0 : i32
      %dma_start3A_124 = tpu.memref_slice %arg5[%add3A_109, %dma_start3A_123] : memref<20224x128xf32, #tpu.memory_space<hbm>> -> memref<80x128xf32, #tpu.memory_space<hbm>>
      %dma_start3A_125 = arith.constant 0 : i32
      %dma_start3A_126 = tpu.memref_slice %arg5[%add3A_109, %dma_start3A_125] : memref<20224x128xf32, #tpu.memory_space<hbm>> -> memref<80x128xf32, #tpu.memory_space<hbm>>
      tpu.enqueue_dma source(%arg7 : memref<80x128xf32, #tpu.memory_space<vmem>>) target(%dma_start3A_126 : memref<80x128xf32, #tpu.memory_space<hbm>>) target_semaphore(%run_scoped3A_122 : memref<!tpu.dma_semaphore, #tpu.memory_space<semaphore_mem>>)
      %dma_wait3A_127 = arith.constant 0 : i32
      %dma_wait3A_128 = tpu.memref_slice %arg5[%add3A_109, %dma_wait3A_127] : memref<20224x128xf32, #tpu.memory_space<hbm>> -> memref<80x128xf32, #tpu.memory_space<hbm>>
      %dma_wait3A_129 = arith.constant 0 : i32
      %dma_wait3A_130 = tpu.memref_slice %arg5[%add3A_109, %dma_wait3A_129] : memref<20224x128xf32, #tpu.memory_space<hbm>> -> memref<80x128xf32, #tpu.memory_space<hbm>>
      tpu.wait_dma2 semaphore(%run_scoped3A_122 : memref<!tpu.dma_semaphore, #tpu.memory_space<semaphore_mem>>) src(%arg7 : memref<80x128xf32, #tpu.memory_space<vmem>>) dst(%dma_wait3A_130 : memref<80x128xf32, #tpu.memory_space<hbm>>)
      tpu.yield
    }) : () -> ()
    %add3A_110 = arith.constant 400 : i32
    %add3A_111 = arith.addi %mul3A_9, %add3A_110 : i32
    "tpu.region"() ({
      %run_scoped3A_122 = tpu.sem_alloc : memref<!tpu.dma_semaphore, #tpu.memory_space<semaphore_mem>>
      %dma_start3A_123 = arith.constant 0 : i32
      %dma_start3A_124 = tpu.memref_slice %arg16[%add3A_111, %dma_start3A_123] : memref<10112x128xf32, #tpu.memory_space<vmem_shared>> -> memref<80x128xf32, #tpu.memory_space<vmem_shared>>
      %dma_start3A_125 = arith.constant 0 : i32
      %dma_start3A_126 = tpu.memref_slice %arg16[%add3A_111, %dma_start3A_125] : memref<10112x128xf32, #tpu.memory_space<vmem_shared>> -> memref<80x128xf32, #tpu.memory_space<vmem_shared>>
      tpu.enqueue_dma source(%dma_start3A_126 : memref<80x128xf32, #tpu.memory_space<vmem_shared>>) target(%arg7 : memref<80x128xf32, #tpu.memory_space<vmem>>) target_semaphore(%run_scoped3A_122 : memref<!tpu.dma_semaphore, #tpu.memory_space<semaphore_mem>>)
      %dma_wait3A_127 = arith.constant 0 : i32
      %dma_wait3A_128 = tpu.memref_slice %arg16[%add3A_111, %dma_wait3A_127] : memref<10112x128xf32, #tpu.memory_space<vmem_shared>> -> memref<80x128xf32, #tpu.memory_space<vmem_shared>>
      %dma_wait3A_129 = arith.constant 0 : i32
      %dma_wait3A_130 = tpu.memref_slice %arg16[%add3A_111, %dma_wait3A_129] : memref<10112x128xf32, #tpu.memory_space<vmem_shared>> -> memref<80x128xf32, #tpu.memory_space<vmem_shared>>
      tpu.wait_dma2 semaphore(%run_scoped3A_122 : memref<!tpu.dma_semaphore, #tpu.memory_space<semaphore_mem>>) src(%dma_wait3A_130 : memref<80x128xf32, #tpu.memory_space<vmem_shared>>) dst(%arg7 : memref<80x128xf32, #tpu.memory_space<vmem>>)
      tpu.yield
    }) : () -> ()
    %add3A_112 = arith.constant 400 : i32
    %add3A_113 = arith.addi %add3A_89, %add3A_112 : i32
    "tpu.region"() ({
      %run_scoped3A_122 = tpu.sem_alloc : memref<!tpu.dma_semaphore, #tpu.memory_space<semaphore_mem>>
      %dma_start3A_123 = arith.constant 0 : i32
      %dma_start3A_124 = tpu.memref_slice %arg5[%add3A_113, %dma_start3A_123] : memref<20224x128xf32, #tpu.memory_space<hbm>> -> memref<80x128xf32, #tpu.memory_space<hbm>>
      %dma_start3A_125 = arith.constant 0 : i32
      %dma_start3A_126 = tpu.memref_slice %arg5[%add3A_113, %dma_start3A_125] : memref<20224x128xf32, #tpu.memory_space<hbm>> -> memref<80x128xf32, #tpu.memory_space<hbm>>
      tpu.enqueue_dma source(%arg7 : memref<80x128xf32, #tpu.memory_space<vmem>>) target(%dma_start3A_126 : memref<80x128xf32, #tpu.memory_space<hbm>>) target_semaphore(%run_scoped3A_122 : memref<!tpu.dma_semaphore, #tpu.memory_space<semaphore_mem>>)
      %dma_wait3A_127 = arith.constant 0 : i32
      %dma_wait3A_128 = tpu.memref_slice %arg5[%add3A_113, %dma_wait3A_127] : memref<20224x128xf32, #tpu.memory_space<hbm>> -> memref<80x128xf32, #tpu.memory_space<hbm>>
      %dma_wait3A_129 = arith.constant 0 : i32
      %dma_wait3A_130 = tpu.memref_slice %arg5[%add3A_113, %dma_wait3A_129] : memref<20224x128xf32, #tpu.memory_space<hbm>> -> memref<80x128xf32, #tpu.memory_space<hbm>>
      tpu.wait_dma2 semaphore(%run_scoped3A_122 : memref<!tpu.dma_semaphore, #tpu.memory_space<semaphore_mem>>) src(%arg7 : memref<80x128xf32, #tpu.memory_space<vmem>>) dst(%dma_wait3A_130 : memref<80x128xf32, #tpu.memory_space<hbm>>)
      tpu.yield
    }) : () -> ()
    %add3A_114 = arith.constant 480 : i32
    %add3A_115 = arith.addi %mul3A_9, %add3A_114 : i32
    "tpu.region"() ({
      %run_scoped3A_122 = tpu.sem_alloc : memref<!tpu.dma_semaphore, #tpu.memory_space<semaphore_mem>>
      %dma_start3A_123 = arith.constant 0 : i32
      %dma_start3A_124 = tpu.memref_slice %arg16[%add3A_115, %dma_start3A_123] : memref<10112x128xf32, #tpu.memory_space<vmem_shared>> -> memref<80x128xf32, #tpu.memory_space<vmem_shared>>
      %dma_start3A_125 = arith.constant 0 : i32
      %dma_start3A_126 = tpu.memref_slice %arg16[%add3A_115, %dma_start3A_125] : memref<10112x128xf32, #tpu.memory_space<vmem_shared>> -> memref<80x128xf32, #tpu.memory_space<vmem_shared>>
      tpu.enqueue_dma source(%dma_start3A_126 : memref<80x128xf32, #tpu.memory_space<vmem_shared>>) target(%arg7 : memref<80x128xf32, #tpu.memory_space<vmem>>) target_semaphore(%run_scoped3A_122 : memref<!tpu.dma_semaphore, #tpu.memory_space<semaphore_mem>>)
      %dma_wait3A_127 = arith.constant 0 : i32
      %dma_wait3A_128 = tpu.memref_slice %arg16[%add3A_115, %dma_wait3A_127] : memref<10112x128xf32, #tpu.memory_space<vmem_shared>> -> memref<80x128xf32, #tpu.memory_space<vmem_shared>>
      %dma_wait3A_129 = arith.constant 0 : i32
      %dma_wait3A_130 = tpu.memref_slice %arg16[%add3A_115, %dma_wait3A_129] : memref<10112x128xf32, #tpu.memory_space<vmem_shared>> -> memref<80x128xf32, #tpu.memory_space<vmem_shared>>
      tpu.wait_dma2 semaphore(%run_scoped3A_122 : memref<!tpu.dma_semaphore, #tpu.memory_space<semaphore_mem>>) src(%dma_wait3A_130 : memref<80x128xf32, #tpu.memory_space<vmem_shared>>) dst(%arg7 : memref<80x128xf32, #tpu.memory_space<vmem>>)
      tpu.yield
    }) : () -> ()
    %add3A_116 = arith.constant 480 : i32
    %add3A_117 = arith.addi %add3A_89, %add3A_116 : i32
    "tpu.region"() ({
      %run_scoped3A_122 = tpu.sem_alloc : memref<!tpu.dma_semaphore, #tpu.memory_space<semaphore_mem>>
      %dma_start3A_123 = arith.constant 0 : i32
      %dma_start3A_124 = tpu.memref_slice %arg5[%add3A_117, %dma_start3A_123] : memref<20224x128xf32, #tpu.memory_space<hbm>> -> memref<80x128xf32, #tpu.memory_space<hbm>>
      %dma_start3A_125 = arith.constant 0 : i32
      %dma_start3A_126 = tpu.memref_slice %arg5[%add3A_117, %dma_start3A_125] : memref<20224x128xf32, #tpu.memory_space<hbm>> -> memref<80x128xf32, #tpu.memory_space<hbm>>
      tpu.enqueue_dma source(%arg7 : memref<80x128xf32, #tpu.memory_space<vmem>>) target(%dma_start3A_126 : memref<80x128xf32, #tpu.memory_space<hbm>>) target_semaphore(%run_scoped3A_122 : memref<!tpu.dma_semaphore, #tpu.memory_space<semaphore_mem>>)
      %dma_wait3A_127 = arith.constant 0 : i32
      %dma_wait3A_128 = tpu.memref_slice %arg5[%add3A_117, %dma_wait3A_127] : memref<20224x128xf32, #tpu.memory_space<hbm>> -> memref<80x128xf32, #tpu.memory_space<hbm>>
      %dma_wait3A_129 = arith.constant 0 : i32
      %dma_wait3A_130 = tpu.memref_slice %arg5[%add3A_117, %dma_wait3A_129] : memref<20224x128xf32, #tpu.memory_space<hbm>> -> memref<80x128xf32, #tpu.memory_space<hbm>>
      tpu.wait_dma2 semaphore(%run_scoped3A_122 : memref<!tpu.dma_semaphore, #tpu.memory_space<semaphore_mem>>) src(%arg7 : memref<80x128xf32, #tpu.memory_space<vmem>>) dst(%dma_wait3A_130 : memref<80x128xf32, #tpu.memory_space<hbm>>)
      tpu.yield
    }) : () -> ()
    %add3A_118 = arith.constant 560 : i32
    %add3A_119 = arith.addi %mul3A_9, %add3A_118 : i32
    "tpu.region"() ({
      %run_scoped3A_122 = tpu.sem_alloc : memref<!tpu.dma_semaphore, #tpu.memory_space<semaphore_mem>>
      %dma_start3A_123 = arith.constant 0 : i32
      %dma_start3A_124 = arith.constant 0 : i32
      %dma_start3A_125 = tpu.memref_slice %arg7[%dma_start3A_123, %dma_start3A_124] : memref<80x128xf32, #tpu.memory_space<vmem>> -> memref<72x128xf32, #tpu.memory_space<vmem>>
      %dma_start3A_126 = arith.constant 0 : i32
      %dma_start3A_127 = tpu.memref_slice %arg16[%add3A_119, %dma_start3A_126] : memref<10112x128xf32, #tpu.memory_space<vmem_shared>> -> memref<72x128xf32, #tpu.memory_space<vmem_shared>>
      %dma_start3A_128 = arith.constant 0 : i32
      %dma_start3A_129 = arith.constant 0 : i32
      %dma_start3A_130 = tpu.memref_slice %arg7[%dma_start3A_128, %dma_start3A_129] : memref<80x128xf32, #tpu.memory_space<vmem>> -> memref<72x128xf32, #tpu.memory_space<vmem>>
      %dma_start3A_131 = arith.constant 0 : i32
      %dma_start3A_132 = tpu.memref_slice %arg16[%add3A_119, %dma_start3A_131] : memref<10112x128xf32, #tpu.memory_space<vmem_shared>> -> memref<72x128xf32, #tpu.memory_space<vmem_shared>>
      tpu.enqueue_dma source(%dma_start3A_132 : memref<72x128xf32, #tpu.memory_space<vmem_shared>>) target(%dma_start3A_130 : memref<72x128xf32, #tpu.memory_space<vmem>>) target_semaphore(%run_scoped3A_122 : memref<!tpu.dma_semaphore, #tpu.memory_space<semaphore_mem>>)
      %dma_wait3A_133 = arith.constant 0 : i32
      %dma_wait3A_134 = arith.constant 0 : i32
      %dma_wait3A_135 = tpu.memref_slice %arg7[%dma_wait3A_133, %dma_wait3A_134] : memref<80x128xf32, #tpu.memory_space<vmem>> -> memref<72x128xf32, #tpu.memory_space<vmem>>
      %dma_wait3A_136 = arith.constant 0 : i32
      %dma_wait3A_137 = tpu.memref_slice %arg16[%add3A_119, %dma_wait3A_136] : memref<10112x128xf32, #tpu.memory_space<vmem_shared>> -> memref<72x128xf32, #tpu.memory_space<vmem_shared>>
      %dma_wait3A_138 = arith.constant 0 : i32
      %dma_wait3A_139 = arith.constant 0 : i32
      %dma_wait3A_140 = tpu.memref_slice %arg7[%dma_wait3A_138, %dma_wait3A_139] : memref<80x128xf32, #tpu.memory_space<vmem>> -> memref<72x128xf32, #tpu.memory_space<vmem>>
      %dma_wait3A_141 = arith.constant 0 : i32
      %dma_wait3A_142 = tpu.memref_slice %arg16[%add3A_119, %dma_wait3A_141] : memref<10112x128xf32, #tpu.memory_space<vmem_shared>> -> memref<72x128xf32, #tpu.memory_space<vmem_shared>>
      tpu.wait_dma2 semaphore(%run_scoped3A_122 : memref<!tpu.dma_semaphore, #tpu.memory_space<semaphore_mem>>) src(%dma_wait3A_142 : memref<72x128xf32, #tpu.memory_space<vmem_shared>>) dst(%dma_wait3A_140 : memref<72x128xf32, #tpu.memory_space<vmem>>)
      tpu.yield
    }) : () -> ()
    %add3A_120 = arith.constant 560 : i32
    %add3A_121 = arith.addi %add3A_89, %add3A_120 : i32
    "tpu.region"() ({
      %run_scoped3A_122 = tpu.sem_alloc : memref<!tpu.dma_semaphore, #tpu.memory_space<semaphore_mem>>
      %dma_start3A_123 = arith.constant 0 : i32
      %dma_start3A_124 = arith.constant 0 : i32
      %dma_start3A_125 = tpu.memref_slice %arg7[%dma_start3A_123, %dma_start3A_124] : memref<80x128xf32, #tpu.memory_space<vmem>> -> memref<72x128xf32, #tpu.memory_space<vmem>>
      %dma_start3A_126 = arith.constant 0 : i32
      %dma_start3A_127 = tpu.memref_slice %arg5[%add3A_121, %dma_start3A_126] : memref<20224x128xf32, #tpu.memory_space<hbm>> -> memref<72x128xf32, #tpu.memory_space<hbm>>
      %dma_start3A_128 = arith.constant 0 : i32
      %dma_start3A_129 = tpu.memref_slice %arg5[%add3A_121, %dma_start3A_128] : memref<20224x128xf32, #tpu.memory_space<hbm>> -> memref<72x128xf32, #tpu.memory_space<hbm>>
      %dma_start3A_130 = arith.constant 0 : i32
      %dma_start3A_131 = arith.constant 0 : i32
      %dma_start3A_132 = tpu.memref_slice %arg7[%dma_start3A_130, %dma_start3A_131] : memref<80x128xf32, #tpu.memory_space<vmem>> -> memref<72x128xf32, #tpu.memory_space<vmem>>
      tpu.enqueue_dma source(%dma_start3A_132 : memref<72x128xf32, #tpu.memory_space<vmem>>) target(%dma_start3A_129 : memref<72x128xf32, #tpu.memory_space<hbm>>) target_semaphore(%run_scoped3A_122 : memref<!tpu.dma_semaphore, #tpu.memory_space<semaphore_mem>>)
      %dma_wait3A_133 = arith.constant 0 : i32
      %dma_wait3A_134 = arith.constant 0 : i32
      %dma_wait3A_135 = tpu.memref_slice %arg7[%dma_wait3A_133, %dma_wait3A_134] : memref<80x128xf32, #tpu.memory_space<vmem>> -> memref<72x128xf32, #tpu.memory_space<vmem>>
      %dma_wait3A_136 = arith.constant 0 : i32
      %dma_wait3A_137 = tpu.memref_slice %arg5[%add3A_121, %dma_wait3A_136] : memref<20224x128xf32, #tpu.memory_space<hbm>> -> memref<72x128xf32, #tpu.memory_space<hbm>>
      %dma_wait3A_138 = arith.constant 0 : i32
      %dma_wait3A_139 = tpu.memref_slice %arg5[%add3A_121, %dma_wait3A_138] : memref<20224x128xf32, #tpu.memory_space<hbm>> -> memref<72x128xf32, #tpu.memory_space<hbm>>
      %dma_wait3A_140 = arith.constant 0 : i32
      %dma_wait3A_141 = arith.constant 0 : i32
      %dma_wait3A_142 = tpu.memref_slice %arg7[%dma_wait3A_140, %dma_wait3A_141] : memref<80x128xf32, #tpu.memory_space<vmem>> -> memref<72x128xf32, #tpu.memory_space<vmem>>
      tpu.wait_dma2 semaphore(%run_scoped3A_122 : memref<!tpu.dma_semaphore, #tpu.memory_space<semaphore_mem>>) src(%dma_wait3A_142 : memref<72x128xf32, #tpu.memory_space<vmem>>) dst(%dma_wait3A_139 : memref<72x128xf32, #tpu.memory_space<hbm>>)
      tpu.yield
    }) : () -> ()
    return
  }
}

#map = affine_map<(d0, d1) -> (0)>
module attributes {stable_mosaic.version = 14 : i64} {
  func.func @_ehead_body(%arg0: i32, %arg1: i32, %arg2: memref<10000xf32, #tpu.memory_space<hbm>>, %arg3: memref<10000xf32, #tpu.memory_space<hbm>>, %arg4: memref<10000xi32, #tpu.memory_space<hbm>>, %arg5: memref<320000xi32, #tpu.memory_space<hbm>>, %arg6: memref<320000xi32, #tpu.memory_space<hbm>>, %arg7: memref<320000xf32, #tpu.memory_space<hbm>>, %arg8: memref<8192xf32, #tpu.memory_space<hbm>>, %arg9: memref<8192xf32, #tpu.memory_space<hbm>>, %arg10: memref<128xi32, #tpu.memory_space<vmem>>, %arg11: memref<128xi32, #tpu.memory_space<vmem>>, %arg12: memref<128xf32, #tpu.memory_space<vmem>>, %arg13: memref<128xf32, #tpu.memory_space<vmem>>, %arg14: memref<128xi32, #tpu.memory_space<vmem>>, %arg15: memref<128xf32, #tpu.memory_space<vmem>>, %arg16: memref<16xi32, #tpu.memory_space<vmem>>, %arg17: memref<16xi32, #tpu.memory_space<vmem>>, %arg18: memref<16xf32, #tpu.memory_space<vmem>>, %arg19: memref<16xf32, #tpu.memory_space<vmem>>, %arg20: memref<16xi32, #tpu.memory_space<vmem>>, %arg21: memref<16xf32, #tpu.memory_space<vmem>>, %arg22: memref<4096xf32, #tpu.memory_space<vmem>>, %arg23: memref<4096xf32, #tpu.memory_space<vmem>>, %arg24: memref<256xf32, #tpu.memory_space<vmem>>, %arg25: memref<!tpu.dma_semaphore, #tpu.memory_space<semaphore_mem>>, %arg26: memref<!tpu.dma_semaphore, #tpu.memory_space<semaphore_mem>>, %arg27: memref<!tpu.dma_semaphore, #tpu.memory_space<semaphore_mem>>) attributes {dimension_semantics = [#tpu.dimension_semantics<core_parallel>, #tpu.dimension_semantics<subcore_parallel>], iteration_bounds = array<i64: 2, 16>, scalar_prefetch = 0 : i64, scratch_operands = 18 : i64, tpu.core_type = #tpu.core_type<sc_vector_subcore>, window_params = [{transform_indices = #map}, {transform_indices = #map}, {transform_indices = #map}, {transform_indices = #map}, {transform_indices = #map}, {transform_indices = #map}, {transform_indices = #map}, {transform_indices = #map}]} {
    %mul3A = arith.constant 16 : i32
    %mul3A_0 = arith.muli %arg0, %mul3A : i32
    %add3A = arith.addi %mul3A_0, %arg1 : i32
    %broadcast_in_dim3A = arith.constant 0.000000e+00 : f32
    %broadcast_in_dim3A_1 = vector.broadcast %broadcast_in_dim3A : f32 to vector<16xf32>
    %broadcast_in_dim3A_2 = arith.constant 1.000000e+00 : f32
    %broadcast_in_dim3A_3 = vector.broadcast %broadcast_in_dim3A_2 : f32 to vector<16xf32>
    %iota3A = tpu.iota {dimensions = array<i32: 0>} : vector<16xi32>
    %scan3A = arith.constant 0 : i32
    %scan3A_4 = arith.constant 0 : i32
    %scan3A_5 = arith.constant 256 : i32
    %scan3A_6 = arith.addi %scan3A_4, %scan3A_5 : i32
    %scan3A_7 = arith.constant 1 : i32
    %scan3A_8 = scf.for %scan3A_67 = %scan3A_4 to %scan3A_6 step %scan3A_7 iter_args(%scan3A_68 = %scan3A) -> (i32)  : i32 {
      %mul3A_69 = arith.constant 16 : i32
      %mul3A_70 = arith.muli %scan3A_67, %mul3A_69 : i32
      %swap3A_71 = arith.index_cast %mul3A_70 : i32 to index
      %swap3A_72 = tpu.vector_load %arg22[%swap3A_71] {strides = array<i32>} : memref<4096xf32, #tpu.memory_space<vmem>>, vector<16xf32>,
      tpu.vector_store %arg22[%swap3A_71], %broadcast_in_dim3A_1 {strides = array<i32>} : memref<4096xf32, #tpu.memory_space<vmem>>, vector<16xf32>,
      %mul3A_73 = arith.constant 16 : i32
      %mul3A_74 = arith.muli %scan3A_67, %mul3A_73 : i32
      %swap3A_75 = arith.index_cast %mul3A_74 : i32 to index
      %swap3A_76 = tpu.vector_load %arg23[%swap3A_75] {strides = array<i32>} : memref<4096xf32, #tpu.memory_space<vmem>>, vector<16xf32>,
      tpu.vector_store %arg23[%swap3A_75], %broadcast_in_dim3A_1 {strides = array<i32>} : memref<4096xf32, #tpu.memory_space<vmem>>, vector<16xf32>,
      %scan3A_77 = arith.constant 0 : i32
      scf.yield %scan3A_77 : i32
    }
    %scan3A_9 = arith.constant 256 : i32
    %mul3A_10 = arith.constant 10000 : i32
    %mul3A_11 = arith.muli %add3A, %mul3A_10 : i32
    %scan3A_12 = arith.constant 0 : i32
    %scan3A_13 = arith.constant 0 : i32
    %scan3A_14 = arith.constant 78 : i32
    %scan3A_15 = arith.addi %scan3A_13, %scan3A_14 : i32
    %scan3A_16 = arith.constant 1 : i32
    %scan3A_17 = scf.for %scan3A_67 = %scan3A_13 to %scan3A_15 step %scan3A_16 iter_args(%scan3A_68 = %scan3A_12) -> (i32)  : i32 {
      %mul3A_69 = arith.constant 128 : i32
      %mul3A_70 = arith.muli %scan3A_67, %mul3A_69 : i32
      %add3A_71 = arith.addi %mul3A_11, %mul3A_70 : i32
      "tpu.region"() ({
        %run_scoped3A = tpu.sem_alloc : memref<!tpu.dma_semaphore, #tpu.memory_space<semaphore_mem>>
        %dma_start3A_269 = tpu.memref_slice %arg5[%add3A_71] : memref<320000xi32, #tpu.memory_space<hbm>> -> memref<128xi32, #tpu.memory_space<hbm>>
        %dma_start3A_270 = tpu.memref_slice %arg5[%add3A_71] : memref<320000xi32, #tpu.memory_space<hbm>> -> memref<128xi32, #tpu.memory_space<hbm>>
        tpu.enqueue_dma source(%dma_start3A_270 : memref<128xi32, #tpu.memory_space<hbm>>) target(%arg10 : memref<128xi32, #tpu.memory_space<vmem>>) target_semaphore(%run_scoped3A : memref<!tpu.dma_semaphore, #tpu.memory_space<semaphore_mem>>)
        %dma_wait3A_271 = tpu.memref_slice %arg5[%add3A_71] : memref<320000xi32, #tpu.memory_space<hbm>> -> memref<128xi32, #tpu.memory_space<hbm>>
        %dma_wait3A_272 = tpu.memref_slice %arg5[%add3A_71] : memref<320000xi32, #tpu.memory_space<hbm>> -> memref<128xi32, #tpu.memory_space<hbm>>
        tpu.wait_dma2 semaphore(%run_scoped3A : memref<!tpu.dma_semaphore, #tpu.memory_space<semaphore_mem>>) src(%dma_wait3A_272 : memref<128xi32, #tpu.memory_space<hbm>>) dst(%arg10 : memref<128xi32, #tpu.memory_space<vmem>>)
        tpu.yield
      }) : () -> ()
      "tpu.region"() ({
        %run_scoped3A = tpu.sem_alloc : memref<!tpu.dma_semaphore, #tpu.memory_space<semaphore_mem>>
        %dma_start3A_269 = tpu.memref_slice %arg6[%add3A_71] : memref<320000xi32, #tpu.memory_space<hbm>> -> memref<128xi32, #tpu.memory_space<hbm>>
        %dma_start3A_270 = tpu.memref_slice %arg6[%add3A_71] : memref<320000xi32, #tpu.memory_space<hbm>> -> memref<128xi32, #tpu.memory_space<hbm>>
        tpu.enqueue_dma source(%dma_start3A_270 : memref<128xi32, #tpu.memory_space<hbm>>) target(%arg11 : memref<128xi32, #tpu.memory_space<vmem>>) target_semaphore(%run_scoped3A : memref<!tpu.dma_semaphore, #tpu.memory_space<semaphore_mem>>)
        %dma_wait3A_271 = tpu.memref_slice %arg6[%add3A_71] : memref<320000xi32, #tpu.memory_space<hbm>> -> memref<128xi32, #tpu.memory_space<hbm>>
        %dma_wait3A_272 = tpu.memref_slice %arg6[%add3A_71] : memref<320000xi32, #tpu.memory_space<hbm>> -> memref<128xi32, #tpu.memory_space<hbm>>
        tpu.wait_dma2 semaphore(%run_scoped3A : memref<!tpu.dma_semaphore, #tpu.memory_space<semaphore_mem>>) src(%dma_wait3A_272 : memref<128xi32, #tpu.memory_space<hbm>>) dst(%arg11 : memref<128xi32, #tpu.memory_space<vmem>>)
        tpu.yield
      }) : () -> ()
      %dma_start3A_72 = arith.constant 0 : i32
      %dma_start3A_73 = tpu.memref_slice %arg2[%dma_start3A_72] : memref<10000xf32, #tpu.memory_space<hbm>> -> memref<10000xf32, #tpu.memory_space<hbm>>
      tpu.enqueue_indirect_dma source(%dma_start3A_73 : memref<10000xf32, #tpu.memory_space<hbm>>) target(%arg12 : memref<128xf32, #tpu.memory_space<vmem>>) offsets(%arg10 : memref<128xi32, #tpu.memory_space<vmem>>) semaphore(%arg25 : memref<!tpu.dma_semaphore, #tpu.memory_space<semaphore_mem>>)
      %dma_start3A_74 = arith.constant 0 : i32
      %dma_start3A_75 = tpu.memref_slice %arg3[%dma_start3A_74] : memref<10000xf32, #tpu.memory_space<hbm>> -> memref<10000xf32, #tpu.memory_space<hbm>>
      tpu.enqueue_indirect_dma source(%dma_start3A_75 : memref<10000xf32, #tpu.memory_space<hbm>>) target(%arg13 : memref<128xf32, #tpu.memory_space<vmem>>) offsets(%arg11 : memref<128xi32, #tpu.memory_space<vmem>>) semaphore(%arg26 : memref<!tpu.dma_semaphore, #tpu.memory_space<semaphore_mem>>)
      %dma_start3A_76 = arith.constant 0 : i32
      %dma_start3A_77 = tpu.memref_slice %arg4[%dma_start3A_76] : memref<10000xi32, #tpu.memory_space<hbm>> -> memref<10000xi32, #tpu.memory_space<hbm>>
      tpu.enqueue_indirect_dma source(%dma_start3A_77 : memref<10000xi32, #tpu.memory_space<hbm>>) target(%arg14 : memref<128xi32, #tpu.memory_space<vmem>>) offsets(%arg10 : memref<128xi32, #tpu.memory_space<vmem>>) semaphore(%arg27 : memref<!tpu.dma_semaphore, #tpu.memory_space<semaphore_mem>>)
      %dma_wait3A_78 = arith.constant 0 : i32
      %dma_wait3A_79 = tpu.memref_slice %arg2[%dma_wait3A_78] : memref<10000xf32, #tpu.memory_space<hbm>> -> memref<10000xf32, #tpu.memory_space<hbm>>
      tpu.wait_indirect_dma semaphore(%arg25 : memref<!tpu.dma_semaphore, #tpu.memory_space<semaphore_mem>>) src(%dma_wait3A_79 : memref<10000xf32, #tpu.memory_space<hbm>>) dst(%arg12 : memref<128xf32, #tpu.memory_space<vmem>>)
      %dma_wait3A_80 = arith.constant 0 : i32
      %dma_wait3A_81 = tpu.memref_slice %arg3[%dma_wait3A_80] : memref<10000xf32, #tpu.memory_space<hbm>> -> memref<10000xf32, #tpu.memory_space<hbm>>
      tpu.wait_indirect_dma semaphore(%arg26 : memref<!tpu.dma_semaphore, #tpu.memory_space<semaphore_mem>>) src(%dma_wait3A_81 : memref<10000xf32, #tpu.memory_space<hbm>>) dst(%arg13 : memref<128xf32, #tpu.memory_space<vmem>>)
      %dma_wait3A_82 = arith.constant 0 : i32
      %dma_wait3A_83 = tpu.memref_slice %arg4[%dma_wait3A_82] : memref<10000xi32, #tpu.memory_space<hbm>> -> memref<10000xi32, #tpu.memory_space<hbm>>
      tpu.wait_indirect_dma semaphore(%arg27 : memref<!tpu.dma_semaphore, #tpu.memory_space<semaphore_mem>>) src(%dma_wait3A_83 : memref<10000xi32, #tpu.memory_space<hbm>>) dst(%arg14 : memref<128xi32, #tpu.memory_space<vmem>>)
      %get3A_84 = arith.constant 0 : index
      %get3A_85 = tpu.vector_load %arg12[%get3A_84] {strides = array<i32>} : memref<128xf32, #tpu.memory_space<vmem>>, vector<16xf32>,
      %get3A_86 = arith.constant 0 : index
      %get3A_87 = tpu.vector_load %arg13[%get3A_86] {strides = array<i32>} : memref<128xf32, #tpu.memory_space<vmem>>, vector<16xf32>,
      %add3A_88 = arith.addf %get3A_85, %get3A_87 : vector<16xf32>
      %neg3A_89 = arith.constant 0.000000e+00 : f32
      %neg3A_90 = vector.broadcast %neg3A_89 : f32 to vector<16xf32>
      %neg3A_91 = arith.subf %neg3A_90, %add3A_88 : vector<16xf32>
      %exp3A_92 = math.exp %neg3A_91 : vector<16xf32>
      %add3A_93 = arith.constant 1.000000e+00 : f32
      %add3A_94 = vector.broadcast %add3A_93 : f32 to vector<16xf32>
      %add3A_95 = arith.addf %add3A_94, %exp3A_92 : vector<16xf32>
      %div3A_96 = arith.constant 1.000000e+00 : f32
      %div3A_97 = vector.broadcast %div3A_96 : f32 to vector<16xf32>
      %div3A_98 = arith.divf %div3A_97, %add3A_95 : vector<16xf32>
      %swap3A_99 = arith.constant 0 : index
      %swap3A_100 = tpu.vector_load %arg15[%swap3A_99] {strides = array<i32>} : memref<128xf32, #tpu.memory_space<vmem>>, vector<16xf32>,
      tpu.vector_store %arg15[%swap3A_99], %div3A_98 {strides = array<i32>} : memref<128xf32, #tpu.memory_space<vmem>>, vector<16xf32>,
      %mul3A_101 = arith.constant 256 : i32
      %mul3A_102 = vector.broadcast %mul3A_101 : i32 to vector<16xi32>
      %mul3A_103 = arith.muli %iota3A, %mul3A_102 : vector<16xi32>
      %get3A_104 = arith.constant 0 : index
      %get3A_105 = tpu.vector_load %arg14[%get3A_104] {strides = array<i32>} : memref<128xi32, #tpu.memory_space<vmem>>, vector<16xi32>,
      %add3A_106 = arith.addi %mul3A_103, %get3A_105 : vector<16xi32>
      tpu.vector_store_idx %arg22[%add3A_106], %div3A_98 {add = true} : memref<4096xf32, #tpu.memory_space<vmem>>[vector<16xi32>], vector<16xf32>,
      tpu.vector_store_idx %arg23[%add3A_106], %broadcast_in_dim3A_3 {add = true} : memref<4096xf32, #tpu.memory_space<vmem>>[vector<16xi32>], vector<16xf32>,
      %get3A_107 = arith.constant 16 : index
      %get3A_108 = tpu.vector_load %arg12[%get3A_107] {strides = array<i32>} : memref<128xf32, #tpu.memory_space<vmem>>, vector<16xf32>,
      %get3A_109 = arith.constant 16 : index
      %get3A_110 = tpu.vector_load %arg13[%get3A_109] {strides = array<i32>} : memref<128xf32, #tpu.memory_space<vmem>>, vector<16xf32>,
      %add3A_111 = arith.addf %get3A_108, %get3A_110 : vector<16xf32>
      %neg3A_112 = arith.constant 0.000000e+00 : f32
      %neg3A_113 = vector.broadcast %neg3A_112 : f32 to vector<16xf32>
      %neg3A_114 = arith.subf %neg3A_113, %add3A_111 : vector<16xf32>
      %exp3A_115 = math.exp %neg3A_114 : vector<16xf32>
      %add3A_116 = arith.constant 1.000000e+00 : f32
      %add3A_117 = vector.broadcast %add3A_116 : f32 to vector<16xf32>
      %add3A_118 = arith.addf %add3A_117, %exp3A_115 : vector<16xf32>
      %div3A_119 = arith.constant 1.000000e+00 : f32
      %div3A_120 = vector.broadcast %div3A_119 : f32 to vector<16xf32>
      %div3A_121 = arith.divf %div3A_120, %add3A_118 : vector<16xf32>
      %swap3A_122 = arith.constant 16 : index
      %swap3A_123 = tpu.vector_load %arg15[%swap3A_122] {strides = array<i32>} : memref<128xf32, #tpu.memory_space<vmem>>, vector<16xf32>,
      tpu.vector_store %arg15[%swap3A_122], %div3A_121 {strides = array<i32>} : memref<128xf32, #tpu.memory_space<vmem>>, vector<16xf32>,
      %mul3A_124 = arith.constant 256 : i32
      %mul3A_125 = vector.broadcast %mul3A_124 : i32 to vector<16xi32>
      %mul3A_126 = arith.muli %iota3A, %mul3A_125 : vector<16xi32>
      %get3A_127 = arith.constant 16 : index
      %get3A_128 = tpu.vector_load %arg14[%get3A_127] {strides = array<i32>} : memref<128xi32, #tpu.memory_space<vmem>>, vector<16xi32>,
      %add3A_129 = arith.addi %mul3A_126, %get3A_128 : vector<16xi32>
      tpu.vector_store_idx %arg22[%add3A_129], %div3A_121 {add = true} : memref<4096xf32, #tpu.memory_space<vmem>>[vector<16xi32>], vector<16xf32>,
      tpu.vector_store_idx %arg23[%add3A_129], %broadcast_in_dim3A_3 {add = true} : memref<4096xf32, #tpu.memory_space<vmem>>[vector<16xi32>], vector<16xf32>,
      %get3A_130 = arith.constant 32 : index
      %get3A_131 = tpu.vector_load %arg12[%get3A_130] {strides = array<i32>} : memref<128xf32, #tpu.memory_space<vmem>>, vector<16xf32>,
      %get3A_132 = arith.constant 32 : index
      %get3A_133 = tpu.vector_load %arg13[%get3A_132] {strides = array<i32>} : memref<128xf32, #tpu.memory_space<vmem>>, vector<16xf32>,
      %add3A_134 = arith.addf %get3A_131, %get3A_133 : vector<16xf32>
      %neg3A_135 = arith.constant 0.000000e+00 : f32
      %neg3A_136 = vector.broadcast %neg3A_135 : f32 to vector<16xf32>
      %neg3A_137 = arith.subf %neg3A_136, %add3A_134 : vector<16xf32>
      %exp3A_138 = math.exp %neg3A_137 : vector<16xf32>
      %add3A_139 = arith.constant 1.000000e+00 : f32
      %add3A_140 = vector.broadcast %add3A_139 : f32 to vector<16xf32>
      %add3A_141 = arith.addf %add3A_140, %exp3A_138 : vector<16xf32>
      %div3A_142 = arith.constant 1.000000e+00 : f32
      %div3A_143 = vector.broadcast %div3A_142 : f32 to vector<16xf32>
      %div3A_144 = arith.divf %div3A_143, %add3A_141 : vector<16xf32>
      %swap3A_145 = arith.constant 32 : index
      %swap3A_146 = tpu.vector_load %arg15[%swap3A_145] {strides = array<i32>} : memref<128xf32, #tpu.memory_space<vmem>>, vector<16xf32>,
      tpu.vector_store %arg15[%swap3A_145], %div3A_144 {strides = array<i32>} : memref<128xf32, #tpu.memory_space<vmem>>, vector<16xf32>,
      %mul3A_147 = arith.constant 256 : i32
      %mul3A_148 = vector.broadcast %mul3A_147 : i32 to vector<16xi32>
      %mul3A_149 = arith.muli %iota3A, %mul3A_148 : vector<16xi32>
      %get3A_150 = arith.constant 32 : index
      %get3A_151 = tpu.vector_load %arg14[%get3A_150] {strides = array<i32>} : memref<128xi32, #tpu.memory_space<vmem>>, vector<16xi32>,
      %add3A_152 = arith.addi %mul3A_149, %get3A_151 : vector<16xi32>
      tpu.vector_store_idx %arg22[%add3A_152], %div3A_144 {add = true} : memref<4096xf32, #tpu.memory_space<vmem>>[vector<16xi32>], vector<16xf32>,
      tpu.vector_store_idx %arg23[%add3A_152], %broadcast_in_dim3A_3 {add = true} : memref<4096xf32, #tpu.memory_space<vmem>>[vector<16xi32>], vector<16xf32>,
      %get3A_153 = arith.constant 48 : index
      %get3A_154 = tpu.vector_load %arg12[%get3A_153] {strides = array<i32>} : memref<128xf32, #tpu.memory_space<vmem>>, vector<16xf32>,
      %get3A_155 = arith.constant 48 : index
      %get3A_156 = tpu.vector_load %arg13[%get3A_155] {strides = array<i32>} : memref<128xf32, #tpu.memory_space<vmem>>, vector<16xf32>,
      %add3A_157 = arith.addf %get3A_154, %get3A_156 : vector<16xf32>
      %neg3A_158 = arith.constant 0.000000e+00 : f32
      %neg3A_159 = vector.broadcast %neg3A_158 : f32 to vector<16xf32>
      %neg3A_160 = arith.subf %neg3A_159, %add3A_157 : vector<16xf32>
      %exp3A_161 = math.exp %neg3A_160 : vector<16xf32>
      %add3A_162 = arith.constant 1.000000e+00 : f32
      %add3A_163 = vector.broadcast %add3A_162 : f32 to vector<16xf32>
      %add3A_164 = arith.addf %add3A_163, %exp3A_161 : vector<16xf32>
      %div3A_165 = arith.constant 1.000000e+00 : f32
      %div3A_166 = vector.broadcast %div3A_165 : f32 to vector<16xf32>
      %div3A_167 = arith.divf %div3A_166, %add3A_164 : vector<16xf32>
      %swap3A_168 = arith.constant 48 : index
      %swap3A_169 = tpu.vector_load %arg15[%swap3A_168] {strides = array<i32>} : memref<128xf32, #tpu.memory_space<vmem>>, vector<16xf32>,
      tpu.vector_store %arg15[%swap3A_168], %div3A_167 {strides = array<i32>} : memref<128xf32, #tpu.memory_space<vmem>>, vector<16xf32>,
      %mul3A_170 = arith.constant 256 : i32
      %mul3A_171 = vector.broadcast %mul3A_170 : i32 to vector<16xi32>
      %mul3A_172 = arith.muli %iota3A, %mul3A_171 : vector<16xi32>
      %get3A_173 = arith.constant 48 : index
      %get3A_174 = tpu.vector_load %arg14[%get3A_173] {strides = array<i32>} : memref<128xi32, #tpu.memory_space<vmem>>, vector<16xi32>,
      %add3A_175 = arith.addi %mul3A_172, %get3A_174 : vector<16xi32>
      tpu.vector_store_idx %arg22[%add3A_175], %div3A_167 {add = true} : memref<4096xf32, #tpu.memory_space<vmem>>[vector<16xi32>], vector<16xf32>,
      tpu.vector_store_idx %arg23[%add3A_175], %broadcast_in_dim3A_3 {add = true} : memref<4096xf32, #tpu.memory_space<vmem>>[vector<16xi32>], vector<16xf32>,
      %get3A_176 = arith.constant 64 : index
      %get3A_177 = tpu.vector_load %arg12[%get3A_176] {strides = array<i32>} : memref<128xf32, #tpu.memory_space<vmem>>, vector<16xf32>,
      %get3A_178 = arith.constant 64 : index
      %get3A_179 = tpu.vector_load %arg13[%get3A_178] {strides = array<i32>} : memref<128xf32, #tpu.memory_space<vmem>>, vector<16xf32>,
      %add3A_180 = arith.addf %get3A_177, %get3A_179 : vector<16xf32>
      %neg3A_181 = arith.constant 0.000000e+00 : f32
      %neg3A_182 = vector.broadcast %neg3A_181 : f32 to vector<16xf32>
      %neg3A_183 = arith.subf %neg3A_182, %add3A_180 : vector<16xf32>
      %exp3A_184 = math.exp %neg3A_183 : vector<16xf32>
      %add3A_185 = arith.constant 1.000000e+00 : f32
      %add3A_186 = vector.broadcast %add3A_185 : f32 to vector<16xf32>
      %add3A_187 = arith.addf %add3A_186, %exp3A_184 : vector<16xf32>
      %div3A_188 = arith.constant 1.000000e+00 : f32
      %div3A_189 = vector.broadcast %div3A_188 : f32 to vector<16xf32>
      %div3A_190 = arith.divf %div3A_189, %add3A_187 : vector<16xf32>
      %swap3A_191 = arith.constant 64 : index
      %swap3A_192 = tpu.vector_load %arg15[%swap3A_191] {strides = array<i32>} : memref<128xf32, #tpu.memory_space<vmem>>, vector<16xf32>,
      tpu.vector_store %arg15[%swap3A_191], %div3A_190 {strides = array<i32>} : memref<128xf32, #tpu.memory_space<vmem>>, vector<16xf32>,
      %mul3A_193 = arith.constant 256 : i32
      %mul3A_194 = vector.broadcast %mul3A_193 : i32 to vector<16xi32>
      %mul3A_195 = arith.muli %iota3A, %mul3A_194 : vector<16xi32>
      %get3A_196 = arith.constant 64 : index
      %get3A_197 = tpu.vector_load %arg14[%get3A_196] {strides = array<i32>} : memref<128xi32, #tpu.memory_space<vmem>>, vector<16xi32>,
      %add3A_198 = arith.addi %mul3A_195, %get3A_197 : vector<16xi32>
      tpu.vector_store_idx %arg22[%add3A_198], %div3A_190 {add = true} : memref<4096xf32, #tpu.memory_space<vmem>>[vector<16xi32>], vector<16xf32>,
      tpu.vector_store_idx %arg23[%add3A_198], %broadcast_in_dim3A_3 {add = true} : memref<4096xf32, #tpu.memory_space<vmem>>[vector<16xi32>], vector<16xf32>,
      %get3A_199 = arith.constant 80 : index
      %get3A_200 = tpu.vector_load %arg12[%get3A_199] {strides = array<i32>} : memref<128xf32, #tpu.memory_space<vmem>>, vector<16xf32>,
      %get3A_201 = arith.constant 80 : index
      %get3A_202 = tpu.vector_load %arg13[%get3A_201] {strides = array<i32>} : memref<128xf32, #tpu.memory_space<vmem>>, vector<16xf32>,
      %add3A_203 = arith.addf %get3A_200, %get3A_202 : vector<16xf32>
      %neg3A_204 = arith.constant 0.000000e+00 : f32
      %neg3A_205 = vector.broadcast %neg3A_204 : f32 to vector<16xf32>
      %neg3A_206 = arith.subf %neg3A_205, %add3A_203 : vector<16xf32>
      %exp3A_207 = math.exp %neg3A_206 : vector<16xf32>
      %add3A_208 = arith.constant 1.000000e+00 : f32
      %add3A_209 = vector.broadcast %add3A_208 : f32 to vector<16xf32>
      %add3A_210 = arith.addf %add3A_209, %exp3A_207 : vector<16xf32>
      %div3A_211 = arith.constant 1.000000e+00 : f32
      %div3A_212 = vector.broadcast %div3A_211 : f32 to vector<16xf32>
      %div3A_213 = arith.divf %div3A_212, %add3A_210 : vector<16xf32>
      %swap3A_214 = arith.constant 80 : index
      %swap3A_215 = tpu.vector_load %arg15[%swap3A_214] {strides = array<i32>} : memref<128xf32, #tpu.memory_space<vmem>>, vector<16xf32>,
      tpu.vector_store %arg15[%swap3A_214], %div3A_213 {strides = array<i32>} : memref<128xf32, #tpu.memory_space<vmem>>, vector<16xf32>,
      %mul3A_216 = arith.constant 256 : i32
      %mul3A_217 = vector.broadcast %mul3A_216 : i32 to vector<16xi32>
      %mul3A_218 = arith.muli %iota3A, %mul3A_217 : vector<16xi32>
      %get3A_219 = arith.constant 80 : index
      %get3A_220 = tpu.vector_load %arg14[%get3A_219] {strides = array<i32>} : memref<128xi32, #tpu.memory_space<vmem>>, vector<16xi32>,
      %add3A_221 = arith.addi %mul3A_218, %get3A_220 : vector<16xi32>
      tpu.vector_store_idx %arg22[%add3A_221], %div3A_213 {add = true} : memref<4096xf32, #tpu.memory_space<vmem>>[vector<16xi32>], vector<16xf32>,
      tpu.vector_store_idx %arg23[%add3A_221], %broadcast_in_dim3A_3 {add = true} : memref<4096xf32, #tpu.memory_space<vmem>>[vector<16xi32>], vector<16xf32>,
      %get3A_222 = arith.constant 96 : index
      %get3A_223 = tpu.vector_load %arg12[%get3A_222] {strides = array<i32>} : memref<128xf32, #tpu.memory_space<vmem>>, vector<16xf32>,
      %get3A_224 = arith.constant 96 : index
      %get3A_225 = tpu.vector_load %arg13[%get3A_224] {strides = array<i32>} : memref<128xf32, #tpu.memory_space<vmem>>, vector<16xf32>,
      %add3A_226 = arith.addf %get3A_223, %get3A_225 : vector<16xf32>
      %neg3A_227 = arith.constant 0.000000e+00 : f32
      %neg3A_228 = vector.broadcast %neg3A_227 : f32 to vector<16xf32>
      %neg3A_229 = arith.subf %neg3A_228, %add3A_226 : vector<16xf32>
      %exp3A_230 = math.exp %neg3A_229 : vector<16xf32>
      %add3A_231 = arith.constant 1.000000e+00 : f32
      %add3A_232 = vector.broadcast %add3A_231 : f32 to vector<16xf32>
      %add3A_233 = arith.addf %add3A_232, %exp3A_230 : vector<16xf32>
      %div3A_234 = arith.constant 1.000000e+00 : f32
      %div3A_235 = vector.broadcast %div3A_234 : f32 to vector<16xf32>
      %div3A_236 = arith.divf %div3A_235, %add3A_233 : vector<16xf32>
      %swap3A_237 = arith.constant 96 : index
      %swap3A_238 = tpu.vector_load %arg15[%swap3A_237] {strides = array<i32>} : memref<128xf32, #tpu.memory_space<vmem>>, vector<16xf32>,
      tpu.vector_store %arg15[%swap3A_237], %div3A_236 {strides = array<i32>} : memref<128xf32, #tpu.memory_space<vmem>>, vector<16xf32>,
      %mul3A_239 = arith.constant 256 : i32
      %mul3A_240 = vector.broadcast %mul3A_239 : i32 to vector<16xi32>
      %mul3A_241 = arith.muli %iota3A, %mul3A_240 : vector<16xi32>
      %get3A_242 = arith.constant 96 : index
      %get3A_243 = tpu.vector_load %arg14[%get3A_242] {strides = array<i32>} : memref<128xi32, #tpu.memory_space<vmem>>, vector<16xi32>,
      %add3A_244 = arith.addi %mul3A_241, %get3A_243 : vector<16xi32>
      tpu.vector_store_idx %arg22[%add3A_244], %div3A_236 {add = true} : memref<4096xf32, #tpu.memory_space<vmem>>[vector<16xi32>], vector<16xf32>,
      tpu.vector_store_idx %arg23[%add3A_244], %broadcast_in_dim3A_3 {add = true} : memref<4096xf32, #tpu.memory_space<vmem>>[vector<16xi32>], vector<16xf32>,
      %get3A_245 = arith.constant 112 : index
      %get3A_246 = tpu.vector_load %arg12[%get3A_245] {strides = array<i32>} : memref<128xf32, #tpu.memory_space<vmem>>, vector<16xf32>,
      %get3A_247 = arith.constant 112 : index
      %get3A_248 = tpu.vector_load %arg13[%get3A_247] {strides = array<i32>} : memref<128xf32, #tpu.memory_space<vmem>>, vector<16xf32>,
      %add3A_249 = arith.addf %get3A_246, %get3A_248 : vector<16xf32>
      %neg3A_250 = arith.constant 0.000000e+00 : f32
      %neg3A_251 = vector.broadcast %neg3A_250 : f32 to vector<16xf32>
      %neg3A_252 = arith.subf %neg3A_251, %add3A_249 : vector<16xf32>
      %exp3A_253 = math.exp %neg3A_252 : vector<16xf32>
      %add3A_254 = arith.constant 1.000000e+00 : f32
      %add3A_255 = vector.broadcast %add3A_254 : f32 to vector<16xf32>
      %add3A_256 = arith.addf %add3A_255, %exp3A_253 : vector<16xf32>
      %div3A_257 = arith.constant 1.000000e+00 : f32
      %div3A_258 = vector.broadcast %div3A_257 : f32 to vector<16xf32>
      %div3A_259 = arith.divf %div3A_258, %add3A_256 : vector<16xf32>
      %swap3A_260 = arith.constant 112 : index
      %swap3A_261 = tpu.vector_load %arg15[%swap3A_260] {strides = array<i32>} : memref<128xf32, #tpu.memory_space<vmem>>, vector<16xf32>,
      tpu.vector_store %arg15[%swap3A_260], %div3A_259 {strides = array<i32>} : memref<128xf32, #tpu.memory_space<vmem>>, vector<16xf32>,
      %mul3A_262 = arith.constant 256 : i32
      %mul3A_263 = vector.broadcast %mul3A_262 : i32 to vector<16xi32>
      %mul3A_264 = arith.muli %iota3A, %mul3A_263 : vector<16xi32>
      %get3A_265 = arith.constant 112 : index
      %get3A_266 = tpu.vector_load %arg14[%get3A_265] {strides = array<i32>} : memref<128xi32, #tpu.memory_space<vmem>>, vector<16xi32>,
      %add3A_267 = arith.addi %mul3A_264, %get3A_266 : vector<16xi32>
      tpu.vector_store_idx %arg22[%add3A_267], %div3A_259 {add = true} : memref<4096xf32, #tpu.memory_space<vmem>>[vector<16xi32>], vector<16xf32>,
      tpu.vector_store_idx %arg23[%add3A_267], %broadcast_in_dim3A_3 {add = true} : memref<4096xf32, #tpu.memory_space<vmem>>[vector<16xi32>], vector<16xf32>,
      "tpu.region"() ({
        %run_scoped3A = tpu.sem_alloc : memref<!tpu.dma_semaphore, #tpu.memory_space<semaphore_mem>>
        %dma_start3A_269 = tpu.memref_slice %arg7[%add3A_71] : memref<320000xf32, #tpu.memory_space<hbm>> -> memref<128xf32, #tpu.memory_space<hbm>>
        %dma_start3A_270 = tpu.memref_slice %arg7[%add3A_71] : memref<320000xf32, #tpu.memory_space<hbm>> -> memref<128xf32, #tpu.memory_space<hbm>>
        tpu.enqueue_dma source(%arg15 : memref<128xf32, #tpu.memory_space<vmem>>) target(%dma_start3A_270 : memref<128xf32, #tpu.memory_space<hbm>>) target_semaphore(%run_scoped3A : memref<!tpu.dma_semaphore, #tpu.memory_space<semaphore_mem>>)
        %dma_wait3A_271 = tpu.memref_slice %arg7[%add3A_71] : memref<320000xf32, #tpu.memory_space<hbm>> -> memref<128xf32, #tpu.memory_space<hbm>>
        %dma_wait3A_272 = tpu.memref_slice %arg7[%add3A_71] : memref<320000xf32, #tpu.memory_space<hbm>> -> memref<128xf32, #tpu.memory_space<hbm>>
        tpu.wait_dma2 semaphore(%run_scoped3A : memref<!tpu.dma_semaphore, #tpu.memory_space<semaphore_mem>>) src(%arg15 : memref<128xf32, #tpu.memory_space<vmem>>) dst(%dma_wait3A_272 : memref<128xf32, #tpu.memory_space<hbm>>)
        tpu.yield
      }) : () -> ()
      %scan3A_268 = arith.constant 0 : i32
      scf.yield %scan3A_268 : i32
    }
    %scan3A_18 = arith.constant 78 : i32
    %add3A_19 = arith.constant 9984 : i32
    %add3A_20 = arith.addi %mul3A_11, %add3A_19 : i32
    "tpu.region"() ({
      %run_scoped3A = tpu.sem_alloc : memref<!tpu.dma_semaphore, #tpu.memory_space<semaphore_mem>>
      %dma_start3A_67 = tpu.memref_slice %arg5[%add3A_20] : memref<320000xi32, #tpu.memory_space<hbm>> -> memref<16xi32, #tpu.memory_space<hbm>>
      %dma_start3A_68 = tpu.memref_slice %arg5[%add3A_20] : memref<320000xi32, #tpu.memory_space<hbm>> -> memref<16xi32, #tpu.memory_space<hbm>>
      tpu.enqueue_dma source(%dma_start3A_68 : memref<16xi32, #tpu.memory_space<hbm>>) target(%arg16 : memref<16xi32, #tpu.memory_space<vmem>>) target_semaphore(%run_scoped3A : memref<!tpu.dma_semaphore, #tpu.memory_space<semaphore_mem>>)
      %dma_wait3A_69 = tpu.memref_slice %arg5[%add3A_20] : memref<320000xi32, #tpu.memory_space<hbm>> -> memref<16xi32, #tpu.memory_space<hbm>>
      %dma_wait3A_70 = tpu.memref_slice %arg5[%add3A_20] : memref<320000xi32, #tpu.memory_space<hbm>> -> memref<16xi32, #tpu.memory_space<hbm>>
      tpu.wait_dma2 semaphore(%run_scoped3A : memref<!tpu.dma_semaphore, #tpu.memory_space<semaphore_mem>>) src(%dma_wait3A_70 : memref<16xi32, #tpu.memory_space<hbm>>) dst(%arg16 : memref<16xi32, #tpu.memory_space<vmem>>)
      tpu.yield
    }) : () -> ()
    "tpu.region"() ({
      %run_scoped3A = tpu.sem_alloc : memref<!tpu.dma_semaphore, #tpu.memory_space<semaphore_mem>>
      %dma_start3A_67 = tpu.memref_slice %arg6[%add3A_20] : memref<320000xi32, #tpu.memory_space<hbm>> -> memref<16xi32, #tpu.memory_space<hbm>>
      %dma_start3A_68 = tpu.memref_slice %arg6[%add3A_20] : memref<320000xi32, #tpu.memory_space<hbm>> -> memref<16xi32, #tpu.memory_space<hbm>>
      tpu.enqueue_dma source(%dma_start3A_68 : memref<16xi32, #tpu.memory_space<hbm>>) target(%arg17 : memref<16xi32, #tpu.memory_space<vmem>>) target_semaphore(%run_scoped3A : memref<!tpu.dma_semaphore, #tpu.memory_space<semaphore_mem>>)
      %dma_wait3A_69 = tpu.memref_slice %arg6[%add3A_20] : memref<320000xi32, #tpu.memory_space<hbm>> -> memref<16xi32, #tpu.memory_space<hbm>>
      %dma_wait3A_70 = tpu.memref_slice %arg6[%add3A_20] : memref<320000xi32, #tpu.memory_space<hbm>> -> memref<16xi32, #tpu.memory_space<hbm>>
      tpu.wait_dma2 semaphore(%run_scoped3A : memref<!tpu.dma_semaphore, #tpu.memory_space<semaphore_mem>>) src(%dma_wait3A_70 : memref<16xi32, #tpu.memory_space<hbm>>) dst(%arg17 : memref<16xi32, #tpu.memory_space<vmem>>)
      tpu.yield
    }) : () -> ()
    %dma_start3A = arith.constant 0 : i32
    %dma_start3A_21 = tpu.memref_slice %arg2[%dma_start3A] : memref<10000xf32, #tpu.memory_space<hbm>> -> memref<10000xf32, #tpu.memory_space<hbm>>
    tpu.enqueue_indirect_dma source(%dma_start3A_21 : memref<10000xf32, #tpu.memory_space<hbm>>) target(%arg18 : memref<16xf32, #tpu.memory_space<vmem>>) offsets(%arg16 : memref<16xi32, #tpu.memory_space<vmem>>) semaphore(%arg25 : memref<!tpu.dma_semaphore, #tpu.memory_space<semaphore_mem>>)
    %dma_start3A_22 = arith.constant 0 : i32
    %dma_start3A_23 = tpu.memref_slice %arg3[%dma_start3A_22] : memref<10000xf32, #tpu.memory_space<hbm>> -> memref<10000xf32, #tpu.memory_space<hbm>>
    tpu.enqueue_indirect_dma source(%dma_start3A_23 : memref<10000xf32, #tpu.memory_space<hbm>>) target(%arg19 : memref<16xf32, #tpu.memory_space<vmem>>) offsets(%arg17 : memref<16xi32, #tpu.memory_space<vmem>>) semaphore(%arg26 : memref<!tpu.dma_semaphore, #tpu.memory_space<semaphore_mem>>)
    %dma_start3A_24 = arith.constant 0 : i32
    %dma_start3A_25 = tpu.memref_slice %arg4[%dma_start3A_24] : memref<10000xi32, #tpu.memory_space<hbm>> -> memref<10000xi32, #tpu.memory_space<hbm>>
    tpu.enqueue_indirect_dma source(%dma_start3A_25 : memref<10000xi32, #tpu.memory_space<hbm>>) target(%arg20 : memref<16xi32, #tpu.memory_space<vmem>>) offsets(%arg16 : memref<16xi32, #tpu.memory_space<vmem>>) semaphore(%arg27 : memref<!tpu.dma_semaphore, #tpu.memory_space<semaphore_mem>>)
    %dma_wait3A = arith.constant 0 : i32
    %dma_wait3A_26 = tpu.memref_slice %arg2[%dma_wait3A] : memref<10000xf32, #tpu.memory_space<hbm>> -> memref<10000xf32, #tpu.memory_space<hbm>>
    tpu.wait_indirect_dma semaphore(%arg25 : memref<!tpu.dma_semaphore, #tpu.memory_space<semaphore_mem>>) src(%dma_wait3A_26 : memref<10000xf32, #tpu.memory_space<hbm>>) dst(%arg18 : memref<16xf32, #tpu.memory_space<vmem>>)
    %dma_wait3A_27 = arith.constant 0 : i32
    %dma_wait3A_28 = tpu.memref_slice %arg3[%dma_wait3A_27] : memref<10000xf32, #tpu.memory_space<hbm>> -> memref<10000xf32, #tpu.memory_space<hbm>>
    tpu.wait_indirect_dma semaphore(%arg26 : memref<!tpu.dma_semaphore, #tpu.memory_space<semaphore_mem>>) src(%dma_wait3A_28 : memref<10000xf32, #tpu.memory_space<hbm>>) dst(%arg19 : memref<16xf32, #tpu.memory_space<vmem>>)
    %dma_wait3A_29 = arith.constant 0 : i32
    %dma_wait3A_30 = tpu.memref_slice %arg4[%dma_wait3A_29] : memref<10000xi32, #tpu.memory_space<hbm>> -> memref<10000xi32, #tpu.memory_space<hbm>>
    tpu.wait_indirect_dma semaphore(%arg27 : memref<!tpu.dma_semaphore, #tpu.memory_space<semaphore_mem>>) src(%dma_wait3A_30 : memref<10000xi32, #tpu.memory_space<hbm>>) dst(%arg20 : memref<16xi32, #tpu.memory_space<vmem>>)
    %get3A = arith.constant 0 : index
    %get3A_31 = tpu.vector_load %arg18[%get3A] {strides = array<i32>} : memref<16xf32, #tpu.memory_space<vmem>>, vector<16xf32>,
    %get3A_32 = arith.constant 0 : index
    %get3A_33 = tpu.vector_load %arg19[%get3A_32] {strides = array<i32>} : memref<16xf32, #tpu.memory_space<vmem>>, vector<16xf32>,
    %add3A_34 = arith.addf %get3A_31, %get3A_33 : vector<16xf32>
    %neg3A = arith.constant 0.000000e+00 : f32
    %neg3A_35 = vector.broadcast %neg3A : f32 to vector<16xf32>
    %neg3A_36 = arith.subf %neg3A_35, %add3A_34 : vector<16xf32>
    %exp3A = math.exp %neg3A_36 : vector<16xf32>
    %add3A_37 = arith.constant 1.000000e+00 : f32
    %add3A_38 = vector.broadcast %add3A_37 : f32 to vector<16xf32>
    %add3A_39 = arith.addf %add3A_38, %exp3A : vector<16xf32>
    %div3A = arith.constant 1.000000e+00 : f32
    %div3A_40 = vector.broadcast %div3A : f32 to vector<16xf32>
    %div3A_41 = arith.divf %div3A_40, %add3A_39 : vector<16xf32>
    %swap3A = arith.constant 0 : index
    %swap3A_42 = tpu.vector_load %arg21[%swap3A] {strides = array<i32>} : memref<16xf32, #tpu.memory_space<vmem>>, vector<16xf32>,
    tpu.vector_store %arg21[%swap3A], %div3A_41 {strides = array<i32>} : memref<16xf32, #tpu.memory_space<vmem>>, vector<16xf32>,
    %mul3A_43 = arith.constant 256 : i32
    %mul3A_44 = vector.broadcast %mul3A_43 : i32 to vector<16xi32>
    %mul3A_45 = arith.muli %iota3A, %mul3A_44 : vector<16xi32>
    %get3A_46 = arith.constant 0 : index
    %get3A_47 = tpu.vector_load %arg20[%get3A_46] {strides = array<i32>} : memref<16xi32, #tpu.memory_space<vmem>>, vector<16xi32>,
    %add3A_48 = arith.addi %mul3A_45, %get3A_47 : vector<16xi32>
    tpu.vector_store_idx %arg22[%add3A_48], %div3A_41 {add = true} : memref<4096xf32, #tpu.memory_space<vmem>>[vector<16xi32>], vector<16xf32>,
    tpu.vector_store_idx %arg23[%add3A_48], %broadcast_in_dim3A_3 {add = true} : memref<4096xf32, #tpu.memory_space<vmem>>[vector<16xi32>], vector<16xf32>,
    "tpu.region"() ({
      %run_scoped3A = tpu.sem_alloc : memref<!tpu.dma_semaphore, #tpu.memory_space<semaphore_mem>>
      %dma_start3A_67 = tpu.memref_slice %arg7[%add3A_20] : memref<320000xf32, #tpu.memory_space<hbm>> -> memref<16xf32, #tpu.memory_space<hbm>>
      %dma_start3A_68 = tpu.memref_slice %arg7[%add3A_20] : memref<320000xf32, #tpu.memory_space<hbm>> -> memref<16xf32, #tpu.memory_space<hbm>>
      tpu.enqueue_dma source(%arg21 : memref<16xf32, #tpu.memory_space<vmem>>) target(%dma_start3A_68 : memref<16xf32, #tpu.memory_space<hbm>>) target_semaphore(%run_scoped3A : memref<!tpu.dma_semaphore, #tpu.memory_space<semaphore_mem>>)
      %dma_wait3A_69 = tpu.memref_slice %arg7[%add3A_20] : memref<320000xf32, #tpu.memory_space<hbm>> -> memref<16xf32, #tpu.memory_space<hbm>>
      %dma_wait3A_70 = tpu.memref_slice %arg7[%add3A_20] : memref<320000xf32, #tpu.memory_space<hbm>> -> memref<16xf32, #tpu.memory_space<hbm>>
      tpu.wait_dma2 semaphore(%run_scoped3A : memref<!tpu.dma_semaphore, #tpu.memory_space<semaphore_mem>>) src(%arg21 : memref<16xf32, #tpu.memory_space<vmem>>) dst(%dma_wait3A_70 : memref<16xf32, #tpu.memory_space<hbm>>)
      tpu.yield
    }) : () -> ()
    %scan3A_49 = arith.constant 0 : i32
    %scan3A_50 = arith.constant 0 : i32
    %scan3A_51 = arith.constant 16 : i32
    %scan3A_52 = arith.addi %scan3A_50, %scan3A_51 : i32
    %scan3A_53 = arith.constant 1 : i32
    %scan3A_54 = scf.for %scan3A_67 = %scan3A_50 to %scan3A_52 step %scan3A_53 iter_args(%scan3A_68 = %scan3A_49) -> (i32)  : i32 {
      %mul3A_69 = arith.constant 16 : i32
      %mul3A_70 = arith.muli %scan3A_67, %mul3A_69 : i32
      %add3A_71 = arith.constant 0 : i32
      %add3A_72 = arith.addi %add3A_71, %mul3A_70 : i32
      %get3A_73 = arith.index_cast %add3A_72 : i32 to index
      %get3A_74 = tpu.vector_load %arg22[%get3A_73] {strides = array<i32>} : memref<4096xf32, #tpu.memory_space<vmem>>, vector<16xf32>,
      %add3A_75 = arith.addf %broadcast_in_dim3A_1, %get3A_74 : vector<16xf32>
      %mul3A_76 = arith.constant 16 : i32
      %mul3A_77 = arith.muli %scan3A_67, %mul3A_76 : i32
      %add3A_78 = arith.constant 256 : i32
      %add3A_79 = arith.addi %add3A_78, %mul3A_77 : i32
      %get3A_80 = arith.index_cast %add3A_79 : i32 to index
      %get3A_81 = tpu.vector_load %arg22[%get3A_80] {strides = array<i32>} : memref<4096xf32, #tpu.memory_space<vmem>>, vector<16xf32>,
      %add3A_82 = arith.addf %add3A_75, %get3A_81 : vector<16xf32>
      %mul3A_83 = arith.constant 16 : i32
      %mul3A_84 = arith.muli %scan3A_67, %mul3A_83 : i32
      %add3A_85 = arith.constant 512 : i32
      %add3A_86 = arith.addi %add3A_85, %mul3A_84 : i32
      %get3A_87 = arith.index_cast %add3A_86 : i32 to index
      %get3A_88 = tpu.vector_load %arg22[%get3A_87] {strides = array<i32>} : memref<4096xf32, #tpu.memory_space<vmem>>, vector<16xf32>,
      %add3A_89 = arith.addf %add3A_82, %get3A_88 : vector<16xf32>
      %mul3A_90 = arith.constant 16 : i32
      %mul3A_91 = arith.muli %scan3A_67, %mul3A_90 : i32
      %add3A_92 = arith.constant 768 : i32
      %add3A_93 = arith.addi %add3A_92, %mul3A_91 : i32
      %get3A_94 = arith.index_cast %add3A_93 : i32 to index
      %get3A_95 = tpu.vector_load %arg22[%get3A_94] {strides = array<i32>} : memref<4096xf32, #tpu.memory_space<vmem>>, vector<16xf32>,
      %add3A_96 = arith.addf %add3A_89, %get3A_95 : vector<16xf32>
      %mul3A_97 = arith.constant 16 : i32
      %mul3A_98 = arith.muli %scan3A_67, %mul3A_97 : i32
      %add3A_99 = arith.constant 1024 : i32
      %add3A_100 = arith.addi %add3A_99, %mul3A_98 : i32
      %get3A_101 = arith.index_cast %add3A_100 : i32 to index
      %get3A_102 = tpu.vector_load %arg22[%get3A_101] {strides = array<i32>} : memref<4096xf32, #tpu.memory_space<vmem>>, vector<16xf32>,
      %add3A_103 = arith.addf %add3A_96, %get3A_102 : vector<16xf32>
      %mul3A_104 = arith.constant 16 : i32
      %mul3A_105 = arith.muli %scan3A_67, %mul3A_104 : i32
      %add3A_106 = arith.constant 1280 : i32
      %add3A_107 = arith.addi %add3A_106, %mul3A_105 : i32
      %get3A_108 = arith.index_cast %add3A_107 : i32 to index
      %get3A_109 = tpu.vector_load %arg22[%get3A_108] {strides = array<i32>} : memref<4096xf32, #tpu.memory_space<vmem>>, vector<16xf32>,
      %add3A_110 = arith.addf %add3A_103, %get3A_109 : vector<16xf32>
      %mul3A_111 = arith.constant 16 : i32
      %mul3A_112 = arith.muli %scan3A_67, %mul3A_111 : i32
      %add3A_113 = arith.constant 1536 : i32
      %add3A_114 = arith.addi %add3A_113, %mul3A_112 : i32
      %get3A_115 = arith.index_cast %add3A_114 : i32 to index
      %get3A_116 = tpu.vector_load %arg22[%get3A_115] {strides = array<i32>} : memref<4096xf32, #tpu.memory_space<vmem>>, vector<16xf32>,
      %add3A_117 = arith.addf %add3A_110, %get3A_116 : vector<16xf32>
      %mul3A_118 = arith.constant 16 : i32
      %mul3A_119 = arith.muli %scan3A_67, %mul3A_118 : i32
      %add3A_120 = arith.constant 1792 : i32
      %add3A_121 = arith.addi %add3A_120, %mul3A_119 : i32
      %get3A_122 = arith.index_cast %add3A_121 : i32 to index
      %get3A_123 = tpu.vector_load %arg22[%get3A_122] {strides = array<i32>} : memref<4096xf32, #tpu.memory_space<vmem>>, vector<16xf32>,
      %add3A_124 = arith.addf %add3A_117, %get3A_123 : vector<16xf32>
      %mul3A_125 = arith.constant 16 : i32
      %mul3A_126 = arith.muli %scan3A_67, %mul3A_125 : i32
      %add3A_127 = arith.constant 2048 : i32
      %add3A_128 = arith.addi %add3A_127, %mul3A_126 : i32
      %get3A_129 = arith.index_cast %add3A_128 : i32 to index
      %get3A_130 = tpu.vector_load %arg22[%get3A_129] {strides = array<i32>} : memref<4096xf32, #tpu.memory_space<vmem>>, vector<16xf32>,
      %add3A_131 = arith.addf %add3A_124, %get3A_130 : vector<16xf32>
      %mul3A_132 = arith.constant 16 : i32
      %mul3A_133 = arith.muli %scan3A_67, %mul3A_132 : i32
      %add3A_134 = arith.constant 2304 : i32
      %add3A_135 = arith.addi %add3A_134, %mul3A_133 : i32
      %get3A_136 = arith.index_cast %add3A_135 : i32 to index
      %get3A_137 = tpu.vector_load %arg22[%get3A_136] {strides = array<i32>} : memref<4096xf32, #tpu.memory_space<vmem>>, vector<16xf32>,
      %add3A_138 = arith.addf %add3A_131, %get3A_137 : vector<16xf32>
      %mul3A_139 = arith.constant 16 : i32
      %mul3A_140 = arith.muli %scan3A_67, %mul3A_139 : i32
      %add3A_141 = arith.constant 2560 : i32
      %add3A_142 = arith.addi %add3A_141, %mul3A_140 : i32
      %get3A_143 = arith.index_cast %add3A_142 : i32 to index
      %get3A_144 = tpu.vector_load %arg22[%get3A_143] {strides = array<i32>} : memref<4096xf32, #tpu.memory_space<vmem>>, vector<16xf32>,
      %add3A_145 = arith.addf %add3A_138, %get3A_144 : vector<16xf32>
      %mul3A_146 = arith.constant 16 : i32
      %mul3A_147 = arith.muli %scan3A_67, %mul3A_146 : i32
      %add3A_148 = arith.constant 2816 : i32
      %add3A_149 = arith.addi %add3A_148, %mul3A_147 : i32
      %get3A_150 = arith.index_cast %add3A_149 : i32 to index
      %get3A_151 = tpu.vector_load %arg22[%get3A_150] {strides = array<i32>} : memref<4096xf32, #tpu.memory_space<vmem>>, vector<16xf32>,
      %add3A_152 = arith.addf %add3A_145, %get3A_151 : vector<16xf32>
      %mul3A_153 = arith.constant 16 : i32
      %mul3A_154 = arith.muli %scan3A_67, %mul3A_153 : i32
      %add3A_155 = arith.constant 3072 : i32
      %add3A_156 = arith.addi %add3A_155, %mul3A_154 : i32
      %get3A_157 = arith.index_cast %add3A_156 : i32 to index
      %get3A_158 = tpu.vector_load %arg22[%get3A_157] {strides = array<i32>} : memref<4096xf32, #tpu.memory_space<vmem>>, vector<16xf32>,
      %add3A_159 = arith.addf %add3A_152, %get3A_158 : vector<16xf32>
      %mul3A_160 = arith.constant 16 : i32
      %mul3A_161 = arith.muli %scan3A_67, %mul3A_160 : i32
      %add3A_162 = arith.constant 3328 : i32
      %add3A_163 = arith.addi %add3A_162, %mul3A_161 : i32
      %get3A_164 = arith.index_cast %add3A_163 : i32 to index
      %get3A_165 = tpu.vector_load %arg22[%get3A_164] {strides = array<i32>} : memref<4096xf32, #tpu.memory_space<vmem>>, vector<16xf32>,
      %add3A_166 = arith.addf %add3A_159, %get3A_165 : vector<16xf32>
      %mul3A_167 = arith.constant 16 : i32
      %mul3A_168 = arith.muli %scan3A_67, %mul3A_167 : i32
      %add3A_169 = arith.constant 3584 : i32
      %add3A_170 = arith.addi %add3A_169, %mul3A_168 : i32
      %get3A_171 = arith.index_cast %add3A_170 : i32 to index
      %get3A_172 = tpu.vector_load %arg22[%get3A_171] {strides = array<i32>} : memref<4096xf32, #tpu.memory_space<vmem>>, vector<16xf32>,
      %add3A_173 = arith.addf %add3A_166, %get3A_172 : vector<16xf32>
      %mul3A_174 = arith.constant 16 : i32
      %mul3A_175 = arith.muli %scan3A_67, %mul3A_174 : i32
      %add3A_176 = arith.constant 3840 : i32
      %add3A_177 = arith.addi %add3A_176, %mul3A_175 : i32
      %get3A_178 = arith.index_cast %add3A_177 : i32 to index
      %get3A_179 = tpu.vector_load %arg22[%get3A_178] {strides = array<i32>} : memref<4096xf32, #tpu.memory_space<vmem>>, vector<16xf32>,
      %add3A_180 = arith.addf %add3A_173, %get3A_179 : vector<16xf32>
      %mul3A_181 = arith.constant 16 : i32
      %mul3A_182 = arith.muli %scan3A_67, %mul3A_181 : i32
      %swap3A_183 = arith.index_cast %mul3A_182 : i32 to index
      %swap3A_184 = tpu.vector_load %arg24[%swap3A_183] {strides = array<i32>} : memref<256xf32, #tpu.memory_space<vmem>>, vector<16xf32>,
      tpu.vector_store %arg24[%swap3A_183], %add3A_180 {strides = array<i32>} : memref<256xf32, #tpu.memory_space<vmem>>, vector<16xf32>,
      %scan3A_185 = arith.constant 0 : i32
      scf.yield %scan3A_185 : i32
    }
    %scan3A_55 = arith.constant 16 : i32
    %mul3A_56 = arith.constant 256 : i32
    %mul3A_57 = arith.muli %add3A, %mul3A_56 : i32
    "tpu.region"() ({
      %run_scoped3A = tpu.sem_alloc : memref<!tpu.dma_semaphore, #tpu.memory_space<semaphore_mem>>
      %dma_start3A_67 = tpu.memref_slice %arg8[%mul3A_57] : memref<8192xf32, #tpu.memory_space<hbm>> -> memref<256xf32, #tpu.memory_space<hbm>>
      %dma_start3A_68 = tpu.memref_slice %arg8[%mul3A_57] : memref<8192xf32, #tpu.memory_space<hbm>> -> memref<256xf32, #tpu.memory_space<hbm>>
      tpu.enqueue_dma source(%arg24 : memref<256xf32, #tpu.memory_space<vmem>>) target(%dma_start3A_68 : memref<256xf32, #tpu.memory_space<hbm>>) target_semaphore(%run_scoped3A : memref<!tpu.dma_semaphore, #tpu.memory_space<semaphore_mem>>)
      %dma_wait3A_69 = tpu.memref_slice %arg8[%mul3A_57] : memref<8192xf32, #tpu.memory_space<hbm>> -> memref<256xf32, #tpu.memory_space<hbm>>
      %dma_wait3A_70 = tpu.memref_slice %arg8[%mul3A_57] : memref<8192xf32, #tpu.memory_space<hbm>> -> memref<256xf32, #tpu.memory_space<hbm>>
      tpu.wait_dma2 semaphore(%run_scoped3A : memref<!tpu.dma_semaphore, #tpu.memory_space<semaphore_mem>>) src(%arg24 : memref<256xf32, #tpu.memory_space<vmem>>) dst(%dma_wait3A_70 : memref<256xf32, #tpu.memory_space<hbm>>)
      tpu.yield
    }) : () -> ()
    %scan3A_58 = arith.constant 0 : i32
    %scan3A_59 = arith.constant 0 : i32
    %scan3A_60 = arith.constant 16 : i32
    %scan3A_61 = arith.addi %scan3A_59, %scan3A_60 : i32
    %scan3A_62 = arith.constant 1 : i32
    %scan3A_63 = scf.for %scan3A_67 = %scan3A_59 to %scan3A_61 step %scan3A_62 iter_args(%scan3A_68 = %scan3A_58) -> (i32)  : i32 {
      %mul3A_69 = arith.constant 16 : i32
      %mul3A_70 = arith.muli %scan3A_67, %mul3A_69 : i32
      %add3A_71 = arith.constant 0 : i32
      %add3A_72 = arith.addi %add3A_71, %mul3A_70 : i32
      %get3A_73 = arith.index_cast %add3A_72 : i32 to index
      %get3A_74 = tpu.vector_load %arg23[%get3A_73] {strides = array<i32>} : memref<4096xf32, #tpu.memory_space<vmem>>, vector<16xf32>,
      %add3A_75 = arith.addf %broadcast_in_dim3A_1, %get3A_74 : vector<16xf32>
      %mul3A_76 = arith.constant 16 : i32
      %mul3A_77 = arith.muli %scan3A_67, %mul3A_76 : i32
      %add3A_78 = arith.constant 256 : i32
      %add3A_79 = arith.addi %add3A_78, %mul3A_77 : i32
      %get3A_80 = arith.index_cast %add3A_79 : i32 to index
      %get3A_81 = tpu.vector_load %arg23[%get3A_80] {strides = array<i32>} : memref<4096xf32, #tpu.memory_space<vmem>>, vector<16xf32>,
      %add3A_82 = arith.addf %add3A_75, %get3A_81 : vector<16xf32>
      %mul3A_83 = arith.constant 16 : i32
      %mul3A_84 = arith.muli %scan3A_67, %mul3A_83 : i32
      %add3A_85 = arith.constant 512 : i32
      %add3A_86 = arith.addi %add3A_85, %mul3A_84 : i32
      %get3A_87 = arith.index_cast %add3A_86 : i32 to index
      %get3A_88 = tpu.vector_load %arg23[%get3A_87] {strides = array<i32>} : memref<4096xf32, #tpu.memory_space<vmem>>, vector<16xf32>,
      %add3A_89 = arith.addf %add3A_82, %get3A_88 : vector<16xf32>
      %mul3A_90 = arith.constant 16 : i32
      %mul3A_91 = arith.muli %scan3A_67, %mul3A_90 : i32
      %add3A_92 = arith.constant 768 : i32
      %add3A_93 = arith.addi %add3A_92, %mul3A_91 : i32
      %get3A_94 = arith.index_cast %add3A_93 : i32 to index
      %get3A_95 = tpu.vector_load %arg23[%get3A_94] {strides = array<i32>} : memref<4096xf32, #tpu.memory_space<vmem>>, vector<16xf32>,
      %add3A_96 = arith.addf %add3A_89, %get3A_95 : vector<16xf32>
      %mul3A_97 = arith.constant 16 : i32
      %mul3A_98 = arith.muli %scan3A_67, %mul3A_97 : i32
      %add3A_99 = arith.constant 1024 : i32
      %add3A_100 = arith.addi %add3A_99, %mul3A_98 : i32
      %get3A_101 = arith.index_cast %add3A_100 : i32 to index
      %get3A_102 = tpu.vector_load %arg23[%get3A_101] {strides = array<i32>} : memref<4096xf32, #tpu.memory_space<vmem>>, vector<16xf32>,
      %add3A_103 = arith.addf %add3A_96, %get3A_102 : vector<16xf32>
      %mul3A_104 = arith.constant 16 : i32
      %mul3A_105 = arith.muli %scan3A_67, %mul3A_104 : i32
      %add3A_106 = arith.constant 1280 : i32
      %add3A_107 = arith.addi %add3A_106, %mul3A_105 : i32
      %get3A_108 = arith.index_cast %add3A_107 : i32 to index
      %get3A_109 = tpu.vector_load %arg23[%get3A_108] {strides = array<i32>} : memref<4096xf32, #tpu.memory_space<vmem>>, vector<16xf32>,
      %add3A_110 = arith.addf %add3A_103, %get3A_109 : vector<16xf32>
      %mul3A_111 = arith.constant 16 : i32
      %mul3A_112 = arith.muli %scan3A_67, %mul3A_111 : i32
      %add3A_113 = arith.constant 1536 : i32
      %add3A_114 = arith.addi %add3A_113, %mul3A_112 : i32
      %get3A_115 = arith.index_cast %add3A_114 : i32 to index
      %get3A_116 = tpu.vector_load %arg23[%get3A_115] {strides = array<i32>} : memref<4096xf32, #tpu.memory_space<vmem>>, vector<16xf32>,
      %add3A_117 = arith.addf %add3A_110, %get3A_116 : vector<16xf32>
      %mul3A_118 = arith.constant 16 : i32
      %mul3A_119 = arith.muli %scan3A_67, %mul3A_118 : i32
      %add3A_120 = arith.constant 1792 : i32
      %add3A_121 = arith.addi %add3A_120, %mul3A_119 : i32
      %get3A_122 = arith.index_cast %add3A_121 : i32 to index
      %get3A_123 = tpu.vector_load %arg23[%get3A_122] {strides = array<i32>} : memref<4096xf32, #tpu.memory_space<vmem>>, vector<16xf32>,
      %add3A_124 = arith.addf %add3A_117, %get3A_123 : vector<16xf32>
      %mul3A_125 = arith.constant 16 : i32
      %mul3A_126 = arith.muli %scan3A_67, %mul3A_125 : i32
      %add3A_127 = arith.constant 2048 : i32
      %add3A_128 = arith.addi %add3A_127, %mul3A_126 : i32
      %get3A_129 = arith.index_cast %add3A_128 : i32 to index
      %get3A_130 = tpu.vector_load %arg23[%get3A_129] {strides = array<i32>} : memref<4096xf32, #tpu.memory_space<vmem>>, vector<16xf32>,
      %add3A_131 = arith.addf %add3A_124, %get3A_130 : vector<16xf32>
      %mul3A_132 = arith.constant 16 : i32
      %mul3A_133 = arith.muli %scan3A_67, %mul3A_132 : i32
      %add3A_134 = arith.constant 2304 : i32
      %add3A_135 = arith.addi %add3A_134, %mul3A_133 : i32
      %get3A_136 = arith.index_cast %add3A_135 : i32 to index
      %get3A_137 = tpu.vector_load %arg23[%get3A_136] {strides = array<i32>} : memref<4096xf32, #tpu.memory_space<vmem>>, vector<16xf32>,
      %add3A_138 = arith.addf %add3A_131, %get3A_137 : vector<16xf32>
      %mul3A_139 = arith.constant 16 : i32
      %mul3A_140 = arith.muli %scan3A_67, %mul3A_139 : i32
      %add3A_141 = arith.constant 2560 : i32
      %add3A_142 = arith.addi %add3A_141, %mul3A_140 : i32
      %get3A_143 = arith.index_cast %add3A_142 : i32 to index
      %get3A_144 = tpu.vector_load %arg23[%get3A_143] {strides = array<i32>} : memref<4096xf32, #tpu.memory_space<vmem>>, vector<16xf32>,
      %add3A_145 = arith.addf %add3A_138, %get3A_144 : vector<16xf32>
      %mul3A_146 = arith.constant 16 : i32
      %mul3A_147 = arith.muli %scan3A_67, %mul3A_146 : i32
      %add3A_148 = arith.constant 2816 : i32
      %add3A_149 = arith.addi %add3A_148, %mul3A_147 : i32
      %get3A_150 = arith.index_cast %add3A_149 : i32 to index
      %get3A_151 = tpu.vector_load %arg23[%get3A_150] {strides = array<i32>} : memref<4096xf32, #tpu.memory_space<vmem>>, vector<16xf32>,
      %add3A_152 = arith.addf %add3A_145, %get3A_151 : vector<16xf32>
      %mul3A_153 = arith.constant 16 : i32
      %mul3A_154 = arith.muli %scan3A_67, %mul3A_153 : i32
      %add3A_155 = arith.constant 3072 : i32
      %add3A_156 = arith.addi %add3A_155, %mul3A_154 : i32
      %get3A_157 = arith.index_cast %add3A_156 : i32 to index
      %get3A_158 = tpu.vector_load %arg23[%get3A_157] {strides = array<i32>} : memref<4096xf32, #tpu.memory_space<vmem>>, vector<16xf32>,
      %add3A_159 = arith.addf %add3A_152, %get3A_158 : vector<16xf32>
      %mul3A_160 = arith.constant 16 : i32
      %mul3A_161 = arith.muli %scan3A_67, %mul3A_160 : i32
      %add3A_162 = arith.constant 3328 : i32
      %add3A_163 = arith.addi %add3A_162, %mul3A_161 : i32
      %get3A_164 = arith.index_cast %add3A_163 : i32 to index
      %get3A_165 = tpu.vector_load %arg23[%get3A_164] {strides = array<i32>} : memref<4096xf32, #tpu.memory_space<vmem>>, vector<16xf32>,
      %add3A_166 = arith.addf %add3A_159, %get3A_165 : vector<16xf32>
      %mul3A_167 = arith.constant 16 : i32
      %mul3A_168 = arith.muli %scan3A_67, %mul3A_167 : i32
      %add3A_169 = arith.constant 3584 : i32
      %add3A_170 = arith.addi %add3A_169, %mul3A_168 : i32
      %get3A_171 = arith.index_cast %add3A_170 : i32 to index
      %get3A_172 = tpu.vector_load %arg23[%get3A_171] {strides = array<i32>} : memref<4096xf32, #tpu.memory_space<vmem>>, vector<16xf32>,
      %add3A_173 = arith.addf %add3A_166, %get3A_172 : vector<16xf32>
      %mul3A_174 = arith.constant 16 : i32
      %mul3A_175 = arith.muli %scan3A_67, %mul3A_174 : i32
      %add3A_176 = arith.constant 3840 : i32
      %add3A_177 = arith.addi %add3A_176, %mul3A_175 : i32
      %get3A_178 = arith.index_cast %add3A_177 : i32 to index
      %get3A_179 = tpu.vector_load %arg23[%get3A_178] {strides = array<i32>} : memref<4096xf32, #tpu.memory_space<vmem>>, vector<16xf32>,
      %add3A_180 = arith.addf %add3A_173, %get3A_179 : vector<16xf32>
      %mul3A_181 = arith.constant 16 : i32
      %mul3A_182 = arith.muli %scan3A_67, %mul3A_181 : i32
      %swap3A_183 = arith.index_cast %mul3A_182 : i32 to index
      %swap3A_184 = tpu.vector_load %arg24[%swap3A_183] {strides = array<i32>} : memref<256xf32, #tpu.memory_space<vmem>>, vector<16xf32>,
      tpu.vector_store %arg24[%swap3A_183], %add3A_180 {strides = array<i32>} : memref<256xf32, #tpu.memory_space<vmem>>, vector<16xf32>,
      %scan3A_185 = arith.constant 0 : i32
      scf.yield %scan3A_185 : i32
    }
    %scan3A_64 = arith.constant 16 : i32
    %mul3A_65 = arith.constant 256 : i32
    %mul3A_66 = arith.muli %add3A, %mul3A_65 : i32
    "tpu.region"() ({
      %run_scoped3A = tpu.sem_alloc : memref<!tpu.dma_semaphore, #tpu.memory_space<semaphore_mem>>
      %dma_start3A_67 = tpu.memref_slice %arg9[%mul3A_66] : memref<8192xf32, #tpu.memory_space<hbm>> -> memref<256xf32, #tpu.memory_space<hbm>>
      %dma_start3A_68 = tpu.memref_slice %arg9[%mul3A_66] : memref<8192xf32, #tpu.memory_space<hbm>> -> memref<256xf32, #tpu.memory_space<hbm>>
      tpu.enqueue_dma source(%arg24 : memref<256xf32, #tpu.memory_space<vmem>>) target(%dma_start3A_68 : memref<256xf32, #tpu.memory_space<hbm>>) target_semaphore(%run_scoped3A : memref<!tpu.dma_semaphore, #tpu.memory_space<semaphore_mem>>)
      %dma_wait3A_69 = tpu.memref_slice %arg9[%mul3A_66] : memref<8192xf32, #tpu.memory_space<hbm>> -> memref<256xf32, #tpu.memory_space<hbm>>
      %dma_wait3A_70 = tpu.memref_slice %arg9[%mul3A_66] : memref<8192xf32, #tpu.memory_space<hbm>> -> memref<256xf32, #tpu.memory_space<hbm>>
      tpu.wait_dma2 semaphore(%run_scoped3A : memref<!tpu.dma_semaphore, #tpu.memory_space<semaphore_mem>>) src(%arg24 : memref<256xf32, #tpu.memory_space<vmem>>) dst(%dma_wait3A_70 : memref<256xf32, #tpu.memory_space<hbm>>)
      tpu.yield
    }) : () -> ()
    return
  }
}

module attributes {stable_mosaic.version = 14 : i64} {
  func.func @_encode_body(%arg0: i32, %arg1: memref<632x9xi32, #tpu.memory_space<vmem>>, %arg2: memref<9x64x128xf32, #tpu.memory_space<vmem>>, %arg3: memref<16x128xf32, #tpu.memory_space<vmem>>, %arg4: memref<16x128xf32, #tpu.memory_space<vmem>>, %arg5: memref<16x128xf32, #tpu.memory_space<vmem>>, %arg6: memref<16x128xf32, #tpu.memory_space<vmem>>, %arg7: memref<16x128xf32, #tpu.memory_space<vmem>>, %arg8: memref<16x128xf32, #tpu.memory_space<vmem>>, %arg9: memref<632x128xf32, #tpu.memory_space<vmem>>, %arg10: memref<4096x128xf32, #tpu.memory_space<vmem>>, %arg11: memref<4096x128xf32, #tpu.memory_space<vmem>>) attributes {dimension_semantics = [#tpu.dimension_semantics<arbitrary>], iteration_bounds = array<i64: 16>, scalar_prefetch = 0 : i64, scratch_operands = 0 : i64, tpu.core_type = #tpu.core_type<tc>, window_params = [{transform_indices = @transform_0, window_bounds = array<i64: 632, 9>}, {pipeline_mode = #tpu.pipeline_mode<synchronous>, transform_indices = @transform_1, window_bounds = array<i64: 9, 64, 128>}, {pipeline_mode = #tpu.pipeline_mode<synchronous>, transform_indices = @transform_2, window_bounds = array<i64: 16, 128>}, {pipeline_mode = #tpu.pipeline_mode<synchronous>, transform_indices = @transform_3, window_bounds = array<i64: 16, 128>}, {pipeline_mode = #tpu.pipeline_mode<synchronous>, transform_indices = @transform_4, window_bounds = array<i64: 16, 128>}, {pipeline_mode = #tpu.pipeline_mode<synchronous>, transform_indices = @transform_5, window_bounds = array<i64: 16, 128>}, {pipeline_mode = #tpu.pipeline_mode<synchronous>, transform_indices = @transform_6, window_bounds = array<i64: 16, 128>}, {pipeline_mode = #tpu.pipeline_mode<synchronous>, transform_indices = @transform_7, window_bounds = array<i64: 16, 128>}, {transform_indices = @transform_8, window_bounds = array<i64: 632, 128>}, {pipeline_mode = #tpu.pipeline_mode<synchronous>, transform_indices = @transform_9, window_bounds = array<i64: 4096, 128>}, {pipeline_mode = #tpu.pipeline_mode<synchronous>, transform_indices = @transform_10, window_bounds = array<i64: 4096, 128>}]} {
    %iota3A = tpu.iota {dimensions = array<i32: 1>} : vector<1x64xi32>
    %get3A = arith.constant 0 : index
    %get3A_0 = arith.constant 0 : index
    %get3A_1 = vector.load %arg1[%get3A, %get3A_0] : memref<632x9xi32, #tpu.memory_space<vmem>>, vector<632x1xi32>
    %eq3A = vector.broadcast %get3A_1 : vector<632x1xi32> to vector<632x64xi32>
    %eq3A_2 = vector.broadcast %iota3A : vector<1x64xi32> to vector<632x64xi32>
    %eq3A_3 = arith.cmpi eq, %eq3A, %eq3A_2 : vector<632x64xi32>
    %convert_element_type3A = arith.extui %eq3A_3 : vector<632x64xi1> to vector<632x64xi32>
    %convert_element_type3A_4 = arith.sitofp %convert_element_type3A : vector<632x64xi32> to vector<632x64xf32>
    %get3A_5 = arith.constant 0 : index
    %get3A_6 = arith.constant 0 : index
    %get3A_7 = arith.constant 0 : index
    %get3A_8 = vector.load %arg2[%get3A_5, %get3A_6, %get3A_7] : memref<9x64x128xf32, #tpu.memory_space<vmem>>, vector<1x64x128xf32>
    %get3A_9 = vector.shape_cast %get3A_8 : vector<1x64x128xf32> to vector<64x128xf32>
    %dot_general3A = arith.constant dense<0.000000e+00> : vector<632x128xf32>
    %dot_general3A_10 = tpu.matmul %convert_element_type3A_4, %get3A_9, %dot_general3A {dimension_numbers = #tpu.dot_dimension_numbers<[1], [0], [0], [1], [0, 0, 1, 1], [], []>, precision = #tpu.contract_precision<fp32>, transpose_lhs_hint = false} : vector<632x64xf32>, vector<64x128xf32>, vector<632x128xf32> -> vector<632x128xf32>
    %get3A_11 = arith.constant 0 : index
    %get3A_12 = arith.constant 1 : index
    %get3A_13 = vector.load %arg1[%get3A_11, %get3A_12] : memref<632x9xi32, #tpu.memory_space<vmem>>, vector<632x1xi32>
    %eq3A_14 = vector.broadcast %get3A_13 : vector<632x1xi32> to vector<632x64xi32>
    %eq3A_15 = vector.broadcast %iota3A : vector<1x64xi32> to vector<632x64xi32>
    %eq3A_16 = arith.cmpi eq, %eq3A_14, %eq3A_15 : vector<632x64xi32>
    %convert_element_type3A_17 = arith.extui %eq3A_16 : vector<632x64xi1> to vector<632x64xi32>
    %convert_element_type3A_18 = arith.sitofp %convert_element_type3A_17 : vector<632x64xi32> to vector<632x64xf32>
    %get3A_19 = arith.constant 1 : index
    %get3A_20 = arith.constant 0 : index
    %get3A_21 = arith.constant 0 : index
    %get3A_22 = vector.load %arg2[%get3A_19, %get3A_20, %get3A_21] : memref<9x64x128xf32, #tpu.memory_space<vmem>>, vector<1x64x128xf32>
    %get3A_23 = vector.shape_cast %get3A_22 : vector<1x64x128xf32> to vector<64x128xf32>
    %dot_general3A_24 = arith.constant dense<0.000000e+00> : vector<632x128xf32>
    %dot_general3A_25 = tpu.matmul %convert_element_type3A_18, %get3A_23, %dot_general3A_24 {dimension_numbers = #tpu.dot_dimension_numbers<[1], [0], [0], [1], [0, 0, 1, 1], [], []>, precision = #tpu.contract_precision<fp32>, transpose_lhs_hint = false} : vector<632x64xf32>, vector<64x128xf32>, vector<632x128xf32> -> vector<632x128xf32>
    %add3A = arith.addf %dot_general3A_10, %dot_general3A_25 : vector<632x128xf32>
    %get3A_26 = arith.constant 0 : index
    %get3A_27 = arith.constant 2 : index
    %get3A_28 = vector.load %arg1[%get3A_26, %get3A_27] : memref<632x9xi32, #tpu.memory_space<vmem>>, vector<632x1xi32>
    %eq3A_29 = vector.broadcast %get3A_28 : vector<632x1xi32> to vector<632x64xi32>
    %eq3A_30 = vector.broadcast %iota3A : vector<1x64xi32> to vector<632x64xi32>
    %eq3A_31 = arith.cmpi eq, %eq3A_29, %eq3A_30 : vector<632x64xi32>
    %convert_element_type3A_32 = arith.extui %eq3A_31 : vector<632x64xi1> to vector<632x64xi32>
    %convert_element_type3A_33 = arith.sitofp %convert_element_type3A_32 : vector<632x64xi32> to vector<632x64xf32>
    %get3A_34 = arith.constant 2 : index
    %get3A_35 = arith.constant 0 : index
    %get3A_36 = arith.constant 0 : index
    %get3A_37 = vector.load %arg2[%get3A_34, %get3A_35, %get3A_36] : memref<9x64x128xf32, #tpu.memory_space<vmem>>, vector<1x64x128xf32>
    %get3A_38 = vector.shape_cast %get3A_37 : vector<1x64x128xf32> to vector<64x128xf32>
    %dot_general3A_39 = arith.constant dense<0.000000e+00> : vector<632x128xf32>
    %dot_general3A_40 = tpu.matmul %convert_element_type3A_33, %get3A_38, %dot_general3A_39 {dimension_numbers = #tpu.dot_dimension_numbers<[1], [0], [0], [1], [0, 0, 1, 1], [], []>, precision = #tpu.contract_precision<fp32>, transpose_lhs_hint = false} : vector<632x64xf32>, vector<64x128xf32>, vector<632x128xf32> -> vector<632x128xf32>
    %add3A_41 = arith.addf %add3A, %dot_general3A_40 : vector<632x128xf32>
    %get3A_42 = arith.constant 0 : index
    %get3A_43 = arith.constant 3 : index
    %get3A_44 = vector.load %arg1[%get3A_42, %get3A_43] : memref<632x9xi32, #tpu.memory_space<vmem>>, vector<632x1xi32>
    %eq3A_45 = vector.broadcast %get3A_44 : vector<632x1xi32> to vector<632x64xi32>
    %eq3A_46 = vector.broadcast %iota3A : vector<1x64xi32> to vector<632x64xi32>
    %eq3A_47 = arith.cmpi eq, %eq3A_45, %eq3A_46 : vector<632x64xi32>
    %convert_element_type3A_48 = arith.extui %eq3A_47 : vector<632x64xi1> to vector<632x64xi32>
    %convert_element_type3A_49 = arith.sitofp %convert_element_type3A_48 : vector<632x64xi32> to vector<632x64xf32>
    %get3A_50 = arith.constant 3 : index
    %get3A_51 = arith.constant 0 : index
    %get3A_52 = arith.constant 0 : index
    %get3A_53 = vector.load %arg2[%get3A_50, %get3A_51, %get3A_52] : memref<9x64x128xf32, #tpu.memory_space<vmem>>, vector<1x64x128xf32>
    %get3A_54 = vector.shape_cast %get3A_53 : vector<1x64x128xf32> to vector<64x128xf32>
    %dot_general3A_55 = arith.constant dense<0.000000e+00> : vector<632x128xf32>
    %dot_general3A_56 = tpu.matmul %convert_element_type3A_49, %get3A_54, %dot_general3A_55 {dimension_numbers = #tpu.dot_dimension_numbers<[1], [0], [0], [1], [0, 0, 1, 1], [], []>, precision = #tpu.contract_precision<fp32>, transpose_lhs_hint = false} : vector<632x64xf32>, vector<64x128xf32>, vector<632x128xf32> -> vector<632x128xf32>
    %add3A_57 = arith.addf %add3A_41, %dot_general3A_56 : vector<632x128xf32>
    %get3A_58 = arith.constant 0 : index
    %get3A_59 = arith.constant 4 : index
    %get3A_60 = vector.load %arg1[%get3A_58, %get3A_59] : memref<632x9xi32, #tpu.memory_space<vmem>>, vector<632x1xi32>
    %eq3A_61 = vector.broadcast %get3A_60 : vector<632x1xi32> to vector<632x64xi32>
    %eq3A_62 = vector.broadcast %iota3A : vector<1x64xi32> to vector<632x64xi32>
    %eq3A_63 = arith.cmpi eq, %eq3A_61, %eq3A_62 : vector<632x64xi32>
    %convert_element_type3A_64 = arith.extui %eq3A_63 : vector<632x64xi1> to vector<632x64xi32>
    %convert_element_type3A_65 = arith.sitofp %convert_element_type3A_64 : vector<632x64xi32> to vector<632x64xf32>
    %get3A_66 = arith.constant 4 : index
    %get3A_67 = arith.constant 0 : index
    %get3A_68 = arith.constant 0 : index
    %get3A_69 = vector.load %arg2[%get3A_66, %get3A_67, %get3A_68] : memref<9x64x128xf32, #tpu.memory_space<vmem>>, vector<1x64x128xf32>
    %get3A_70 = vector.shape_cast %get3A_69 : vector<1x64x128xf32> to vector<64x128xf32>
    %dot_general3A_71 = arith.constant dense<0.000000e+00> : vector<632x128xf32>
    %dot_general3A_72 = tpu.matmul %convert_element_type3A_65, %get3A_70, %dot_general3A_71 {dimension_numbers = #tpu.dot_dimension_numbers<[1], [0], [0], [1], [0, 0, 1, 1], [], []>, precision = #tpu.contract_precision<fp32>, transpose_lhs_hint = false} : vector<632x64xf32>, vector<64x128xf32>, vector<632x128xf32> -> vector<632x128xf32>
    %add3A_73 = arith.addf %add3A_57, %dot_general3A_72 : vector<632x128xf32>
    %get3A_74 = arith.constant 0 : index
    %get3A_75 = arith.constant 5 : index
    %get3A_76 = vector.load %arg1[%get3A_74, %get3A_75] : memref<632x9xi32, #tpu.memory_space<vmem>>, vector<632x1xi32>
    %eq3A_77 = vector.broadcast %get3A_76 : vector<632x1xi32> to vector<632x64xi32>
    %eq3A_78 = vector.broadcast %iota3A : vector<1x64xi32> to vector<632x64xi32>
    %eq3A_79 = arith.cmpi eq, %eq3A_77, %eq3A_78 : vector<632x64xi32>
    %convert_element_type3A_80 = arith.extui %eq3A_79 : vector<632x64xi1> to vector<632x64xi32>
    %convert_element_type3A_81 = arith.sitofp %convert_element_type3A_80 : vector<632x64xi32> to vector<632x64xf32>
    %get3A_82 = arith.constant 5 : index
    %get3A_83 = arith.constant 0 : index
    %get3A_84 = arith.constant 0 : index
    %get3A_85 = vector.load %arg2[%get3A_82, %get3A_83, %get3A_84] : memref<9x64x128xf32, #tpu.memory_space<vmem>>, vector<1x64x128xf32>
    %get3A_86 = vector.shape_cast %get3A_85 : vector<1x64x128xf32> to vector<64x128xf32>
    %dot_general3A_87 = arith.constant dense<0.000000e+00> : vector<632x128xf32>
    %dot_general3A_88 = tpu.matmul %convert_element_type3A_81, %get3A_86, %dot_general3A_87 {dimension_numbers = #tpu.dot_dimension_numbers<[1], [0], [0], [1], [0, 0, 1, 1], [], []>, precision = #tpu.contract_precision<fp32>, transpose_lhs_hint = false} : vector<632x64xf32>, vector<64x128xf32>, vector<632x128xf32> -> vector<632x128xf32>
    %add3A_89 = arith.addf %add3A_73, %dot_general3A_88 : vector<632x128xf32>
    %get3A_90 = arith.constant 0 : index
    %get3A_91 = arith.constant 6 : index
    %get3A_92 = vector.load %arg1[%get3A_90, %get3A_91] : memref<632x9xi32, #tpu.memory_space<vmem>>, vector<632x1xi32>
    %eq3A_93 = vector.broadcast %get3A_92 : vector<632x1xi32> to vector<632x64xi32>
    %eq3A_94 = vector.broadcast %iota3A : vector<1x64xi32> to vector<632x64xi32>
    %eq3A_95 = arith.cmpi eq, %eq3A_93, %eq3A_94 : vector<632x64xi32>
    %convert_element_type3A_96 = arith.extui %eq3A_95 : vector<632x64xi1> to vector<632x64xi32>
    %convert_element_type3A_97 = arith.sitofp %convert_element_type3A_96 : vector<632x64xi32> to vector<632x64xf32>
    %get3A_98 = arith.constant 6 : index
    %get3A_99 = arith.constant 0 : index
    %get3A_100 = arith.constant 0 : index
    %get3A_101 = vector.load %arg2[%get3A_98, %get3A_99, %get3A_100] : memref<9x64x128xf32, #tpu.memory_space<vmem>>, vector<1x64x128xf32>
    %get3A_102 = vector.shape_cast %get3A_101 : vector<1x64x128xf32> to vector<64x128xf32>
    %dot_general3A_103 = arith.constant dense<0.000000e+00> : vector<632x128xf32>
    %dot_general3A_104 = tpu.matmul %convert_element_type3A_97, %get3A_102, %dot_general3A_103 {dimension_numbers = #tpu.dot_dimension_numbers<[1], [0], [0], [1], [0, 0, 1, 1], [], []>, precision = #tpu.contract_precision<fp32>, transpose_lhs_hint = false} : vector<632x64xf32>, vector<64x128xf32>, vector<632x128xf32> -> vector<632x128xf32>
    %add3A_105 = arith.addf %add3A_89, %dot_general3A_104 : vector<632x128xf32>
    %get3A_106 = arith.constant 0 : index
    %get3A_107 = arith.constant 7 : index
    %get3A_108 = vector.load %arg1[%get3A_106, %get3A_107] : memref<632x9xi32, #tpu.memory_space<vmem>>, vector<632x1xi32>
    %eq3A_109 = vector.broadcast %get3A_108 : vector<632x1xi32> to vector<632x64xi32>
    %eq3A_110 = vector.broadcast %iota3A : vector<1x64xi32> to vector<632x64xi32>
    %eq3A_111 = arith.cmpi eq, %eq3A_109, %eq3A_110 : vector<632x64xi32>
    %convert_element_type3A_112 = arith.extui %eq3A_111 : vector<632x64xi1> to vector<632x64xi32>
    %convert_element_type3A_113 = arith.sitofp %convert_element_type3A_112 : vector<632x64xi32> to vector<632x64xf32>
    %get3A_114 = arith.constant 7 : index
    %get3A_115 = arith.constant 0 : index
    %get3A_116 = arith.constant 0 : index
    %get3A_117 = vector.load %arg2[%get3A_114, %get3A_115, %get3A_116] : memref<9x64x128xf32, #tpu.memory_space<vmem>>, vector<1x64x128xf32>
    %get3A_118 = vector.shape_cast %get3A_117 : vector<1x64x128xf32> to vector<64x128xf32>
    %dot_general3A_119 = arith.constant dense<0.000000e+00> : vector<632x128xf32>
    %dot_general3A_120 = tpu.matmul %convert_element_type3A_113, %get3A_118, %dot_general3A_119 {dimension_numbers = #tpu.dot_dimension_numbers<[1], [0], [0], [1], [0, 0, 1, 1], [], []>, precision = #tpu.contract_precision<fp32>, transpose_lhs_hint = false} : vector<632x64xf32>, vector<64x128xf32>, vector<632x128xf32> -> vector<632x128xf32>
    %add3A_121 = arith.addf %add3A_105, %dot_general3A_120 : vector<632x128xf32>
    %get3A_122 = arith.constant 0 : index
    %get3A_123 = arith.constant 8 : index
    %get3A_124 = vector.load %arg1[%get3A_122, %get3A_123] : memref<632x9xi32, #tpu.memory_space<vmem>>, vector<632x1xi32>
    %eq3A_125 = vector.broadcast %get3A_124 : vector<632x1xi32> to vector<632x64xi32>
    %eq3A_126 = vector.broadcast %iota3A : vector<1x64xi32> to vector<632x64xi32>
    %eq3A_127 = arith.cmpi eq, %eq3A_125, %eq3A_126 : vector<632x64xi32>
    %convert_element_type3A_128 = arith.extui %eq3A_127 : vector<632x64xi1> to vector<632x64xi32>
    %convert_element_type3A_129 = arith.sitofp %convert_element_type3A_128 : vector<632x64xi32> to vector<632x64xf32>
    %get3A_130 = arith.constant 8 : index
    %get3A_131 = arith.constant 0 : index
    %get3A_132 = arith.constant 0 : index
    %get3A_133 = vector.load %arg2[%get3A_130, %get3A_131, %get3A_132] : memref<9x64x128xf32, #tpu.memory_space<vmem>>, vector<1x64x128xf32>
    %get3A_134 = vector.shape_cast %get3A_133 : vector<1x64x128xf32> to vector<64x128xf32>
    %dot_general3A_135 = arith.constant dense<0.000000e+00> : vector<632x128xf32>
    %dot_general3A_136 = tpu.matmul %convert_element_type3A_129, %get3A_134, %dot_general3A_135 {dimension_numbers = #tpu.dot_dimension_numbers<[1], [0], [0], [1], [0, 0, 1, 1], [], []>, precision = #tpu.contract_precision<fp32>, transpose_lhs_hint = false} : vector<632x64xf32>, vector<64x128xf32>, vector<632x128xf32> -> vector<632x128xf32>
    %add3A_137 = arith.addf %add3A_121, %dot_general3A_136 : vector<632x128xf32>
    %swap3A = arith.constant 0 : index
    %swap3A_138 = arith.constant 0 : index
    %swap3A_139 = vector.load %arg9[%swap3A, %swap3A_138] : memref<632x128xf32, #tpu.memory_space<vmem>>, vector<632x128xf32>
    tpu.vector_store %arg9[%swap3A, %swap3A_138], %add3A_137 {strides = array<i32>} : memref<632x128xf32, #tpu.memory_space<vmem>>, vector<632x128xf32>,
    %eq3A_140 = arith.constant 0 : i32
    %eq3A_141 = arith.cmpi eq, %arg0, %eq3A_140 : i32
    %convert_element_type3A_142 = arith.extui %eq3A_141 : i1 to i32
    %cond3A = arith.constant 0 : i32
    %cond3A_143 = arith.cmpi ne, %convert_element_type3A_142, %cond3A : i32
    scf.if %cond3A_143 {
      %get3A_144 = arith.constant 0 : index
      %get3A_145 = arith.constant 0 : index
      %get3A_146 = vector.load %arg3[%get3A_144, %get3A_145] : memref<16x128xf32, #tpu.memory_space<vmem>>, vector<16x128xf32>
      %get3A_147 = arith.constant 0 : index
      %get3A_148 = arith.constant 0 : index
      %get3A_149 = vector.load %arg4[%get3A_147, %get3A_148] : memref<16x128xf32, #tpu.memory_space<vmem>>, vector<16x128xf32>
      %get3A_150 = arith.constant 0 : index
      %get3A_151 = arith.constant 0 : index
      %get3A_152 = vector.load %arg5[%get3A_150, %get3A_151] : memref<16x128xf32, #tpu.memory_space<vmem>>, vector<16x128xf32>
      %iota3A_153 = tpu.iota {dimensions = array<i32: 0>} : vector<4096x1xi32>
      %iota3A_154 = tpu.iota {dimensions = array<i32: 1>} : vector<1x16xi32>
      %jit3A = arith.constant 256 : i32
      %div3A = vector.broadcast %jit3A : i32 to vector<4096x1xi32>
      %div3A_155 = arith.divsi %iota3A_153, %div3A : vector<4096x1xi32>
      %sign3A = arith.constant 0 : i32
      %sign3A_156 = vector.broadcast %sign3A : i32 to vector<4096x1xi32>
      %sign3A_157 = arith.cmpi sgt, %iota3A_153, %sign3A_156 : vector<4096x1xi32>
      %sign3A_158 = arith.extui %sign3A_157 : vector<4096x1xi1> to vector<4096x1xi32>
      %sign3A_159 = arith.constant 0 : i32
      %sign3A_160 = vector.broadcast %sign3A_159 : i32 to vector<4096x1xi32>
      %sign3A_161 = arith.cmpi slt, %iota3A_153, %sign3A_160 : vector<4096x1xi32>
      %sign3A_162 = arith.extui %sign3A_161 : vector<4096x1xi1> to vector<4096x1xi32>
      %sign3A_163 = arith.subi %sign3A_158, %sign3A_162 : vector<4096x1xi32>
      %sign3A_164 = arith.constant 0 : i32
      %sign3A_165 = arith.cmpi sgt, %jit3A, %sign3A_164 : i32
      %sign3A_166 = arith.extui %sign3A_165 : i1 to i32
      %sign3A_167 = arith.constant 0 : i32
      %sign3A_168 = arith.cmpi slt, %jit3A, %sign3A_167 : i32
      %sign3A_169 = arith.extui %sign3A_168 : i1 to i32
      %sign3A_170 = arith.subi %sign3A_166, %sign3A_169 : i32
      %ne3A = vector.broadcast %sign3A_170 : i32 to vector<4096x1xi32>
      %ne3A_171 = arith.cmpi ne, %sign3A_163, %ne3A : vector<4096x1xi32>
      %rem3A = vector.broadcast %jit3A : i32 to vector<4096x1xi32>
      %rem3A_172 = arith.remsi %iota3A_153, %rem3A : vector<4096x1xi32>
      %ne3A_173 = arith.constant 0 : i32
      %ne3A_174 = vector.broadcast %ne3A_173 : i32 to vector<4096x1xi32>
      %ne3A_175 = arith.cmpi ne, %rem3A_172, %ne3A_174 : vector<4096x1xi32>
      %and3A = arith.andi %ne3A_171, %ne3A_175 : vector<4096x1xi1>
      %sub3A = arith.constant 1 : i32
      %sub3A_176 = vector.broadcast %sub3A : i32 to vector<4096x1xi32>
      %sub3A_177 = arith.subi %div3A_155, %sub3A_176 : vector<4096x1xi32>
      %select_n3A = arith.select %and3A, %sub3A_177, %div3A_155 : vector<4096x1xi1>, vector<4096x1xi32>
      %eq3A_178 = vector.broadcast %select_n3A : vector<4096x1xi32> to vector<4096x16xi32>
      %eq3A_179 = vector.broadcast %iota3A_154 : vector<1x16xi32> to vector<4096x16xi32>
      %eq3A_180 = arith.cmpi eq, %eq3A_178, %eq3A_179 : vector<4096x16xi32>
      %convert_element_type3A_181 = arith.extui %eq3A_180 : vector<4096x16xi1> to vector<4096x16xi32>
      %convert_element_type3A_182 = arith.sitofp %convert_element_type3A_181 : vector<4096x16xi32> to vector<4096x16xf32>
      %jit3A_183 = arith.constant 16 : i32
      %div3A_184 = vector.broadcast %jit3A_183 : i32 to vector<4096x1xi32>
      %div3A_185 = arith.divsi %iota3A_153, %div3A_184 : vector<4096x1xi32>
      %sign3A_186 = arith.constant 0 : i32
      %sign3A_187 = vector.broadcast %sign3A_186 : i32 to vector<4096x1xi32>
      %sign3A_188 = arith.cmpi sgt, %iota3A_153, %sign3A_187 : vector<4096x1xi32>
      %sign3A_189 = arith.extui %sign3A_188 : vector<4096x1xi1> to vector<4096x1xi32>
      %sign3A_190 = arith.constant 0 : i32
      %sign3A_191 = vector.broadcast %sign3A_190 : i32 to vector<4096x1xi32>
      %sign3A_192 = arith.cmpi slt, %iota3A_153, %sign3A_191 : vector<4096x1xi32>
      %sign3A_193 = arith.extui %sign3A_192 : vector<4096x1xi1> to vector<4096x1xi32>
      %sign3A_194 = arith.subi %sign3A_189, %sign3A_193 : vector<4096x1xi32>
      %sign3A_195 = arith.constant 0 : i32
      %sign3A_196 = arith.cmpi sgt, %jit3A_183, %sign3A_195 : i32
      %sign3A_197 = arith.extui %sign3A_196 : i1 to i32
      %sign3A_198 = arith.constant 0 : i32
      %sign3A_199 = arith.cmpi slt, %jit3A_183, %sign3A_198 : i32
      %sign3A_200 = arith.extui %sign3A_199 : i1 to i32
      %sign3A_201 = arith.subi %sign3A_197, %sign3A_200 : i32
      %ne3A_202 = vector.broadcast %sign3A_201 : i32 to vector<4096x1xi32>
      %ne3A_203 = arith.cmpi ne, %sign3A_194, %ne3A_202 : vector<4096x1xi32>
      %rem3A_204 = vector.broadcast %jit3A_183 : i32 to vector<4096x1xi32>
      %rem3A_205 = arith.remsi %iota3A_153, %rem3A_204 : vector<4096x1xi32>
      %ne3A_206 = arith.constant 0 : i32
      %ne3A_207 = vector.broadcast %ne3A_206 : i32 to vector<4096x1xi32>
      %ne3A_208 = arith.cmpi ne, %rem3A_205, %ne3A_207 : vector<4096x1xi32>
      %and3A_209 = arith.andi %ne3A_203, %ne3A_208 : vector<4096x1xi1>
      %sub3A_210 = arith.constant 1 : i32
      %sub3A_211 = vector.broadcast %sub3A_210 : i32 to vector<4096x1xi32>
      %sub3A_212 = arith.subi %div3A_185, %sub3A_211 : vector<4096x1xi32>
      %select_n3A_213 = arith.select %and3A_209, %sub3A_212, %div3A_185 : vector<4096x1xi1>, vector<4096x1xi32>
      %jit3A_214 = arith.constant 16 : i32
      %eq3A_215 = arith.constant 0 : i32
      %eq3A_216 = arith.cmpi eq, %jit3A_214, %eq3A_215 : i32
      %jit3A_217 = arith.constant 1 : i32
      %select_n3A_218 = arith.select %eq3A_216, %jit3A_217, %jit3A_214 : i32
      %rem3A_219 = vector.broadcast %select_n3A_218 : i32 to vector<4096x1xi32>
      %rem3A_220 = arith.remsi %select_n3A_213, %rem3A_219 : vector<4096x1xi32>
      %ne3A_221 = arith.constant 0 : i32
      %ne3A_222 = vector.broadcast %ne3A_221 : i32 to vector<4096x1xi32>
      %ne3A_223 = arith.cmpi ne, %rem3A_220, %ne3A_222 : vector<4096x1xi32>
      %lt3A = arith.constant 0 : i32
      %lt3A_224 = vector.broadcast %lt3A : i32 to vector<4096x1xi32>
      %lt3A_225 = arith.cmpi slt, %rem3A_220, %lt3A_224 : vector<4096x1xi32>
      %lt3A_226 = arith.constant 0 : i32
      %lt3A_227 = arith.cmpi slt, %select_n3A_218, %lt3A_226 : i32
      %ne3A_228 = vector.broadcast %lt3A_227 : i1 to vector<4096x1xi1>
      %ne3A_229 = vector.broadcast %ne3A_228 : vector<4096x1xi1> to vector<4096x1xi1>
      %ne3A_230 = arith.xori %lt3A_225, %ne3A_229 : vector<4096x1xi1>
      %and3A_231 = arith.andi %ne3A_230, %ne3A_223 : vector<4096x1xi1>
      %add3A_232 = vector.broadcast %select_n3A_218 : i32 to vector<4096x1xi32>
      %add3A_233 = arith.addi %rem3A_220, %add3A_232 : vector<4096x1xi32>
      %select_n3A_234 = arith.select %and3A_231, %add3A_233, %rem3A_220 : vector<4096x1xi1>, vector<4096x1xi32>
      %eq3A_235 = vector.broadcast %select_n3A_234 : vector<4096x1xi32> to vector<4096x16xi32>
      %eq3A_236 = vector.broadcast %iota3A_154 : vector<1x16xi32> to vector<4096x16xi32>
      %eq3A_237 = arith.cmpi eq, %eq3A_235, %eq3A_236 : vector<4096x16xi32>
      %convert_element_type3A_238 = arith.extui %eq3A_237 : vector<4096x16xi1> to vector<4096x16xi32>
      %convert_element_type3A_239 = arith.sitofp %convert_element_type3A_238 : vector<4096x16xi32> to vector<4096x16xf32>
      %jit3A_240 = arith.constant 16 : i32
      %eq3A_241 = arith.constant 0 : i32
      %eq3A_242 = arith.cmpi eq, %jit3A_240, %eq3A_241 : i32
      %jit3A_243 = arith.constant 1 : i32
      %select_n3A_244 = arith.select %eq3A_242, %jit3A_243, %jit3A_240 : i32
      %rem3A_245 = vector.broadcast %select_n3A_244 : i32 to vector<4096x1xi32>
      %rem3A_246 = arith.remsi %iota3A_153, %rem3A_245 : vector<4096x1xi32>
      %ne3A_247 = arith.constant 0 : i32
      %ne3A_248 = vector.broadcast %ne3A_247 : i32 to vector<4096x1xi32>
      %ne3A_249 = arith.cmpi ne, %rem3A_246, %ne3A_248 : vector<4096x1xi32>
      %lt3A_250 = arith.constant 0 : i32
      %lt3A_251 = vector.broadcast %lt3A_250 : i32 to vector<4096x1xi32>
      %lt3A_252 = arith.cmpi slt, %rem3A_246, %lt3A_251 : vector<4096x1xi32>
      %lt3A_253 = arith.constant 0 : i32
      %lt3A_254 = arith.cmpi slt, %select_n3A_244, %lt3A_253 : i32
      %ne3A_255 = vector.broadcast %lt3A_254 : i1 to vector<4096x1xi1>
      %ne3A_256 = vector.broadcast %ne3A_255 : vector<4096x1xi1> to vector<4096x1xi1>
      %ne3A_257 = arith.xori %lt3A_252, %ne3A_256 : vector<4096x1xi1>
      %and3A_258 = arith.andi %ne3A_257, %ne3A_249 : vector<4096x1xi1>
      %add3A_259 = vector.broadcast %select_n3A_244 : i32 to vector<4096x1xi32>
      %add3A_260 = arith.addi %rem3A_246, %add3A_259 : vector<4096x1xi32>
      %select_n3A_261 = arith.select %and3A_258, %add3A_260, %rem3A_246 : vector<4096x1xi1>, vector<4096x1xi32>
      %eq3A_262 = vector.broadcast %select_n3A_261 : vector<4096x1xi32> to vector<4096x16xi32>
      %eq3A_263 = vector.broadcast %iota3A_154 : vector<1x16xi32> to vector<4096x16xi32>
      %eq3A_264 = arith.cmpi eq, %eq3A_262, %eq3A_263 : vector<4096x16xi32>
      %convert_element_type3A_265 = arith.extui %eq3A_264 : vector<4096x16xi1> to vector<4096x16xi32>
      %convert_element_type3A_266 = arith.sitofp %convert_element_type3A_265 : vector<4096x16xi32> to vector<4096x16xf32>
      %dot_general3A_267 = arith.constant dense<0.000000e+00> : vector<4096x128xf32>
      %dot_general3A_268 = tpu.matmul %convert_element_type3A_182, %get3A_146, %dot_general3A_267 {dimension_numbers = #tpu.dot_dimension_numbers<[1], [0], [0], [1], [0, 0, 1, 1], [], []>, precision = #tpu.contract_precision<fp32>, transpose_lhs_hint = false} : vector<4096x16xf32>, vector<16x128xf32>, vector<4096x128xf32> -> vector<4096x128xf32>
      %dot_general3A_269 = arith.constant dense<0.000000e+00> : vector<4096x128xf32>
      %dot_general3A_270 = tpu.matmul %convert_element_type3A_239, %get3A_149, %dot_general3A_269 {dimension_numbers = #tpu.dot_dimension_numbers<[1], [0], [0], [1], [0, 0, 1, 1], [], []>, precision = #tpu.contract_precision<fp32>, transpose_lhs_hint = false} : vector<4096x16xf32>, vector<16x128xf32>, vector<4096x128xf32> -> vector<4096x128xf32>
      %add3A_271 = arith.addf %dot_general3A_268, %dot_general3A_270 : vector<4096x128xf32>
      %dot_general3A_272 = arith.constant dense<0.000000e+00> : vector<4096x128xf32>
      %dot_general3A_273 = tpu.matmul %convert_element_type3A_266, %get3A_152, %dot_general3A_272 {dimension_numbers = #tpu.dot_dimension_numbers<[1], [0], [0], [1], [0, 0, 1, 1], [], []>, precision = #tpu.contract_precision<fp32>, transpose_lhs_hint = false} : vector<4096x16xf32>, vector<16x128xf32>, vector<4096x128xf32> -> vector<4096x128xf32>
      %add3A_274 = arith.addf %add3A_271, %dot_general3A_273 : vector<4096x128xf32>
      %swap3A_275 = arith.constant 0 : index
      %swap3A_276 = arith.constant 0 : index
      %swap3A_277 = vector.load %arg10[%swap3A_275, %swap3A_276] : memref<4096x128xf32, #tpu.memory_space<vmem>>, vector<4096x128xf32>
      tpu.vector_store %arg10[%swap3A_275, %swap3A_276], %add3A_274 {strides = array<i32>} : memref<4096x128xf32, #tpu.memory_space<vmem>>, vector<4096x128xf32>,
      %get3A_278 = arith.constant 0 : index
      %get3A_279 = arith.constant 0 : index
      %get3A_280 = vector.load %arg6[%get3A_278, %get3A_279] : memref<16x128xf32, #tpu.memory_space<vmem>>, vector<16x128xf32>
      %get3A_281 = arith.constant 0 : index
      %get3A_282 = arith.constant 0 : index
      %get3A_283 = vector.load %arg7[%get3A_281, %get3A_282] : memref<16x128xf32, #tpu.memory_space<vmem>>, vector<16x128xf32>
      %get3A_284 = arith.constant 0 : index
      %get3A_285 = arith.constant 0 : index
      %get3A_286 = vector.load %arg8[%get3A_284, %get3A_285] : memref<16x128xf32, #tpu.memory_space<vmem>>, vector<16x128xf32>
      %iota3A_287 = tpu.iota {dimensions = array<i32: 0>} : vector<4096x1xi32>
      %iota3A_288 = tpu.iota {dimensions = array<i32: 1>} : vector<1x16xi32>
      %jit3A_289 = arith.constant 256 : i32
      %div3A_290 = vector.broadcast %jit3A_289 : i32 to vector<4096x1xi32>
      %div3A_291 = arith.divsi %iota3A_287, %div3A_290 : vector<4096x1xi32>
      %sign3A_292 = arith.constant 0 : i32
      %sign3A_293 = vector.broadcast %sign3A_292 : i32 to vector<4096x1xi32>
      %sign3A_294 = arith.cmpi sgt, %iota3A_287, %sign3A_293 : vector<4096x1xi32>
      %sign3A_295 = arith.extui %sign3A_294 : vector<4096x1xi1> to vector<4096x1xi32>
      %sign3A_296 = arith.constant 0 : i32
      %sign3A_297 = vector.broadcast %sign3A_296 : i32 to vector<4096x1xi32>
      %sign3A_298 = arith.cmpi slt, %iota3A_287, %sign3A_297 : vector<4096x1xi32>
      %sign3A_299 = arith.extui %sign3A_298 : vector<4096x1xi1> to vector<4096x1xi32>
      %sign3A_300 = arith.subi %sign3A_295, %sign3A_299 : vector<4096x1xi32>
      %sign3A_301 = arith.constant 0 : i32
      %sign3A_302 = arith.cmpi sgt, %jit3A_289, %sign3A_301 : i32
      %sign3A_303 = arith.extui %sign3A_302 : i1 to i32
      %sign3A_304 = arith.constant 0 : i32
      %sign3A_305 = arith.cmpi slt, %jit3A_289, %sign3A_304 : i32
      %sign3A_306 = arith.extui %sign3A_305 : i1 to i32
      %sign3A_307 = arith.subi %sign3A_303, %sign3A_306 : i32
      %ne3A_308 = vector.broadcast %sign3A_307 : i32 to vector<4096x1xi32>
      %ne3A_309 = arith.cmpi ne, %sign3A_300, %ne3A_308 : vector<4096x1xi32>
      %rem3A_310 = vector.broadcast %jit3A_289 : i32 to vector<4096x1xi32>
      %rem3A_311 = arith.remsi %iota3A_287, %rem3A_310 : vector<4096x1xi32>
      %ne3A_312 = arith.constant 0 : i32
      %ne3A_313 = vector.broadcast %ne3A_312 : i32 to vector<4096x1xi32>
      %ne3A_314 = arith.cmpi ne, %rem3A_311, %ne3A_313 : vector<4096x1xi32>
      %and3A_315 = arith.andi %ne3A_309, %ne3A_314 : vector<4096x1xi1>
      %sub3A_316 = arith.constant 1 : i32
      %sub3A_317 = vector.broadcast %sub3A_316 : i32 to vector<4096x1xi32>
      %sub3A_318 = arith.subi %div3A_291, %sub3A_317 : vector<4096x1xi32>
      %select_n3A_319 = arith.select %and3A_315, %sub3A_318, %div3A_291 : vector<4096x1xi1>, vector<4096x1xi32>
      %eq3A_320 = vector.broadcast %select_n3A_319 : vector<4096x1xi32> to vector<4096x16xi32>
      %eq3A_321 = vector.broadcast %iota3A_288 : vector<1x16xi32> to vector<4096x16xi32>
      %eq3A_322 = arith.cmpi eq, %eq3A_320, %eq3A_321 : vector<4096x16xi32>
      %convert_element_type3A_323 = arith.extui %eq3A_322 : vector<4096x16xi1> to vector<4096x16xi32>
      %convert_element_type3A_324 = arith.sitofp %convert_element_type3A_323 : vector<4096x16xi32> to vector<4096x16xf32>
      %jit3A_325 = arith.constant 16 : i32
      %div3A_326 = vector.broadcast %jit3A_325 : i32 to vector<4096x1xi32>
      %div3A_327 = arith.divsi %iota3A_287, %div3A_326 : vector<4096x1xi32>
      %sign3A_328 = arith.constant 0 : i32
      %sign3A_329 = vector.broadcast %sign3A_328 : i32 to vector<4096x1xi32>
      %sign3A_330 = arith.cmpi sgt, %iota3A_287, %sign3A_329 : vector<4096x1xi32>
      %sign3A_331 = arith.extui %sign3A_330 : vector<4096x1xi1> to vector<4096x1xi32>
      %sign3A_332 = arith.constant 0 : i32
      %sign3A_333 = vector.broadcast %sign3A_332 : i32 to vector<4096x1xi32>
      %sign3A_334 = arith.cmpi slt, %iota3A_287, %sign3A_333 : vector<4096x1xi32>
      %sign3A_335 = arith.extui %sign3A_334 : vector<4096x1xi1> to vector<4096x1xi32>
      %sign3A_336 = arith.subi %sign3A_331, %sign3A_335 : vector<4096x1xi32>
      %sign3A_337 = arith.constant 0 : i32
      %sign3A_338 = arith.cmpi sgt, %jit3A_325, %sign3A_337 : i32
      %sign3A_339 = arith.extui %sign3A_338 : i1 to i32
      %sign3A_340 = arith.constant 0 : i32
      %sign3A_341 = arith.cmpi slt, %jit3A_325, %sign3A_340 : i32
      %sign3A_342 = arith.extui %sign3A_341 : i1 to i32
      %sign3A_343 = arith.subi %sign3A_339, %sign3A_342 : i32
      %ne3A_344 = vector.broadcast %sign3A_343 : i32 to vector<4096x1xi32>
      %ne3A_345 = arith.cmpi ne, %sign3A_336, %ne3A_344 : vector<4096x1xi32>
      %rem3A_346 = vector.broadcast %jit3A_325 : i32 to vector<4096x1xi32>
      %rem3A_347 = arith.remsi %iota3A_287, %rem3A_346 : vector<4096x1xi32>
      %ne3A_348 = arith.constant 0 : i32
      %ne3A_349 = vector.broadcast %ne3A_348 : i32 to vector<4096x1xi32>
      %ne3A_350 = arith.cmpi ne, %rem3A_347, %ne3A_349 : vector<4096x1xi32>
      %and3A_351 = arith.andi %ne3A_345, %ne3A_350 : vector<4096x1xi1>
      %sub3A_352 = arith.constant 1 : i32
      %sub3A_353 = vector.broadcast %sub3A_352 : i32 to vector<4096x1xi32>
      %sub3A_354 = arith.subi %div3A_327, %sub3A_353 : vector<4096x1xi32>
      %select_n3A_355 = arith.select %and3A_351, %sub3A_354, %div3A_327 : vector<4096x1xi1>, vector<4096x1xi32>
      %jit3A_356 = arith.constant 16 : i32
      %eq3A_357 = arith.constant 0 : i32
      %eq3A_358 = arith.cmpi eq, %jit3A_356, %eq3A_357 : i32
      %jit3A_359 = arith.constant 1 : i32
      %select_n3A_360 = arith.select %eq3A_358, %jit3A_359, %jit3A_356 : i32
      %rem3A_361 = vector.broadcast %select_n3A_360 : i32 to vector<4096x1xi32>
      %rem3A_362 = arith.remsi %select_n3A_355, %rem3A_361 : vector<4096x1xi32>
      %ne3A_363 = arith.constant 0 : i32
      %ne3A_364 = vector.broadcast %ne3A_363 : i32 to vector<4096x1xi32>
      %ne3A_365 = arith.cmpi ne, %rem3A_362, %ne3A_364 : vector<4096x1xi32>
      %lt3A_366 = arith.constant 0 : i32
      %lt3A_367 = vector.broadcast %lt3A_366 : i32 to vector<4096x1xi32>
      %lt3A_368 = arith.cmpi slt, %rem3A_362, %lt3A_367 : vector<4096x1xi32>
      %lt3A_369 = arith.constant 0 : i32
      %lt3A_370 = arith.cmpi slt, %select_n3A_360, %lt3A_369 : i32
      %ne3A_371 = vector.broadcast %lt3A_370 : i1 to vector<4096x1xi1>
      %ne3A_372 = vector.broadcast %ne3A_371 : vector<4096x1xi1> to vector<4096x1xi1>
      %ne3A_373 = arith.xori %lt3A_368, %ne3A_372 : vector<4096x1xi1>
      %and3A_374 = arith.andi %ne3A_373, %ne3A_365 : vector<4096x1xi1>
      %add3A_375 = vector.broadcast %select_n3A_360 : i32 to vector<4096x1xi32>
      %add3A_376 = arith.addi %rem3A_362, %add3A_375 : vector<4096x1xi32>
      %select_n3A_377 = arith.select %and3A_374, %add3A_376, %rem3A_362 : vector<4096x1xi1>, vector<4096x1xi32>
      %eq3A_378 = vector.broadcast %select_n3A_377 : vector<4096x1xi32> to vector<4096x16xi32>
      %eq3A_379 = vector.broadcast %iota3A_288 : vector<1x16xi32> to vector<4096x16xi32>
      %eq3A_380 = arith.cmpi eq, %eq3A_378, %eq3A_379 : vector<4096x16xi32>
      %convert_element_type3A_381 = arith.extui %eq3A_380 : vector<4096x16xi1> to vector<4096x16xi32>
      %convert_element_type3A_382 = arith.sitofp %convert_element_type3A_381 : vector<4096x16xi32> to vector<4096x16xf32>
      %jit3A_383 = arith.constant 16 : i32
      %eq3A_384 = arith.constant 0 : i32
      %eq3A_385 = arith.cmpi eq, %jit3A_383, %eq3A_384 : i32
      %jit3A_386 = arith.constant 1 : i32
      %select_n3A_387 = arith.select %eq3A_385, %jit3A_386, %jit3A_383 : i32
      %rem3A_388 = vector.broadcast %select_n3A_387 : i32 to vector<4096x1xi32>
      %rem3A_389 = arith.remsi %iota3A_287, %rem3A_388 : vector<4096x1xi32>
      %ne3A_390 = arith.constant 0 : i32
      %ne3A_391 = vector.broadcast %ne3A_390 : i32 to vector<4096x1xi32>
      %ne3A_392 = arith.cmpi ne, %rem3A_389, %ne3A_391 : vector<4096x1xi32>
      %lt3A_393 = arith.constant 0 : i32
      %lt3A_394 = vector.broadcast %lt3A_393 : i32 to vector<4096x1xi32>
      %lt3A_395 = arith.cmpi slt, %rem3A_389, %lt3A_394 : vector<4096x1xi32>
      %lt3A_396 = arith.constant 0 : i32
      %lt3A_397 = arith.cmpi slt, %select_n3A_387, %lt3A_396 : i32
      %ne3A_398 = vector.broadcast %lt3A_397 : i1 to vector<4096x1xi1>
      %ne3A_399 = vector.broadcast %ne3A_398 : vector<4096x1xi1> to vector<4096x1xi1>
      %ne3A_400 = arith.xori %lt3A_395, %ne3A_399 : vector<4096x1xi1>
      %and3A_401 = arith.andi %ne3A_400, %ne3A_392 : vector<4096x1xi1>
      %add3A_402 = vector.broadcast %select_n3A_387 : i32 to vector<4096x1xi32>
      %add3A_403 = arith.addi %rem3A_389, %add3A_402 : vector<4096x1xi32>
      %select_n3A_404 = arith.select %and3A_401, %add3A_403, %rem3A_389 : vector<4096x1xi1>, vector<4096x1xi32>
      %eq3A_405 = vector.broadcast %select_n3A_404 : vector<4096x1xi32> to vector<4096x16xi32>
      %eq3A_406 = vector.broadcast %iota3A_288 : vector<1x16xi32> to vector<4096x16xi32>
      %eq3A_407 = arith.cmpi eq, %eq3A_405, %eq3A_406 : vector<4096x16xi32>
      %convert_element_type3A_408 = arith.extui %eq3A_407 : vector<4096x16xi1> to vector<4096x16xi32>
      %convert_element_type3A_409 = arith.sitofp %convert_element_type3A_408 : vector<4096x16xi32> to vector<4096x16xf32>
      %dot_general3A_410 = arith.constant dense<0.000000e+00> : vector<4096x128xf32>
      %dot_general3A_411 = tpu.matmul %convert_element_type3A_324, %get3A_280, %dot_general3A_410 {dimension_numbers = #tpu.dot_dimension_numbers<[1], [0], [0], [1], [0, 0, 1, 1], [], []>, precision = #tpu.contract_precision<fp32>, transpose_lhs_hint = false} : vector<4096x16xf32>, vector<16x128xf32>, vector<4096x128xf32> -> vector<4096x128xf32>
      %dot_general3A_412 = arith.constant dense<0.000000e+00> : vector<4096x128xf32>
      %dot_general3A_413 = tpu.matmul %convert_element_type3A_382, %get3A_283, %dot_general3A_412 {dimension_numbers = #tpu.dot_dimension_numbers<[1], [0], [0], [1], [0, 0, 1, 1], [], []>, precision = #tpu.contract_precision<fp32>, transpose_lhs_hint = false} : vector<4096x16xf32>, vector<16x128xf32>, vector<4096x128xf32> -> vector<4096x128xf32>
      %add3A_414 = arith.addf %dot_general3A_411, %dot_general3A_413 : vector<4096x128xf32>
      %dot_general3A_415 = arith.constant dense<0.000000e+00> : vector<4096x128xf32>
      %dot_general3A_416 = tpu.matmul %convert_element_type3A_409, %get3A_286, %dot_general3A_415 {dimension_numbers = #tpu.dot_dimension_numbers<[1], [0], [0], [1], [0, 0, 1, 1], [], []>, precision = #tpu.contract_precision<fp32>, transpose_lhs_hint = false} : vector<4096x16xf32>, vector<16x128xf32>, vector<4096x128xf32> -> vector<4096x128xf32>
      %add3A_417 = arith.addf %add3A_414, %dot_general3A_416 : vector<4096x128xf32>
      %swap3A_418 = arith.constant 0 : index
      %swap3A_419 = arith.constant 0 : index
      %swap3A_420 = vector.load %arg11[%swap3A_418, %swap3A_419] : memref<4096x128xf32, #tpu.memory_space<vmem>>, vector<4096x128xf32>
      tpu.vector_store %arg11[%swap3A_418, %swap3A_419], %add3A_417 {strides = array<i32>} : memref<4096x128xf32, #tpu.memory_space<vmem>>, vector<4096x128xf32>,
    } else {
    }
    return
  }
  func.func @transform_0(%arg0: i32) -> (i32, i32) {
    %c0_i32 = arith.constant 0 : i32
    %c0_i32_0 = arith.constant 0 : i32
    return %arg0, %c0_i32 : i32, i32
  }
  func.func @transform_1(%arg0: i32) -> (i32, i32, i32) {
    %c0_i32 = arith.constant 0 : i32
    %c0_i32_0 = arith.constant 0 : i32
    %c0_i32_1 = arith.constant 0 : i32
    %c0_i32_2 = arith.constant 0 : i32
    return %c0_i32, %c0_i32_0, %c0_i32_1 : i32, i32, i32
  }
  func.func @transform_2(%arg0: i32) -> (i32, i32) {
    %c0_i32 = arith.constant 0 : i32
    %c0_i32_0 = arith.constant 0 : i32
    %c0_i32_1 = arith.constant 0 : i32
    return %c0_i32, %c0_i32_0 : i32, i32
  }
  func.func @transform_3(%arg0: i32) -> (i32, i32) {
    %c0_i32 = arith.constant 0 : i32
    %c0_i32_0 = arith.constant 0 : i32
    %c0_i32_1 = arith.constant 0 : i32
    return %c0_i32, %c0_i32_0 : i32, i32
  }
  func.func @transform_4(%arg0: i32) -> (i32, i32) {
    %c0_i32 = arith.constant 0 : i32
    %c0_i32_0 = arith.constant 0 : i32
    %c0_i32_1 = arith.constant 0 : i32
    return %c0_i32, %c0_i32_0 : i32, i32
  }
  func.func @transform_5(%arg0: i32) -> (i32, i32) {
    %c0_i32 = arith.constant 0 : i32
    %c0_i32_0 = arith.constant 0 : i32
    %c0_i32_1 = arith.constant 0 : i32
    return %c0_i32, %c0_i32_0 : i32, i32
  }
  func.func @transform_6(%arg0: i32) -> (i32, i32) {
    %c0_i32 = arith.constant 0 : i32
    %c0_i32_0 = arith.constant 0 : i32
    %c0_i32_1 = arith.constant 0 : i32
    return %c0_i32, %c0_i32_0 : i32, i32
  }
  func.func @transform_7(%arg0: i32) -> (i32, i32) {
    %c0_i32 = arith.constant 0 : i32
    %c0_i32_0 = arith.constant 0 : i32
    %c0_i32_1 = arith.constant 0 : i32
    return %c0_i32, %c0_i32_0 : i32, i32
  }
  func.func @transform_8(%arg0: i32) -> (i32, i32) {
    %c0_i32 = arith.constant 0 : i32
    %c0_i32_0 = arith.constant 0 : i32
    return %arg0, %c0_i32 : i32, i32
  }
  func.func @transform_9(%arg0: i32) -> (i32, i32) {
    %c0_i32 = arith.constant 0 : i32
    %c0_i32_0 = arith.constant 0 : i32
    %c0_i32_1 = arith.constant 0 : i32
    return %c0_i32, %c0_i32_0 : i32, i32
  }
  func.func @transform_10(%arg0: i32) -> (i32, i32) {
    %c0_i32 = arith.constant 0 : i32
    %c0_i32_0 = arith.constant 0 : i32
    %c0_i32_1 = arith.constant 0 : i32
    return %c0_i32, %c0_i32_0 : i32, i32
  }
}

module attributes {stable_mosaic.version = 14 : i64} {
  func.func @_mlp_body(%arg0: i32, %arg1: i32, %arg2: memref<632x128xf32, #tpu.memory_space<vmem>>, %arg3: memref<2x632x128xf32, #tpu.memory_space<vmem>>, %arg4: memref<1x1xf32, #tpu.memory_space<vmem>>, %arg5: memref<128x256xf32, #tpu.memory_space<vmem>>, %arg6: memref<1x256xf32, #tpu.memory_space<vmem>>, %arg7: memref<1x256xf32, #tpu.memory_space<vmem>>, %arg8: memref<1x256xf32, #tpu.memory_space<vmem>>, %arg9: memref<256x128xf32, #tpu.memory_space<vmem>>, %arg10: memref<1x128xf32, #tpu.memory_space<vmem>>, %arg11: memref<1x128xf32, #tpu.memory_space<vmem>>, %arg12: memref<1x128xf32, #tpu.memory_space<vmem>>, %arg13: memref<632x128xf32, #tpu.memory_space<vmem>>, %arg14: memref<10112x256xf32, #tpu.memory_space<vmem>>, %arg15: memref<10112x128xf32, #tpu.memory_space<vmem>>, %arg16: memref<8x256xf32, #tpu.memory_space<vmem>>) attributes {dimension_semantics = [#tpu.dimension_semantics<arbitrary>, #tpu.dimension_semantics<arbitrary>], iteration_bounds = array<i64: 3, 16>, scalar_prefetch = 0 : i64, scratch_operands = 3 : i64, tpu.core_type = #tpu.core_type<tc>, window_params = [{transform_indices = @transform_0, window_bounds = array<i64: 632, 128>}, {transform_indices = @transform_1, window_bounds = array<i64: 2, 632, 128>}, {pipeline_mode = #tpu.pipeline_mode<synchronous>, transform_indices = @transform_2, window_bounds = array<i64: 1, 1>}, {pipeline_mode = #tpu.pipeline_mode<synchronous>, transform_indices = @transform_3, window_bounds = array<i64: 128, 256>}, {pipeline_mode = #tpu.pipeline_mode<synchronous>, transform_indices = @transform_4, window_bounds = array<i64: 1, 256>}, {pipeline_mode = #tpu.pipeline_mode<synchronous>, transform_indices = @transform_5, window_bounds = array<i64: 1, 256>}, {pipeline_mode = #tpu.pipeline_mode<synchronous>, transform_indices = @transform_6, window_bounds = array<i64: 1, 256>}, {pipeline_mode = #tpu.pipeline_mode<synchronous>, transform_indices = @transform_7, window_bounds = array<i64: 256, 128>}, {pipeline_mode = #tpu.pipeline_mode<synchronous>, transform_indices = @transform_8, window_bounds = array<i64: 1, 128>}, {pipeline_mode = #tpu.pipeline_mode<synchronous>, transform_indices = @transform_9, window_bounds = array<i64: 1, 128>}, {pipeline_mode = #tpu.pipeline_mode<synchronous>, transform_indices = @transform_10, window_bounds = array<i64: 1, 128>}, {transform_indices = @transform_11, window_bounds = array<i64: 632, 128>}]} {
    %iota3A = tpu.iota {dimensions = array<i32: 0>} : vector<632x1xi32>
    %mul3A = arith.constant 632 : i32
    %mul3A_0 = arith.muli %arg1, %mul3A : i32
    %add3A = vector.broadcast %mul3A_0 : i32 to vector<632x1xi32>
    %add3A_1 = arith.addi %iota3A, %add3A : vector<632x1xi32>
    %lt3A = arith.constant 10000 : i32
    %lt3A_2 = vector.broadcast %lt3A : i32 to vector<632x1xi32>
    %lt3A_3 = arith.cmpi slt, %add3A_1, %lt3A_2 : vector<632x1xi32>
    %eq3A = arith.constant 0 : i32
    %eq3A_4 = arith.cmpi eq, %arg0, %eq3A : i32
    %convert_element_type3A = arith.extui %eq3A_4 : i1 to i32
    %cond3A = arith.constant 0 : i32
    %cond3A_5 = arith.cmpi ne, %convert_element_type3A, %cond3A : i32
    scf.if %cond3A_5 {
      %get3A = arith.constant 0 : index
      %get3A_16 = arith.constant 0 : index
      %get3A_17 = vector.load %arg2[%get3A, %get3A_16] : memref<632x128xf32, #tpu.memory_space<vmem>>, vector<632x128xf32>
      %get3A_18 = arith.constant 0 : index
      %get3A_19 = arith.constant 0 : index
      %get3A_20 = vector.load %arg4[%get3A_18, %get3A_19] : memref<1x1xf32, #tpu.memory_space<vmem>>, vector<1x1xf32>
      %get3A_21 = vector.extract %get3A_20[0, 0] : f32 from vector<1x1xf32>
      %add3A_22 = arith.constant 1.000000e+00 : f32
      %add3A_23 = arith.addf %add3A_22, %get3A_21 : f32
      %mul3A_24 = vector.broadcast %add3A_23 : f32 to vector<632x128xf32>
      %mul3A_25 = arith.mulf %get3A_17, %mul3A_24 : vector<632x128xf32>
      %get3A_26 = arith.constant 0 : index
      %get3A_27 = arith.constant 0 : index
      %get3A_28 = arith.constant 0 : index
      %get3A_29 = vector.load %arg3[%get3A_26, %get3A_27, %get3A_28] : memref<2x632x128xf32, #tpu.memory_space<vmem>>, vector<1x632x128xf32>
      %get3A_30 = vector.shape_cast %get3A_29 : vector<1x632x128xf32> to vector<632x128xf32>
      %add3A_31 = arith.addf %mul3A_25, %get3A_30 : vector<632x128xf32>
      %get3A_32 = arith.constant 1 : index
      %get3A_33 = arith.constant 0 : index
      %get3A_34 = arith.constant 0 : index
      %get3A_35 = vector.load %arg3[%get3A_32, %get3A_33, %get3A_34] : memref<2x632x128xf32, #tpu.memory_space<vmem>>, vector<1x632x128xf32>
      %get3A_36 = vector.shape_cast %get3A_35 : vector<1x632x128xf32> to vector<632x128xf32>
      %add3A_37 = arith.addf %add3A_31, %get3A_36 : vector<632x128xf32>
      %get3A_38 = arith.constant 0 : index
      %get3A_39 = arith.constant 0 : index
      %get3A_40 = vector.load %arg5[%get3A_38, %get3A_39] : memref<128x256xf32, #tpu.memory_space<vmem>>, vector<128x256xf32>
      %dot_general3A = arith.constant dense<0.000000e+00> : vector<632x256xf32>
      %dot_general3A_41 = tpu.matmul %add3A_37, %get3A_40, %dot_general3A {dimension_numbers = #tpu.dot_dimension_numbers<[1], [0], [0], [1], [0, 0, 1, 1], [], []>, precision = #tpu.contract_precision<fp32>, transpose_lhs_hint = false} : vector<632x128xf32>, vector<128x256xf32>, vector<632x256xf32> -> vector<632x256xf32>
      %get3A_42 = arith.constant 0 : index
      %get3A_43 = arith.constant 0 : index
      %get3A_44 = vector.load %arg6[%get3A_42, %get3A_43] : memref<1x256xf32, #tpu.memory_space<vmem>>, vector<1x256xf32>
      %add3A_45 = vector.broadcast %get3A_44 : vector<1x256xf32> to vector<632x256xf32>
      %add3A_46 = arith.addf %dot_general3A_41, %add3A_45 : vector<632x256xf32>
      %jit3A = arith.constant 0.000000e+00 : f32
      %broadcast_in_dim3A = vector.shape_cast %lt3A_3 : vector<632x1xi1> to vector<632x1xi1>
      %broadcast_in_dim3A_47 = vector.broadcast %broadcast_in_dim3A : vector<632x1xi1> to vector<632x256xi1>
      %broadcast_in_dim3A_48 = vector.broadcast %jit3A : f32 to vector<632x256xf32>
      %select_n3A = arith.select %broadcast_in_dim3A_47, %add3A_46, %broadcast_in_dim3A_48 : vector<632x256xi1>, vector<632x256xf32>
      %mul3A_49 = arith.constant 632 : i32
      %mul3A_50 = arith.muli %arg1, %mul3A_49 : i32
      %swap3A = arith.index_cast %mul3A_50 : i32 to index
      %swap3A_51 = arith.constant 0 : index
      %swap3A_52 = vector.load %arg14[%swap3A, %swap3A_51] : memref<10112x256xf32, #tpu.memory_space<vmem>>, vector<632x256xf32>
      tpu.vector_store %arg14[%swap3A, %swap3A_51], %select_n3A {strides = array<i32>} : memref<10112x256xf32, #tpu.memory_space<vmem>>, vector<632x256xf32>,
      %eq3A_53 = arith.constant 0 : i32
      %eq3A_54 = arith.cmpi eq, %arg1, %eq3A_53 : i32
      %convert_element_type3A_55 = arith.extui %eq3A_54 : i1 to i32
      %cond3A_56 = arith.constant 0 : i32
      %cond3A_57 = arith.cmpi ne, %convert_element_type3A_55, %cond3A_56 : i32
      scf.if %cond3A_57 {
        %broadcast_in_dim3A_78 = arith.constant 0.000000e+00 : f32
        %broadcast_in_dim3A_79 = vector.broadcast %broadcast_in_dim3A_78 : f32 to vector<8x256xf32>
        %swap3A_80 = arith.constant 0 : index
        %swap3A_81 = arith.constant 0 : index
        %swap3A_82 = vector.load %arg16[%swap3A_80, %swap3A_81] : memref<8x256xf32, #tpu.memory_space<vmem>>, vector<8x256xf32>
        tpu.vector_store %arg16[%swap3A_80, %swap3A_81], %broadcast_in_dim3A_79 {strides = array<i32>} : memref<8x256xf32, #tpu.memory_space<vmem>>, vector<8x256xf32>,
      } else {
      }
      %get3A_58 = arith.constant 0 : index
      %get3A_59 = arith.constant 0 : index
      %get3A_60 = vector.load %arg16[%get3A_58, %get3A_59] : memref<8x256xf32, #tpu.memory_space<vmem>>, vector<1x256xf32>
      %reduce_sum3A = arith.constant dense<0.000000e+00> : vector<256xf32>
      %reduce_sum3A_61 = vector.multi_reduction <add>, %select_n3A, %reduce_sum3A [0] : vector<632x256xf32> to vector<256xf32>
      %broadcast_in_dim3A_62 = vector.shape_cast %reduce_sum3A_61 : vector<256xf32> to vector<1x256xf32>
      %add3A_63 = arith.addf %get3A_60, %broadcast_in_dim3A_62 : vector<1x256xf32>
      %swap3A_64 = arith.constant 0 : index
      %swap3A_65 = arith.constant 0 : index
      %swap3A_66 = vector.load %arg16[%swap3A_64, %swap3A_65] : memref<8x256xf32, #tpu.memory_space<vmem>>, vector<1x256xf32>
      tpu.vector_store %arg16[%swap3A_64, %swap3A_65], %add3A_63 {strides = array<i32>} : memref<8x256xf32, #tpu.memory_space<vmem>>, vector<1x256xf32>,
      %get3A_67 = arith.constant 1 : index
      %get3A_68 = arith.constant 0 : index
      %get3A_69 = vector.load %arg16[%get3A_67, %get3A_68] : memref<8x256xf32, #tpu.memory_space<vmem>>, vector<1x256xf32>
      %mul3A_70 = arith.mulf %select_n3A, %select_n3A : vector<632x256xf32>
      %reduce_sum3A_71 = arith.constant dense<0.000000e+00> : vector<256xf32>
      %reduce_sum3A_72 = vector.multi_reduction <add>, %mul3A_70, %reduce_sum3A_71 [0] : vector<632x256xf32> to vector<256xf32>
      %broadcast_in_dim3A_73 = vector.shape_cast %reduce_sum3A_72 : vector<256xf32> to vector<1x256xf32>
      %add3A_74 = arith.addf %get3A_69, %broadcast_in_dim3A_73 : vector<1x256xf32>
      %swap3A_75 = arith.constant 1 : index
      %swap3A_76 = arith.constant 0 : index
      %swap3A_77 = vector.load %arg16[%swap3A_75, %swap3A_76] : memref<8x256xf32, #tpu.memory_space<vmem>>, vector<1x256xf32>
      tpu.vector_store %arg16[%swap3A_75, %swap3A_76], %add3A_74 {strides = array<i32>} : memref<8x256xf32, #tpu.memory_space<vmem>>, vector<1x256xf32>,
    } else {
    }
    %eq3A_6 = arith.constant 1 : i32
    %eq3A_7 = arith.cmpi eq, %arg0, %eq3A_6 : i32
    %convert_element_type3A_8 = arith.extui %eq3A_7 : i1 to i32
    %cond3A_9 = arith.constant 0 : i32
    %cond3A_10 = arith.cmpi ne, %convert_element_type3A_8, %cond3A_9 : i32
    scf.if %cond3A_10 {
      %get3A = arith.constant 0 : index
      %get3A_16 = arith.constant 0 : index
      %get3A_17 = vector.load %arg16[%get3A, %get3A_16] : memref<8x256xf32, #tpu.memory_space<vmem>>, vector<1x256xf32>
      %div3A = arith.constant 1.000000e+04 : f32
      %div3A_18 = vector.broadcast %div3A : f32 to vector<1x256xf32>
      %div3A_19 = arith.divf %get3A_17, %div3A_18 : vector<1x256xf32>
      %get3A_20 = arith.constant 1 : index
      %get3A_21 = arith.constant 0 : index
      %get3A_22 = vector.load %arg16[%get3A_20, %get3A_21] : memref<8x256xf32, #tpu.memory_space<vmem>>, vector<1x256xf32>
      %div3A_23 = arith.constant 1.000000e+04 : f32
      %div3A_24 = vector.broadcast %div3A_23 : f32 to vector<1x256xf32>
      %div3A_25 = arith.divf %get3A_22, %div3A_24 : vector<1x256xf32>
      %mul3A_26 = arith.mulf %div3A_19, %div3A_19 : vector<1x256xf32>
      %sub3A = arith.subf %div3A_25, %mul3A_26 : vector<1x256xf32>
      %mul3A_27 = arith.constant 632 : i32
      %mul3A_28 = arith.muli %arg1, %mul3A_27 : i32
      %get3A_29 = arith.index_cast %mul3A_28 : i32 to index
      %get3A_30 = arith.constant 0 : index
      %get3A_31 = vector.load %arg14[%get3A_29, %get3A_30] : memref<10112x256xf32, #tpu.memory_space<vmem>>, vector<632x256xf32>
      %sub3A_32 = vector.broadcast %div3A_19 : vector<1x256xf32> to vector<632x256xf32>
      %sub3A_33 = arith.subf %get3A_31, %sub3A_32 : vector<632x256xf32>
      %add3A_34 = arith.constant 9.99999974E-6 : f32
      %add3A_35 = vector.broadcast %add3A_34 : f32 to vector<1x256xf32>
      %add3A_36 = arith.addf %sub3A, %add3A_35 : vector<1x256xf32>
      %sqrt3A = math.sqrt %add3A_36 : vector<1x256xf32>
      %div3A_37 = vector.broadcast %sqrt3A : vector<1x256xf32> to vector<632x256xf32>
      %div3A_38 = arith.divf %sub3A_33, %div3A_37 : vector<632x256xf32>
      %get3A_39 = arith.constant 0 : index
      %get3A_40 = arith.constant 0 : index
      %get3A_41 = vector.load %arg7[%get3A_39, %get3A_40] : memref<1x256xf32, #tpu.memory_space<vmem>>, vector<1x256xf32>
      %mul3A_42 = vector.broadcast %get3A_41 : vector<1x256xf32> to vector<632x256xf32>
      %mul3A_43 = arith.mulf %div3A_38, %mul3A_42 : vector<632x256xf32>
      %get3A_44 = arith.constant 0 : index
      %get3A_45 = arith.constant 0 : index
      %get3A_46 = vector.load %arg8[%get3A_44, %get3A_45] : memref<1x256xf32, #tpu.memory_space<vmem>>, vector<1x256xf32>
      %add3A_47 = vector.broadcast %get3A_46 : vector<1x256xf32> to vector<632x256xf32>
      %add3A_48 = arith.addf %mul3A_43, %add3A_47 : vector<632x256xf32>
      %max3A = arith.constant 0.000000e+00 : f32
      %max3A_49 = vector.broadcast %max3A : f32 to vector<632x256xf32>
      %max3A_50 = arith.maximumf %add3A_48, %max3A_49 : vector<632x256xf32>
      %get3A_51 = arith.constant 0 : index
      %get3A_52 = arith.constant 0 : index
      %get3A_53 = vector.load %arg9[%get3A_51, %get3A_52] : memref<256x128xf32, #tpu.memory_space<vmem>>, vector<256x128xf32>
      %dot_general3A = arith.constant dense<0.000000e+00> : vector<632x128xf32>
      %dot_general3A_54 = tpu.matmul %max3A_50, %get3A_53, %dot_general3A {dimension_numbers = #tpu.dot_dimension_numbers<[1], [0], [0], [1], [0, 0, 1, 1], [], []>, precision = #tpu.contract_precision<fp32>, transpose_lhs_hint = false} : vector<632x256xf32>, vector<256x128xf32>, vector<632x128xf32> -> vector<632x128xf32>
      %get3A_55 = arith.constant 0 : index
      %get3A_56 = arith.constant 0 : index
      %get3A_57 = vector.load %arg10[%get3A_55, %get3A_56] : memref<1x128xf32, #tpu.memory_space<vmem>>, vector<1x128xf32>
      %add3A_58 = vector.broadcast %get3A_57 : vector<1x128xf32> to vector<632x128xf32>
      %add3A_59 = arith.addf %dot_general3A_54, %add3A_58 : vector<632x128xf32>
      %jit3A = arith.constant 0.000000e+00 : f32
      %broadcast_in_dim3A = vector.shape_cast %lt3A_3 : vector<632x1xi1> to vector<632x1xi1>
      %broadcast_in_dim3A_60 = vector.broadcast %broadcast_in_dim3A : vector<632x1xi1> to vector<632x128xi1>
      %broadcast_in_dim3A_61 = vector.broadcast %jit3A : f32 to vector<632x128xf32>
      %select_n3A = arith.select %broadcast_in_dim3A_60, %add3A_59, %broadcast_in_dim3A_61 : vector<632x128xi1>, vector<632x128xf32>
      %mul3A_62 = arith.constant 632 : i32
      %mul3A_63 = arith.muli %arg1, %mul3A_62 : i32
      %swap3A = arith.index_cast %mul3A_63 : i32 to index
      %swap3A_64 = arith.constant 0 : index
      %swap3A_65 = vector.load %arg15[%swap3A, %swap3A_64] : memref<10112x128xf32, #tpu.memory_space<vmem>>, vector<632x128xf32>
      tpu.vector_store %arg15[%swap3A, %swap3A_64], %select_n3A {strides = array<i32>} : memref<10112x128xf32, #tpu.memory_space<vmem>>, vector<632x128xf32>,
      %eq3A_66 = arith.constant 0 : i32
      %eq3A_67 = arith.cmpi eq, %arg1, %eq3A_66 : i32
      %convert_element_type3A_68 = arith.extui %eq3A_67 : i1 to i32
      %cond3A_69 = arith.constant 0 : i32
      %cond3A_70 = arith.cmpi ne, %convert_element_type3A_68, %cond3A_69 : i32
      scf.if %cond3A_70 {
        %broadcast_in_dim3A_91 = arith.constant 0.000000e+00 : f32
        %broadcast_in_dim3A_92 = vector.broadcast %broadcast_in_dim3A_91 : f32 to vector<2x256xf32>
        %swap3A_93 = arith.constant 2 : index
        %swap3A_94 = arith.constant 0 : index
        %swap3A_95 = vector.load %arg16[%swap3A_93, %swap3A_94] : memref<8x256xf32, #tpu.memory_space<vmem>>, vector<2x256xf32>
        tpu.vector_store %arg16[%swap3A_93, %swap3A_94], %broadcast_in_dim3A_92 {strides = array<i32>} : memref<8x256xf32, #tpu.memory_space<vmem>>, vector<2x256xf32>,
      } else {
      }
      %get3A_71 = arith.constant 2 : index
      %get3A_72 = arith.constant 0 : index
      %get3A_73 = vector.load %arg16[%get3A_71, %get3A_72] : memref<8x256xf32, #tpu.memory_space<vmem>>, vector<1x128xf32>
      %reduce_sum3A = arith.constant dense<0.000000e+00> : vector<128xf32>
      %reduce_sum3A_74 = vector.multi_reduction <add>, %select_n3A, %reduce_sum3A [0] : vector<632x128xf32> to vector<128xf32>
      %broadcast_in_dim3A_75 = vector.shape_cast %reduce_sum3A_74 : vector<128xf32> to vector<1x128xf32>
      %add3A_76 = arith.addf %get3A_73, %broadcast_in_dim3A_75 : vector<1x128xf32>
      %swap3A_77 = arith.constant 2 : index
      %swap3A_78 = arith.constant 0 : index
      %swap3A_79 = vector.load %arg16[%swap3A_77, %swap3A_78] : memref<8x256xf32, #tpu.memory_space<vmem>>, vector<1x128xf32>
      tpu.vector_store %arg16[%swap3A_77, %swap3A_78], %add3A_76 {strides = array<i32>} : memref<8x256xf32, #tpu.memory_space<vmem>>, vector<1x128xf32>,
      %get3A_80 = arith.constant 3 : index
      %get3A_81 = arith.constant 0 : index
      %get3A_82 = vector.load %arg16[%get3A_80, %get3A_81] : memref<8x256xf32, #tpu.memory_space<vmem>>, vector<1x128xf32>
      %mul3A_83 = arith.mulf %select_n3A, %select_n3A : vector<632x128xf32>
      %reduce_sum3A_84 = arith.constant dense<0.000000e+00> : vector<128xf32>
      %reduce_sum3A_85 = vector.multi_reduction <add>, %mul3A_83, %reduce_sum3A_84 [0] : vector<632x128xf32> to vector<128xf32>
      %broadcast_in_dim3A_86 = vector.shape_cast %reduce_sum3A_85 : vector<128xf32> to vector<1x128xf32>
      %add3A_87 = arith.addf %get3A_82, %broadcast_in_dim3A_86 : vector<1x128xf32>
      %swap3A_88 = arith.constant 3 : index
      %swap3A_89 = arith.constant 0 : index
      %swap3A_90 = vector.load %arg16[%swap3A_88, %swap3A_89] : memref<8x256xf32, #tpu.memory_space<vmem>>, vector<1x128xf32>
      tpu.vector_store %arg16[%swap3A_88, %swap3A_89], %add3A_87 {strides = array<i32>} : memref<8x256xf32, #tpu.memory_space<vmem>>, vector<1x128xf32>,
    } else {
    }
    %eq3A_11 = arith.constant 2 : i32
    %eq3A_12 = arith.cmpi eq, %arg0, %eq3A_11 : i32
    %convert_element_type3A_13 = arith.extui %eq3A_12 : i1 to i32
    %cond3A_14 = arith.constant 0 : i32
    %cond3A_15 = arith.cmpi ne, %convert_element_type3A_13, %cond3A_14 : i32
    scf.if %cond3A_15 {
      %get3A = arith.constant 2 : index
      %get3A_16 = arith.constant 0 : index
      %get3A_17 = vector.load %arg16[%get3A, %get3A_16] : memref<8x256xf32, #tpu.memory_space<vmem>>, vector<1x128xf32>
      %div3A = arith.constant 1.000000e+04 : f32
      %div3A_18 = vector.broadcast %div3A : f32 to vector<1x128xf32>
      %div3A_19 = arith.divf %get3A_17, %div3A_18 : vector<1x128xf32>
      %get3A_20 = arith.constant 3 : index
      %get3A_21 = arith.constant 0 : index
      %get3A_22 = vector.load %arg16[%get3A_20, %get3A_21] : memref<8x256xf32, #tpu.memory_space<vmem>>, vector<1x128xf32>
      %div3A_23 = arith.constant 1.000000e+04 : f32
      %div3A_24 = vector.broadcast %div3A_23 : f32 to vector<1x128xf32>
      %div3A_25 = arith.divf %get3A_22, %div3A_24 : vector<1x128xf32>
      %mul3A_26 = arith.mulf %div3A_19, %div3A_19 : vector<1x128xf32>
      %sub3A = arith.subf %div3A_25, %mul3A_26 : vector<1x128xf32>
      %mul3A_27 = arith.constant 632 : i32
      %mul3A_28 = arith.muli %arg1, %mul3A_27 : i32
      %get3A_29 = arith.index_cast %mul3A_28 : i32 to index
      %get3A_30 = arith.constant 0 : index
      %get3A_31 = vector.load %arg15[%get3A_29, %get3A_30] : memref<10112x128xf32, #tpu.memory_space<vmem>>, vector<632x128xf32>
      %sub3A_32 = vector.broadcast %div3A_19 : vector<1x128xf32> to vector<632x128xf32>
      %sub3A_33 = arith.subf %get3A_31, %sub3A_32 : vector<632x128xf32>
      %add3A_34 = arith.constant 9.99999974E-6 : f32
      %add3A_35 = vector.broadcast %add3A_34 : f32 to vector<1x128xf32>
      %add3A_36 = arith.addf %sub3A, %add3A_35 : vector<1x128xf32>
      %sqrt3A = math.sqrt %add3A_36 : vector<1x128xf32>
      %div3A_37 = vector.broadcast %sqrt3A : vector<1x128xf32> to vector<632x128xf32>
      %div3A_38 = arith.divf %sub3A_33, %div3A_37 : vector<632x128xf32>
      %get3A_39 = arith.constant 0 : index
      %get3A_40 = arith.constant 0 : index
      %get3A_41 = vector.load %arg11[%get3A_39, %get3A_40] : memref<1x128xf32, #tpu.memory_space<vmem>>, vector<1x128xf32>
      %mul3A_42 = vector.broadcast %get3A_41 : vector<1x128xf32> to vector<632x128xf32>
      %mul3A_43 = arith.mulf %div3A_38, %mul3A_42 : vector<632x128xf32>
      %get3A_44 = arith.constant 0 : index
      %get3A_45 = arith.constant 0 : index
      %get3A_46 = vector.load %arg12[%get3A_44, %get3A_45] : memref<1x128xf32, #tpu.memory_space<vmem>>, vector<1x128xf32>
      %add3A_47 = vector.broadcast %get3A_46 : vector<1x128xf32> to vector<632x128xf32>
      %add3A_48 = arith.addf %mul3A_43, %add3A_47 : vector<632x128xf32>
      %max3A = arith.constant 0.000000e+00 : f32
      %max3A_49 = vector.broadcast %max3A : f32 to vector<632x128xf32>
      %max3A_50 = arith.maximumf %add3A_48, %max3A_49 : vector<632x128xf32>
      %get3A_51 = arith.constant 0 : index
      %get3A_52 = arith.constant 0 : index
      %get3A_53 = vector.load %arg2[%get3A_51, %get3A_52] : memref<632x128xf32, #tpu.memory_space<vmem>>, vector<632x128xf32>
      %add3A_54 = arith.addf %max3A_50, %get3A_53 : vector<632x128xf32>
      %swap3A = arith.constant 0 : index
      %swap3A_55 = arith.constant 0 : index
      %swap3A_56 = vector.load %arg13[%swap3A, %swap3A_55] : memref<632x128xf32, #tpu.memory_space<vmem>>, vector<632x128xf32>
      tpu.vector_store %arg13[%swap3A, %swap3A_55], %add3A_54 {strides = array<i32>} : memref<632x128xf32, #tpu.memory_space<vmem>>, vector<632x128xf32>,
    } else {
    }
    return
  }
  func.func @transform_0(%arg0: i32, %arg1: i32) -> (i32, i32) {
    %c0_i32 = arith.constant 0 : i32
    %c0_i32_0 = arith.constant 0 : i32
    return %arg1, %c0_i32 : i32, i32
  }
  func.func @transform_1(%arg0: i32, %arg1: i32) -> (i32, i32, i32) {
    %c0_i32 = arith.constant 0 : i32
    %c0_i32_0 = arith.constant 0 : i32
    %c0_i32_1 = arith.constant 0 : i32
    return %c0_i32, %arg1, %c0_i32_0 : i32, i32, i32
  }
  func.func @transform_2(%arg0: i32, %arg1: i32) -> (i32, i32) {
    %c0_i32 = arith.constant 0 : i32
    %c0_i32_0 = arith.constant 0 : i32
    %c0_i32_1 = arith.constant 0 : i32
    return %c0_i32, %c0_i32_0 : i32, i32
  }
  func.func @transform_3(%arg0: i32, %arg1: i32) -> (i32, i32) {
    %c0_i32 = arith.constant 0 : i32
    %c0_i32_0 = arith.constant 0 : i32
    %c0_i32_1 = arith.constant 0 : i32
    return %c0_i32, %c0_i32_0 : i32, i32
  }
  func.func @transform_4(%arg0: i32, %arg1: i32) -> (i32, i32) {
    %c0_i32 = arith.constant 0 : i32
    %c0_i32_0 = arith.constant 0 : i32
    %c0_i32_1 = arith.constant 0 : i32
    return %c0_i32, %c0_i32_0 : i32, i32
  }
  func.func @transform_5(%arg0: i32, %arg1: i32) -> (i32, i32) {
    %c0_i32 = arith.constant 0 : i32
    %c0_i32_0 = arith.constant 0 : i32
    %c0_i32_1 = arith.constant 0 : i32
    return %c0_i32, %c0_i32_0 : i32, i32
  }
  func.func @transform_6(%arg0: i32, %arg1: i32) -> (i32, i32) {
    %c0_i32 = arith.constant 0 : i32
    %c0_i32_0 = arith.constant 0 : i32
    %c0_i32_1 = arith.constant 0 : i32
    return %c0_i32, %c0_i32_0 : i32, i32
  }
  func.func @transform_7(%arg0: i32, %arg1: i32) -> (i32, i32) {
    %c0_i32 = arith.constant 0 : i32
    %c0_i32_0 = arith.constant 0 : i32
    %c0_i32_1 = arith.constant 0 : i32
    return %c0_i32, %c0_i32_0 : i32, i32
  }
  func.func @transform_8(%arg0: i32, %arg1: i32) -> (i32, i32) {
    %c0_i32 = arith.constant 0 : i32
    %c0_i32_0 = arith.constant 0 : i32
    %c0_i32_1 = arith.constant 0 : i32
    return %c0_i32, %c0_i32_0 : i32, i32
  }
  func.func @transform_9(%arg0: i32, %arg1: i32) -> (i32, i32) {
    %c0_i32 = arith.constant 0 : i32
    %c0_i32_0 = arith.constant 0 : i32
    %c0_i32_1 = arith.constant 0 : i32
    return %c0_i32, %c0_i32_0 : i32, i32
  }
  func.func @transform_10(%arg0: i32, %arg1: i32) -> (i32, i32) {
    %c0_i32 = arith.constant 0 : i32
    %c0_i32_0 = arith.constant 0 : i32
    %c0_i32_1 = arith.constant 0 : i32
    return %c0_i32, %c0_i32_0 : i32, i32
  }
  func.func @transform_11(%arg0: i32, %arg1: i32) -> (i32, i32) {
    %c0_i32 = arith.constant 0 : i32
    %c0_i32_0 = arith.constant 0 : i32
    return %arg1, %c0_i32 : i32, i32
  }
}

module attributes {stable_mosaic.version = 14 : i64} {
  func.func @_mlp_body(%arg0: i32, %arg1: i32, %arg2: memref<632x128xf32, #tpu.memory_space<vmem>>, %arg3: memref<2x632x128xf32, #tpu.memory_space<vmem>>, %arg4: memref<1x1xf32, #tpu.memory_space<vmem>>, %arg5: memref<128x256xf32, #tpu.memory_space<vmem>>, %arg6: memref<1x256xf32, #tpu.memory_space<vmem>>, %arg7: memref<1x256xf32, #tpu.memory_space<vmem>>, %arg8: memref<1x256xf32, #tpu.memory_space<vmem>>, %arg9: memref<256x128xf32, #tpu.memory_space<vmem>>, %arg10: memref<1x128xf32, #tpu.memory_space<vmem>>, %arg11: memref<1x128xf32, #tpu.memory_space<vmem>>, %arg12: memref<1x128xf32, #tpu.memory_space<vmem>>, %arg13: memref<632x128xf32, #tpu.memory_space<vmem>>, %arg14: memref<10112x256xf32, #tpu.memory_space<vmem>>, %arg15: memref<10112x128xf32, #tpu.memory_space<vmem>>, %arg16: memref<8x256xf32, #tpu.memory_space<vmem>>) attributes {dimension_semantics = [#tpu.dimension_semantics<arbitrary>, #tpu.dimension_semantics<arbitrary>], iteration_bounds = array<i64: 3, 16>, scalar_prefetch = 0 : i64, scratch_operands = 3 : i64, tpu.core_type = #tpu.core_type<tc>, window_params = [{transform_indices = @transform_0, window_bounds = array<i64: 632, 128>}, {transform_indices = @transform_1, window_bounds = array<i64: 2, 632, 128>}, {pipeline_mode = #tpu.pipeline_mode<synchronous>, transform_indices = @transform_2, window_bounds = array<i64: 1, 1>}, {pipeline_mode = #tpu.pipeline_mode<synchronous>, transform_indices = @transform_3, window_bounds = array<i64: 128, 256>}, {pipeline_mode = #tpu.pipeline_mode<synchronous>, transform_indices = @transform_4, window_bounds = array<i64: 1, 256>}, {pipeline_mode = #tpu.pipeline_mode<synchronous>, transform_indices = @transform_5, window_bounds = array<i64: 1, 256>}, {pipeline_mode = #tpu.pipeline_mode<synchronous>, transform_indices = @transform_6, window_bounds = array<i64: 1, 256>}, {pipeline_mode = #tpu.pipeline_mode<synchronous>, transform_indices = @transform_7, window_bounds = array<i64: 256, 128>}, {pipeline_mode = #tpu.pipeline_mode<synchronous>, transform_indices = @transform_8, window_bounds = array<i64: 1, 128>}, {pipeline_mode = #tpu.pipeline_mode<synchronous>, transform_indices = @transform_9, window_bounds = array<i64: 1, 128>}, {pipeline_mode = #tpu.pipeline_mode<synchronous>, transform_indices = @transform_10, window_bounds = array<i64: 1, 128>}, {transform_indices = @transform_11, window_bounds = array<i64: 632, 128>}]} {
    %iota3A = tpu.iota {dimensions = array<i32: 0>} : vector<632x1xi32>
    %mul3A = arith.constant 632 : i32
    %mul3A_0 = arith.muli %arg1, %mul3A : i32
    %add3A = vector.broadcast %mul3A_0 : i32 to vector<632x1xi32>
    %add3A_1 = arith.addi %iota3A, %add3A : vector<632x1xi32>
    %lt3A = arith.constant 10000 : i32
    %lt3A_2 = vector.broadcast %lt3A : i32 to vector<632x1xi32>
    %lt3A_3 = arith.cmpi slt, %add3A_1, %lt3A_2 : vector<632x1xi32>
    %eq3A = arith.constant 0 : i32
    %eq3A_4 = arith.cmpi eq, %arg0, %eq3A : i32
    %convert_element_type3A = arith.extui %eq3A_4 : i1 to i32
    %cond3A = arith.constant 0 : i32
    %cond3A_5 = arith.cmpi ne, %convert_element_type3A, %cond3A : i32
    scf.if %cond3A_5 {
      %get3A = arith.constant 0 : index
      %get3A_16 = arith.constant 0 : index
      %get3A_17 = vector.load %arg2[%get3A, %get3A_16] : memref<632x128xf32, #tpu.memory_space<vmem>>, vector<632x128xf32>
      %get3A_18 = arith.constant 0 : index
      %get3A_19 = arith.constant 0 : index
      %get3A_20 = vector.load %arg4[%get3A_18, %get3A_19] : memref<1x1xf32, #tpu.memory_space<vmem>>, vector<1x1xf32>
      %get3A_21 = vector.extract %get3A_20[0, 0] : f32 from vector<1x1xf32>
      %add3A_22 = arith.constant 1.000000e+00 : f32
      %add3A_23 = arith.addf %add3A_22, %get3A_21 : f32
      %mul3A_24 = vector.broadcast %add3A_23 : f32 to vector<632x128xf32>
      %mul3A_25 = arith.mulf %get3A_17, %mul3A_24 : vector<632x128xf32>
      %get3A_26 = arith.constant 0 : index
      %get3A_27 = arith.constant 0 : index
      %get3A_28 = arith.constant 0 : index
      %get3A_29 = vector.load %arg3[%get3A_26, %get3A_27, %get3A_28] : memref<2x632x128xf32, #tpu.memory_space<vmem>>, vector<1x632x128xf32>
      %get3A_30 = vector.shape_cast %get3A_29 : vector<1x632x128xf32> to vector<632x128xf32>
      %add3A_31 = arith.addf %mul3A_25, %get3A_30 : vector<632x128xf32>
      %get3A_32 = arith.constant 1 : index
      %get3A_33 = arith.constant 0 : index
      %get3A_34 = arith.constant 0 : index
      %get3A_35 = vector.load %arg3[%get3A_32, %get3A_33, %get3A_34] : memref<2x632x128xf32, #tpu.memory_space<vmem>>, vector<1x632x128xf32>
      %get3A_36 = vector.shape_cast %get3A_35 : vector<1x632x128xf32> to vector<632x128xf32>
      %add3A_37 = arith.addf %add3A_31, %get3A_36 : vector<632x128xf32>
      %get3A_38 = arith.constant 0 : index
      %get3A_39 = arith.constant 0 : index
      %get3A_40 = vector.load %arg5[%get3A_38, %get3A_39] : memref<128x256xf32, #tpu.memory_space<vmem>>, vector<128x256xf32>
      %dot_general3A = arith.constant dense<0.000000e+00> : vector<632x256xf32>
      %dot_general3A_41 = tpu.matmul %add3A_37, %get3A_40, %dot_general3A {dimension_numbers = #tpu.dot_dimension_numbers<[1], [0], [0], [1], [0, 0, 1, 1], [], []>, precision = #tpu.contract_precision<fp32>, transpose_lhs_hint = false} : vector<632x128xf32>, vector<128x256xf32>, vector<632x256xf32> -> vector<632x256xf32>
      %get3A_42 = arith.constant 0 : index
      %get3A_43 = arith.constant 0 : index
      %get3A_44 = vector.load %arg6[%get3A_42, %get3A_43] : memref<1x256xf32, #tpu.memory_space<vmem>>, vector<1x256xf32>
      %add3A_45 = vector.broadcast %get3A_44 : vector<1x256xf32> to vector<632x256xf32>
      %add3A_46 = arith.addf %dot_general3A_41, %add3A_45 : vector<632x256xf32>
      %jit3A = arith.constant 0.000000e+00 : f32
      %broadcast_in_dim3A = vector.shape_cast %lt3A_3 : vector<632x1xi1> to vector<632x1xi1>
      %broadcast_in_dim3A_47 = vector.broadcast %broadcast_in_dim3A : vector<632x1xi1> to vector<632x256xi1>
      %broadcast_in_dim3A_48 = vector.broadcast %jit3A : f32 to vector<632x256xf32>
      %select_n3A = arith.select %broadcast_in_dim3A_47, %add3A_46, %broadcast_in_dim3A_48 : vector<632x256xi1>, vector<632x256xf32>
      %mul3A_49 = arith.constant 632 : i32
      %mul3A_50 = arith.muli %arg1, %mul3A_49 : i32
      %swap3A = arith.index_cast %mul3A_50 : i32 to index
      %swap3A_51 = arith.constant 0 : index
      %swap3A_52 = vector.load %arg14[%swap3A, %swap3A_51] : memref<10112x256xf32, #tpu.memory_space<vmem>>, vector<632x256xf32>
      tpu.vector_store %arg14[%swap3A, %swap3A_51], %select_n3A {strides = array<i32>} : memref<10112x256xf32, #tpu.memory_space<vmem>>, vector<632x256xf32>,
      %eq3A_53 = arith.constant 0 : i32
      %eq3A_54 = arith.cmpi eq, %arg1, %eq3A_53 : i32
      %convert_element_type3A_55 = arith.extui %eq3A_54 : i1 to i32
      %cond3A_56 = arith.constant 0 : i32
      %cond3A_57 = arith.cmpi ne, %convert_element_type3A_55, %cond3A_56 : i32
      scf.if %cond3A_57 {
        %broadcast_in_dim3A_78 = arith.constant 0.000000e+00 : f32
        %broadcast_in_dim3A_79 = vector.broadcast %broadcast_in_dim3A_78 : f32 to vector<8x256xf32>
        %swap3A_80 = arith.constant 0 : index
        %swap3A_81 = arith.constant 0 : index
        %swap3A_82 = vector.load %arg16[%swap3A_80, %swap3A_81] : memref<8x256xf32, #tpu.memory_space<vmem>>, vector<8x256xf32>
        tpu.vector_store %arg16[%swap3A_80, %swap3A_81], %broadcast_in_dim3A_79 {strides = array<i32>} : memref<8x256xf32, #tpu.memory_space<vmem>>, vector<8x256xf32>,
      } else {
      }
      %get3A_58 = arith.constant 0 : index
      %get3A_59 = arith.constant 0 : index
      %get3A_60 = vector.load %arg16[%get3A_58, %get3A_59] : memref<8x256xf32, #tpu.memory_space<vmem>>, vector<1x256xf32>
      %reduce_sum3A = arith.constant dense<0.000000e+00> : vector<256xf32>
      %reduce_sum3A_61 = vector.multi_reduction <add>, %select_n3A, %reduce_sum3A [0] : vector<632x256xf32> to vector<256xf32>
      %broadcast_in_dim3A_62 = vector.shape_cast %reduce_sum3A_61 : vector<256xf32> to vector<1x256xf32>
      %add3A_63 = arith.addf %get3A_60, %broadcast_in_dim3A_62 : vector<1x256xf32>
      %swap3A_64 = arith.constant 0 : index
      %swap3A_65 = arith.constant 0 : index
      %swap3A_66 = vector.load %arg16[%swap3A_64, %swap3A_65] : memref<8x256xf32, #tpu.memory_space<vmem>>, vector<1x256xf32>
      tpu.vector_store %arg16[%swap3A_64, %swap3A_65], %add3A_63 {strides = array<i32>} : memref<8x256xf32, #tpu.memory_space<vmem>>, vector<1x256xf32>,
      %get3A_67 = arith.constant 1 : index
      %get3A_68 = arith.constant 0 : index
      %get3A_69 = vector.load %arg16[%get3A_67, %get3A_68] : memref<8x256xf32, #tpu.memory_space<vmem>>, vector<1x256xf32>
      %mul3A_70 = arith.mulf %select_n3A, %select_n3A : vector<632x256xf32>
      %reduce_sum3A_71 = arith.constant dense<0.000000e+00> : vector<256xf32>
      %reduce_sum3A_72 = vector.multi_reduction <add>, %mul3A_70, %reduce_sum3A_71 [0] : vector<632x256xf32> to vector<256xf32>
      %broadcast_in_dim3A_73 = vector.shape_cast %reduce_sum3A_72 : vector<256xf32> to vector<1x256xf32>
      %add3A_74 = arith.addf %get3A_69, %broadcast_in_dim3A_73 : vector<1x256xf32>
      %swap3A_75 = arith.constant 1 : index
      %swap3A_76 = arith.constant 0 : index
      %swap3A_77 = vector.load %arg16[%swap3A_75, %swap3A_76] : memref<8x256xf32, #tpu.memory_space<vmem>>, vector<1x256xf32>
      tpu.vector_store %arg16[%swap3A_75, %swap3A_76], %add3A_74 {strides = array<i32>} : memref<8x256xf32, #tpu.memory_space<vmem>>, vector<1x256xf32>,
    } else {
    }
    %eq3A_6 = arith.constant 1 : i32
    %eq3A_7 = arith.cmpi eq, %arg0, %eq3A_6 : i32
    %convert_element_type3A_8 = arith.extui %eq3A_7 : i1 to i32
    %cond3A_9 = arith.constant 0 : i32
    %cond3A_10 = arith.cmpi ne, %convert_element_type3A_8, %cond3A_9 : i32
    scf.if %cond3A_10 {
      %get3A = arith.constant 0 : index
      %get3A_16 = arith.constant 0 : index
      %get3A_17 = vector.load %arg16[%get3A, %get3A_16] : memref<8x256xf32, #tpu.memory_space<vmem>>, vector<1x256xf32>
      %div3A = arith.constant 1.000000e+04 : f32
      %div3A_18 = vector.broadcast %div3A : f32 to vector<1x256xf32>
      %div3A_19 = arith.divf %get3A_17, %div3A_18 : vector<1x256xf32>
      %get3A_20 = arith.constant 1 : index
      %get3A_21 = arith.constant 0 : index
      %get3A_22 = vector.load %arg16[%get3A_20, %get3A_21] : memref<8x256xf32, #tpu.memory_space<vmem>>, vector<1x256xf32>
      %div3A_23 = arith.constant 1.000000e+04 : f32
      %div3A_24 = vector.broadcast %div3A_23 : f32 to vector<1x256xf32>
      %div3A_25 = arith.divf %get3A_22, %div3A_24 : vector<1x256xf32>
      %mul3A_26 = arith.mulf %div3A_19, %div3A_19 : vector<1x256xf32>
      %sub3A = arith.subf %div3A_25, %mul3A_26 : vector<1x256xf32>
      %mul3A_27 = arith.constant 632 : i32
      %mul3A_28 = arith.muli %arg1, %mul3A_27 : i32
      %get3A_29 = arith.index_cast %mul3A_28 : i32 to index
      %get3A_30 = arith.constant 0 : index
      %get3A_31 = vector.load %arg14[%get3A_29, %get3A_30] : memref<10112x256xf32, #tpu.memory_space<vmem>>, vector<632x256xf32>
      %sub3A_32 = vector.broadcast %div3A_19 : vector<1x256xf32> to vector<632x256xf32>
      %sub3A_33 = arith.subf %get3A_31, %sub3A_32 : vector<632x256xf32>
      %add3A_34 = arith.constant 9.99999974E-6 : f32
      %add3A_35 = vector.broadcast %add3A_34 : f32 to vector<1x256xf32>
      %add3A_36 = arith.addf %sub3A, %add3A_35 : vector<1x256xf32>
      %sqrt3A = math.sqrt %add3A_36 : vector<1x256xf32>
      %div3A_37 = vector.broadcast %sqrt3A : vector<1x256xf32> to vector<632x256xf32>
      %div3A_38 = arith.divf %sub3A_33, %div3A_37 : vector<632x256xf32>
      %get3A_39 = arith.constant 0 : index
      %get3A_40 = arith.constant 0 : index
      %get3A_41 = vector.load %arg7[%get3A_39, %get3A_40] : memref<1x256xf32, #tpu.memory_space<vmem>>, vector<1x256xf32>
      %mul3A_42 = vector.broadcast %get3A_41 : vector<1x256xf32> to vector<632x256xf32>
      %mul3A_43 = arith.mulf %div3A_38, %mul3A_42 : vector<632x256xf32>
      %get3A_44 = arith.constant 0 : index
      %get3A_45 = arith.constant 0 : index
      %get3A_46 = vector.load %arg8[%get3A_44, %get3A_45] : memref<1x256xf32, #tpu.memory_space<vmem>>, vector<1x256xf32>
      %add3A_47 = vector.broadcast %get3A_46 : vector<1x256xf32> to vector<632x256xf32>
      %add3A_48 = arith.addf %mul3A_43, %add3A_47 : vector<632x256xf32>
      %max3A = arith.constant 0.000000e+00 : f32
      %max3A_49 = vector.broadcast %max3A : f32 to vector<632x256xf32>
      %max3A_50 = arith.maximumf %add3A_48, %max3A_49 : vector<632x256xf32>
      %get3A_51 = arith.constant 0 : index
      %get3A_52 = arith.constant 0 : index
      %get3A_53 = vector.load %arg9[%get3A_51, %get3A_52] : memref<256x128xf32, #tpu.memory_space<vmem>>, vector<256x128xf32>
      %dot_general3A = arith.constant dense<0.000000e+00> : vector<632x128xf32>
      %dot_general3A_54 = tpu.matmul %max3A_50, %get3A_53, %dot_general3A {dimension_numbers = #tpu.dot_dimension_numbers<[1], [0], [0], [1], [0, 0, 1, 1], [], []>, precision = #tpu.contract_precision<fp32>, transpose_lhs_hint = false} : vector<632x256xf32>, vector<256x128xf32>, vector<632x128xf32> -> vector<632x128xf32>
      %get3A_55 = arith.constant 0 : index
      %get3A_56 = arith.constant 0 : index
      %get3A_57 = vector.load %arg10[%get3A_55, %get3A_56] : memref<1x128xf32, #tpu.memory_space<vmem>>, vector<1x128xf32>
      %add3A_58 = vector.broadcast %get3A_57 : vector<1x128xf32> to vector<632x128xf32>
      %add3A_59 = arith.addf %dot_general3A_54, %add3A_58 : vector<632x128xf32>
      %jit3A = arith.constant 0.000000e+00 : f32
      %broadcast_in_dim3A = vector.shape_cast %lt3A_3 : vector<632x1xi1> to vector<632x1xi1>
      %broadcast_in_dim3A_60 = vector.broadcast %broadcast_in_dim3A : vector<632x1xi1> to vector<632x128xi1>
      %broadcast_in_dim3A_61 = vector.broadcast %jit3A : f32 to vector<632x128xf32>
      %select_n3A = arith.select %broadcast_in_dim3A_60, %add3A_59, %broadcast_in_dim3A_61 : vector<632x128xi1>, vector<632x128xf32>
      %mul3A_62 = arith.constant 632 : i32
      %mul3A_63 = arith.muli %arg1, %mul3A_62 : i32
      %swap3A = arith.index_cast %mul3A_63 : i32 to index
      %swap3A_64 = arith.constant 0 : index
      %swap3A_65 = vector.load %arg15[%swap3A, %swap3A_64] : memref<10112x128xf32, #tpu.memory_space<vmem>>, vector<632x128xf32>
      tpu.vector_store %arg15[%swap3A, %swap3A_64], %select_n3A {strides = array<i32>} : memref<10112x128xf32, #tpu.memory_space<vmem>>, vector<632x128xf32>,
      %eq3A_66 = arith.constant 0 : i32
      %eq3A_67 = arith.cmpi eq, %arg1, %eq3A_66 : i32
      %convert_element_type3A_68 = arith.extui %eq3A_67 : i1 to i32
      %cond3A_69 = arith.constant 0 : i32
      %cond3A_70 = arith.cmpi ne, %convert_element_type3A_68, %cond3A_69 : i32
      scf.if %cond3A_70 {
        %broadcast_in_dim3A_91 = arith.constant 0.000000e+00 : f32
        %broadcast_in_dim3A_92 = vector.broadcast %broadcast_in_dim3A_91 : f32 to vector<2x256xf32>
        %swap3A_93 = arith.constant 2 : index
        %swap3A_94 = arith.constant 0 : index
        %swap3A_95 = vector.load %arg16[%swap3A_93, %swap3A_94] : memref<8x256xf32, #tpu.memory_space<vmem>>, vector<2x256xf32>
        tpu.vector_store %arg16[%swap3A_93, %swap3A_94], %broadcast_in_dim3A_92 {strides = array<i32>} : memref<8x256xf32, #tpu.memory_space<vmem>>, vector<2x256xf32>,
      } else {
      }
      %get3A_71 = arith.constant 2 : index
      %get3A_72 = arith.constant 0 : index
      %get3A_73 = vector.load %arg16[%get3A_71, %get3A_72] : memref<8x256xf32, #tpu.memory_space<vmem>>, vector<1x128xf32>
      %reduce_sum3A = arith.constant dense<0.000000e+00> : vector<128xf32>
      %reduce_sum3A_74 = vector.multi_reduction <add>, %select_n3A, %reduce_sum3A [0] : vector<632x128xf32> to vector<128xf32>
      %broadcast_in_dim3A_75 = vector.shape_cast %reduce_sum3A_74 : vector<128xf32> to vector<1x128xf32>
      %add3A_76 = arith.addf %get3A_73, %broadcast_in_dim3A_75 : vector<1x128xf32>
      %swap3A_77 = arith.constant 2 : index
      %swap3A_78 = arith.constant 0 : index
      %swap3A_79 = vector.load %arg16[%swap3A_77, %swap3A_78] : memref<8x256xf32, #tpu.memory_space<vmem>>, vector<1x128xf32>
      tpu.vector_store %arg16[%swap3A_77, %swap3A_78], %add3A_76 {strides = array<i32>} : memref<8x256xf32, #tpu.memory_space<vmem>>, vector<1x128xf32>,
      %get3A_80 = arith.constant 3 : index
      %get3A_81 = arith.constant 0 : index
      %get3A_82 = vector.load %arg16[%get3A_80, %get3A_81] : memref<8x256xf32, #tpu.memory_space<vmem>>, vector<1x128xf32>
      %mul3A_83 = arith.mulf %select_n3A, %select_n3A : vector<632x128xf32>
      %reduce_sum3A_84 = arith.constant dense<0.000000e+00> : vector<128xf32>
      %reduce_sum3A_85 = vector.multi_reduction <add>, %mul3A_83, %reduce_sum3A_84 [0] : vector<632x128xf32> to vector<128xf32>
      %broadcast_in_dim3A_86 = vector.shape_cast %reduce_sum3A_85 : vector<128xf32> to vector<1x128xf32>
      %add3A_87 = arith.addf %get3A_82, %broadcast_in_dim3A_86 : vector<1x128xf32>
      %swap3A_88 = arith.constant 3 : index
      %swap3A_89 = arith.constant 0 : index
      %swap3A_90 = vector.load %arg16[%swap3A_88, %swap3A_89] : memref<8x256xf32, #tpu.memory_space<vmem>>, vector<1x128xf32>
      tpu.vector_store %arg16[%swap3A_88, %swap3A_89], %add3A_87 {strides = array<i32>} : memref<8x256xf32, #tpu.memory_space<vmem>>, vector<1x128xf32>,
    } else {
    }
    %eq3A_11 = arith.constant 2 : i32
    %eq3A_12 = arith.cmpi eq, %arg0, %eq3A_11 : i32
    %convert_element_type3A_13 = arith.extui %eq3A_12 : i1 to i32
    %cond3A_14 = arith.constant 0 : i32
    %cond3A_15 = arith.cmpi ne, %convert_element_type3A_13, %cond3A_14 : i32
    scf.if %cond3A_15 {
      %get3A = arith.constant 2 : index
      %get3A_16 = arith.constant 0 : index
      %get3A_17 = vector.load %arg16[%get3A, %get3A_16] : memref<8x256xf32, #tpu.memory_space<vmem>>, vector<1x128xf32>
      %div3A = arith.constant 1.000000e+04 : f32
      %div3A_18 = vector.broadcast %div3A : f32 to vector<1x128xf32>
      %div3A_19 = arith.divf %get3A_17, %div3A_18 : vector<1x128xf32>
      %get3A_20 = arith.constant 3 : index
      %get3A_21 = arith.constant 0 : index
      %get3A_22 = vector.load %arg16[%get3A_20, %get3A_21] : memref<8x256xf32, #tpu.memory_space<vmem>>, vector<1x128xf32>
      %div3A_23 = arith.constant 1.000000e+04 : f32
      %div3A_24 = vector.broadcast %div3A_23 : f32 to vector<1x128xf32>
      %div3A_25 = arith.divf %get3A_22, %div3A_24 : vector<1x128xf32>
      %mul3A_26 = arith.mulf %div3A_19, %div3A_19 : vector<1x128xf32>
      %sub3A = arith.subf %div3A_25, %mul3A_26 : vector<1x128xf32>
      %mul3A_27 = arith.constant 632 : i32
      %mul3A_28 = arith.muli %arg1, %mul3A_27 : i32
      %get3A_29 = arith.index_cast %mul3A_28 : i32 to index
      %get3A_30 = arith.constant 0 : index
      %get3A_31 = vector.load %arg15[%get3A_29, %get3A_30] : memref<10112x128xf32, #tpu.memory_space<vmem>>, vector<632x128xf32>
      %sub3A_32 = vector.broadcast %div3A_19 : vector<1x128xf32> to vector<632x128xf32>
      %sub3A_33 = arith.subf %get3A_31, %sub3A_32 : vector<632x128xf32>
      %add3A_34 = arith.constant 9.99999974E-6 : f32
      %add3A_35 = vector.broadcast %add3A_34 : f32 to vector<1x128xf32>
      %add3A_36 = arith.addf %sub3A, %add3A_35 : vector<1x128xf32>
      %sqrt3A = math.sqrt %add3A_36 : vector<1x128xf32>
      %div3A_37 = vector.broadcast %sqrt3A : vector<1x128xf32> to vector<632x128xf32>
      %div3A_38 = arith.divf %sub3A_33, %div3A_37 : vector<632x128xf32>
      %get3A_39 = arith.constant 0 : index
      %get3A_40 = arith.constant 0 : index
      %get3A_41 = vector.load %arg11[%get3A_39, %get3A_40] : memref<1x128xf32, #tpu.memory_space<vmem>>, vector<1x128xf32>
      %mul3A_42 = vector.broadcast %get3A_41 : vector<1x128xf32> to vector<632x128xf32>
      %mul3A_43 = arith.mulf %div3A_38, %mul3A_42 : vector<632x128xf32>
      %get3A_44 = arith.constant 0 : index
      %get3A_45 = arith.constant 0 : index
      %get3A_46 = vector.load %arg12[%get3A_44, %get3A_45] : memref<1x128xf32, #tpu.memory_space<vmem>>, vector<1x128xf32>
      %add3A_47 = vector.broadcast %get3A_46 : vector<1x128xf32> to vector<632x128xf32>
      %add3A_48 = arith.addf %mul3A_43, %add3A_47 : vector<632x128xf32>
      %get3A_49 = arith.constant 0 : index
      %get3A_50 = arith.constant 0 : index
      %get3A_51 = vector.load %arg2[%get3A_49, %get3A_50] : memref<632x128xf32, #tpu.memory_space<vmem>>, vector<632x128xf32>
      %add3A_52 = arith.addf %add3A_48, %get3A_51 : vector<632x128xf32>
      %swap3A = arith.constant 0 : index
      %swap3A_53 = arith.constant 0 : index
      %swap3A_54 = vector.load %arg13[%swap3A, %swap3A_53] : memref<632x128xf32, #tpu.memory_space<vmem>>, vector<632x128xf32>
      tpu.vector_store %arg13[%swap3A, %swap3A_53], %add3A_52 {strides = array<i32>} : memref<632x128xf32, #tpu.memory_space<vmem>>, vector<632x128xf32>,
    } else {
    }
    return
  }
  func.func @transform_0(%arg0: i32, %arg1: i32) -> (i32, i32) {
    %c0_i32 = arith.constant 0 : i32
    %c0_i32_0 = arith.constant 0 : i32
    return %arg1, %c0_i32 : i32, i32
  }
  func.func @transform_1(%arg0: i32, %arg1: i32) -> (i32, i32, i32) {
    %c0_i32 = arith.constant 0 : i32
    %c0_i32_0 = arith.constant 0 : i32
    %c0_i32_1 = arith.constant 0 : i32
    return %c0_i32, %arg1, %c0_i32_0 : i32, i32, i32
  }
  func.func @transform_2(%arg0: i32, %arg1: i32) -> (i32, i32) {
    %c0_i32 = arith.constant 0 : i32
    %c0_i32_0 = arith.constant 0 : i32
    %c0_i32_1 = arith.constant 0 : i32
    return %c0_i32, %c0_i32_0 : i32, i32
  }
  func.func @transform_3(%arg0: i32, %arg1: i32) -> (i32, i32) {
    %c0_i32 = arith.constant 0 : i32
    %c0_i32_0 = arith.constant 0 : i32
    %c0_i32_1 = arith.constant 0 : i32
    return %c0_i32, %c0_i32_0 : i32, i32
  }
  func.func @transform_4(%arg0: i32, %arg1: i32) -> (i32, i32) {
    %c0_i32 = arith.constant 0 : i32
    %c0_i32_0 = arith.constant 0 : i32
    %c0_i32_1 = arith.constant 0 : i32
    return %c0_i32, %c0_i32_0 : i32, i32
  }
  func.func @transform_5(%arg0: i32, %arg1: i32) -> (i32, i32) {
    %c0_i32 = arith.constant 0 : i32
    %c0_i32_0 = arith.constant 0 : i32
    %c0_i32_1 = arith.constant 0 : i32
    return %c0_i32, %c0_i32_0 : i32, i32
  }
  func.func @transform_6(%arg0: i32, %arg1: i32) -> (i32, i32) {
    %c0_i32 = arith.constant 0 : i32
    %c0_i32_0 = arith.constant 0 : i32
    %c0_i32_1 = arith.constant 0 : i32
    return %c0_i32, %c0_i32_0 : i32, i32
  }
  func.func @transform_7(%arg0: i32, %arg1: i32) -> (i32, i32) {
    %c0_i32 = arith.constant 0 : i32
    %c0_i32_0 = arith.constant 0 : i32
    %c0_i32_1 = arith.constant 0 : i32
    return %c0_i32, %c0_i32_0 : i32, i32
  }
  func.func @transform_8(%arg0: i32, %arg1: i32) -> (i32, i32) {
    %c0_i32 = arith.constant 0 : i32
    %c0_i32_0 = arith.constant 0 : i32
    %c0_i32_1 = arith.constant 0 : i32
    return %c0_i32, %c0_i32_0 : i32, i32
  }
  func.func @transform_9(%arg0: i32, %arg1: i32) -> (i32, i32) {
    %c0_i32 = arith.constant 0 : i32
    %c0_i32_0 = arith.constant 0 : i32
    %c0_i32_1 = arith.constant 0 : i32
    return %c0_i32, %c0_i32_0 : i32, i32
  }
  func.func @transform_10(%arg0: i32, %arg1: i32) -> (i32, i32) {
    %c0_i32 = arith.constant 0 : i32
    %c0_i32_0 = arith.constant 0 : i32
    %c0_i32_1 = arith.constant 0 : i32
    return %c0_i32, %c0_i32_0 : i32, i32
  }
  func.func @transform_11(%arg0: i32, %arg1: i32) -> (i32, i32) {
    %c0_i32 = arith.constant 0 : i32
    %c0_i32_0 = arith.constant 0 : i32
    return %arg1, %c0_i32 : i32, i32
  }
}

module attributes {stable_mosaic.version = 14 : i64} {
  func.func @_head_body(%arg0: i32, %arg1: memref<632x128xf32, #tpu.memory_space<vmem>>, %arg2: memref<1x1x632xi32, #tpu.memory_space<vmem>>, %arg3: memref<128x128xf32, #tpu.memory_space<vmem>>, %arg4: memref<1x128xf32, #tpu.memory_space<vmem>>, %arg5: memref<632x128xf32, #tpu.memory_space<vmem>>, %arg6: memref<256x128xf32, #tpu.memory_space<vmem>>) attributes {dimension_semantics = [#tpu.dimension_semantics<arbitrary>], iteration_bounds = array<i64: 16>, scalar_prefetch = 0 : i64, scratch_operands = 0 : i64, tpu.core_type = #tpu.core_type<tc>, window_params = [{transform_indices = @transform_0, window_bounds = array<i64: 632, 128>}, {transform_indices = @transform_1, window_bounds = array<i64: 1, 1, 632>}, {pipeline_mode = #tpu.pipeline_mode<synchronous>, transform_indices = @transform_2, window_bounds = array<i64: 128, 128>}, {pipeline_mode = #tpu.pipeline_mode<synchronous>, transform_indices = @transform_3, window_bounds = array<i64: 1, 128>}, {transform_indices = @transform_4, window_bounds = array<i64: 632, 128>}, {pipeline_mode = #tpu.pipeline_mode<synchronous>, transform_indices = @transform_5, window_bounds = array<i64: 256, 128>}]} {
    %iota3A = tpu.iota {dimensions = array<i32: 0>} : vector<632x1xi32>
    %mul3A = arith.constant 632 : i32
    %mul3A_0 = arith.muli %arg0, %mul3A : i32
    %add3A = vector.broadcast %mul3A_0 : i32 to vector<632x1xi32>
    %add3A_1 = arith.addi %iota3A, %add3A : vector<632x1xi32>
    %lt3A = arith.constant 10000 : i32
    %lt3A_2 = vector.broadcast %lt3A : i32 to vector<632x1xi32>
    %lt3A_3 = arith.cmpi slt, %add3A_1, %lt3A_2 : vector<632x1xi32>
    %get3A = arith.constant 0 : index
    %get3A_4 = arith.constant 0 : index
    %get3A_5 = vector.load %arg1[%get3A, %get3A_4] : memref<632x128xf32, #tpu.memory_space<vmem>>, vector<632x128xf32>
    %get3A_6 = arith.constant 0 : index
    %get3A_7 = arith.constant 0 : index
    %get3A_8 = vector.load %arg3[%get3A_6, %get3A_7] : memref<128x128xf32, #tpu.memory_space<vmem>>, vector<128x128xf32>
    %dot_general3A = arith.constant dense<0.000000e+00> : vector<632x128xf32>
    %dot_general3A_9 = tpu.matmul %get3A_5, %get3A_8, %dot_general3A {dimension_numbers = #tpu.dot_dimension_numbers<[1], [0], [0], [1], [0, 0, 1, 1], [], []>, precision = #tpu.contract_precision<fp32>, transpose_lhs_hint = false} : vector<632x128xf32>, vector<128x128xf32>, vector<632x128xf32> -> vector<632x128xf32>
    %get3A_10 = arith.constant 0 : index
    %get3A_11 = arith.constant 0 : index
    %get3A_12 = vector.load %arg4[%get3A_10, %get3A_11] : memref<1x128xf32, #tpu.memory_space<vmem>>, vector<1x128xf32>
    %add3A_13 = vector.broadcast %get3A_12 : vector<1x128xf32> to vector<632x128xf32>
    %add3A_14 = arith.addf %dot_general3A_9, %add3A_13 : vector<632x128xf32>
    %slice3A = vector.extract_strided_slice %add3A_14 {offsets = [0, 0], sizes = [632, 1], strides = [1, 1]} : vector<632x128xf32> to vector<632x1xf32>
    %neg3A = arith.constant 0.000000e+00 : f32
    %neg3A_15 = vector.broadcast %neg3A : f32 to vector<632x1xf32>
    %neg3A_16 = arith.subf %neg3A_15, %slice3A : vector<632x1xf32>
    %exp3A = math.exp %neg3A_16 : vector<632x1xf32>
    %add3A_17 = arith.constant 1.000000e+00 : f32
    %add3A_18 = vector.broadcast %add3A_17 : f32 to vector<632x1xf32>
    %add3A_19 = arith.addf %add3A_18, %exp3A : vector<632x1xf32>
    %div3A = arith.constant 1.000000e+00 : f32
    %div3A_20 = vector.broadcast %div3A : f32 to vector<632x1xf32>
    %div3A_21 = arith.divf %div3A_20, %add3A_19 : vector<632x1xf32>
    %iota3A_22 = tpu.iota {dimensions = array<i32: 1>} : vector<632x128xi32>
    %broadcast_in_dim3A = vector.shape_cast %div3A_21 : vector<632x1xf32> to vector<632x1xf32>
    %broadcast_in_dim3A_23 = vector.broadcast %broadcast_in_dim3A : vector<632x1xf32> to vector<632x128xf32>
    %eq3A = arith.constant 0 : i32
    %eq3A_24 = vector.broadcast %eq3A : i32 to vector<632x128xi32>
    %eq3A_25 = arith.cmpi eq, %iota3A_22, %eq3A_24 : vector<632x128xi32>
    %select_n3A = arith.select %eq3A_25, %broadcast_in_dim3A_23, %add3A_14 : vector<632x128xi1>, vector<632x128xf32>
    %swap3A = arith.constant 0 : index
    %swap3A_26 = arith.constant 0 : index
    %swap3A_27 = vector.load %arg5[%swap3A, %swap3A_26] : memref<632x128xf32, #tpu.memory_space<vmem>>, vector<632x128xf32>
    tpu.vector_store %arg5[%swap3A, %swap3A_26], %select_n3A {strides = array<i32>} : memref<632x128xf32, #tpu.memory_space<vmem>>, vector<632x128xf32>,
    %iota3A_28 = tpu.iota {dimensions = array<i32: 0>} : vector<256x1xi32>
    %get3A_29 = arith.constant 0 : index
    %get3A_30 = arith.constant 0 : index
    %get3A_31 = arith.constant 0 : index
    %get3A_32 = vector.load %arg2[%get3A_29, %get3A_30, %get3A_31] : memref<1x1x632xi32, #tpu.memory_space<vmem>>, vector<1x1x632xi32>
    %get3A_33 = vector.shape_cast %get3A_32 : vector<1x1x632xi32> to vector<1x632xi32>
    %eq3A_34 = vector.broadcast %iota3A_28 : vector<256x1xi32> to vector<256x632xi32>
    %eq3A_35 = vector.broadcast %get3A_33 : vector<1x632xi32> to vector<256x632xi32>
    %eq3A_36 = arith.cmpi eq, %eq3A_34, %eq3A_35 : vector<256x632xi32>
    %convert_element_type3A = arith.extui %eq3A_36 : vector<256x632xi1> to vector<256x632xi32>
    %convert_element_type3A_37 = arith.sitofp %convert_element_type3A : vector<256x632xi32> to vector<256x632xf32>
    %eq3A_38 = arith.constant 0 : i32
    %eq3A_39 = vector.broadcast %eq3A_38 : i32 to vector<632x128xi32>
    %eq3A_40 = arith.cmpi eq, %iota3A_22, %eq3A_39 : vector<632x128xi32>
    %eq3A_41 = arith.constant 1 : i32
    %eq3A_42 = vector.broadcast %eq3A_41 : i32 to vector<632x128xi32>
    %eq3A_43 = arith.cmpi eq, %iota3A_22, %eq3A_42 : vector<632x128xi32>
    %sub3A = arith.constant 1.000000e+00 : f32
    %sub3A_44 = vector.broadcast %sub3A : f32 to vector<632x128xf32>
    %sub3A_45 = arith.subf %sub3A_44, %broadcast_in_dim3A_23 : vector<632x128xf32>
    %jit3A = arith.constant 0.000000e+00 : f32
    %broadcast_in_dim3A_46 = vector.broadcast %jit3A : f32 to vector<632x128xf32>
    %select_n3A_47 = arith.select %eq3A_43, %sub3A_45, %broadcast_in_dim3A_46 : vector<632x128xi1>, vector<632x128xf32>
    %select_n3A_48 = arith.select %eq3A_40, %broadcast_in_dim3A_23, %select_n3A_47 : vector<632x128xi1>, vector<632x128xf32>
    %jit3A_49 = arith.constant 0.000000e+00 : f32
    %broadcast_in_dim3A_50 = vector.shape_cast %lt3A_3 : vector<632x1xi1> to vector<632x1xi1>
    %broadcast_in_dim3A_51 = vector.broadcast %broadcast_in_dim3A_50 : vector<632x1xi1> to vector<632x128xi1>
    %broadcast_in_dim3A_52 = vector.broadcast %jit3A_49 : f32 to vector<632x128xf32>
    %select_n3A_53 = arith.select %broadcast_in_dim3A_51, %select_n3A_48, %broadcast_in_dim3A_52 : vector<632x128xi1>, vector<632x128xf32>
    %dot_general3A_54 = arith.constant dense<0.000000e+00> : vector<256x128xf32>
    %dot_general3A_55 = tpu.matmul %convert_element_type3A_37, %select_n3A_53, %dot_general3A_54 {dimension_numbers = #tpu.dot_dimension_numbers<[1], [0], [0], [1], [0, 0, 1, 1], [], []>, precision = #tpu.contract_precision<fp32>, transpose_lhs_hint = false} : vector<256x632xf32>, vector<632x128xf32>, vector<256x128xf32> -> vector<256x128xf32>
    %eq3A_56 = arith.constant 0 : i32
    %eq3A_57 = arith.cmpi eq, %arg0, %eq3A_56 : i32
    %convert_element_type3A_58 = arith.extui %eq3A_57 : i1 to i32
    %cond3A = arith.constant 0 : i32
    %cond3A_59 = arith.cmpi ne, %convert_element_type3A_58, %cond3A : i32
    scf.if %cond3A_59 {
      %add3A_64 = arith.constant 9.99999993E-9 : f32
      %add3A_65 = vector.broadcast %add3A_64 : f32 to vector<256x128xf32>
      %add3A_66 = arith.addf %dot_general3A_55, %add3A_65 : vector<256x128xf32>
      %swap3A_67 = arith.constant 0 : index
      %swap3A_68 = arith.constant 0 : index
      %swap3A_69 = vector.load %arg6[%swap3A_67, %swap3A_68] : memref<256x128xf32, #tpu.memory_space<vmem>>, vector<256x128xf32>
      tpu.vector_store %arg6[%swap3A_67, %swap3A_68], %add3A_66 {strides = array<i32>} : memref<256x128xf32, #tpu.memory_space<vmem>>, vector<256x128xf32>,
    } else {
    }
    %gt3A = arith.constant 0 : i32
    %gt3A_60 = arith.cmpi sgt, %arg0, %gt3A : i32
    %convert_element_type3A_61 = arith.extui %gt3A_60 : i1 to i32
    %cond3A_62 = arith.constant 0 : i32
    %cond3A_63 = arith.cmpi ne, %convert_element_type3A_61, %cond3A_62 : i32
    scf.if %cond3A_63 {
      %get3A_64 = arith.constant 0 : index
      %get3A_65 = arith.constant 0 : index
      %get3A_66 = vector.load %arg6[%get3A_64, %get3A_65] : memref<256x128xf32, #tpu.memory_space<vmem>>, vector<256x128xf32>
      %add3A_67 = arith.addf %get3A_66, %dot_general3A_55 : vector<256x128xf32>
      %swap3A_68 = arith.constant 0 : index
      %swap3A_69 = arith.constant 0 : index
      %swap3A_70 = vector.load %arg6[%swap3A_68, %swap3A_69] : memref<256x128xf32, #tpu.memory_space<vmem>>, vector<256x128xf32>
      tpu.vector_store %arg6[%swap3A_68, %swap3A_69], %add3A_67 {strides = array<i32>} : memref<256x128xf32, #tpu.memory_space<vmem>>, vector<256x128xf32>,
    } else {
    }
    return
  }
  func.func @transform_0(%arg0: i32) -> (i32, i32) {
    %c0_i32 = arith.constant 0 : i32
    %c0_i32_0 = arith.constant 0 : i32
    return %arg0, %c0_i32 : i32, i32
  }
  func.func @transform_1(%arg0: i32) -> (i32, i32, i32) {
    %c0_i32 = arith.constant 0 : i32
    %c0_i32_0 = arith.constant 0 : i32
    %c0_i32_1 = arith.constant 0 : i32
    return %arg0, %c0_i32, %c0_i32_0 : i32, i32, i32
  }
  func.func @transform_2(%arg0: i32) -> (i32, i32) {
    %c0_i32 = arith.constant 0 : i32
    %c0_i32_0 = arith.constant 0 : i32
    %c0_i32_1 = arith.constant 0 : i32
    return %c0_i32, %c0_i32_0 : i32, i32
  }
  func.func @transform_3(%arg0: i32) -> (i32, i32) {
    %c0_i32 = arith.constant 0 : i32
    %c0_i32_0 = arith.constant 0 : i32
    %c0_i32_1 = arith.constant 0 : i32
    return %c0_i32, %c0_i32_0 : i32, i32
  }
  func.func @transform_4(%arg0: i32) -> (i32, i32) {
    %c0_i32 = arith.constant 0 : i32
    %c0_i32_0 = arith.constant 0 : i32
    return %arg0, %c0_i32 : i32, i32
  }
  func.func @transform_5(%arg0: i32) -> (i32, i32) {
    %c0_i32 = arith.constant 0 : i32
    %c0_i32_0 = arith.constant 0 : i32
    %c0_i32_1 = arith.constant 0 : i32
    return %c0_i32, %c0_i32_0 : i32, i32
  }
}

module attributes {stable_mosaic.version = 14 : i64} {
  func.func @_fin_body(%arg0: memref<32x256xf32, #tpu.memory_space<vmem>>, %arg1: memref<32x256xf32, #tpu.memory_space<vmem>>, %arg2: memref<2x256xf32, #tpu.memory_space<vmem>>) attributes {dimension_semantics = [], scalar_prefetch = 0 : i64, scratch_operands = 0 : i64, tpu.core_type = #tpu.core_type<tc>} {
    %get3A = arith.constant 0 : index
    %get3A_0 = arith.constant 0 : index
    %get3A_1 = vector.load %arg0[%get3A, %get3A_0] : memref<32x256xf32, #tpu.memory_space<vmem>>, vector<32x256xf32>
    %reduce_sum3A = arith.constant dense<0.000000e+00> : vector<256xf32>
    %reduce_sum3A_2 = vector.multi_reduction <add>, %get3A_1, %reduce_sum3A [0] : vector<32x256xf32> to vector<256xf32>
    %broadcast_in_dim3A = vector.shape_cast %reduce_sum3A_2 : vector<256xf32> to vector<1x256xf32>
    %get3A_3 = arith.constant 0 : index
    %get3A_4 = arith.constant 0 : index
    %get3A_5 = vector.load %arg1[%get3A_3, %get3A_4] : memref<32x256xf32, #tpu.memory_space<vmem>>, vector<32x256xf32>
    %reduce_sum3A_6 = arith.constant dense<0.000000e+00> : vector<256xf32>
    %reduce_sum3A_7 = vector.multi_reduction <add>, %get3A_5, %reduce_sum3A_6 [0] : vector<32x256xf32> to vector<256xf32>
    %broadcast_in_dim3A_8 = vector.shape_cast %reduce_sum3A_7 : vector<256xf32> to vector<1x256xf32>
    %add3A = arith.constant 9.99999993E-9 : f32
    %add3A_9 = vector.broadcast %add3A : f32 to vector<1x256xf32>
    %add3A_10 = arith.addf %broadcast_in_dim3A, %add3A_9 : vector<1x256xf32>
    %swap3A = arith.constant 0 : index
    %swap3A_11 = arith.constant 0 : index
    %swap3A_12 = vector.load %arg2[%swap3A, %swap3A_11] : memref<2x256xf32, #tpu.memory_space<vmem>>, vector<1x256xf32>
    tpu.vector_store %arg2[%swap3A, %swap3A_11], %add3A_10 {strides = array<i32>} : memref<2x256xf32, #tpu.memory_space<vmem>>, vector<1x256xf32>,
    %sub3A = arith.subf %broadcast_in_dim3A_8, %broadcast_in_dim3A : vector<1x256xf32>
    %add3A_13 = arith.constant 9.99999993E-9 : f32
    %add3A_14 = vector.broadcast %add3A_13 : f32 to vector<1x256xf32>
    %add3A_15 = arith.addf %sub3A, %add3A_14 : vector<1x256xf32>
    %swap3A_16 = arith.constant 1 : index
    %swap3A_17 = arith.constant 0 : index
    %swap3A_18 = vector.load %arg2[%swap3A_16, %swap3A_17] : memref<2x256xf32, #tpu.memory_space<vmem>>, vector<1x256xf32>
    tpu.vector_store %arg2[%swap3A_16, %swap3A_17], %add3A_15 {strides = array<i32>} : memref<2x256xf32, #tpu.memory_space<vmem>>, vector<1x256xf32>,
    return
  }
}

</mosaic_0001>

<sc_bundles>
// kernel: kernel.10.cloned.1.call-start
scs
__scs_entry_jumppad:
0x0: {  	(pc) =	sbr.rel $0x88, $3  }
0x1: {  	(tag) =	ssettag $0x0;
	lr =	simm.s32 $0x1  }
0x2: {  	[smem:$0x3F84] =	sst lr;
	_ =	strace $0xD0000000  }
0x3: {  	_ = 	snop  }
0x4: {  	_ = 	snop  }
0x5: {  	_ = 	snop  }
0x6: {  	_ = 	snop  }
0x7: {  	_ = 	snop  }
__scs_overlays_trampoline_lowered:
0x8: {  	[smem:$0x3F93] =	sst s0  }
0x9: {  	[smem:$0x3F94] =	sst s1  }
0xa: {  	[smem:$0x3F95] =	sst s2  }
0xb: {  	[smem:$0x3F96] =	sst s3  }
0xc: {  	[smem:$0x3F97] =	sst s4  }
0xd: {  	[smem:$0x3F98] =	sst s5  }
0xe: {  	[smem:$0x3F99] =	sst s6  }
0xf: {  	[smem:$0x3F9A] =	sst s7  }
0x10: {  	[smem:$0x3F9B] =	sst s8  }
0x11: {  	[smem:$0x3F9C] =	sst s9;
	s0 =	simm.s32 @!p0 $0x0  }
0x12: {  	s1 =	sld [smem:$0x3F82];
	s0 =	simm.s32 @p0 $0x1  }
0x13: {  	[smem:$0x3F9D] =	sst s0;
	s0 =	simm.s32 @!p1 $0x0  }
0x14: {  	s2 =	sld [smem:$0x3F81];
	s0 =	simm.s32 @p1 $0x1  }
0x15: {  	[smem:$0x3F9E] =	sst s0;
	s0 =	simm.s32 @!p2 $0x0  }
0x16: {  	s3 =	sld [smem:$0x3FDB];
	s0 =	simm.s32 @p2 $0x1  }
0x17: {  	s4 =	simm.s32 $0x1BF5;
	[smem:$0x3FA0] =	sst s0  }
0x18: {  	s0 =	sld [smem:$0x3F83];
	_ =	swait.ge [sflag:s4], $0x0  }
0x19: {  	s7 =	sld [smem:$0x3F84]  }
0x1a: {  	s8 =	sadd.s32 $0xFFFFE003, lr  }
0x1b: {  	s9 =	sadd.s32 $0xFFFFFEF7, lr;
	s5 =	simm.s32 $0xFFFFFFFF;
	p2 =	slt.u32 s8, $0xFFFFF086  }
0x1c: {  	p1 =	slt.u32 s9, $0xF7A;
	s5 =	simm.s32 @!p2 $0x0  }
0x1d: {  	s5 =	simm.s32 @p1 $0x1;
	p0 =	seq.s32 s7, s2  }
0x1e: {  	s7 =	smul.u32 @!p0 $0xF7A, s2;
	p2 =	seq.s32 @!p0 s5, $0x0  }
0x1f: {  	s9 =	smul.u32 $0xF7A, s1;
	s8 =	simm.s32 @!p0 $0x1BF5;
	p2 =	por !p2, p0  }
0x20: {  	[sflag:s8] =	ssyncset.s32 @!p0 $0xFFFFF086;
	s6 =	sadd.s32 @!p0 s3, s7;
	s7 =	simm.s32 @!p0 $0x108  }
0x21: {  	s3 =	sadd.s32 s3, s9;
	s6 =	sadd.s32 @!p0 $0x88, s6;
	s7 =	simm.s32 @p2 $0x1082  }
0x22: {  	[simem:s7], [sflag:s8] =	dma.local @!p0 [hbm:s6], $0xF7A  }
0x23: {  	s9 =	sor.u32 $0xD0000000, s2;
	s6 =	simm.s32 $0x108;
	_ =	swait.ge @!p0 [sflag:s8], $0x0  }
0x24: {  	s3 =	sadd.s32 $0x88, s3;
	s6 =	simm.s32 @!p1 $0x1082;
	[sflag:s4] =	ssyncset.s32 $0xFFFFF086  }
0x25: {  	[simem:s6], [sflag:s4] =	dma.local [hbm:s3], $0xF7A  }
0x26: {  	[smem:$0x3F84] =	sst s1;
	(tag) =	ssettag s2;
	_ =	strace s9  }
0x27: {  	s1 =	sld [smem:$0x3F94]  }
0x28: {  	s2 =	sld [smem:$0x3F95]  }
0x29: {  	s4 =	sld [smem:$0x3F97]  }
0x2a: {  	p0 =	seq.s32 s5, $0x0;
	s5 =	sld [smem:$0x3F98]  }
0x2b: {  	s6 =	sld [smem:$0x3F99]  }
0x2c: {  	s7 =	sld [smem:$0x3F9A]  }
0x2d: {  	s3 =	simm.s32 $0x108;
	s8 =	sld [smem:$0x3F9B]  }
0x2e: {  	s3 =	simm.s32 @!p0 $0x1082;
	s9 =	sld [smem:$0x3F9C]  }
0x2f: {  	lr =	sadd.s32 s0, s3;
	s0 =	sld [smem:$0x3F93]  }
0x30: {  	s3 =	sld [smem:$0x3F96]  }
0x31: {  	[smem:$0x3F9F] =	sst s10  }
0x32: {  	s10 =	sld [smem:$0x3F9D];
	_ =	sdelay $0x3  }
0x33: {  	p0 =	seq.s32 s10, $0x1;
	s10 =	sld [smem:$0x3F9F];
	_ =	sdelay $0x3  }
0x34: {  	[smem:$0x3F9F] =	sst s10  }
0x35: {  	s10 =	sld [smem:$0x3F9E];
	_ =	sdelay $0x3  }
0x36: {  	p1 =	seq.s32 s10, $0x1;
	s10 =	sld [smem:$0x3F9F];
	_ =	sdelay $0x3  }
0x37: {  	[smem:$0x3F9F] =	sst s10  }
0x38: {  	s10 =	sld [smem:$0x3FA0]  }
0x39: {  	_ = 	snop;
	(pc) =	sbr.ind lr, $3  }
0x3a: {  	_ = 	snop  }
0x3b: {  	_ = 	snop  }
0x3c: {  	p2 =	seq.s32 s10, $0x1;
	s10 =	sld [smem:$0x3F9F]  }
0x3d: {  	_ =	shalt  }
0x3e: {  	_ =	shalt  }
0x3f: {  	_ =	shalt  }
0x40: {  	_ =	shalt  }
0x41: {  	_ =	shalt  }
0x42: {  	_ =	shalt  }
0x43: {  	_ =	shalt  }
0x44: {  	_ =	shalt  }
0x45: {  	_ =	shalt  }
0x46: {  	_ =	shalt  }
0x47: {  	_ =	shalt  }
0x48: {  	_ =	shalt  }
0x49: {  	_ =	shalt  }
0x4a: {  	_ =	shalt  }
0x4b: {  	_ =	shalt  }
0x4c: {  	_ =	shalt  }
0x4d: {  	_ =	shalt  }
0x4e: {  	_ =	shalt  }
0x4f: {  	_ =	shalt  }
0x50: {  	_ =	shalt  }
0x51: {  	_ =	shalt  }
0x52: {  	_ =	shalt  }
0x53: {  	_ =	shalt  }
0x54: {  	_ =	shalt  }
0x55: {  	_ =	shalt  }
0x56: {  	_ =	shalt  }
0x57: {  	_ =	shalt  }
0x58: {  	_ =	shalt  }
0x59: {  	_ =	shalt  }
0x5a: {  	_ =	shalt  }
0x5b: {  	_ =	shalt  }
0x5c: {  	_ =	shalt  }
0x5d: {  	_ =	shalt  }
0x5e: {  	_ =	shalt  }
0x5f: {  	_ =	shalt  }
0x60: {  	_ =	shalt  }
0x61: {  	_ =	shalt  }
0x62: {  	_ =	shalt  }
0x63: {  	_ =	shalt  }
0x64: {  	_ =	shalt  }
0x65: {  	_ =	shalt  }
0x66: {  	_ =	shalt  }
0x67: {  	_ =	shalt  }
0x68: {  	_ =	shalt  }
0x69: {  	_ =	shalt  }
0x6a: {  	_ =	shalt  }
0x6b: {  	_ =	shalt  }
0x6c: {  	_ =	shalt  }
0x6d: {  	_ =	shalt  }
0x6e: {  	_ =	shalt  }
0x6f: {  	_ =	shalt  }
0x70: {  	_ =	shalt  }
0x71: {  	_ =	shalt  }
0x72: {  	_ =	shalt  }
0x73: {  	_ =	shalt  }
0x74: {  	_ =	shalt  }
0x75: {  	_ =	shalt  }
0x76: {  	_ =	shalt  }
0x77: {  	_ =	shalt  }
0x78: {  	_ =	shalt  }
0x79: {  	_ =	shalt  }
0x7a: {  	_ =	shalt  }
0x7b: {  	_ =	shalt  }
0x7c: {  	_ =	shalt  }
0x7d: {  	_ =	shalt  }
0x7e: {  	_ =	shalt  }
0x7f: {  	_ =	shalt  }
0x80: {  	_ =	shalt  }
0x81: {  	_ =	shalt  }
0x82: {  	_ =	shalt  }
0x83: {  	_ =	shalt  }
0x84: {  	_ =	shalt  }
0x85: {  	_ =	shalt  }
0x86: {  	_ =	shalt  }
0x87: {  	_ =	shalt  }
.Lfunc_end0:
.L_simem_size_0:
called_computation_lowered:
.L_overlay_start_0:
0x88: {  	s2 =	sld [smem:$0x3FD9]  }
0x89: {  	s3 =	sld [smem:$0x3FFE];
	_ =	sdelay $0x1  }
0x8a: {  	s1 =	srdreg.scid  }
0x8b: {  	s0 =	sand.u32 $0x1, s1  }
0x8c: {  	s16 =	sshll.u32 s0, $0xA;
	s2 =	sadd.s32 s3, s2  }
0x8d: {  	s2 =	sadd.s32 s2, s16  }
0x8e: {  	[smem:$0x3FAB] =	sst s2  }
0x8f: {  	_ = 	snop  }
0x90: {  	(tm) =	ssettm $0x1  }
0x91: {  	s17 =	sld [smem:$0x3FFB];
	_ =	sdelay $0x3  }
0x92: {  	_ =	strace s17  }
0x93: {  	s2 =	sld [smem:$0x3FFC];
	_ =	sdelay $0x3  }
0x94: {  	_ =	strace s2  }
0x95: {  	s2 =	sld [smem:$0x3FFD];
	_ =	sdelay $0x3  }
0x96: {  	_ =	strace s2  }
0x97: {  	_ =	strace $0x8FFFFFFF  }
0x98: {  	s18 =	sld [smem:$0x3FDB];
	_ =	sdelay $0x1  }
0x99: {  	s19 =	simm.s32 $_scs_section_size  }
0x9a: {  	s4 =	simm.s32 $_size__tile_overlayer_lowered;
	s5 =	simm.s32 $_tile_overlayer_lowered  }
0x9b: {  	s22 =	simm.s32 $0x1BFF;
	s21 =	sshll.u32 s5, $0x1;
	s2 =	sadd.s32 s19, s18  }
0x9c: {  	s6 =	simm.s32 $0x0;
	s20 =	sshll.u32 s4, $0x1;
	s4 =	sadd.s32 s21, s2  }
0x9d: {  	[timem:s6], [sflag:s22] =	dma.local [hbm:s4], s20  }
0x9e: {  	_ =	swait.ge [sflag:s22], s20  }
0x9f: {  	s3 =	ssub.s32 $0x0, s20;
	[sflag:s22] =	ssyncset.done $0x0  }
0xa0: {  	[sflag:s22] =	ssyncadd.s32 s3;
	_ =	sdelay $0x1  }
0xa1: {  	s23 =	simm.s32 $0x1B8B  }
0xa2: {  	_ =	swait.ge [sflag:s23], $0x1  }
0xa3: {  	[sflag:s23] =	ssyncset.done $0x0  }
0xa4: {  	s25 =	simm.s32 $0x1B8E;
	s24 =	sld [smem:$0x3FFE];
	[sflag:s23] =	ssyncadd.s32 $0xFFFFFFFF  }
0xa5: {  	s26 =	simm.s32 $execute0_lowered;
	[smem:$0x3FD2] =	sst s25  }
0xa6: {  	s4 =	sshll.u32 s26, $0x1;
	_ =	strace $0x80000046;
	[dreg:$0x1] =	wrdreg $0xFFFFFFFF  }
0xa7: {  	s28 =	simm.s32 $_size_execute0_lowered;
	s2 =	sadd.s32 s2, s4;
	[dreg:$0x0] =	wrdreg $0x0  }
0xa8: {  	s4 =	sshll.u32 s28, $0x1;
	[dreg:$0x2] =	wrdreg s2  }
0xa9: {  	[dreg:$0x3] =	wrdreg s4  }
0xaa: {  	[dreg:$0x4] =	wrdreg $0xC0  }
0xab: {  	_ =	task [dreg:s6], $0x5FFFF  }
0xac: {  	[dreg:$0x1] =	wrdreg $0xFFFFFFFF  }
0xad: {  	[dreg:$0x0] =	wrdreg $0x60  }
0xae: {  	[dreg:$0x2] =	wrdreg s24  }
0xaf: {  	[dreg:$0x3] =	wrdreg $0xA4000  }
0xb0: {  	[dreg:$0x4] =	wrdreg $0x9  }
0xb1: {  	_ =	task.clear_ibuf [dreg:s6], $0x5FFFF;
	_ =	strace $0x90000046  }
0xb2: {  	s29 =	simm.s32 $0x9;
	_ =	strace $0x80000048  }
0xb3: {  	_ =	swait.ge [sflag:s29], $0x1  }
0xb4: {  	[sflag:s29] =	ssyncadd.s32 $0xFFFFFFFF  }
0xb5: {  	_ =	strace $0x90000048  }
0xb6: {  	_ =	sfence  }
0xb7: {  	s30 =	sld [smem:$0x0];
	_ =	sdelay $0x2  }
0xb8: {  	s31 =	sshll.u32 s1, $0xD;
	s1 =	sshrl.u32 s1, $0x2  }
0xb9: {  	s3 =	sand.u32 $0x4000, s31;
	s1 =	sadd.s32 s1, s30  }
0xba: {  	s0 =	sor.u32 s3, s0;
	s1 =	sshll.u32 s1, $0x11  }
0xbb: {  	s0 =	sor.u32 s1, s0  }
0xbc: {  	s0 =	sadd.s32 $0x8F2B, s0  }
0xbd: {  	[sflag:s0] =	ssyncadd.remote.s32 $0x1  }
0xbe: {  	_ =	sfence.sel $0xFFFF  }
0xbf: {  	[dreg:$0x0] =	wrdreg $0xFFFFFFFF;
	(pc) =	sbr.abs _section_cstart, $3  }
0xc0: {  	[dreg:$0x1] =	wrdreg $0xFFFFFFFF  }
0xc1: {  	_ =	task.clear_ibuf [dreg:s6], $0x2FFFF;
	_ =	strace $0x9FFFFFFF  }
0xc2: {  	(tm) =	ssettm $0x7FFFFFFF  }
0xc3: {  	_ =	shalt  }
tec
execute0_lowered:
.L_overlay_start_1:
0x0: {  	(tag) =	ssettag $0x1  }
0x1: {  	s0 =	rddreg [dreg:$0x0]  }
0x2: {  	s1 =	srdreg.scid;
	s11 =	stileid.u32  }
0x3: {  	s2 =	rddreg [dreg:$0x1];
	s3 =	simm.s32 $0x0;
	s29 =	simm.s32 $0x200  }
0x4: {  	s30 =	simm.s32 $0x5;
	s1 =	sand.u32 $0x1, s1;
	s4 =	smul.u32 $0x278, s11  }
0x5: {  	s31 =	simm.s32 $0x50;
	[smem:$0x7FF] =	sst s3;
	s5 =	smul.u32 $0x2780, s1  }
0x6: {  	s7 =	smul.u32 $0x4F000, s11;
	_ =	strace $0x80000047;
	s10 =	ssub.s32 $0x2, s1  }
0x7: {  	s1 =	sshll.u32 s1, $0x4;
	s26 =	sshrl.u32 s10, $0x1;
	s5 =	sadd.s32 s4, s5  }
0x8: {  	s25 =	sshrl.u32 s7, $0x2;
	s7 =	ssub.s32 s10, s26;
	s6 =	sshll.u32 s5, $0x4  }
0x9: {  	s26 =	smax.u32 s7, $0x1;
	s9 =	sadd.s32 s6, s0;
	s6 =	sadd.s32 s25, s2  }
0xa: {  	s1 =	sor.u32 s11, s1;
	[dreg:$0x12] =	wrdreg s26;
	s11 =	sadd.s32 $0x2800, s6  }
0xb: {  	s8 =	sadd.s32 $0x18200, s0;
	s13 =	sadd.s32 $0x5000, s6;
	[dreg:$0x3] =	wrdreg s11  }
0xc: {  	s4 =	sadd.s32 $0x56A00, s0;
	s14 =	sadd.s32 $0x7800, s6;
	[dreg:$0x4] =	wrdreg s13  }
0xd: {  	s12 =	smul.u32 $0xFA00, s1;
	s15 =	sadd.s32 $0xA000, s6;
	[dreg:$0x5] =	wrdreg s14  }
0xe: {  	s5 =	sadd.s32 $0x7E200, s0;
	s16 =	sadd.s32 $0xC800, s6;
	[dreg:$0x6] =	wrdreg s15  }
0xf: {  	s10 =	sshrl.u32 s12, $0x3;
	s18 =	sadd.s32 $0x9E200, s9;
	[dreg:$0x7] =	wrdreg s16  }
0x10: {  	s12 =	sadd.s32 $0xF000, s6;
	s19 =	sadd.s32 $0x9E700, s9;
	[dreg:$0xa] =	wrdreg s18  }
0x11: {  	s17 =	sadd.s32 s8, s10;
	s20 =	sadd.s32 $0x9EC00, s9;
	[dreg:$0xb] =	wrdreg s19  }
0x12: {  	s21 =	sadd.s32 $0x9F100, s9;
	s22 =	sadd.s32 $0x9F600, s9;
	[dreg:$0xc] =	wrdreg s20  }
0x13: {  	s23 =	sadd.s32 $0x9FB00, s9;
	s24 =	sadd.s32 $0xA0000, s9;
	[dreg:$0xd] =	wrdreg s21  }
0x14: {  	s25 =	sadd.s32 $0xA0500, s9;
	s14 =	smul.u32 $0x1F40, s1;
	[dreg:$0xe] =	wrdreg s22  }
0x15: {  	s26 =	sadd.s32 $0x11800, s6;
	s13 =	smul.u32 $0x7D, s1;
	[dreg:$0xf] =	wrdreg s23  }
0x16: {  	s1 =	sadd.s32 $0x40, s17;
	s16 =	sadd.s32 $0x18280, s0;
	[dreg:$0x10] =	wrdreg s24  }
0x17: {  	[dreg:$0x11] =	wrdreg s25;
	s0 =	simm.s32 $0x2A00;
	s15 =	simm.s32 $0x5400  }
0x18: {  	s17 =	simm.s32 $0x5300;
	s18 =	simm.s32 $0x7C00;
	s19 =	simm.s32 $0x1  }
0x19: {  	s20 =	simm.s32 $0x2;
	s21 =	simm.s32 $0x80;
	s22 =	simm.s32 $0x3  }
0x1a: {  	s23 =	simm.s32 $0x4;
	s24 =	simm.s32 $0x5280;
	s25 =	simm.s32 $0x0  }
0x1b: {  	[dreg:$0x9] =	wrdreg s1;
	s1 =	simm.s32 $0x100;
	s8 =	sadd.s32 s8, s14  }
0x1c: {  	v0 =	vimm.f32 $0.0e+00;
	s28 =	sadd.s32 $0x1, s13;
	s14 =	simm.s32 $0x5200;
	[dreg:$0x8] =	wrdreg s8  }
.LBB2_1:
0x1d: {  	s7 =	simm.s32 $0x0;
	s8 =	simm.s32 $0x200  }
.LBB2_2:
0x1e: {  	p0 =	sne.s32 s8, $0x9E00;
	[tilespmem:s7+$0x270] =	vst v0  }
0x1f: {  	[tilespmem:s7+$0x200] =	vst v0  }
0x20: {  	[tilespmem:s7+$0x210] =	vst v0  }
.Ltmp0:
0x21: {  	[tilespmem:s7+$0x220] =	vst v0;
	(pc) =	sbr.rel @p0 .LBB2_2-.Ltmp0, $4  }
0x22: {  	[tilespmem:s7+$0x230] =	vst v0  }
0x23: {  	[tilespmem:s7+$0x240] =	vst v0  }
0x24: {  	[tilespmem:s7+$0x250] =	vst v0  }
0x25: {  	[tilespmem:s7+$0x260] =	vst v0;
	s7 =	sshra.s32 s8, $0x2;
	s8 =	sadd.s32 $0x200, s8  }
0x26: {  	[tilespmem:s7+$0x270] =	vst v0  }
0x27: {  	[tilespmem:s7+$0x200] =	vst v0  }
0x28: {  	[tilespmem:s7+$0x210] =	vst v0  }
0x29: {  	[tilespmem:s7+$0x220] =	vst v0  }
0x2a: {  	[tilespmem:s7+$0x230] =	vst v0  }
0x2b: {  	[tilespmem:s7+$0x240] =	vst v0  }
0x2c: {  	[tilespmem:s7+$0x250] =	vst v0  }
0x2d: {  	[tilespmem:s7+$0x260] =	vst v0  }
0x2e: {  	[spmem:s6] =	stream.linear.scatter [tilespmem:s29], [sflag:$0x5], $0x2800, $0x38;
	[tilespmem:$0x1E000] =	vst v63  }
0x2f: {  	_ =	swait.ge [sflag:s30], $0x2800  }
0x30: {  	[sflag:s30] =	ssyncset.done $0x0  }
0x31: {  	s10 =	rddreg [dreg:$0x3];
	[sflag:s30] =	ssyncadd.s32 $0xFFFFD800  }
0x32: {  	[spmem:s10] =	stream.linear.scatter [tilespmem:s29], [sflag:$0x5], $0x2800, $0x38;
	[tilespmem:$0x1E000] =	vst v63  }
0x33: {  	_ =	swait.ge [sflag:s30], $0x2800  }
0x34: {  	[sflag:s30] =	ssyncset.done $0x0  }
0x35: {  	s11 =	rddreg [dreg:$0x4];
	[sflag:s30] =	ssyncadd.s32 $0xFFFFD800  }
0x36: {  	[spmem:s11] =	stream.linear.scatter [tilespmem:s29], [sflag:$0x5], $0x2800, $0x38;
	[tilespmem:$0x1E000] =	vst v63  }
0x37: {  	_ =	swait.ge [sflag:s30], $0x2800  }
0x38: {  	[sflag:s30] =	ssyncset.done $0x0  }
0x39: {  	s8 =	rddreg [dreg:$0x5];
	[sflag:s30] =	ssyncadd.s32 $0xFFFFD800  }
0x3a: {  	[spmem:s8] =	stream.linear.scatter [tilespmem:s29], [sflag:$0x5], $0x2800, $0x38;
	[tilespmem:$0x1E000] =	vst v63  }
0x3b: {  	_ =	swait.ge [sflag:s30], $0x2800  }
0x3c: {  	[sflag:s30] =	ssyncset.done $0x0  }
0x3d: {  	s9 =	rddreg [dreg:$0x6];
	[sflag:s30] =	ssyncadd.s32 $0xFFFFD800  }
0x3e: {  	[spmem:s9] =	stream.linear.scatter [tilespmem:s29], [sflag:$0x5], $0x2800, $0x38;
	[tilespmem:$0x1E000] =	vst v63  }
0x3f: {  	_ =	swait.ge [sflag:s30], $0x2800  }
0x40: {  	[sflag:s30] =	ssyncset.done $0x0  }
0x41: {  	s10 =	rddreg [dreg:$0x7];
	[sflag:s30] =	ssyncadd.s32 $0xFFFFD800  }
0x42: {  	[spmem:s10] =	stream.linear.scatter [tilespmem:s29], [sflag:$0x5], $0x2800, $0x38;
	[tilespmem:$0x1E000] =	vst v63  }
0x43: {  	_ =	swait.ge [sflag:s30], $0x2800  }
0x44: {  	[sflag:s30] =	ssyncset.done $0x0  }
0x45: {  	[sflag:s30] =	ssyncadd.s32 $0xFFFFD800  }
0x46: {  	[spmem:s12] =	stream.linear.scatter [tilespmem:s29], [sflag:$0x5], $0x2800, $0x38;
	[tilespmem:$0x1E000] =	vst v63  }
0x47: {  	_ =	swait.ge [sflag:s30], $0x2800  }
0x48: {  	[sflag:s30] =	ssyncset.done $0x0  }
0x49: {  	[sflag:s30] =	ssyncadd.s32 $0xFFFFD800  }
0x4a: {  	[spmem:s26] =	stream.linear.scatter [tilespmem:s29], [sflag:$0x5], $0x2400, $0x38;
	[tilespmem:$0x1E000] =	vst v63  }
0x4b: {  	_ =	swait.ge [sflag:s30], $0x2400  }
0x4c: {  	[sflag:s30] =	ssyncset.done $0x0  }
0x4d: {  	[sflag:s30] =	ssyncadd.s32 $0xFFFFDC00  }
0x4e: {  	[bflag:$0x0] =	sbarrier.arrive $0xFFFF  }
0x4f: {  	s7 =	simm.s32 $0x0;
	s8 =	rddreg [dreg:$0x8]  }
0x50: {  	[tilespmem:s7], [sflag:$0x5] =	stream.linear.gather [hbm4b:s8+s7], $0x180, $0x38;
	[tilespmem:$0x1E000] =	vst v63  }
0x51: {  	_ =	swait.ge [sflag:s30], $0x180  }
0x52: {  	[sflag:s30] =	ssyncset.done $0x0  }
0x53: {  	[sflag:s30] =	ssyncadd.s32 $0xFFFFFE80  }
0x54: {  	[tilespmem:s29], [sflag:$0x1] =	stream.indirect.gather [hbm4b:s4+s31], $0x80, s7, s31, $0xb8;
	[tilespmem:$0x1E000] =	vst v63  }
0x55: {  	_ = 	snop  }
0x56: {  	[tilespmem:s0], [sflag:$0x2] =	stream.indirect.gather [hbm4b:s5+s31], $0x80, s1, s31, $0xb8;
	[tilespmem:$0x1E000] =	vst v63  }
0x57: {  	s11 =	rddreg [dreg:$0x9]  }
0x58: {  	[tilespmem:s14], [sflag:$0x5] =	stream.linear.gather [hbm4b:s11+s7], $0x180, $0x38;
	[tilespmem:$0x1E000] =	vst v63  }
0x59: {  	_ =	swait.ge [sflag:s30], $0x180  }
0x5a: {  	[sflag:s30] =	ssyncset.done $0x0  }
0x5b: {  	[sflag:s30] =	ssyncadd.s32 $0xFFFFFE80  }
0x5c: {  	[tilespmem:s15], [sflag:$0x3] =	stream.indirect.gather [hbm4b:s4+s31], $0x80, s14, s31, $0xb8;
	[tilespmem:$0x1E000] =	vst v63  }
0x5d: {  	_ = 	snop  }
0x5e: {  	[tilespmem:s18], [sflag:$0x4] =	stream.indirect.gather [hbm4b:s5+s31], $0x80, s17, s31, $0xb8;
	[tilespmem:$0x1E000] =	vst v63  }
.LBB2_4:
0x5f: {  	_ =	swait.ge [sflag:s19], $0x2800  }
0x60: {  	[sflag:s19] =	ssyncset.done $0x0  }
0x61: {  	[sflag:s19] =	ssyncadd.s32 $0xFFFFD800  }
0x62: {  	_ =	swait.ge [sflag:s20], $0x2800  }
0x63: {  	[sflag:s20] =	ssyncset.done $0x0  }
0x64: {  	s8 =	simm.s32 $0x0;
	[sflag:s20] =	ssyncadd.s32 $0xFFFFD800  }
0x65: {  	v7 =	vld [tilespmem:s8+$0x2A00]  }
0x66: {  	v12 =	vld [tilespmem:s8+$0x2A10]  }
0x67: {  	v6 =	vld [tilespmem:s8+$0x2A20]  }
0x68: {  	v5 =	vld [tilespmem:s8+$0x2A30]  }
0x69: {  	v4 =	vld [tilespmem:s8+$0x2A40]  }
0x6a: {  	v3 =	vld [tilespmem:s8+$0x2A50]  }
0x6b: {  	v2 =	vld [tilespmem:s8+$0x2A60]  }
0x6c: {  	v1 =	vld [tilespmem:s8+$0x2A70]  }
0x6d: {  	v13 =	vld [tilespmem:s8+$0x200]  }
0x6e: {  	v14 =	vld [tilespmem:s8+$0x210]  }
0x6f: {  	v11 =	vld [tilespmem:s8+$0x220]  }
0x70: {  	v10 =	vld [tilespmem:s8+$0x230]  }
0x71: {  	v9 =	vld [tilespmem:s8+$0x240]  }
0x72: {  	v8 =	vld [tilespmem:s8+$0x250];
	v13 =	vadd.f32 v7, v13  }
0x73: {  	s9 =	simm.s32 $0x200;
	v12 =	vadd.f32 v12, v14;
	v7 =	vld [tilespmem:s8+$0x260]  }
.LBB2_5:
0x74: {  	s10 =	sshra.s32 s9, $0x2;
	p0 =	sne.s32 s9, $0x9E00;
	v13 =	vmax.f32 v13, $0.0e+00;
	v6 =	vadd.f32 v6, v11;
	v11 =	vld [tilespmem:s8+$0x270]  }
0x75: {  	v14 =	vld [tilespmem:s10+$0x2A00];
	[tilespmem:s8+$0x200] =	vst v13;
	v12 =	vmax.f32 v12, $0.0e+00;
	v5 =	vadd.f32 v5, v10  }
0x76: {  	v15 =	vld [tilespmem:s10+$0x2A10];
	[tilespmem:s8+$0x210] =	vst v12;
	v10 =	vmax.f32 v6, $0.0e+00;
	v4 =	vadd.f32 v4, v9  }
0x77: {  	v6 =	vld [tilespmem:s10+$0x2A20];
	[tilespmem:s8+$0x220] =	vst v10;
	v9 =	vmax.f32 v5, $0.0e+00;
	v3 =	vadd.f32 v3, v8  }
0x78: {  	v5 =	vld [tilespmem:s10+$0x2A30];
	[tilespmem:s8+$0x230] =	vst v9;
	v8 =	vmax.f32 v4, $0.0e+00;
	v2 =	vadd.f32 v2, v7  }
0x79: {  	v4 =	vld [tilespmem:s10+$0x2A40];
	[tilespmem:s8+$0x240] =	vst v8;
	v7 =	vmax.f32 v3, $0.0e+00;
	v1 =	vadd.f32 v1, v11  }
0x7a: {  	v3 =	vld [tilespmem:s10+$0x2A50];
	[tilespmem:s8+$0x250] =	vst v7;
	v7 =	vmax.f32 v2, $0.0e+00  }
0x7b: {  	v2 =	vld [tilespmem:s10+$0x2A60];
	[tilespmem:s8+$0x260] =	vst v7;
	v7 =	vmax.f32 v1, $0.0e+00  }
0x7c: {  	v1 =	vld [tilespmem:s10+$0x2A70];
	[tilespmem:s8+$0x270] =	vst v7;
	s8 =	smov.u32 s10  }
0x7d: {  	v7 =	vld [tilespmem:s8+$0x200]  }
0x7e: {  	v12 =	vld [tilespmem:s8+$0x210]  }
.Ltmp1:
0x7f: {  	v11 =	vld [tilespmem:s8+$0x220];
	(pc) =	sbr.rel @p0 .LBB2_5-.Ltmp1, $4  }
0x80: {  	v10 =	vld [tilespmem:s8+$0x230]  }
0x81: {  	v9 =	vld [tilespmem:s8+$0x240]  }
0x82: {  	v13 =	vadd.f32 v14, v7;
	v8 =	vld [tilespmem:s8+$0x250]  }
0x83: {  	s9 =	sadd.s32 $0x200, s9;
	v12 =	vadd.f32 v15, v12;
	v7 =	vld [tilespmem:s8+$0x260]  }
0x84: {  	v13 =	vmax.f32 v13, $0.0e+00;
	v6 =	vadd.f32 v6, v11;
	v11 =	vld [tilespmem:s8+$0x270]  }
0x85: {  	[tilespmem:s8+$0x200] =	vst v13;
	v12 =	vmax.f32 v12, $0.0e+00;
	v5 =	vadd.f32 v5, v10  }
0x86: {  	[tilespmem:s8+$0x210] =	vst v12;
	v6 =	vmax.f32 v6, $0.0e+00;
	v4 =	vadd.f32 v4, v9  }
0x87: {  	[tilespmem:s8+$0x220] =	vst v6;
	v5 =	vmax.f32 v5, $0.0e+00;
	v3 =	vadd.f32 v3, v8  }
0x88: {  	[tilespmem:s8+$0x230] =	vst v5;
	v4 =	vmax.f32 v4, $0.0e+00;
	v2 =	vadd.f32 v2, v7  }
0x89: {  	[tilespmem:s8+$0x240] =	vst v4;
	v3 =	vmax.f32 v3, $0.0e+00;
	v1 =	vadd.f32 v1, v11  }
0x8a: {  	[tilespmem:s8+$0x250] =	vst v3;
	v2 =	vmax.f32 v2, $0.0e+00  }
0x8b: {  	[tilespmem:s8+$0x260] =	vst v2;
	v1 =	vmax.f32 v1, $0.0e+00  }
0x8c: {  	[tilespmem:s8+$0x270] =	vst v1;
	s8 =	sshll.u32 s7, $0x1  }
0x8d: {  	[spmem:s2] =	stream.indirect.scatter.add.f32 [tilespmem:s29], [sflag:$0x5], $0x80, s21, s31, $0xb8;
	[tilespmem:$0x1E000] =	vst v63  }
0x8e: {  	s9 =	sadd.s32 s13, s8;
	_ =	swait.ge [sflag:s30], $0x2800  }
0x8f: {  	s9 =	sshll.u32 s9, $0x6;
	[sflag:s30] =	ssyncset.done $0x0  }
0x90: {  	s10 =	simm.s32 $0x0;
	s9 =	sadd.s32 s9, s16;
	[sflag:s30] =	ssyncadd.s32 $0xFFFFD800  }
0x91: {  	[tilespmem:s10], [sflag:$0x5] =	stream.linear.gather [hbm4b:s9+s10], $0x180, $0x38;
	[tilespmem:$0x1E000] =	vst v63  }
0x92: {  	_ =	swait.ge [sflag:s30], $0x180  }
0x93: {  	[sflag:s30] =	ssyncset.done $0x0  }
0x94: {  	[sflag:s30] =	ssyncadd.s32 $0xFFFFFE80  }
0x95: {  	[tilespmem:s29], [sflag:$0x1] =	stream.indirect.gather [hbm4b:s4+s31], $0x80, s10, s31, $0xb8;
	[tilespmem:$0x1E000] =	vst v63  }
0x96: {  	_ = 	snop  }
0x97: {  	[tilespmem:s0], [sflag:$0x2] =	stream.indirect.gather [hbm4b:s5+s31], $0x80, s1, s31, $0xb8;
	[tilespmem:$0x1E000] =	vst v63  }
0x98: {  	_ =	swait.ge [sflag:s22], $0x2800  }
0x99: {  	[sflag:s22] =	ssyncset.done $0x0  }
0x9a: {  	[sflag:s22] =	ssyncadd.s32 $0xFFFFD800  }
0x9b: {  	_ =	swait.ge [sflag:s23], $0x2800  }
0x9c: {  	[sflag:s23] =	ssyncset.done $0x0  }
0x9d: {  	s9 =	simm.s32 $0x0;
	[sflag:s23] =	ssyncadd.s32 $0xFFFFD800  }
0x9e: {  	v7 =	vld [tilespmem:s9+$0x7C00]  }
0x9f: {  	v12 =	vld [tilespmem:s9+$0x7C10]  }
0xa0: {  	v6 =	vld [tilespmem:s9+$0x7C20]  }
0xa1: {  	v5 =	vld [tilespmem:s9+$0x7C30]  }
0xa2: {  	v4 =	vld [tilespmem:s9+$0x7C40]  }
0xa3: {  	v3 =	vld [tilespmem:s9+$0x7C50]  }
0xa4: {  	v2 =	vld [tilespmem:s9+$0x7C60]  }
0xa5: {  	v1 =	vld [tilespmem:s9+$0x7C70]  }
0xa6: {  	v13 =	vld [tilespmem:s9+$0x5400]  }
0xa7: {  	v14 =	vld [tilespmem:s9+$0x5410]  }
0xa8: {  	v11 =	vld [tilespmem:s9+$0x5420]  }
0xa9: {  	v10 =	vld [tilespmem:s9+$0x5430]  }
0xaa: {  	v9 =	vld [tilespmem:s9+$0x5440]  }
0xab: {  	v8 =	vld [tilespmem:s9+$0x5450];
	v13 =	vadd.f32 v7, v13  }
0xac: {  	s10 =	simm.s32 $0x200;
	v12 =	vadd.f32 v12, v14;
	v7 =	vld [tilespmem:s9+$0x5460]  }
.LBB2_7:
0xad: {  	s11 =	sshra.s32 s10, $0x2;
	p0 =	sne.s32 s10, $0x9E00;
	v13 =	vmax.f32 v13, $0.0e+00;
	v6 =	vadd.f32 v6, v11;
	v11 =	vld [tilespmem:s9+$0x5470]  }
0xae: {  	v14 =	vld [tilespmem:s11+$0x7C00];
	[tilespmem:s9+$0x5400] =	vst v13;
	v12 =	vmax.f32 v12, $0.0e+00;
	v5 =	vadd.f32 v5, v10  }
0xaf: {  	v15 =	vld [tilespmem:s11+$0x7C10];
	[tilespmem:s9+$0x5410] =	vst v12;
	v10 =	vmax.f32 v6, $0.0e+00;
	v4 =	vadd.f32 v4, v9  }
0xb0: {  	v6 =	vld [tilespmem:s11+$0x7C20];
	[tilespmem:s9+$0x5420] =	vst v10;
	v9 =	vmax.f32 v5, $0.0e+00;
	v3 =	vadd.f32 v3, v8  }
0xb1: {  	v5 =	vld [tilespmem:s11+$0x7C30];
	[tilespmem:s9+$0x5430] =	vst v9;
	v8 =	vmax.f32 v4, $0.0e+00;
	v2 =	vadd.f32 v2, v7  }
0xb2: {  	v4 =	vld [tilespmem:s11+$0x7C40];
	[tilespmem:s9+$0x5440] =	vst v8;
	v7 =	vmax.f32 v3, $0.0e+00;
	v1 =	vadd.f32 v1, v11  }
0xb3: {  	v3 =	vld [tilespmem:s11+$0x7C50];
	[tilespmem:s9+$0x5450] =	vst v7;
	v7 =	vmax.f32 v2, $0.0e+00  }
0xb4: {  	v2 =	vld [tilespmem:s11+$0x7C60];
	[tilespmem:s9+$0x5460] =	vst v7;
	v7 =	vmax.f32 v1, $0.0e+00  }
0xb5: {  	v1 =	vld [tilespmem:s11+$0x7C70];
	[tilespmem:s9+$0x5470] =	vst v7;
	s9 =	smov.u32 s11  }
0xb6: {  	v7 =	vld [tilespmem:s9+$0x5400]  }
0xb7: {  	v12 =	vld [tilespmem:s9+$0x5410]  }
.Ltmp2:
0xb8: {  	v11 =	vld [tilespmem:s9+$0x5420];
	(pc) =	sbr.rel @p0 .LBB2_7-.Ltmp2, $4  }
0xb9: {  	v10 =	vld [tilespmem:s9+$0x5430]  }
0xba: {  	v9 =	vld [tilespmem:s9+$0x5440]  }
0xbb: {  	v13 =	vadd.f32 v14, v7;
	v8 =	vld [tilespmem:s9+$0x5450]  }
0xbc: {  	s10 =	sadd.s32 $0x200, s10;
	v12 =	vadd.f32 v15, v12;
	v7 =	vld [tilespmem:s9+$0x5460]  }
0xbd: {  	v13 =	vmax.f32 v13, $0.0e+00;
	v6 =	vadd.f32 v6, v11;
	v63 =	vld [tilespmem:s9+$0x5470]  }
0xbe: {  	[tilespmem:s9+$0x5400] =	vst v13;
	v12 =	vmax.f32 v12, $0.0e+00;
	v5 =	vadd.f32 v5, v10  }
0xbf: {  	[tilespmem:s9+$0x5410] =	vst v12;
	v6 =	vmax.f32 v6, $0.0e+00;
	v4 =	vadd.f32 v4, v9  }
0xc0: {  	[tilespmem:s9+$0x5420] =	vst v6;
	v5 =	vmax.f32 v5, $0.0e+00;
	v3 =	vadd.f32 v3, v8  }
0xc1: {  	[tilespmem:s9+$0x5430] =	vst v5;
	v4 =	vmax.f32 v4, $0.0e+00;
	v2 =	vadd.f32 v2, v7  }
0xc2: {  	[tilespmem:s9+$0x5440] =	vst v4;
	v3 =	vmax.f32 v3, $0.0e+00;
	v1 =	vadd.f32 v1, v63  }
0xc3: {  	[tilespmem:s9+$0x5450] =	vst v3;
	v2 =	vmax.f32 v2, $0.0e+00  }
0xc4: {  	p0 =	seq.s32 s7, $0x3D;
	[tilespmem:s9+$0x5460] =	vst v2;
	v1 =	vmax.f32 v1, $0.0e+00  }
.Ltmp3:
0xc5: {  	[tilespmem:s9+$0x5470] =	vst v1;
	(pc) =	sbr.rel @p0 .LBB2_10-.Ltmp3, $4  }
0xc6: {  	[spmem:s2] =	stream.indirect.scatter.add.f32 [tilespmem:s15], [sflag:$0x5], $0x80, s24, s31, $0xb8;
	[tilespmem:$0x1E000] =	vst v63  }
0xc7: {  	_ =	swait.ge [sflag:s30], $0x2800  }
0xc8: {  	[sflag:s30] =	ssyncset.done $0x0  }
0xc9: {  	[sflag:s30] =	ssyncadd.s32 $0xFFFFD800  }
0xca: {  	s8 =	sadd.s32 s8, s28  }
0xcb: {  	s8 =	sshll.u32 s8, $0x6  }
0xcc: {  	s8 =	sadd.s32 s8, s16  }
0xcd: {  	[tilespmem:s14], [sflag:$0x5] =	stream.linear.gather [hbm4b:s8+s3], $0x180, $0x38;
	[tilespmem:$0x1E000] =	vst v63  }
0xce: {  	_ =	swait.ge [sflag:s30], $0x180  }
.Ltmp4:
0xcf: {  	[sflag:s30] =	ssyncset.done $0x0;
	(pc) =	sbr.rel .LBB2_4-.Ltmp4, $4  }
0xd0: {  	[sflag:s30] =	ssyncadd.s32 $0xFFFFFE80  }
0xd1: {  	[tilespmem:s15], [sflag:$0x3] =	stream.indirect.gather [hbm4b:s4+s31], $0x80, s14, s31, $0xb8;
	[tilespmem:$0x1E000] =	vst v63  }
0xd2: {  	s7 =	sadd.s32 $0x1, s7  }
0xd3: {  	[tilespmem:s18], [sflag:$0x4] =	stream.indirect.gather [hbm4b:s5+s31], $0x80, s17, s31, $0xb8;
	[tilespmem:$0x1E000] =	vst v63  }
.LBB2_10:
0xd4: {  	_ =	swait.ge [sflag:s19], $0x2800  }
0xd5: {  	[sflag:s19] =	ssyncset.done $0x0  }
0xd6: {  	[sflag:s19] =	ssyncadd.s32 $0xFFFFD800  }
0xd7: {  	_ =	swait.ge [sflag:s20], $0x2800  }
0xd8: {  	[sflag:s20] =	ssyncset.done $0x0  }
0xd9: {  	s7 =	simm.s32 $0x0;
	[sflag:s20] =	ssyncadd.s32 $0xFFFFD800  }
0xda: {  	v7 =	vld [tilespmem:s7+$0x2A00]  }
0xdb: {  	v12 =	vld [tilespmem:s7+$0x2A10]  }
0xdc: {  	v6 =	vld [tilespmem:s7+$0x2A20]  }
0xdd: {  	v5 =	vld [tilespmem:s7+$0x2A30]  }
0xde: {  	v4 =	vld [tilespmem:s7+$0x2A40]  }
0xdf: {  	v3 =	vld [tilespmem:s7+$0x2A50]  }
0xe0: {  	v2 =	vld [tilespmem:s7+$0x2A60]  }
0xe1: {  	v1 =	vld [tilespmem:s7+$0x2A70]  }
0xe2: {  	v13 =	vld [tilespmem:s7+$0x200]  }
0xe3: {  	v14 =	vld [tilespmem:s7+$0x210]  }
0xe4: {  	v11 =	vld [tilespmem:s7+$0x220]  }
0xe5: {  	v10 =	vld [tilespmem:s7+$0x230]  }
0xe6: {  	v9 =	vld [tilespmem:s7+$0x240]  }
0xe7: {  	v8 =	vld [tilespmem:s7+$0x250];
	v13 =	vadd.f32 v7, v13  }
0xe8: {  	s8 =	simm.s32 $0x200;
	v12 =	vadd.f32 v12, v14;
	v7 =	vld [tilespmem:s7+$0x260]  }
.LBB2_11:
0xe9: {  	s9 =	sshra.s32 s8, $0x2;
	p0 =	sne.s32 s8, $0x9E00;
	v13 =	vmax.f32 v13, $0.0e+00;
	v6 =	vadd.f32 v6, v11;
	v11 =	vld [tilespmem:s7+$0x270]  }
0xea: {  	v14 =	vld [tilespmem:s9+$0x2A00];
	[tilespmem:s7+$0x200] =	vst v13;
	v12 =	vmax.f32 v12, $0.0e+00;
	v5 =	vadd.f32 v5, v10  }
0xeb: {  	v15 =	vld [tilespmem:s9+$0x2A10];
	[tilespmem:s7+$0x210] =	vst v12;
	v10 =	vmax.f32 v6, $0.0e+00;
	v4 =	vadd.f32 v4, v9  }
0xec: {  	v6 =	vld [tilespmem:s9+$0x2A20];
	[tilespmem:s7+$0x220] =	vst v10;
	v9 =	vmax.f32 v5, $0.0e+00;
	v3 =	vadd.f32 v3, v8  }
0xed: {  	v5 =	vld [tilespmem:s9+$0x2A30];
	[tilespmem:s7+$0x230] =	vst v9;
	v8 =	vmax.f32 v4, $0.0e+00;
	v2 =	vadd.f32 v2, v7  }
0xee: {  	v4 =	vld [tilespmem:s9+$0x2A40];
	[tilespmem:s7+$0x240] =	vst v8;
	v7 =	vmax.f32 v3, $0.0e+00;
	v1 =	vadd.f32 v1, v11  }
0xef: {  	v3 =	vld [tilespmem:s9+$0x2A50];
	[tilespmem:s7+$0x250] =	vst v7;
	v7 =	vmax.f32 v2, $0.0e+00  }
0xf0: {  	v2 =	vld [tilespmem:s9+$0x2A60];
	[tilespmem:s7+$0x260] =	vst v7;
	v7 =	vmax.f32 v1, $0.0e+00  }
0xf1: {  	v1 =	vld [tilespmem:s9+$0x2A70];
	[tilespmem:s7+$0x270] =	vst v7;
	s7 =	smov.u32 s9  }
0xf2: {  	v7 =	vld [tilespmem:s7+$0x200]  }
0xf3: {  	v12 =	vld [tilespmem:s7+$0x210]  }
.Ltmp5:
0xf4: {  	v11 =	vld [tilespmem:s7+$0x220];
	(pc) =	sbr.rel @p0 .LBB2_11-.Ltmp5, $4  }
0xf5: {  	v10 =	vld [tilespmem:s7+$0x230]  }
0xf6: {  	v9 =	vld [tilespmem:s7+$0x240]  }
0xf7: {  	v13 =	vadd.f32 v14, v7;
	v8 =	vld [tilespmem:s7+$0x250]  }
0xf8: {  	s8 =	sadd.s32 $0x200, s8;
	v12 =	vadd.f32 v15, v12;
	v7 =	vld [tilespmem:s7+$0x260]  }
0xf9: {  	v13 =	vmax.f32 v13, $0.0e+00;
	v6 =	vadd.f32 v6, v11;
	v63 =	vld [tilespmem:s7+$0x270]  }
0xfa: {  	[tilespmem:s7+$0x200] =	vst v13;
	v12 =	vmax.f32 v12, $0.0e+00;
	v5 =	vadd.f32 v5, v10  }
0xfb: {  	[tilespmem:s7+$0x210] =	vst v12;
	v6 =	vmax.f32 v6, $0.0e+00;
	v4 =	vadd.f32 v4, v9  }
0xfc: {  	[tilespmem:s7+$0x220] =	vst v6;
	v5 =	vmax.f32 v5, $0.0e+00;
	v3 =	vadd.f32 v3, v8  }
0xfd: {  	[tilespmem:s7+$0x230] =	vst v5;
	v4 =	vmax.f32 v4, $0.0e+00;
	v2 =	vadd.f32 v2, v7  }
0xfe: {  	[tilespmem:s7+$0x240] =	vst v4;
	v3 =	vmax.f32 v3, $0.0e+00;
	v1 =	vadd.f32 v1, v63  }
0xff: {  	[tilespmem:s7+$0x250] =	vst v3;
	v2 =	vmax.f32 v2, $0.0e+00  }
0x100: {  	[tilespmem:s7+$0x260] =	vst v2;
	v1 =	vmax.f32 v1, $0.0e+00  }
0x101: {  	[tilespmem:s7+$0x270] =	vst v1  }
0x102: {  	[spmem:s2] =	stream.indirect.scatter.add.f32 [tilespmem:s29], [sflag:$0x5], $0x80, s21, s31, $0xb8;
	[tilespmem:$0x1E000] =	vst v63  }
0x103: {  	_ =	swait.ge [sflag:s30], $0x2800  }
0x104: {  	[sflag:s30] =	ssyncset.done $0x0  }
0x105: {  	[sflag:s30] =	ssyncadd.s32 $0xFFFFD800  }
0x106: {  	[bflag:$0x0] =	sbarrier.arrive $0xFFFF  }
0x107: {  	[tilespmem:s29], [sflag:$0x5] =	stream.linear.gather [spmem:s6], $0x2800, $0x38;
	[tilespmem:$0x1E000] =	vst v63  }
0x108: {  	_ =	swait.ge [sflag:s30], $0x2800  }
0x109: {  	[sflag:s30] =	ssyncset.done $0x0  }
0x10a: {  	s10 =	rddreg [dreg:$0xa];
	[sflag:s30] =	ssyncadd.s32 $0xFFFFD800  }
0x10b: {  	[hbm4b:s10+s3] =	stream.linear.scatter [tilespmem:s29], [sflag:$0x5], $0x2800, $0x38;
	[tilespmem:$0x1E000] =	vst v63  }
0x10c: {  	_ =	swait.ge [sflag:s30], $0x2800  }
0x10d: {  	[sflag:s30] =	ssyncset.done $0x0  }
0x10e: {  	s11 =	rddreg [dreg:$0x3];
	[sflag:s30] =	ssyncadd.s32 $0xFFFFD800  }
0x10f: {  	[tilespmem:s29], [sflag:$0x5] =	stream.linear.gather [spmem:s11], $0x2800, $0x38;
	[tilespmem:$0x1E000] =	vst v63  }
0x110: {  	_ =	swait.ge [sflag:s30], $0x2800  }
0x111: {  	[sflag:s30] =	ssyncset.done $0x0  }
0x112: {  	s8 =	rddreg [dreg:$0xb];
	[sflag:s30] =	ssyncadd.s32 $0xFFFFD800  }
0x113: {  	[hbm4b:s8+s3] =	stream.linear.scatter [tilespmem:s29], [sflag:$0x5], $0x2800, $0x38;
	[tilespmem:$0x1E000] =	vst v63  }
0x114: {  	_ =	swait.ge [sflag:s30], $0x2800  }
0x115: {  	[sflag:s30] =	ssyncset.done $0x0  }
0x116: {  	s9 =	rddreg [dreg:$0x4];
	[sflag:s30] =	ssyncadd.s32 $0xFFFFD800  }
0x117: {  	[tilespmem:s29], [sflag:$0x5] =	stream.linear.gather [spmem:s9], $0x2800, $0x38;
	[tilespmem:$0x1E000] =	vst v63  }
0x118: {  	_ =	swait.ge [sflag:s30], $0x2800  }
0x119: {  	[sflag:s30] =	ssyncset.done $0x0  }
0x11a: {  	s10 =	rddreg [dreg:$0xc];
	[sflag:s30] =	ssyncadd.s32 $0xFFFFD800  }
0x11b: {  	[hbm4b:s10+s3] =	stream.linear.scatter [tilespmem:s29], [sflag:$0x5], $0x2800, $0x38;
	[tilespmem:$0x1E000] =	vst v63  }
0x11c: {  	_ =	swait.ge [sflag:s30], $0x2800  }
0x11d: {  	[sflag:s30] =	ssyncset.done $0x0  }
0x11e: {  	s11 =	rddreg [dreg:$0x5];
	[sflag:s30] =	ssyncadd.s32 $0xFFFFD800  }
0x11f: {  	[tilespmem:s29], [sflag:$0x5] =	stream.linear.gather [spmem:s11], $0x2800, $0x38;
	[tilespmem:$0x1E000] =	vst v63  }
0x120: {  	_ =	swait.ge [sflag:s30], $0x2800  }
0x121: {  	[sflag:s30] =	ssyncset.done $0x0  }
0x122: {  	s8 =	rddreg [dreg:$0xd];
	[sflag:s30] =	ssyncadd.s32 $0xFFFFD800  }
0x123: {  	[hbm4b:s8+s3] =	stream.linear.scatter [tilespmem:s29], [sflag:$0x5], $0x2800, $0x38;
	[tilespmem:$0x1E000] =	vst v63  }
0x124: {  	_ =	swait.ge [sflag:s30], $0x2800  }
0x125: {  	[sflag:s30] =	ssyncset.done $0x0  }
0x126: {  	s9 =	rddreg [dreg:$0x6];
	[sflag:s30] =	ssyncadd.s32 $0xFFFFD800  }
0x127: {  	[tilespmem:s29], [sflag:$0x5] =	stream.linear.gather [spmem:s9], $0x2800, $0x38;
	[tilespmem:$0x1E000] =	vst v63  }
0x128: {  	_ =	swait.ge [sflag:s30], $0x2800  }
0x129: {  	[sflag:s30] =	ssyncset.done $0x0  }
0x12a: {  	s10 =	rddreg [dreg:$0xe];
	[sflag:s30] =	ssyncadd.s32 $0xFFFFD800  }
0x12b: {  	[hbm4b:s10+s3] =	stream.linear.scatter [tilespmem:s29], [sflag:$0x5], $0x2800, $0x38;
	[tilespmem:$0x1E000] =	vst v63  }
0x12c: {  	_ =	swait.ge [sflag:s30], $0x2800  }
0x12d: {  	[sflag:s30] =	ssyncset.done $0x0  }
0x12e: {  	s11 =	rddreg [dreg:$0x7];
	[sflag:s30] =	ssyncadd.s32 $0xFFFFD800  }
0x12f: {  	[tilespmem:s29], [sflag:$0x5] =	stream.linear.gather [spmem:s11], $0x2800, $0x38;
	[tilespmem:$0x1E000] =	vst v63  }
0x130: {  	_ =	swait.ge [sflag:s30], $0x2800  }
0x131: {  	[sflag:s30] =	ssyncset.done $0x0  }
0x132: {  	s8 =	rddreg [dreg:$0xf];
	[sflag:s30] =	ssyncadd.s32 $0xFFFFD800  }
0x133: {  	[hbm4b:s8+s3] =	stream.linear.scatter [tilespmem:s29], [sflag:$0x5], $0x2800, $0x38;
	[tilespmem:$0x1E000] =	vst v63  }
0x134: {  	_ =	swait.ge [sflag:s30], $0x2800  }
0x135: {  	[sflag:s30] =	ssyncset.done $0x0  }
0x136: {  	[sflag:s30] =	ssyncadd.s32 $0xFFFFD800  }
0x137: {  	[tilespmem:s29], [sflag:$0x5] =	stream.linear.gather [spmem:s12], $0x2800, $0x38;
	[tilespmem:$0x1E000] =	vst v63  }
0x138: {  	_ =	swait.ge [sflag:s30], $0x2800  }
0x139: {  	[sflag:s30] =	ssyncset.done $0x0  }
0x13a: {  	s9 =	rddreg [dreg:$0x10];
	[sflag:s30] =	ssyncadd.s32 $0xFFFFD800  }
0x13b: {  	[hbm4b:s9+s3] =	stream.linear.scatter [tilespmem:s29], [sflag:$0x5], $0x2800, $0x38;
	[tilespmem:$0x1E000] =	vst v63  }
0x13c: {  	_ =	swait.ge [sflag:s30], $0x2800  }
0x13d: {  	[sflag:s30] =	ssyncset.done $0x0  }
0x13e: {  	[sflag:s30] =	ssyncadd.s32 $0xFFFFD800  }
0x13f: {  	[tilespmem:s29], [sflag:$0x5] =	stream.linear.gather [spmem:s26], $0x2400, $0x38;
	[tilespmem:$0x1E000] =	vst v63  }
0x140: {  	_ =	swait.ge [sflag:s30], $0x2400  }
0x141: {  	[sflag:s30] =	ssyncset.done $0x0  }
0x142: {  	s10 =	rddreg [dreg:$0x11];
	[sflag:s30] =	ssyncadd.s32 $0xFFFFDC00  }
0x143: {  	[hbm4b:s10+s3] =	stream.linear.scatter [tilespmem:s29], [sflag:$0x5], $0x2400, $0x38;
	[tilespmem:$0x1E000] =	vst v63  }
0x144: {  	_ =	swait.ge [sflag:s30], $0x2400  }
0x145: {  	s25 =	sadd.s32 $0x1, s25;
	s11 =	rddreg [dreg:$0x12]  }
0x146: {  	p0 =	sne.s32 s25, s11  }
.Ltmp6:
0x147: {  	_ = 	snop;
	(pc) =	sbr.rel @p0 .LBB2_1-.Ltmp6, $3  }
0x148: {  	_ =	sdelay $0x1  }
0x149: {  	[sflag:s30] =	ssyncset.done $0x0  }
0x14a: {  	[sflag:s30] =	ssyncadd.s32 $0xFFFFDC00  }
0x14b: {  	_ =	sfence.sel $0x180000  }
0x14c: {  	[bflag:$0x0] =	sbarrier.arrive $0xFFFF  }
0x14d: {  	_ =	strace $0x90000047  }
0x14e: {  	s0 =	stileid.u32;
	[bflag:$0x2] =	sbarrier.arrive $0xFFFF  }
0x14f: {  	p0 =	sne.s32 s0, $0x0;
	s0 =	rddreg [dreg:$0x2]  }
0x150: {  	s0 =	sadd.s32 @!p0 $0x100000, s0  }
0x151: {  	[sflag:s0] =	ssyncadd.tile.s32 @!p0 $0x1;
	_ =	shalt  }
.Lfunc_end2:
_tile_overlayer_lowered:
.L_overlay_start_2:
0x152: {  	(tag) =	ssettag $0x2  }
0x153: {  	s0 =	rddreg [dreg:$0x0];
	s2 =	stileid.u32  }
0x154: {  	s1 =	rddreg [dreg:$0x1];
	p0 =	sne.s32 s2, $0x0  }
0x155: {  	s3 =	rddreg [dreg:$0x2];
	[bflag:$0x3] =	sbarrier.arrive $0xFFFF;
	s2 =	simm.s32 @!p0 $0x1C05  }
0x156: {  	[timem:s3], [sflag:s2] =	dma.local @!p0 [hbm:s0], s1  }
0x157: {  	s0 =	simm.s32 @!p0 $0x5  }
0x158: {  	_ =	swait.ge @!p0 [sflag:s0], s1  }
0x159: {  	s1 =	ssub.s32 @!p0 $0x0, s1;
	[sflag:s0] =	ssyncset.done @!p0 $0x0  }
0x15a: {  	[sflag:s0] =	ssyncadd.s32 @!p0 s1  }
0x15b: {  	[bflag:$0x3] =	sbarrier.arrive $0xFFFF  }
0x15c: {  	_ =	shalt  }

// kernel: kernel.13.cloned.1.call-start
scs
__scs_entry_jumppad:
0x0: {  	(pc) =	sbr.rel $0x88, $3  }
0x1: {  	(tag) =	ssettag $0x0;
	lr =	simm.s32 $0x1  }
0x2: {  	[smem:$0x3F84] =	sst lr;
	_ =	strace $0xD0000000  }
0x3: {  	_ = 	snop  }
0x4: {  	_ = 	snop  }
0x5: {  	_ = 	snop  }
0x6: {  	_ = 	snop  }
0x7: {  	_ = 	snop  }
__scs_overlays_trampoline_lowered:
0x8: {  	[smem:$0x3F93] =	sst s0  }
0x9: {  	[smem:$0x3F94] =	sst s1  }
0xa: {  	[smem:$0x3F95] =	sst s2  }
0xb: {  	[smem:$0x3F96] =	sst s3  }
0xc: {  	[smem:$0x3F97] =	sst s4  }
0xd: {  	[smem:$0x3F98] =	sst s5  }
0xe: {  	[smem:$0x3F99] =	sst s6  }
0xf: {  	[smem:$0x3F9A] =	sst s7  }
0x10: {  	[smem:$0x3F9B] =	sst s8  }
0x11: {  	[smem:$0x3F9C] =	sst s9;
	s0 =	simm.s32 @!p0 $0x0  }
0x12: {  	s1 =	sld [smem:$0x3F82];
	s0 =	simm.s32 @p0 $0x1  }
0x13: {  	[smem:$0x3F9D] =	sst s0;
	s0 =	simm.s32 @!p1 $0x0  }
0x14: {  	s2 =	sld [smem:$0x3F81];
	s0 =	simm.s32 @p1 $0x1  }
0x15: {  	[smem:$0x3F9E] =	sst s0;
	s0 =	simm.s32 @!p2 $0x0  }
0x16: {  	s3 =	sld [smem:$0x3FDB];
	s0 =	simm.s32 @p2 $0x1  }
0x17: {  	s4 =	simm.s32 $0x1BF5;
	[smem:$0x3FA0] =	sst s0  }
0x18: {  	s0 =	sld [smem:$0x3F83];
	_ =	swait.ge [sflag:s4], $0x0  }
0x19: {  	s7 =	sld [smem:$0x3F84]  }
0x1a: {  	s8 =	sadd.s32 $0xFFFFE003, lr  }
0x1b: {  	s9 =	sadd.s32 $0xFFFFFEF7, lr;
	s5 =	simm.s32 $0xFFFFFFFF;
	p2 =	slt.u32 s8, $0xFFFFF086  }
0x1c: {  	p1 =	slt.u32 s9, $0xF7A;
	s5 =	simm.s32 @!p2 $0x0  }
0x1d: {  	s5 =	simm.s32 @p1 $0x1;
	p0 =	seq.s32 s7, s2  }
0x1e: {  	s7 =	smul.u32 @!p0 $0xF7A, s2;
	p2 =	seq.s32 @!p0 s5, $0x0  }
0x1f: {  	s9 =	smul.u32 $0xF7A, s1;
	s8 =	simm.s32 @!p0 $0x1BF5;
	p2 =	por !p2, p0  }
0x20: {  	[sflag:s8] =	ssyncset.s32 @!p0 $0xFFFFF086;
	s6 =	sadd.s32 @!p0 s3, s7;
	s7 =	simm.s32 @!p0 $0x108  }
0x21: {  	s3 =	sadd.s32 s3, s9;
	s6 =	sadd.s32 @!p0 $0x88, s6;
	s7 =	simm.s32 @p2 $0x1082  }
0x22: {  	[simem:s7], [sflag:s8] =	dma.local @!p0 [hbm:s6], $0xF7A  }
0x23: {  	s9 =	sor.u32 $0xD0000000, s2;
	s6 =	simm.s32 $0x108;
	_ =	swait.ge @!p0 [sflag:s8], $0x0  }
0x24: {  	s3 =	sadd.s32 $0x88, s3;
	s6 =	simm.s32 @!p1 $0x1082;
	[sflag:s4] =	ssyncset.s32 $0xFFFFF086  }
0x25: {  	[simem:s6], [sflag:s4] =	dma.local [hbm:s3], $0xF7A  }
0x26: {  	[smem:$0x3F84] =	sst s1;
	(tag) =	ssettag s2;
	_ =	strace s9  }
0x27: {  	s1 =	sld [smem:$0x3F94]  }
0x28: {  	s2 =	sld [smem:$0x3F95]  }
0x29: {  	s4 =	sld [smem:$0x3F97]  }
0x2a: {  	p0 =	seq.s32 s5, $0x0;
	s5 =	sld [smem:$0x3F98]  }
0x2b: {  	s6 =	sld [smem:$0x3F99]  }
0x2c: {  	s7 =	sld [smem:$0x3F9A]  }
0x2d: {  	s3 =	simm.s32 $0x108;
	s8 =	sld [smem:$0x3F9B]  }
0x2e: {  	s3 =	simm.s32 @!p0 $0x1082;
	s9 =	sld [smem:$0x3F9C]  }
0x2f: {  	lr =	sadd.s32 s0, s3;
	s0 =	sld [smem:$0x3F93]  }
0x30: {  	s3 =	sld [smem:$0x3F96]  }
0x31: {  	[smem:$0x3F9F] =	sst s10  }
0x32: {  	s10 =	sld [smem:$0x3F9D];
	_ =	sdelay $0x3  }
0x33: {  	p0 =	seq.s32 s10, $0x1;
	s10 =	sld [smem:$0x3F9F];
	_ =	sdelay $0x3  }
0x34: {  	[smem:$0x3F9F] =	sst s10  }
0x35: {  	s10 =	sld [smem:$0x3F9E];
	_ =	sdelay $0x3  }
0x36: {  	p1 =	seq.s32 s10, $0x1;
	s10 =	sld [smem:$0x3F9F];
	_ =	sdelay $0x3  }
0x37: {  	[smem:$0x3F9F] =	sst s10  }
0x38: {  	s10 =	sld [smem:$0x3FA0]  }
0x39: {  	_ = 	snop;
	(pc) =	sbr.ind lr, $3  }
0x3a: {  	_ = 	snop  }
0x3b: {  	_ = 	snop  }
0x3c: {  	p2 =	seq.s32 s10, $0x1;
	s10 =	sld [smem:$0x3F9F]  }
0x3d: {  	_ =	shalt  }
0x3e: {  	_ =	shalt  }
0x3f: {  	_ =	shalt  }
0x40: {  	_ =	shalt  }
0x41: {  	_ =	shalt  }
0x42: {  	_ =	shalt  }
0x43: {  	_ =	shalt  }
0x44: {  	_ =	shalt  }
0x45: {  	_ =	shalt  }
0x46: {  	_ =	shalt  }
0x47: {  	_ =	shalt  }
0x48: {  	_ =	shalt  }
0x49: {  	_ =	shalt  }
0x4a: {  	_ =	shalt  }
0x4b: {  	_ =	shalt  }
0x4c: {  	_ =	shalt  }
0x4d: {  	_ =	shalt  }
0x4e: {  	_ =	shalt  }
0x4f: {  	_ =	shalt  }
0x50: {  	_ =	shalt  }
0x51: {  	_ =	shalt  }
0x52: {  	_ =	shalt  }
0x53: {  	_ =	shalt  }
0x54: {  	_ =	shalt  }
0x55: {  	_ =	shalt  }
0x56: {  	_ =	shalt  }
0x57: {  	_ =	shalt  }
0x58: {  	_ =	shalt  }
0x59: {  	_ =	shalt  }
0x5a: {  	_ =	shalt  }
0x5b: {  	_ =	shalt  }
0x5c: {  	_ =	shalt  }
0x5d: {  	_ =	shalt  }
0x5e: {  	_ =	shalt  }
0x5f: {  	_ =	shalt  }
0x60: {  	_ =	shalt  }
0x61: {  	_ =	shalt  }
0x62: {  	_ =	shalt  }
0x63: {  	_ =	shalt  }
0x64: {  	_ =	shalt  }
0x65: {  	_ =	shalt  }
0x66: {  	_ =	shalt  }
0x67: {  	_ =	shalt  }
0x68: {  	_ =	shalt  }
0x69: {  	_ =	shalt  }
0x6a: {  	_ =	shalt  }
0x6b: {  	_ =	shalt  }
0x6c: {  	_ =	shalt  }
0x6d: {  	_ =	shalt  }
0x6e: {  	_ =	shalt  }
0x6f: {  	_ =	shalt  }
0x70: {  	_ =	shalt  }
0x71: {  	_ =	shalt  }
0x72: {  	_ =	shalt  }
0x73: {  	_ =	shalt  }
0x74: {  	_ =	shalt  }
0x75: {  	_ =	shalt  }
0x76: {  	_ =	shalt  }
0x77: {  	_ =	shalt  }
0x78: {  	_ =	shalt  }
0x79: {  	_ =	shalt  }
0x7a: {  	_ =	shalt  }
0x7b: {  	_ =	shalt  }
0x7c: {  	_ =	shalt  }
0x7d: {  	_ =	shalt  }
0x7e: {  	_ =	shalt  }
0x7f: {  	_ =	shalt  }
0x80: {  	_ =	shalt  }
0x81: {  	_ =	shalt  }
0x82: {  	_ =	shalt  }
0x83: {  	_ =	shalt  }
0x84: {  	_ =	shalt  }
0x85: {  	_ =	shalt  }
0x86: {  	_ =	shalt  }
0x87: {  	_ =	shalt  }
.Lfunc_end0:
.L_simem_size_0:
called_computation.1_lowered:
.L_overlay_start_0:
0x88: {  	s2 =	sld [smem:$0x3FD9]  }
0x89: {  	s3 =	sld [smem:$0x3FFE];
	_ =	sdelay $0x1  }
0x8a: {  	s1 =	srdreg.scid  }
0x8b: {  	s0 =	sand.u32 $0x1, s1  }
0x8c: {  	s16 =	sshll.u32 s0, $0xA;
	s2 =	sadd.s32 s3, s2  }
0x8d: {  	s2 =	sadd.s32 s2, s16  }
0x8e: {  	[smem:$0x3FAB] =	sst s2  }
0x8f: {  	_ = 	snop  }
0x90: {  	(tm) =	ssettm $0x1  }
0x91: {  	s17 =	sld [smem:$0x3FFB];
	_ =	sdelay $0x3  }
0x92: {  	_ =	strace s17  }
0x93: {  	s2 =	sld [smem:$0x3FFC];
	_ =	sdelay $0x3  }
0x94: {  	_ =	strace s2  }
0x95: {  	s2 =	sld [smem:$0x3FFD];
	_ =	sdelay $0x3  }
0x96: {  	_ =	strace s2  }
0x97: {  	_ =	strace $0x8FFFFFFF  }
0x98: {  	s18 =	sld [smem:$0x3FDB];
	_ =	sdelay $0x1  }
0x99: {  	s19 =	simm.s32 $_scs_section_size  }
0x9a: {  	s4 =	simm.s32 $_size__tile_overlayer_lowered;
	s5 =	simm.s32 $_tile_overlayer_lowered  }
0x9b: {  	s22 =	simm.s32 $0x1BFF;
	s21 =	sshll.u32 s5, $0x1;
	s2 =	sadd.s32 s19, s18  }
0x9c: {  	s6 =	simm.s32 $0x0;
	s20 =	sshll.u32 s4, $0x1;
	s4 =	sadd.s32 s21, s2  }
0x9d: {  	[timem:s6], [sflag:s22] =	dma.local [hbm:s4], s20  }
0x9e: {  	_ =	swait.ge [sflag:s22], s20  }
0x9f: {  	s3 =	ssub.s32 $0x0, s20;
	[sflag:s22] =	ssyncset.done $0x0  }
0xa0: {  	[sflag:s22] =	ssyncadd.s32 s3;
	_ =	sdelay $0x1  }
0xa1: {  	s23 =	simm.s32 $0x1B8B  }
0xa2: {  	_ =	swait.ge [sflag:s23], $0x1  }
0xa3: {  	[sflag:s23] =	ssyncset.done $0x0  }
0xa4: {  	s25 =	simm.s32 $0x1B8E;
	s24 =	sld [smem:$0x3FFE];
	[sflag:s23] =	ssyncadd.s32 $0xFFFFFFFF  }
0xa5: {  	s26 =	simm.s32 $execute0_lowered;
	[smem:$0x3FD2] =	sst s25  }
0xa6: {  	s4 =	sshll.u32 s26, $0x1;
	_ =	strace $0x80000049;
	[dreg:$0x1] =	wrdreg $0xFFFFFFFF  }
0xa7: {  	s28 =	simm.s32 $_size_execute0_lowered;
	s2 =	sadd.s32 s2, s4;
	[dreg:$0x0] =	wrdreg $0x0  }
0xa8: {  	s4 =	sshll.u32 s28, $0x1;
	[dreg:$0x2] =	wrdreg s2  }
0xa9: {  	[dreg:$0x3] =	wrdreg s4  }
0xaa: {  	[dreg:$0x4] =	wrdreg $0xC0  }
0xab: {  	_ =	task [dreg:s6], $0x5FFFF  }
0xac: {  	[dreg:$0x1] =	wrdreg $0xFFFFFFFF  }
0xad: {  	[dreg:$0x0] =	wrdreg $0x60  }
0xae: {  	[dreg:$0x2] =	wrdreg s24  }
0xaf: {  	[dreg:$0x3] =	wrdreg $0xA4000  }
0xb0: {  	[dreg:$0x4] =	wrdreg $0x9  }
0xb1: {  	_ =	task.clear_ibuf [dreg:s6], $0x5FFFF;
	_ =	strace $0x90000049  }
0xb2: {  	s29 =	simm.s32 $0x9;
	_ =	strace $0x8000004B  }
0xb3: {  	_ =	swait.ge [sflag:s29], $0x1  }
0xb4: {  	[sflag:s29] =	ssyncadd.s32 $0xFFFFFFFF  }
0xb5: {  	_ =	strace $0x9000004B  }
0xb6: {  	_ =	sfence  }
0xb7: {  	s30 =	sld [smem:$0x0];
	_ =	sdelay $0x2  }
0xb8: {  	s31 =	sshll.u32 s1, $0xD;
	s1 =	sshrl.u32 s1, $0x2  }
0xb9: {  	s3 =	sand.u32 $0x4000, s31;
	s1 =	sadd.s32 s1, s30  }
0xba: {  	s0 =	sor.u32 s3, s0;
	s1 =	sshll.u32 s1, $0x11  }
0xbb: {  	s0 =	sor.u32 s1, s0  }
0xbc: {  	s0 =	sadd.s32 $0x8F2B, s0  }
0xbd: {  	[sflag:s0] =	ssyncadd.remote.s32 $0x1  }
0xbe: {  	_ =	sfence.sel $0xFFFF  }
0xbf: {  	[dreg:$0x0] =	wrdreg $0xFFFFFFFF;
	(pc) =	sbr.abs _section_cstart, $3  }
0xc0: {  	[dreg:$0x1] =	wrdreg $0xFFFFFFFF  }
0xc1: {  	_ =	task.clear_ibuf [dreg:s6], $0x2FFFF;
	_ =	strace $0x9FFFFFFF  }
0xc2: {  	(tm) =	ssettm $0x7FFFFFFF  }
0xc3: {  	_ =	shalt  }
tec
execute0_lowered:
.L_overlay_start_1:
0x0: {  	(tag) =	ssettag $0x1  }
0x1: {  	s0 =	rddreg [dreg:$0x0]  }
0x2: {  	s1 =	srdreg.scid;
	s11 =	stileid.u32  }
0x3: {  	s2 =	rddreg [dreg:$0x1];
	s3 =	simm.s32 $0x0;
	s29 =	simm.s32 $0x200  }
0x4: {  	s30 =	simm.s32 $0x5;
	s1 =	sand.u32 $0x1, s1;
	s4 =	smul.u32 $0x278, s11  }
0x5: {  	s31 =	simm.s32 $0x50;
	[smem:$0x7FF] =	sst s3;
	s5 =	smul.u32 $0x2780, s1  }
0x6: {  	s7 =	smul.u32 $0x4F000, s11;
	_ =	strace $0x8000004A;
	s10 =	ssub.s32 $0x2, s1  }
0x7: {  	s1 =	sshll.u32 s1, $0x4;
	s26 =	sshrl.u32 s10, $0x1;
	s5 =	sadd.s32 s4, s5  }
0x8: {  	s25 =	sshrl.u32 s7, $0x2;
	s7 =	ssub.s32 s10, s26;
	s6 =	sshll.u32 s5, $0x4  }
0x9: {  	s26 =	smax.u32 s7, $0x1;
	s9 =	sadd.s32 s6, s0;
	s6 =	sadd.s32 s25, s2  }
0xa: {  	s1 =	sor.u32 s11, s1;
	[dreg:$0x12] =	wrdreg s26;
	s11 =	sadd.s32 $0x2800, s6  }
0xb: {  	s8 =	sadd.s32 $0x18200, s0;
	s13 =	sadd.s32 $0x5000, s6;
	[dreg:$0x3] =	wrdreg s11  }
0xc: {  	s4 =	sadd.s32 $0x56A00, s0;
	s14 =	sadd.s32 $0x7800, s6;
	[dreg:$0x4] =	wrdreg s13  }
0xd: {  	s12 =	smul.u32 $0xFA00, s1;
	s15 =	sadd.s32 $0xA000, s6;
	[dreg:$0x5] =	wrdreg s14  }
0xe: {  	s5 =	sadd.s32 $0x8E200, s0;
	s16 =	sadd.s32 $0xC800, s6;
	[dreg:$0x6] =	wrdreg s15  }
0xf: {  	s10 =	sshrl.u32 s12, $0x3;
	s18 =	sadd.s32 $0x9E200, s9;
	[dreg:$0x7] =	wrdreg s16  }
0x10: {  	s12 =	sadd.s32 $0xF000, s6;
	s19 =	sadd.s32 $0x9E700, s9;
	[dreg:$0xa] =	wrdreg s18  }
0x11: {  	s17 =	sadd.s32 s8, s10;
	s20 =	sadd.s32 $0x9EC00, s9;
	[dreg:$0xb] =	wrdreg s19  }
0x12: {  	s21 =	sadd.s32 $0x9F100, s9;
	s22 =	sadd.s32 $0x9F600, s9;
	[dreg:$0xc] =	wrdreg s20  }
0x13: {  	s23 =	sadd.s32 $0x9FB00, s9;
	s24 =	sadd.s32 $0xA0000, s9;
	[dreg:$0xd] =	wrdreg s21  }
0x14: {  	s25 =	sadd.s32 $0xA0500, s9;
	s14 =	smul.u32 $0x1F40, s1;
	[dreg:$0xe] =	wrdreg s22  }
0x15: {  	s26 =	sadd.s32 $0x11800, s6;
	s13 =	smul.u32 $0x7D, s1;
	[dreg:$0xf] =	wrdreg s23  }
0x16: {  	s1 =	sadd.s32 $0x40, s17;
	s16 =	sadd.s32 $0x18280, s0;
	[dreg:$0x10] =	wrdreg s24  }
0x17: {  	[dreg:$0x11] =	wrdreg s25;
	s0 =	simm.s32 $0x2A00;
	s15 =	simm.s32 $0x5400  }
0x18: {  	s17 =	simm.s32 $0x5300;
	s18 =	simm.s32 $0x7C00;
	s19 =	simm.s32 $0x1  }
0x19: {  	s20 =	simm.s32 $0x2;
	s21 =	simm.s32 $0x80;
	s22 =	simm.s32 $0x3  }
0x1a: {  	s23 =	simm.s32 $0x4;
	s24 =	simm.s32 $0x5280;
	s25 =	simm.s32 $0x0  }
0x1b: {  	[dreg:$0x9] =	wrdreg s1;
	s1 =	simm.s32 $0x100;
	s8 =	sadd.s32 s8, s14  }
0x1c: {  	v0 =	vimm.f32 $0.0e+00;
	s28 =	sadd.s32 $0x1, s13;
	s14 =	simm.s32 $0x5200;
	[dreg:$0x8] =	wrdreg s8  }
.LBB2_1:
0x1d: {  	s7 =	simm.s32 $0x0;
	s8 =	simm.s32 $0x200  }
.LBB2_2:
0x1e: {  	p0 =	sne.s32 s8, $0x9E00;
	[tilespmem:s7+$0x270] =	vst v0  }
0x1f: {  	[tilespmem:s7+$0x200] =	vst v0  }
0x20: {  	[tilespmem:s7+$0x210] =	vst v0  }
.Ltmp0:
0x21: {  	[tilespmem:s7+$0x220] =	vst v0;
	(pc) =	sbr.rel @p0 .LBB2_2-.Ltmp0, $4  }
0x22: {  	[tilespmem:s7+$0x230] =	vst v0  }
0x23: {  	[tilespmem:s7+$0x240] =	vst v0  }
0x24: {  	[tilespmem:s7+$0x250] =	vst v0  }
0x25: {  	[tilespmem:s7+$0x260] =	vst v0;
	s7 =	sshra.s32 s8, $0x2;
	s8 =	sadd.s32 $0x200, s8  }
0x26: {  	[tilespmem:s7+$0x270] =	vst v0  }
0x27: {  	[tilespmem:s7+$0x200] =	vst v0  }
0x28: {  	[tilespmem:s7+$0x210] =	vst v0  }
0x29: {  	[tilespmem:s7+$0x220] =	vst v0  }
0x2a: {  	[tilespmem:s7+$0x230] =	vst v0  }
0x2b: {  	[tilespmem:s7+$0x240] =	vst v0  }
0x2c: {  	[tilespmem:s7+$0x250] =	vst v0  }
0x2d: {  	[tilespmem:s7+$0x260] =	vst v0  }
0x2e: {  	[spmem:s6] =	stream.linear.scatter [tilespmem:s29], [sflag:$0x5], $0x2800, $0x38;
	[tilespmem:$0x1E000] =	vst v63  }
0x2f: {  	_ =	swait.ge [sflag:s30], $0x2800  }
0x30: {  	[sflag:s30] =	ssyncset.done $0x0  }
0x31: {  	s10 =	rddreg [dreg:$0x3];
	[sflag:s30] =	ssyncadd.s32 $0xFFFFD800  }
0x32: {  	[spmem:s10] =	stream.linear.scatter [tilespmem:s29], [sflag:$0x5], $0x2800, $0x38;
	[tilespmem:$0x1E000] =	vst v63  }
0x33: {  	_ =	swait.ge [sflag:s30], $0x2800  }
0x34: {  	[sflag:s30] =	ssyncset.done $0x0  }
0x35: {  	s11 =	rddreg [dreg:$0x4];
	[sflag:s30] =	ssyncadd.s32 $0xFFFFD800  }
0x36: {  	[spmem:s11] =	stream.linear.scatter [tilespmem:s29], [sflag:$0x5], $0x2800, $0x38;
	[tilespmem:$0x1E000] =	vst v63  }
0x37: {  	_ =	swait.ge [sflag:s30], $0x2800  }
0x38: {  	[sflag:s30] =	ssyncset.done $0x0  }
0x39: {  	s8 =	rddreg [dreg:$0x5];
	[sflag:s30] =	ssyncadd.s32 $0xFFFFD800  }
0x3a: {  	[spmem:s8] =	stream.linear.scatter [tilespmem:s29], [sflag:$0x5], $0x2800, $0x38;
	[tilespmem:$0x1E000] =	vst v63  }
0x3b: {  	_ =	swait.ge [sflag:s30], $0x2800  }
0x3c: {  	[sflag:s30] =	ssyncset.done $0x0  }
0x3d: {  	s9 =	rddreg [dreg:$0x6];
	[sflag:s30] =	ssyncadd.s32 $0xFFFFD800  }
0x3e: {  	[spmem:s9] =	stream.linear.scatter [tilespmem:s29], [sflag:$0x5], $0x2800, $0x38;
	[tilespmem:$0x1E000] =	vst v63  }
0x3f: {  	_ =	swait.ge [sflag:s30], $0x2800  }
0x40: {  	[sflag:s30] =	ssyncset.done $0x0  }
0x41: {  	s10 =	rddreg [dreg:$0x7];
	[sflag:s30] =	ssyncadd.s32 $0xFFFFD800  }
0x42: {  	[spmem:s10] =	stream.linear.scatter [tilespmem:s29], [sflag:$0x5], $0x2800, $0x38;
	[tilespmem:$0x1E000] =	vst v63  }
0x43: {  	_ =	swait.ge [sflag:s30], $0x2800  }
0x44: {  	[sflag:s30] =	ssyncset.done $0x0  }
0x45: {  	[sflag:s30] =	ssyncadd.s32 $0xFFFFD800  }
0x46: {  	[spmem:s12] =	stream.linear.scatter [tilespmem:s29], [sflag:$0x5], $0x2800, $0x38;
	[tilespmem:$0x1E000] =	vst v63  }
0x47: {  	_ =	swait.ge [sflag:s30], $0x2800  }
0x48: {  	[sflag:s30] =	ssyncset.done $0x0  }
0x49: {  	[sflag:s30] =	ssyncadd.s32 $0xFFFFD800  }
0x4a: {  	[spmem:s26] =	stream.linear.scatter [tilespmem:s29], [sflag:$0x5], $0x2400, $0x38;
	[tilespmem:$0x1E000] =	vst v63  }
0x4b: {  	_ =	swait.ge [sflag:s30], $0x2400  }
0x4c: {  	[sflag:s30] =	ssyncset.done $0x0  }
0x4d: {  	[sflag:s30] =	ssyncadd.s32 $0xFFFFDC00  }
0x4e: {  	[bflag:$0x0] =	sbarrier.arrive $0xFFFF  }
0x4f: {  	s7 =	simm.s32 $0x0;
	s8 =	rddreg [dreg:$0x8]  }
0x50: {  	[tilespmem:s7], [sflag:$0x5] =	stream.linear.gather [hbm4b:s8+s7], $0x180, $0x38;
	[tilespmem:$0x1E000] =	vst v63  }
0x51: {  	_ =	swait.ge [sflag:s30], $0x180  }
0x52: {  	[sflag:s30] =	ssyncset.done $0x0  }
0x53: {  	[sflag:s30] =	ssyncadd.s32 $0xFFFFFE80  }
0x54: {  	[tilespmem:s29], [sflag:$0x1] =	stream.indirect.gather [hbm4b:s4+s31], $0x80, s7, s31, $0xb8;
	[tilespmem:$0x1E000] =	vst v63  }
0x55: {  	_ = 	snop  }
0x56: {  	[tilespmem:s0], [sflag:$0x2] =	stream.indirect.gather [hbm4b:s5+s31], $0x80, s1, s31, $0xb8;
	[tilespmem:$0x1E000] =	vst v63  }
0x57: {  	s11 =	rddreg [dreg:$0x9]  }
0x58: {  	[tilespmem:s14], [sflag:$0x5] =	stream.linear.gather [hbm4b:s11+s7], $0x180, $0x38;
	[tilespmem:$0x1E000] =	vst v63  }
0x59: {  	_ =	swait.ge [sflag:s30], $0x180  }
0x5a: {  	[sflag:s30] =	ssyncset.done $0x0  }
0x5b: {  	[sflag:s30] =	ssyncadd.s32 $0xFFFFFE80  }
0x5c: {  	[tilespmem:s15], [sflag:$0x3] =	stream.indirect.gather [hbm4b:s4+s31], $0x80, s14, s31, $0xb8;
	[tilespmem:$0x1E000] =	vst v63  }
0x5d: {  	_ = 	snop  }
0x5e: {  	[tilespmem:s18], [sflag:$0x4] =	stream.indirect.gather [hbm4b:s5+s31], $0x80, s17, s31, $0xb8;
	[tilespmem:$0x1E000] =	vst v63  }
.LBB2_4:
0x5f: {  	_ =	swait.ge [sflag:s19], $0x2800  }
0x60: {  	[sflag:s19] =	ssyncset.done $0x0  }
0x61: {  	[sflag:s19] =	ssyncadd.s32 $0xFFFFD800  }
0x62: {  	_ =	swait.ge [sflag:s20], $0x2800  }
0x63: {  	[sflag:s20] =	ssyncset.done $0x0  }
0x64: {  	s8 =	simm.s32 $0x0;
	[sflag:s20] =	ssyncadd.s32 $0xFFFFD800  }
0x65: {  	v7 =	vld [tilespmem:s8+$0x2A00]  }
0x66: {  	v12 =	vld [tilespmem:s8+$0x2A10]  }
0x67: {  	v6 =	vld [tilespmem:s8+$0x2A20]  }
0x68: {  	v5 =	vld [tilespmem:s8+$0x2A30]  }
0x69: {  	v4 =	vld [tilespmem:s8+$0x2A40]  }
0x6a: {  	v3 =	vld [tilespmem:s8+$0x2A50]  }
0x6b: {  	v2 =	vld [tilespmem:s8+$0x2A60]  }
0x6c: {  	v1 =	vld [tilespmem:s8+$0x2A70]  }
0x6d: {  	v13 =	vld [tilespmem:s8+$0x200]  }
0x6e: {  	v14 =	vld [tilespmem:s8+$0x210]  }
0x6f: {  	v11 =	vld [tilespmem:s8+$0x220]  }
0x70: {  	v10 =	vld [tilespmem:s8+$0x230]  }
0x71: {  	v9 =	vld [tilespmem:s8+$0x240]  }
0x72: {  	v8 =	vld [tilespmem:s8+$0x250];
	v13 =	vadd.f32 v7, v13  }
0x73: {  	s9 =	simm.s32 $0x200;
	v12 =	vadd.f32 v12, v14;
	v7 =	vld [tilespmem:s8+$0x260]  }
.LBB2_5:
0x74: {  	s10 =	sshra.s32 s9, $0x2;
	p0 =	sne.s32 s9, $0x9E00;
	v13 =	vmax.f32 v13, $0.0e+00;
	v6 =	vadd.f32 v6, v11;
	v11 =	vld [tilespmem:s8+$0x270]  }
0x75: {  	v14 =	vld [tilespmem:s10+$0x2A00];
	[tilespmem:s8+$0x200] =	vst v13;
	v12 =	vmax.f32 v12, $0.0e+00;
	v5 =	vadd.f32 v5, v10  }
0x76: {  	v15 =	vld [tilespmem:s10+$0x2A10];
	[tilespmem:s8+$0x210] =	vst v12;
	v10 =	vmax.f32 v6, $0.0e+00;
	v4 =	vadd.f32 v4, v9  }
0x77: {  	v6 =	vld [tilespmem:s10+$0x2A20];
	[tilespmem:s8+$0x220] =	vst v10;
	v9 =	vmax.f32 v5, $0.0e+00;
	v3 =	vadd.f32 v3, v8  }
0x78: {  	v5 =	vld [tilespmem:s10+$0x2A30];
	[tilespmem:s8+$0x230] =	vst v9;
	v8 =	vmax.f32 v4, $0.0e+00;
	v2 =	vadd.f32 v2, v7  }
0x79: {  	v4 =	vld [tilespmem:s10+$0x2A40];
	[tilespmem:s8+$0x240] =	vst v8;
	v7 =	vmax.f32 v3, $0.0e+00;
	v1 =	vadd.f32 v1, v11  }
0x7a: {  	v3 =	vld [tilespmem:s10+$0x2A50];
	[tilespmem:s8+$0x250] =	vst v7;
	v7 =	vmax.f32 v2, $0.0e+00  }
0x7b: {  	v2 =	vld [tilespmem:s10+$0x2A60];
	[tilespmem:s8+$0x260] =	vst v7;
	v7 =	vmax.f32 v1, $0.0e+00  }
0x7c: {  	v1 =	vld [tilespmem:s10+$0x2A70];
	[tilespmem:s8+$0x270] =	vst v7;
	s8 =	smov.u32 s10  }
0x7d: {  	v7 =	vld [tilespmem:s8+$0x200]  }
0x7e: {  	v12 =	vld [tilespmem:s8+$0x210]  }
.Ltmp1:
0x7f: {  	v11 =	vld [tilespmem:s8+$0x220];
	(pc) =	sbr.rel @p0 .LBB2_5-.Ltmp1, $4  }
0x80: {  	v10 =	vld [tilespmem:s8+$0x230]  }
0x81: {  	v9 =	vld [tilespmem:s8+$0x240]  }
0x82: {  	v13 =	vadd.f32 v14, v7;
	v8 =	vld [tilespmem:s8+$0x250]  }
0x83: {  	s9 =	sadd.s32 $0x200, s9;
	v12 =	vadd.f32 v15, v12;
	v7 =	vld [tilespmem:s8+$0x260]  }
0x84: {  	v13 =	vmax.f32 v13, $0.0e+00;
	v6 =	vadd.f32 v6, v11;
	v11 =	vld [tilespmem:s8+$0x270]  }
0x85: {  	[tilespmem:s8+$0x200] =	vst v13;
	v12 =	vmax.f32 v12, $0.0e+00;
	v5 =	vadd.f32 v5, v10  }
0x86: {  	[tilespmem:s8+$0x210] =	vst v12;
	v6 =	vmax.f32 v6, $0.0e+00;
	v4 =	vadd.f32 v4, v9  }
0x87: {  	[tilespmem:s8+$0x220] =	vst v6;
	v5 =	vmax.f32 v5, $0.0e+00;
	v3 =	vadd.f32 v3, v8  }
0x88: {  	[tilespmem:s8+$0x230] =	vst v5;
	v4 =	vmax.f32 v4, $0.0e+00;
	v2 =	vadd.f32 v2, v7  }
0x89: {  	[tilespmem:s8+$0x240] =	vst v4;
	v3 =	vmax.f32 v3, $0.0e+00;
	v1 =	vadd.f32 v1, v11  }
0x8a: {  	[tilespmem:s8+$0x250] =	vst v3;
	v2 =	vmax.f32 v2, $0.0e+00  }
0x8b: {  	[tilespmem:s8+$0x260] =	vst v2;
	v1 =	vmax.f32 v1, $0.0e+00  }
0x8c: {  	[tilespmem:s8+$0x270] =	vst v1;
	s8 =	sshll.u32 s7, $0x1  }
0x8d: {  	[spmem:s2] =	stream.indirect.scatter.add.f32 [tilespmem:s29], [sflag:$0x5], $0x80, s21, s31, $0xb8;
	[tilespmem:$0x1E000] =	vst v63  }
0x8e: {  	s9 =	sadd.s32 s13, s8;
	_ =	swait.ge [sflag:s30], $0x2800  }
0x8f: {  	s9 =	sshll.u32 s9, $0x6;
	[sflag:s30] =	ssyncset.done $0x0  }
0x90: {  	s10 =	simm.s32 $0x0;
	s9 =	sadd.s32 s9, s16;
	[sflag:s30] =	ssyncadd.s32 $0xFFFFD800  }
0x91: {  	[tilespmem:s10], [sflag:$0x5] =	stream.linear.gather [hbm4b:s9+s10], $0x180, $0x38;
	[tilespmem:$0x1E000] =	vst v63  }
0x92: {  	_ =	swait.ge [sflag:s30], $0x180  }
0x93: {  	[sflag:s30] =	ssyncset.done $0x0  }
0x94: {  	[sflag:s30] =	ssyncadd.s32 $0xFFFFFE80  }
0x95: {  	[tilespmem:s29], [sflag:$0x1] =	stream.indirect.gather [hbm4b:s4+s31], $0x80, s10, s31, $0xb8;
	[tilespmem:$0x1E000] =	vst v63  }
0x96: {  	_ = 	snop  }
0x97: {  	[tilespmem:s0], [sflag:$0x2] =	stream.indirect.gather [hbm4b:s5+s31], $0x80, s1, s31, $0xb8;
	[tilespmem:$0x1E000] =	vst v63  }
0x98: {  	_ =	swait.ge [sflag:s22], $0x2800  }
0x99: {  	[sflag:s22] =	ssyncset.done $0x0  }
0x9a: {  	[sflag:s22] =	ssyncadd.s32 $0xFFFFD800  }
0x9b: {  	_ =	swait.ge [sflag:s23], $0x2800  }
0x9c: {  	[sflag:s23] =	ssyncset.done $0x0  }
0x9d: {  	s9 =	simm.s32 $0x0;
	[sflag:s23] =	ssyncadd.s32 $0xFFFFD800  }
0x9e: {  	v7 =	vld [tilespmem:s9+$0x7C00]  }
0x9f: {  	v12 =	vld [tilespmem:s9+$0x7C10]  }
0xa0: {  	v6 =	vld [tilespmem:s9+$0x7C20]  }
0xa1: {  	v5 =	vld [tilespmem:s9+$0x7C30]  }
0xa2: {  	v4 =	vld [tilespmem:s9+$0x7C40]  }
0xa3: {  	v3 =	vld [tilespmem:s9+$0x7C50]  }
0xa4: {  	v2 =	vld [tilespmem:s9+$0x7C60]  }
0xa5: {  	v1 =	vld [tilespmem:s9+$0x7C70]  }
0xa6: {  	v13 =	vld [tilespmem:s9+$0x5400]  }
0xa7: {  	v14 =	vld [tilespmem:s9+$0x5410]  }
0xa8: {  	v11 =	vld [tilespmem:s9+$0x5420]  }
0xa9: {  	v10 =	vld [tilespmem:s9+$0x5430]  }
0xaa: {  	v9 =	vld [tilespmem:s9+$0x5440]  }
0xab: {  	v8 =	vld [tilespmem:s9+$0x5450];
	v13 =	vadd.f32 v7, v13  }
0xac: {  	s10 =	simm.s32 $0x200;
	v12 =	vadd.f32 v12, v14;
	v7 =	vld [tilespmem:s9+$0x5460]  }
.LBB2_7:
0xad: {  	s11 =	sshra.s32 s10, $0x2;
	p0 =	sne.s32 s10, $0x9E00;
	v13 =	vmax.f32 v13, $0.0e+00;
	v6 =	vadd.f32 v6, v11;
	v11 =	vld [tilespmem:s9+$0x5470]  }
0xae: {  	v14 =	vld [tilespmem:s11+$0x7C00];
	[tilespmem:s9+$0x5400] =	vst v13;
	v12 =	vmax.f32 v12, $0.0e+00;
	v5 =	vadd.f32 v5, v10  }
0xaf: {  	v15 =	vld [tilespmem:s11+$0x7C10];
	[tilespmem:s9+$0x5410] =	vst v12;
	v10 =	vmax.f32 v6, $0.0e+00;
	v4 =	vadd.f32 v4, v9  }
0xb0: {  	v6 =	vld [tilespmem:s11+$0x7C20];
	[tilespmem:s9+$0x5420] =	vst v10;
	v9 =	vmax.f32 v5, $0.0e+00;
	v3 =	vadd.f32 v3, v8  }
0xb1: {  	v5 =	vld [tilespmem:s11+$0x7C30];
	[tilespmem:s9+$0x5430] =	vst v9;
	v8 =	vmax.f32 v4, $0.0e+00;
	v2 =	vadd.f32 v2, v7  }
0xb2: {  	v4 =	vld [tilespmem:s11+$0x7C40];
	[tilespmem:s9+$0x5440] =	vst v8;
	v7 =	vmax.f32 v3, $0.0e+00;
	v1 =	vadd.f32 v1, v11  }
0xb3: {  	v3 =	vld [tilespmem:s11+$0x7C50];
	[tilespmem:s9+$0x5450] =	vst v7;
	v7 =	vmax.f32 v2, $0.0e+00  }
0xb4: {  	v2 =	vld [tilespmem:s11+$0x7C60];
	[tilespmem:s9+$0x5460] =	vst v7;
	v7 =	vmax.f32 v1, $0.0e+00  }
0xb5: {  	v1 =	vld [tilespmem:s11+$0x7C70];
	[tilespmem:s9+$0x5470] =	vst v7;
	s9 =	smov.u32 s11  }
0xb6: {  	v7 =	vld [tilespmem:s9+$0x5400]  }
0xb7: {  	v12 =	vld [tilespmem:s9+$0x5410]  }
.Ltmp2:
0xb8: {  	v11 =	vld [tilespmem:s9+$0x5420];
	(pc) =	sbr.rel @p0 .LBB2_7-.Ltmp2, $4  }
0xb9: {  	v10 =	vld [tilespmem:s9+$0x5430]  }
0xba: {  	v9 =	vld [tilespmem:s9+$0x5440]  }
0xbb: {  	v13 =	vadd.f32 v14, v7;
	v8 =	vld [tilespmem:s9+$0x5450]  }
0xbc: {  	s10 =	sadd.s32 $0x200, s10;
	v12 =	vadd.f32 v15, v12;
	v7 =	vld [tilespmem:s9+$0x5460]  }
0xbd: {  	v13 =	vmax.f32 v13, $0.0e+00;
	v6 =	vadd.f32 v6, v11;
	v63 =	vld [tilespmem:s9+$0x5470]  }
0xbe: {  	[tilespmem:s9+$0x5400] =	vst v13;
	v12 =	vmax.f32 v12, $0.0e+00;
	v5 =	vadd.f32 v5, v10  }
0xbf: {  	[tilespmem:s9+$0x5410] =	vst v12;
	v6 =	vmax.f32 v6, $0.0e+00;
	v4 =	vadd.f32 v4, v9  }
0xc0: {  	[tilespmem:s9+$0x5420] =	vst v6;
	v5 =	vmax.f32 v5, $0.0e+00;
	v3 =	vadd.f32 v3, v8  }
0xc1: {  	[tilespmem:s9+$0x5430] =	vst v5;
	v4 =	vmax.f32 v4, $0.0e+00;
	v2 =	vadd.f32 v2, v7  }
0xc2: {  	[tilespmem:s9+$0x5440] =	vst v4;
	v3 =	vmax.f32 v3, $0.0e+00;
	v1 =	vadd.f32 v1, v63  }
0xc3: {  	[tilespmem:s9+$0x5450] =	vst v3;
	v2 =	vmax.f32 v2, $0.0e+00  }
0xc4: {  	p0 =	seq.s32 s7, $0x3D;
	[tilespmem:s9+$0x5460] =	vst v2;
	v1 =	vmax.f32 v1, $0.0e+00  }
.Ltmp3:
0xc5: {  	[tilespmem:s9+$0x5470] =	vst v1;
	(pc) =	sbr.rel @p0 .LBB2_10-.Ltmp3, $4  }
0xc6: {  	[spmem:s2] =	stream.indirect.scatter.add.f32 [tilespmem:s15], [sflag:$0x5], $0x80, s24, s31, $0xb8;
	[tilespmem:$0x1E000] =	vst v63  }
0xc7: {  	_ =	swait.ge [sflag:s30], $0x2800  }
0xc8: {  	[sflag:s30] =	ssyncset.done $0x0  }
0xc9: {  	[sflag:s30] =	ssyncadd.s32 $0xFFFFD800  }
0xca: {  	s8 =	sadd.s32 s8, s28  }
0xcb: {  	s8 =	sshll.u32 s8, $0x6  }
0xcc: {  	s8 =	sadd.s32 s8, s16  }
0xcd: {  	[tilespmem:s14], [sflag:$0x5] =	stream.linear.gather [hbm4b:s8+s3], $0x180, $0x38;
	[tilespmem:$0x1E000] =	vst v63  }
0xce: {  	_ =	swait.ge [sflag:s30], $0x180  }
.Ltmp4:
0xcf: {  	[sflag:s30] =	ssyncset.done $0x0;
	(pc) =	sbr.rel .LBB2_4-.Ltmp4, $4  }
0xd0: {  	[sflag:s30] =	ssyncadd.s32 $0xFFFFFE80  }
0xd1: {  	[tilespmem:s15], [sflag:$0x3] =	stream.indirect.gather [hbm4b:s4+s31], $0x80, s14, s31, $0xb8;
	[tilespmem:$0x1E000] =	vst v63  }
0xd2: {  	s7 =	sadd.s32 $0x1, s7  }
0xd3: {  	[tilespmem:s18], [sflag:$0x4] =	stream.indirect.gather [hbm4b:s5+s31], $0x80, s17, s31, $0xb8;
	[tilespmem:$0x1E000] =	vst v63  }
.LBB2_10:
0xd4: {  	_ =	swait.ge [sflag:s19], $0x2800  }
0xd5: {  	[sflag:s19] =	ssyncset.done $0x0  }
0xd6: {  	[sflag:s19] =	ssyncadd.s32 $0xFFFFD800  }
0xd7: {  	_ =	swait.ge [sflag:s20], $0x2800  }
0xd8: {  	[sflag:s20] =	ssyncset.done $0x0  }
0xd9: {  	s7 =	simm.s32 $0x0;
	[sflag:s20] =	ssyncadd.s32 $0xFFFFD800  }
0xda: {  	v7 =	vld [tilespmem:s7+$0x2A00]  }
0xdb: {  	v12 =	vld [tilespmem:s7+$0x2A10]  }
0xdc: {  	v6 =	vld [tilespmem:s7+$0x2A20]  }
0xdd: {  	v5 =	vld [tilespmem:s7+$0x2A30]  }
0xde: {  	v4 =	vld [tilespmem:s7+$0x2A40]  }
0xdf: {  	v3 =	vld [tilespmem:s7+$0x2A50]  }
0xe0: {  	v2 =	vld [tilespmem:s7+$0x2A60]  }
0xe1: {  	v1 =	vld [tilespmem:s7+$0x2A70]  }
0xe2: {  	v13 =	vld [tilespmem:s7+$0x200]  }
0xe3: {  	v14 =	vld [tilespmem:s7+$0x210]  }
0xe4: {  	v11 =	vld [tilespmem:s7+$0x220]  }
0xe5: {  	v10 =	vld [tilespmem:s7+$0x230]  }
0xe6: {  	v9 =	vld [tilespmem:s7+$0x240]  }
0xe7: {  	v8 =	vld [tilespmem:s7+$0x250];
	v13 =	vadd.f32 v7, v13  }
0xe8: {  	s8 =	simm.s32 $0x200;
	v12 =	vadd.f32 v12, v14;
	v7 =	vld [tilespmem:s7+$0x260]  }
.LBB2_11:
0xe9: {  	s9 =	sshra.s32 s8, $0x2;
	p0 =	sne.s32 s8, $0x9E00;
	v13 =	vmax.f32 v13, $0.0e+00;
	v6 =	vadd.f32 v6, v11;
	v11 =	vld [tilespmem:s7+$0x270]  }
0xea: {  	v14 =	vld [tilespmem:s9+$0x2A00];
	[tilespmem:s7+$0x200] =	vst v13;
	v12 =	vmax.f32 v12, $0.0e+00;
	v5 =	vadd.f32 v5, v10  }
0xeb: {  	v15 =	vld [tilespmem:s9+$0x2A10];
	[tilespmem:s7+$0x210] =	vst v12;
	v10 =	vmax.f32 v6, $0.0e+00;
	v4 =	vadd.f32 v4, v9  }
0xec: {  	v6 =	vld [tilespmem:s9+$0x2A20];
	[tilespmem:s7+$0x220] =	vst v10;
	v9 =	vmax.f32 v5, $0.0e+00;
	v3 =	vadd.f32 v3, v8  }
0xed: {  	v5 =	vld [tilespmem:s9+$0x2A30];
	[tilespmem:s7+$0x230] =	vst v9;
	v8 =	vmax.f32 v4, $0.0e+00;
	v2 =	vadd.f32 v2, v7  }
0xee: {  	v4 =	vld [tilespmem:s9+$0x2A40];
	[tilespmem:s7+$0x240] =	vst v8;
	v7 =	vmax.f32 v3, $0.0e+00;
	v1 =	vadd.f32 v1, v11  }
0xef: {  	v3 =	vld [tilespmem:s9+$0x2A50];
	[tilespmem:s7+$0x250] =	vst v7;
	v7 =	vmax.f32 v2, $0.0e+00  }
0xf0: {  	v2 =	vld [tilespmem:s9+$0x2A60];
	[tilespmem:s7+$0x260] =	vst v7;
	v7 =	vmax.f32 v1, $0.0e+00  }
0xf1: {  	v1 =	vld [tilespmem:s9+$0x2A70];
	[tilespmem:s7+$0x270] =	vst v7;
	s7 =	smov.u32 s9  }
0xf2: {  	v7 =	vld [tilespmem:s7+$0x200]  }
0xf3: {  	v12 =	vld [tilespmem:s7+$0x210]  }
.Ltmp5:
0xf4: {  	v11 =	vld [tilespmem:s7+$0x220];
	(pc) =	sbr.rel @p0 .LBB2_11-.Ltmp5, $4  }
0xf5: {  	v10 =	vld [tilespmem:s7+$0x230]  }
0xf6: {  	v9 =	vld [tilespmem:s7+$0x240]  }
0xf7: {  	v13 =	vadd.f32 v14, v7;
	v8 =	vld [tilespmem:s7+$0x250]  }
0xf8: {  	s8 =	sadd.s32 $0x200, s8;
	v12 =	vadd.f32 v15, v12;
	v7 =	vld [tilespmem:s7+$0x260]  }
0xf9: {  	v13 =	vmax.f32 v13, $0.0e+00;
	v6 =	vadd.f32 v6, v11;
	v63 =	vld [tilespmem:s7+$0x270]  }
0xfa: {  	[tilespmem:s7+$0x200] =	vst v13;
	v12 =	vmax.f32 v12, $0.0e+00;
	v5 =	vadd.f32 v5, v10  }
0xfb: {  	[tilespmem:s7+$0x210] =	vst v12;
	v6 =	vmax.f32 v6, $0.0e+00;
	v4 =	vadd.f32 v4, v9  }
0xfc: {  	[tilespmem:s7+$0x220] =	vst v6;
	v5 =	vmax.f32 v5, $0.0e+00;
	v3 =	vadd.f32 v3, v8  }
0xfd: {  	[tilespmem:s7+$0x230] =	vst v5;
	v4 =	vmax.f32 v4, $0.0e+00;
	v2 =	vadd.f32 v2, v7  }
0xfe: {  	[tilespmem:s7+$0x240] =	vst v4;
	v3 =	vmax.f32 v3, $0.0e+00;
	v1 =	vadd.f32 v1, v63  }
0xff: {  	[tilespmem:s7+$0x250] =	vst v3;
	v2 =	vmax.f32 v2, $0.0e+00  }
0x100: {  	[tilespmem:s7+$0x260] =	vst v2;
	v1 =	vmax.f32 v1, $0.0e+00  }
0x101: {  	[tilespmem:s7+$0x270] =	vst v1  }
0x102: {  	[spmem:s2] =	stream.indirect.scatter.add.f32 [tilespmem:s29], [sflag:$0x5], $0x80, s21, s31, $0xb8;
	[tilespmem:$0x1E000] =	vst v63  }
0x103: {  	_ =	swait.ge [sflag:s30], $0x2800  }
0x104: {  	[sflag:s30] =	ssyncset.done $0x0  }
0x105: {  	[sflag:s30] =	ssyncadd.s32 $0xFFFFD800  }
0x106: {  	[bflag:$0x0] =	sbarrier.arrive $0xFFFF  }
0x107: {  	[tilespmem:s29], [sflag:$0x5] =	stream.linear.gather [spmem:s6], $0x2800, $0x38;
	[tilespmem:$0x1E000] =	vst v63  }
0x108: {  	_ =	swait.ge [sflag:s30], $0x2800  }
0x109: {  	[sflag:s30] =	ssyncset.done $0x0  }
0x10a: {  	s10 =	rddreg [dreg:$0xa];
	[sflag:s30] =	ssyncadd.s32 $0xFFFFD800  }
0x10b: {  	[hbm4b:s10+s3] =	stream.linear.scatter [tilespmem:s29], [sflag:$0x5], $0x2800, $0x38;
	[tilespmem:$0x1E000] =	vst v63  }
0x10c: {  	_ =	swait.ge [sflag:s30], $0x2800  }
0x10d: {  	[sflag:s30] =	ssyncset.done $0x0  }
0x10e: {  	s11 =	rddreg [dreg:$0x3];
	[sflag:s30] =	ssyncadd.s32 $0xFFFFD800  }
0x10f: {  	[tilespmem:s29], [sflag:$0x5] =	stream.linear.gather [spmem:s11], $0x2800, $0x38;
	[tilespmem:$0x1E000] =	vst v63  }
0x110: {  	_ =	swait.ge [sflag:s30], $0x2800  }
0x111: {  	[sflag:s30] =	ssyncset.done $0x0  }
0x112: {  	s8 =	rddreg [dreg:$0xb];
	[sflag:s30] =	ssyncadd.s32 $0xFFFFD800  }
0x113: {  	[hbm4b:s8+s3] =	stream.linear.scatter [tilespmem:s29], [sflag:$0x5], $0x2800, $0x38;
	[tilespmem:$0x1E000] =	vst v63  }
0x114: {  	_ =	swait.ge [sflag:s30], $0x2800  }
0x115: {  	[sflag:s30] =	ssyncset.done $0x0  }
0x116: {  	s9 =	rddreg [dreg:$0x4];
	[sflag:s30] =	ssyncadd.s32 $0xFFFFD800  }
0x117: {  	[tilespmem:s29], [sflag:$0x5] =	stream.linear.gather [spmem:s9], $0x2800, $0x38;
	[tilespmem:$0x1E000] =	vst v63  }
0x118: {  	_ =	swait.ge [sflag:s30], $0x2800  }
0x119: {  	[sflag:s30] =	ssyncset.done $0x0  }
0x11a: {  	s10 =	rddreg [dreg:$0xc];
	[sflag:s30] =	ssyncadd.s32 $0xFFFFD800  }
0x11b: {  	[hbm4b:s10+s3] =	stream.linear.scatter [tilespmem:s29], [sflag:$0x5], $0x2800, $0x38;
	[tilespmem:$0x1E000] =	vst v63  }
0x11c: {  	_ =	swait.ge [sflag:s30], $0x2800  }
0x11d: {  	[sflag:s30] =	ssyncset.done $0x0  }
0x11e: {  	s11 =	rddreg [dreg:$0x5];
	[sflag:s30] =	ssyncadd.s32 $0xFFFFD800  }
0x11f: {  	[tilespmem:s29], [sflag:$0x5] =	stream.linear.gather [spmem:s11], $0x2800, $0x38;
	[tilespmem:$0x1E000] =	vst v63  }
0x120: {  	_ =	swait.ge [sflag:s30], $0x2800  }
0x121: {  	[sflag:s30] =	ssyncset.done $0x0  }
0x122: {  	s8 =	rddreg [dreg:$0xd];
	[sflag:s30] =	ssyncadd.s32 $0xFFFFD800  }
0x123: {  	[hbm4b:s8+s3] =	stream.linear.scatter [tilespmem:s29], [sflag:$0x5], $0x2800, $0x38;
	[tilespmem:$0x1E000] =	vst v63  }
0x124: {  	_ =	swait.ge [sflag:s30], $0x2800  }
0x125: {  	[sflag:s30] =	ssyncset.done $0x0  }
0x126: {  	s9 =	rddreg [dreg:$0x6];
	[sflag:s30] =	ssyncadd.s32 $0xFFFFD800  }
0x127: {  	[tilespmem:s29], [sflag:$0x5] =	stream.linear.gather [spmem:s9], $0x2800, $0x38;
	[tilespmem:$0x1E000] =	vst v63  }
0x128: {  	_ =	swait.ge [sflag:s30], $0x2800  }
0x129: {  	[sflag:s30] =	ssyncset.done $0x0  }
0x12a: {  	s10 =	rddreg [dreg:$0xe];
	[sflag:s30] =	ssyncadd.s32 $0xFFFFD800  }
0x12b: {  	[hbm4b:s10+s3] =	stream.linear.scatter [tilespmem:s29], [sflag:$0x5], $0x2800, $0x38;
	[tilespmem:$0x1E000] =	vst v63  }
0x12c: {  	_ =	swait.ge [sflag:s30], $0x2800  }
0x12d: {  	[sflag:s30] =	ssyncset.done $0x0  }
0x12e: {  	s11 =	rddreg [dreg:$0x7];
	[sflag:s30] =	ssyncadd.s32 $0xFFFFD800  }
0x12f: {  	[tilespmem:s29], [sflag:$0x5] =	stream.linear.gather [spmem:s11], $0x2800, $0x38;
	[tilespmem:$0x1E000] =	vst v63  }
0x130: {  	_ =	swait.ge [sflag:s30], $0x2800  }
0x131: {  	[sflag:s30] =	ssyncset.done $0x0  }
0x132: {  	s8 =	rddreg [dreg:$0xf];
	[sflag:s30] =	ssyncadd.s32 $0xFFFFD800  }
0x133: {  	[hbm4b:s8+s3] =	stream.linear.scatter [tilespmem:s29], [sflag:$0x5], $0x2800, $0x38;
	[tilespmem:$0x1E000] =	vst v63  }
0x134: {  	_ =	swait.ge [sflag:s30], $0x2800  }
0x135: {  	[sflag:s30] =	ssyncset.done $0x0  }
0x136: {  	[sflag:s30] =	ssyncadd.s32 $0xFFFFD800  }
0x137: {  	[tilespmem:s29], [sflag:$0x5] =	stream.linear.gather [spmem:s12], $0x2800, $0x38;
	[tilespmem:$0x1E000] =	vst v63  }
0x138: {  	_ =	swait.ge [sflag:s30], $0x2800  }
0x139: {  	[sflag:s30] =	ssyncset.done $0x0  }
0x13a: {  	s9 =	rddreg [dreg:$0x10];
	[sflag:s30] =	ssyncadd.s32 $0xFFFFD800  }
0x13b: {  	[hbm4b:s9+s3] =	stream.linear.scatter [tilespmem:s29], [sflag:$0x5], $0x2800, $0x38;
	[tilespmem:$0x1E000] =	vst v63  }
0x13c: {  	_ =	swait.ge [sflag:s30], $0x2800  }
0x13d: {  	[sflag:s30] =	ssyncset.done $0x0  }
0x13e: {  	[sflag:s30] =	ssyncadd.s32 $0xFFFFD800  }
0x13f: {  	[tilespmem:s29], [sflag:$0x5] =	stream.linear.gather [spmem:s26], $0x2400, $0x38;
	[tilespmem:$0x1E000] =	vst v63  }
0x140: {  	_ =	swait.ge [sflag:s30], $0x2400  }
0x141: {  	[sflag:s30] =	ssyncset.done $0x0  }
0x142: {  	s10 =	rddreg [dreg:$0x11];
	[sflag:s30] =	ssyncadd.s32 $0xFFFFDC00  }
0x143: {  	[hbm4b:s10+s3] =	stream.linear.scatter [tilespmem:s29], [sflag:$0x5], $0x2400, $0x38;
	[tilespmem:$0x1E000] =	vst v63  }
0x144: {  	_ =	swait.ge [sflag:s30], $0x2400  }
0x145: {  	s25 =	sadd.s32 $0x1, s25;
	s11 =	rddreg [dreg:$0x12]  }
0x146: {  	p0 =	sne.s32 s25, s11  }
.Ltmp6:
0x147: {  	_ = 	snop;
	(pc) =	sbr.rel @p0 .LBB2_1-.Ltmp6, $3  }
0x148: {  	_ =	sdelay $0x1  }
0x149: {  	[sflag:s30] =	ssyncset.done $0x0  }
0x14a: {  	[sflag:s30] =	ssyncadd.s32 $0xFFFFDC00  }
0x14b: {  	_ =	sfence.sel $0x180000  }
0x14c: {  	[bflag:$0x0] =	sbarrier.arrive $0xFFFF  }
0x14d: {  	_ =	strace $0x9000004A  }
0x14e: {  	s0 =	stileid.u32;
	[bflag:$0x2] =	sbarrier.arrive $0xFFFF  }
0x14f: {  	p0 =	sne.s32 s0, $0x0;
	s0 =	rddreg [dreg:$0x2]  }
0x150: {  	s0 =	sadd.s32 @!p0 $0x100000, s0  }
0x151: {  	[sflag:s0] =	ssyncadd.tile.s32 @!p0 $0x1;
	_ =	shalt  }
.Lfunc_end2:
_tile_overlayer_lowered:
.L_overlay_start_2:
0x152: {  	(tag) =	ssettag $0x2  }
0x153: {  	s0 =	rddreg [dreg:$0x0];
	s2 =	stileid.u32  }
0x154: {  	s1 =	rddreg [dreg:$0x1];
	p0 =	sne.s32 s2, $0x0  }
0x155: {  	s3 =	rddreg [dreg:$0x2];
	[bflag:$0x3] =	sbarrier.arrive $0xFFFF;
	s2 =	simm.s32 @!p0 $0x1C05  }
0x156: {  	[timem:s3], [sflag:s2] =	dma.local @!p0 [hbm:s0], s1  }
0x157: {  	s0 =	simm.s32 @!p0 $0x5  }
0x158: {  	_ =	swait.ge @!p0 [sflag:s0], s1  }
0x159: {  	s1 =	ssub.s32 @!p0 $0x0, s1;
	[sflag:s0] =	ssyncset.done @!p0 $0x0  }
0x15a: {  	[sflag:s0] =	ssyncadd.s32 @!p0 s1  }
0x15b: {  	[bflag:$0x3] =	sbarrier.arrive $0xFFFF  }
0x15c: {  	_ =	shalt  }

// kernel: kernel.16.cloned.1.call-start
scs
__scs_entry_jumppad:
0x0: {  	(pc) =	sbr.rel $0x88, $3  }
0x1: {  	(tag) =	ssettag $0x0;
	lr =	simm.s32 $0x1  }
0x2: {  	[smem:$0x3F84] =	sst lr;
	_ =	strace $0xD0000000  }
0x3: {  	_ = 	snop  }
0x4: {  	_ = 	snop  }
0x5: {  	_ = 	snop  }
0x6: {  	_ = 	snop  }
0x7: {  	_ = 	snop  }
__scs_overlays_trampoline_lowered:
0x8: {  	[smem:$0x3F93] =	sst s0  }
0x9: {  	[smem:$0x3F94] =	sst s1  }
0xa: {  	[smem:$0x3F95] =	sst s2  }
0xb: {  	[smem:$0x3F96] =	sst s3  }
0xc: {  	[smem:$0x3F97] =	sst s4  }
0xd: {  	[smem:$0x3F98] =	sst s5  }
0xe: {  	[smem:$0x3F99] =	sst s6  }
0xf: {  	[smem:$0x3F9A] =	sst s7  }
0x10: {  	[smem:$0x3F9B] =	sst s8  }
0x11: {  	[smem:$0x3F9C] =	sst s9;
	s0 =	simm.s32 @!p0 $0x0  }
0x12: {  	s1 =	sld [smem:$0x3F82];
	s0 =	simm.s32 @p0 $0x1  }
0x13: {  	[smem:$0x3F9D] =	sst s0;
	s0 =	simm.s32 @!p1 $0x0  }
0x14: {  	s2 =	sld [smem:$0x3F81];
	s0 =	simm.s32 @p1 $0x1  }
0x15: {  	[smem:$0x3F9E] =	sst s0;
	s0 =	simm.s32 @!p2 $0x0  }
0x16: {  	s3 =	sld [smem:$0x3FDB];
	s0 =	simm.s32 @p2 $0x1  }
0x17: {  	s4 =	simm.s32 $0x1BF5;
	[smem:$0x3FA0] =	sst s0  }
0x18: {  	s0 =	sld [smem:$0x3F83];
	_ =	swait.ge [sflag:s4], $0x0  }
0x19: {  	s7 =	sld [smem:$0x3F84]  }
0x1a: {  	s8 =	sadd.s32 $0xFFFFE003, lr  }
0x1b: {  	s9 =	sadd.s32 $0xFFFFFEF7, lr;
	s5 =	simm.s32 $0xFFFFFFFF;
	p2 =	slt.u32 s8, $0xFFFFF086  }
0x1c: {  	p1 =	slt.u32 s9, $0xF7A;
	s5 =	simm.s32 @!p2 $0x0  }
0x1d: {  	s5 =	simm.s32 @p1 $0x1;
	p0 =	seq.s32 s7, s2  }
0x1e: {  	s7 =	smul.u32 @!p0 $0xF7A, s2;
	p2 =	seq.s32 @!p0 s5, $0x0  }
0x1f: {  	s9 =	smul.u32 $0xF7A, s1;
	s8 =	simm.s32 @!p0 $0x1BF5;
	p2 =	por !p2, p0  }
0x20: {  	[sflag:s8] =	ssyncset.s32 @!p0 $0xFFFFF086;
	s6 =	sadd.s32 @!p0 s3, s7;
	s7 =	simm.s32 @!p0 $0x108  }
0x21: {  	s3 =	sadd.s32 s3, s9;
	s6 =	sadd.s32 @!p0 $0x88, s6;
	s7 =	simm.s32 @p2 $0x1082  }
0x22: {  	[simem:s7], [sflag:s8] =	dma.local @!p0 [hbm:s6], $0xF7A  }
0x23: {  	s9 =	sor.u32 $0xD0000000, s2;
	s6 =	simm.s32 $0x108;
	_ =	swait.ge @!p0 [sflag:s8], $0x0  }
0x24: {  	s3 =	sadd.s32 $0x88, s3;
	s6 =	simm.s32 @!p1 $0x1082;
	[sflag:s4] =	ssyncset.s32 $0xFFFFF086  }
0x25: {  	[simem:s6], [sflag:s4] =	dma.local [hbm:s3], $0xF7A  }
0x26: {  	[smem:$0x3F84] =	sst s1;
	(tag) =	ssettag s2;
	_ =	strace s9  }
0x27: {  	s1 =	sld [smem:$0x3F94]  }
0x28: {  	s2 =	sld [smem:$0x3F95]  }
0x29: {  	s4 =	sld [smem:$0x3F97]  }
0x2a: {  	p0 =	seq.s32 s5, $0x0;
	s5 =	sld [smem:$0x3F98]  }
0x2b: {  	s6 =	sld [smem:$0x3F99]  }
0x2c: {  	s7 =	sld [smem:$0x3F9A]  }
0x2d: {  	s3 =	simm.s32 $0x108;
	s8 =	sld [smem:$0x3F9B]  }
0x2e: {  	s3 =	simm.s32 @!p0 $0x1082;
	s9 =	sld [smem:$0x3F9C]  }
0x2f: {  	lr =	sadd.s32 s0, s3;
	s0 =	sld [smem:$0x3F93]  }
0x30: {  	s3 =	sld [smem:$0x3F96]  }
0x31: {  	[smem:$0x3F9F] =	sst s10  }
0x32: {  	s10 =	sld [smem:$0x3F9D];
	_ =	sdelay $0x3  }
0x33: {  	p0 =	seq.s32 s10, $0x1;
	s10 =	sld [smem:$0x3F9F];
	_ =	sdelay $0x3  }
0x34: {  	[smem:$0x3F9F] =	sst s10  }
0x35: {  	s10 =	sld [smem:$0x3F9E];
	_ =	sdelay $0x3  }
0x36: {  	p1 =	seq.s32 s10, $0x1;
	s10 =	sld [smem:$0x3F9F];
	_ =	sdelay $0x3  }
0x37: {  	[smem:$0x3F9F] =	sst s10  }
0x38: {  	s10 =	sld [smem:$0x3FA0]  }
0x39: {  	_ = 	snop;
	(pc) =	sbr.ind lr, $3  }
0x3a: {  	_ = 	snop  }
0x3b: {  	_ = 	snop  }
0x3c: {  	p2 =	seq.s32 s10, $0x1;
	s10 =	sld [smem:$0x3F9F]  }
0x3d: {  	_ =	shalt  }
0x3e: {  	_ =	shalt  }
0x3f: {  	_ =	shalt  }
0x40: {  	_ =	shalt  }
0x41: {  	_ =	shalt  }
0x42: {  	_ =	shalt  }
0x43: {  	_ =	shalt  }
0x44: {  	_ =	shalt  }
0x45: {  	_ =	shalt  }
0x46: {  	_ =	shalt  }
0x47: {  	_ =	shalt  }
0x48: {  	_ =	shalt  }
0x49: {  	_ =	shalt  }
0x4a: {  	_ =	shalt  }
0x4b: {  	_ =	shalt  }
0x4c: {  	_ =	shalt  }
0x4d: {  	_ =	shalt  }
0x4e: {  	_ =	shalt  }
0x4f: {  	_ =	shalt  }
0x50: {  	_ =	shalt  }
0x51: {  	_ =	shalt  }
0x52: {  	_ =	shalt  }
0x53: {  	_ =	shalt  }
0x54: {  	_ =	shalt  }
0x55: {  	_ =	shalt  }
0x56: {  	_ =	shalt  }
0x57: {  	_ =	shalt  }
0x58: {  	_ =	shalt  }
0x59: {  	_ =	shalt  }
0x5a: {  	_ =	shalt  }
0x5b: {  	_ =	shalt  }
0x5c: {  	_ =	shalt  }
0x5d: {  	_ =	shalt  }
0x5e: {  	_ =	shalt  }
0x5f: {  	_ =	shalt  }
0x60: {  	_ =	shalt  }
0x61: {  	_ =	shalt  }
0x62: {  	_ =	shalt  }
0x63: {  	_ =	shalt  }
0x64: {  	_ =	shalt  }
0x65: {  	_ =	shalt  }
0x66: {  	_ =	shalt  }
0x67: {  	_ =	shalt  }
0x68: {  	_ =	shalt  }
0x69: {  	_ =	shalt  }
0x6a: {  	_ =	shalt  }
0x6b: {  	_ =	shalt  }
0x6c: {  	_ =	shalt  }
0x6d: {  	_ =	shalt  }
0x6e: {  	_ =	shalt  }
0x6f: {  	_ =	shalt  }
0x70: {  	_ =	shalt  }
0x71: {  	_ =	shalt  }
0x72: {  	_ =	shalt  }
0x73: {  	_ =	shalt  }
0x74: {  	_ =	shalt  }
0x75: {  	_ =	shalt  }
0x76: {  	_ =	shalt  }
0x77: {  	_ =	shalt  }
0x78: {  	_ =	shalt  }
0x79: {  	_ =	shalt  }
0x7a: {  	_ =	shalt  }
0x7b: {  	_ =	shalt  }
0x7c: {  	_ =	shalt  }
0x7d: {  	_ =	shalt  }
0x7e: {  	_ =	shalt  }
0x7f: {  	_ =	shalt  }
0x80: {  	_ =	shalt  }
0x81: {  	_ =	shalt  }
0x82: {  	_ =	shalt  }
0x83: {  	_ =	shalt  }
0x84: {  	_ =	shalt  }
0x85: {  	_ =	shalt  }
0x86: {  	_ =	shalt  }
0x87: {  	_ =	shalt  }
.Lfunc_end0:
.L_simem_size_0:
called_computation.2_lowered:
.L_overlay_start_0:
0x88: {  	s2 =	sld [smem:$0x3FD9]  }
0x89: {  	s3 =	sld [smem:$0x3FFE];
	_ =	sdelay $0x1  }
0x8a: {  	s1 =	srdreg.scid  }
0x8b: {  	s0 =	sand.u32 $0x1, s1  }
0x8c: {  	s14 =	sshll.u32 s0, $0xA;
	s2 =	sadd.s32 s3, s2  }
0x8d: {  	s2 =	sadd.s32 s2, s14  }
0x8e: {  	[smem:$0x3FAB] =	sst s2  }
0x8f: {  	_ = 	snop  }
0x90: {  	s2 =	sld [smem:$0x3FD0];
	_ =	sdelay $0x2  }
0x91: {  	s4 =	simm.s32 $0xA;
	s5 =	simm.s32 $0x10;
	s15 =	sld [smem:$0x3FC6]  }
0x92: {  	[smem:s5], [sflag:s4] =	dma.local [hbm:s2], $0x1  }
0x93: {  	_ =	swait.eq [sflag:s4], $0x1  }
0x94: {  	[sflag:s4] =	ssyncset.done $0x0  }
0x95: {  	[sflag:s4] =	ssyncadd.s32 $0xFFFFFFFF  }
0x96: {  	s16 =	sld [smem:$0x11];
	(tm) =	ssettm $0x1  }
0x97: {  	s17 =	sld [smem:$0x3FFB];
	_ =	sdelay $0x3  }
0x98: {  	_ =	strace s17  }
0x99: {  	s4 =	sld [smem:$0x3FFC];
	_ =	sdelay $0x3  }
0x9a: {  	_ =	strace s4  }
0x9b: {  	s4 =	sld [smem:$0x3FFD];
	_ =	sdelay $0x3  }
0x9c: {  	_ =	strace s4  }
0x9d: {  	_ =	strace $0x8FFFFFFF  }
0x9e: {  	s18 =	sld [smem:$0x3FDB];
	_ =	sdelay $0x1  }
0x9f: {  	s19 =	simm.s32 $_scs_section_size  }
0xa0: {  	s6 =	simm.s32 $_size__tile_overlayer_lowered;
	s7 =	simm.s32 $_tile_overlayer_lowered  }
0xa1: {  	s22 =	simm.s32 $0x1BFF;
	s21 =	sshll.u32 s7, $0x1;
	s4 =	sadd.s32 s19, s18  }
0xa2: {  	s8 =	simm.s32 $0x0;
	s20 =	sshll.u32 s6, $0x1;
	s6 =	sadd.s32 s21, s4  }
0xa3: {  	[timem:s8], [sflag:s22] =	dma.local [hbm:s6], s20  }
0xa4: {  	_ =	swait.ge [sflag:s22], s20  }
0xa5: {  	s5 =	ssub.s32 $0x0, s20;
	[sflag:s22] =	ssyncset.done $0x0  }
0xa6: {  	[sflag:s22] =	ssyncadd.s32 s5;
	_ =	sdelay $0x1  }
0xa7: {  	s23 =	simm.s32 $0x1B8B  }
0xa8: {  	_ =	swait.ge [sflag:s23], $0x1  }
0xa9: {  	[sflag:s23] =	ssyncset.done $0x0  }
0xaa: {  	s25 =	simm.s32 $0x1B8E;
	s24 =	sld [smem:$0x3FFE];
	[sflag:s23] =	ssyncadd.s32 $0xFFFFFFFF  }
0xab: {  	s26 =	simm.s32 $execute0_lowered;
	[smem:$0x3FD2] =	sst s25  }
0xac: {  	s6 =	sshll.u32 s26, $0x1;
	_ =	strace $0x8000004C;
	[dreg:$0x1] =	wrdreg $0xFFFFFFFF  }
0xad: {  	s28 =	simm.s32 $_size_execute0_lowered;
	s4 =	sadd.s32 s4, s6;
	[dreg:$0x0] =	wrdreg $0x0  }
0xae: {  	s6 =	sshll.u32 s28, $0x1;
	[dreg:$0x2] =	wrdreg s4  }
0xaf: {  	[dreg:$0x3] =	wrdreg s6  }
0xb0: {  	[dreg:$0x4] =	wrdreg $0xC0  }
0xb1: {  	_ =	task [dreg:s8], $0x5FFFF  }
0xb2: {  	[dreg:$0x1] =	wrdreg $0xFFFFFFFF  }
0xb3: {  	[dreg:$0x0] =	wrdreg $0x60  }
0xb4: {  	[dreg:$0x2] =	wrdreg s24  }
0xb5: {  	[dreg:$0x3] =	wrdreg s16  }
0xb6: {  	[dreg:$0x4] =	wrdreg s15  }
0xb7: {  	[dreg:$0x5] =	wrdreg $0x9  }
0xb8: {  	_ =	task.clear_ibuf [dreg:s8], $0x6FFFF;
	_ =	strace $0x9000004C  }
0xb9: {  	s29 =	simm.s32 $0x9;
	_ =	strace $0x8000004E  }
0xba: {  	_ =	swait.ge [sflag:s29], $0x1  }
0xbb: {  	[sflag:s29] =	ssyncadd.s32 $0xFFFFFFFF  }
0xbc: {  	_ =	strace $0x9000004E  }
0xbd: {  	_ =	sfence  }
0xbe: {  	s30 =	sld [smem:$0x0];
	_ =	sdelay $0x2  }
0xbf: {  	s31 =	sshll.u32 s1, $0xD;
	s1 =	sshrl.u32 s1, $0x2  }
0xc0: {  	s3 =	sand.u32 $0x4000, s31;
	s1 =	sadd.s32 s1, s30  }
0xc1: {  	s0 =	sor.u32 s3, s0;
	s1 =	sshll.u32 s1, $0x11  }
0xc2: {  	s0 =	sor.u32 s1, s0  }
0xc3: {  	s0 =	sadd.s32 $0x8F2B, s0  }
0xc4: {  	[sflag:s0] =	ssyncadd.remote.s32 $0x1  }
0xc5: {  	_ =	sfence.sel $0xFFFF  }
0xc6: {  	[dreg:$0x0] =	wrdreg $0xFFFFFFFF;
	(pc) =	sbr.abs _section_cstart, $3  }
0xc7: {  	[dreg:$0x1] =	wrdreg $0xFFFFFFFF  }
0xc8: {  	_ =	task.clear_ibuf [dreg:s8], $0x2FFFF;
	_ =	strace $0x9FFFFFFF  }
0xc9: {  	(tm) =	ssettm $0x7FFFFFFF  }
tec
execute0_lowered:
.L_overlay_start_1:
0x0: {  	(tag) =	ssettag $0x1  }
0x1: {  	s0 =	rddreg [dreg:$0x0]  }
0x2: {  	s1 =	rddreg [dreg:$0x1]  }
0x3: {  	s2 =	rddreg [dreg:$0x2];
	s3 =	srdreg.scid;
	s4 =	simm.s32 $0x0  }
0x4: {  	s11 =	stileid.u32;
	s15 =	simm.s32 $0x4;
	s16 =	simm.s32 $0x80  }
0x5: {  	s17 =	simm.s32 $0x100;
	s18 =	simm.s32 $0x180;
	s19 =	simm.s32 $0x200  }
0x6: {  	s20 =	simm.s32 $0x1;
	s21 =	simm.s32 $0x2;
	s22 =	simm.s32 $0x3  }
0x7: {  	s23 =	simm.s32 $0x600;
	s24 =	simm.s32 $0x1600;
	s28 =	simm.s32 $0x380  }
0x8: {  	s29 =	simm.s32 $0x10;
	s31 =	simm.s32 $0x0;
	s3 =	sand.u32 $0x1, s3  }
0x9: {  	[smem:$0x7FF] =	sst s4;
	s14 =	sadd.s32 $0x4600, s0;
	s13 =	sadd.s32 $0xE400, s0  }
0xa: {  	s5 =	sshll.u32 s3, $0x4;
	s8 =	ssub.s32 $0x2, s3;
	s3 =	smul.u32 $0x27100, s3  }
0xb: {  	s12 =	sadd.s32 $0x19000, s0;
	s6 =	sor.u32 s11, s5;
	s11 =	smul.u32 $0x2710, s11  }
0xc: {  	_ =	strace $0x8000004D;
	s9 =	sshrl.u32 s8, $0x1;
	s7 =	smul.u32 $0x2710, s6  }
0xd: {  	s5 =	sadd.s32 $0x18200, s0;
	s6 =	sshll.u32 s6, $0x5;
	s25 =	ssub.s32 s8, s9  }
0xe: {  	s0 =	sadd.s32 s6, s0;
	s3 =	sadd.s32 s11, s3;
	s7 =	sshrl.u32 s7, $0x3  }
0xf: {  	s11 =	smax.u32 s25, $0x1;
	s25 =	simm.s32 $0x280;
	s10 =	sadd.s32 $0x4E0, s7  }
0x10: {  	s9 =	sadd.s32 $0x18800, s0;
	s30 =	sshrl.u32 s3, $0x3;
	s7 =	sadd.s32 s14, s10  }
0x11: {  	s26 =	sadd.s32 s13, s10;
	s8 =	sadd.s32 s12, s10;
	s10 =	sadd.s32 $0x18C00, s0  }
0x12: {  	v2 =	vlaneseq.u32;
	s12 =	sadd.s32 s30, s12;
	s13 =	sadd.s32 s30, s13;
	[dreg:$0x4] =	wrdreg s7  }
0x13: {  	v0 =	vimm.f32 $0.0e+00;
	v1 =	vimm.f32 $1.000000000e+00;
	v2 =	vmul.u32 $0x100, v2;
	s14 =	sadd.s32 s30, s14;
	[dreg:$0x5] =	wrdreg s26;
	s26 =	simm.s32 $0x300  }
.LBB2_1:
0x14: {  	s0 =	simm.s32 $0x0  }
.LBB2_2:
0x15: {  	p0 =	sne.s32 s0, $0x3FC0  }
.Ltmp0:
0x16: {  	_ = 	snop;
	(pc) =	sbr.rel @p0 .LBB2_2-.Ltmp0, $4  }
0x17: {  	_ = 	snop  }
0x18: {  	s3 =	sshra.s32 s0, $0x2  }
0x19: {  	[tilespmem:s3+$0x600] =	vst v0  }
0x1a: {  	s0 =	sadd.s32 $0x40, s0;
	[tilespmem:s3+$0x1600] =	vst v0  }
0x1b: {  	s0 =	simm.s32 $0x0  }
.LBB2_4:
0x1c: {  	s3 =	sadd.s32 s0, s14  }
0x1d: {  	[tilespmem:s4], [sflag:$0x4] =	stream.linear.gather [hbm4b:s3+s4], $0x80, $0x38;
	[tilespmem:$0x2700] =	vst v63  }
0x1e: {  	_ =	swait.ge [sflag:s15], $0x80  }
0x1f: {  	[sflag:s15] =	ssyncset.done $0x0  }
0x20: {  	s7 =	sadd.s32 s0, s13;
	[sflag:s15] =	ssyncadd.s32 $0xFFFFFF80  }
0x21: {  	[tilespmem:s16], [sflag:$0x4] =	stream.linear.gather [hbm4b:s7+s4], $0x80, $0x38;
	[tilespmem:$0x2700] =	vst v63  }
0x22: {  	_ =	swait.ge [sflag:s15], $0x80  }
0x23: {  	[sflag:s15] =	ssyncset.done $0x0  }
0x24: {  	[sflag:s15] =	ssyncadd.s32 $0xFFFFFF80  }
0x25: {  	[tilespmem:s17], [sflag:$0x1] =	stream.indirect.gather [hbm4b:s5+s16], $0x1, s4, s16, $0xb8;
	[tilespmem:$0x2700] =	vst v63  }
0x26: {  	_ = 	snop  }
0x27: {  	[tilespmem:s18], [sflag:$0x2] =	stream.indirect.gather [hbm4b:s1+s16], $0x1, s16, s16, $0xb8;
	[tilespmem:$0x2700] =	vst v63  }
0x28: {  	_ = 	snop  }
0x29: {  	[tilespmem:s19], [sflag:$0x3] =	stream.indirect.gather [hbm4b:s2+s16], $0x1, s4, s16, $0xb8;
	[tilespmem:$0x2700] =	vst v63  }
0x2a: {  	_ =	swait.ge [sflag:s20], $0x80  }
0x2b: {  	[sflag:s20] =	ssyncset.done $0x0  }
0x2c: {  	[sflag:s20] =	ssyncadd.s32 $0xFFFFFF80  }
0x2d: {  	_ =	swait.ge [sflag:s21], $0x80  }
0x2e: {  	[sflag:s21] =	ssyncset.done $0x0  }
0x2f: {  	[sflag:s21] =	ssyncadd.s32 $0xFFFFFF80  }
0x30: {  	_ =	swait.ge [sflag:s22], $0x80  }
0x31: {  	[sflag:s22] =	ssyncset.done $0x0  }
0x32: {  	[sflag:s22] =	ssyncadd.s32 $0xFFFFFF80  }
0x33: {  	v3 =	vld [tilespmem:$0x100]  }
0x34: {  	v4 =	vld [tilespmem:$0x180];
	_ =	sdelay $0x4  }
0x35: {  	v3 =	vadd.f32 v4, v3;
	_ =	sdelay $0x1  }
0x36: {  	v3 =	vsub.f32 $0.0e+00, v3;
	_ =	sdelay $0x1  }
0x37: {  	v3 =	vmul.f32 $1.442695020e+00, v3;
	_ =	sdelay $0x1  }
0x38: {  	(erf) = vpow2.f32 v3;
	_ =	sdelay $0x8  }
0x39: {  	v3 =	vpop (erf)  }
0x3a: {  	v3 =	vadd.f32 $1.000000000e+00, v3;
	_ =	sdelay $0x1  }
0x3b: {  	(erf) = vrcp.f32 v3  }
0x3c: {  	v3 =	vld [tilespmem:$0x200];
	_ =	sdelay $0x4  }
0x3d: {  	v3 =	vadd.s32 v2, v3;
	_ =	sdelay $0x2  }
0x3e: {  	v56 =	vpop (erf)  }
0x3f: {  	[tilespmem:$0x280] =	vst v56  }
0x40: {  	[tilespmem:v3+s23+$0x0] =	vst.idx.add.f32.msk $0xffff, v56  }
0x41: {  	[tilespmem:v3+s24+$0x0] =	vst.idx.add.f32.msk $0xffff, v1  }
0x42: {  	v3 =	vld [tilespmem:$0x110]  }
0x43: {  	v4 =	vld [tilespmem:$0x190];
	_ =	sdelay $0x4  }
0x44: {  	v3 =	vadd.f32 v4, v3;
	_ =	sdelay $0x1  }
0x45: {  	v3 =	vsub.f32 $0.0e+00, v3;
	_ =	sdelay $0x1  }
0x46: {  	v3 =	vmul.f32 $1.442695020e+00, v3;
	_ =	sdelay $0x1  }
0x47: {  	(erf) = vpow2.f32 v3;
	_ =	sdelay $0x8  }
0x48: {  	v3 =	vpop (erf)  }
0x49: {  	v3 =	vadd.f32 $1.000000000e+00, v3;
	_ =	sdelay $0x1  }
0x4a: {  	(erf) = vrcp.f32 v3  }
0x4b: {  	v3 =	vld [tilespmem:$0x210];
	_ =	sdelay $0x4  }
0x4c: {  	v3 =	vadd.s32 v2, v3;
	_ =	sdelay $0x2  }
0x4d: {  	v57 =	vpop (erf)  }
0x4e: {  	[tilespmem:$0x290] =	vst v57  }
0x4f: {  	[tilespmem:v3+s23+$0x0] =	vst.idx.add.f32.msk $0xffff, v57  }
0x50: {  	[tilespmem:v3+s24+$0x0] =	vst.idx.add.f32.msk $0xffff, v1  }
0x51: {  	v3 =	vld [tilespmem:$0x120]  }
0x52: {  	v4 =	vld [tilespmem:$0x1A0];
	_ =	sdelay $0x4  }
0x53: {  	v3 =	vadd.f32 v4, v3;
	_ =	sdelay $0x1  }
0x54: {  	v3 =	vsub.f32 $0.0e+00, v3;
	_ =	sdelay $0x1  }
0x55: {  	v3 =	vmul.f32 $1.442695020e+00, v3;
	_ =	sdelay $0x1  }
0x56: {  	(erf) = vpow2.f32 v3;
	_ =	sdelay $0x8  }
0x57: {  	v3 =	vpop (erf)  }
0x58: {  	v3 =	vadd.f32 $1.000000000e+00, v3;
	_ =	sdelay $0x1  }
0x59: {  	(erf) = vrcp.f32 v3  }
0x5a: {  	v3 =	vld [tilespmem:$0x220];
	_ =	sdelay $0x4  }
0x5b: {  	v3 =	vadd.s32 v2, v3;
	_ =	sdelay $0x2  }
0x5c: {  	v58 =	vpop (erf)  }
0x5d: {  	[tilespmem:$0x2A0] =	vst v58  }
0x5e: {  	[tilespmem:v3+s23+$0x0] =	vst.idx.add.f32.msk $0xffff, v58  }
0x5f: {  	[tilespmem:v3+s24+$0x0] =	vst.idx.add.f32.msk $0xffff, v1  }
0x60: {  	v3 =	vld [tilespmem:$0x130]  }
0x61: {  	v4 =	vld [tilespmem:$0x1B0];
	_ =	sdelay $0x4  }
0x62: {  	v3 =	vadd.f32 v4, v3;
	_ =	sdelay $0x1  }
0x63: {  	v3 =	vsub.f32 $0.0e+00, v3;
	_ =	sdelay $0x1  }
0x64: {  	v3 =	vmul.f32 $1.442695020e+00, v3;
	_ =	sdelay $0x1  }
0x65: {  	(erf) = vpow2.f32 v3;
	_ =	sdelay $0x8  }
0x66: {  	v3 =	vpop (erf)  }
0x67: {  	v3 =	vadd.f32 $1.000000000e+00, v3;
	_ =	sdelay $0x1  }
0x68: {  	(erf) = vrcp.f32 v3  }
0x69: {  	v3 =	vld [tilespmem:$0x230];
	_ =	sdelay $0x4  }
0x6a: {  	v3 =	vadd.s32 v2, v3;
	_ =	sdelay $0x2  }
0x6b: {  	v59 =	vpop (erf)  }
0x6c: {  	[tilespmem:$0x2B0] =	vst v59  }
0x6d: {  	[tilespmem:v3+s23+$0x0] =	vst.idx.add.f32.msk $0xffff, v59  }
0x6e: {  	[tilespmem:v3+s24+$0x0] =	vst.idx.add.f32.msk $0xffff, v1  }
0x6f: {  	v3 =	vld [tilespmem:$0x140]  }
0x70: {  	v4 =	vld [tilespmem:$0x1C0];
	_ =	sdelay $0x4  }
0x71: {  	v3 =	vadd.f32 v4, v3;
	_ =	sdelay $0x1  }
0x72: {  	v3 =	vsub.f32 $0.0e+00, v3;
	_ =	sdelay $0x1  }
0x73: {  	v3 =	vmul.f32 $1.442695020e+00, v3;
	_ =	sdelay $0x1  }
0x74: {  	(erf) = vpow2.f32 v3;
	_ =	sdelay $0x8  }
0x75: {  	v3 =	vpop (erf)  }
0x76: {  	v3 =	vadd.f32 $1.000000000e+00, v3;
	_ =	sdelay $0x1  }
0x77: {  	(erf) = vrcp.f32 v3  }
0x78: {  	v3 =	vld [tilespmem:$0x240];
	_ =	sdelay $0x4  }
0x79: {  	v3 =	vadd.s32 v2, v3;
	_ =	sdelay $0x2  }
0x7a: {  	v60 =	vpop (erf)  }
0x7b: {  	[tilespmem:$0x2C0] =	vst v60  }
0x7c: {  	[tilespmem:v3+s23+$0x0] =	vst.idx.add.f32.msk $0xffff, v60  }
0x7d: {  	[tilespmem:v3+s24+$0x0] =	vst.idx.add.f32.msk $0xffff, v1  }
0x7e: {  	v3 =	vld [tilespmem:$0x150]  }
0x7f: {  	v4 =	vld [tilespmem:$0x1D0];
	_ =	sdelay $0x4  }
0x80: {  	v3 =	vadd.f32 v4, v3;
	_ =	sdelay $0x1  }
0x81: {  	v3 =	vsub.f32 $0.0e+00, v3;
	_ =	sdelay $0x1  }
0x82: {  	v3 =	vmul.f32 $1.442695020e+00, v3;
	_ =	sdelay $0x1  }
0x83: {  	(erf) = vpow2.f32 v3;
	_ =	sdelay $0x8  }
0x84: {  	v3 =	vpop (erf)  }
0x85: {  	v3 =	vadd.f32 $1.000000000e+00, v3;
	_ =	sdelay $0x1  }
0x86: {  	(erf) = vrcp.f32 v3  }
0x87: {  	v3 =	vld [tilespmem:$0x250];
	_ =	sdelay $0x4  }
0x88: {  	v3 =	vadd.s32 v2, v3;
	_ =	sdelay $0x2  }
0x89: {  	v61 =	vpop (erf)  }
0x8a: {  	[tilespmem:$0x2D0] =	vst v61  }
0x8b: {  	[tilespmem:v3+s23+$0x0] =	vst.idx.add.f32.msk $0xffff, v61  }
0x8c: {  	[tilespmem:v3+s24+$0x0] =	vst.idx.add.f32.msk $0xffff, v1  }
0x8d: {  	v3 =	vld [tilespmem:$0x160]  }
0x8e: {  	v4 =	vld [tilespmem:$0x1E0];
	_ =	sdelay $0x4  }
0x8f: {  	v3 =	vadd.f32 v4, v3;
	_ =	sdelay $0x1  }
0x90: {  	v3 =	vsub.f32 $0.0e+00, v3;
	_ =	sdelay $0x1  }
0x91: {  	v3 =	vmul.f32 $1.442695020e+00, v3;
	_ =	sdelay $0x1  }
0x92: {  	(erf) = vpow2.f32 v3;
	_ =	sdelay $0x8  }
0x93: {  	v3 =	vpop (erf)  }
0x94: {  	v3 =	vadd.f32 $1.000000000e+00, v3;
	_ =	sdelay $0x1  }
0x95: {  	(erf) = vrcp.f32 v3  }
0x96: {  	v3 =	vld [tilespmem:$0x260];
	_ =	sdelay $0x4  }
0x97: {  	v3 =	vadd.s32 v2, v3;
	_ =	sdelay $0x2  }
0x98: {  	v62 =	vpop (erf)  }
0x99: {  	[tilespmem:$0x2E0] =	vst v62  }
0x9a: {  	[tilespmem:v3+s23+$0x0] =	vst.idx.add.f32.msk $0xffff, v62  }
0x9b: {  	[tilespmem:v3+s24+$0x0] =	vst.idx.add.f32.msk $0xffff, v1  }
0x9c: {  	v3 =	vld [tilespmem:$0x170]  }
0x9d: {  	v4 =	vld [tilespmem:$0x1F0];
	_ =	sdelay $0x4  }
0x9e: {  	v3 =	vadd.f32 v4, v3;
	_ =	sdelay $0x1  }
0x9f: {  	v3 =	vsub.f32 $0.0e+00, v3;
	_ =	sdelay $0x1  }
0xa0: {  	v3 =	vmul.f32 $1.442695020e+00, v3;
	_ =	sdelay $0x1  }
0xa1: {  	(erf) = vpow2.f32 v3;
	_ =	sdelay $0x8  }
0xa2: {  	v3 =	vpop (erf)  }
0xa3: {  	v3 =	vadd.f32 $1.000000000e+00, v3;
	_ =	sdelay $0x1  }
0xa4: {  	(erf) = vrcp.f32 v3  }
0xa5: {  	v3 =	vld [tilespmem:$0x270];
	_ =	sdelay $0x4  }
0xa6: {  	v3 =	vadd.s32 v2, v3;
	_ =	sdelay $0x2  }
0xa7: {  	v63 =	vpop (erf)  }
0xa8: {  	[tilespmem:$0x2F0] =	vst v63  }
0xa9: {  	p0 =	sne.s32 s0, $0x4D0;
	[tilespmem:v3+s23+$0x0] =	vst.idx.add.f32.msk $0xffff, v63  }
.Ltmp1:
0xaa: {  	s30 =	sadd.s32 s0, s12;
	[tilespmem:v3+s24+$0x0] =	vst.idx.add.f32.msk $0xffff, v1;
	(pc) =	sbr.rel @p0 .LBB2_4-.Ltmp1, $4  }
0xab: {  	[hbm4b:s30+s4] =	stream.linear.scatter [tilespmem:s25], [sflag:$0x4], $0x80, $0x38;
	[tilespmem:$0x2700] =	vst v63  }
0xac: {  	_ =	swait.ge [sflag:s15], $0x80  }
0xad: {  	[sflag:s15] =	ssyncset.done $0x0  }
0xae: {  	s0 =	sadd.s32 $0x10, s0;
	[sflag:s15] =	ssyncadd.s32 $0xFFFFFF80  }
0xaf: {  	s0 =	simm.s32 $0x0;
	s3 =	rddreg [dreg:$0x4]  }
0xb0: {  	[tilespmem:s26], [sflag:$0x4] =	stream.linear.gather [hbm4b:s3+s0], $0x10, $0x38;
	[tilespmem:$0x2700] =	vst v63  }
0xb1: {  	_ =	swait.ge [sflag:s15], $0x10  }
0xb2: {  	[sflag:s15] =	ssyncset.done $0x0  }
0xb3: {  	s7 =	rddreg [dreg:$0x5];
	[sflag:s15] =	ssyncadd.s32 $0xFFFFFFF0  }
0xb4: {  	[tilespmem:s28], [sflag:$0x4] =	stream.linear.gather [hbm4b:s7+s0], $0x10, $0x38;
	[tilespmem:$0x2700] =	vst v63  }
0xb5: {  	_ =	swait.ge [sflag:s15], $0x10  }
0xb6: {  	[sflag:s15] =	ssyncset.done $0x0  }
0xb7: {  	s6 =	simm.s32 $0x400;
	[sflag:s15] =	ssyncadd.s32 $0xFFFFFFF0  }
0xb8: {  	[tilespmem:s6], [sflag:$0x1] =	stream.indirect.gather [hbm4b:s5+s29], $0x1, s26, s29, $0xb8;
	[tilespmem:$0x2700] =	vst v63  }
0xb9: {  	s7 =	simm.s32 $0x480  }
0xba: {  	[tilespmem:s7], [sflag:$0x2] =	stream.indirect.gather [hbm4b:s1+s29], $0x1, s28, s29, $0xb8;
	[tilespmem:$0x2700] =	vst v63  }
0xbb: {  	s6 =	simm.s32 $0x500  }
0xbc: {  	[tilespmem:s6], [sflag:$0x3] =	stream.indirect.gather [hbm4b:s2+s29], $0x1, s26, s29, $0xb8;
	[tilespmem:$0x2700] =	vst v63  }
0xbd: {  	_ =	swait.ge [sflag:s20], $0x10  }
0xbe: {  	[sflag:s20] =	ssyncset.done $0x0  }
0xbf: {  	[sflag:s20] =	ssyncadd.s32 $0xFFFFFFF0  }
0xc0: {  	_ =	swait.ge [sflag:s21], $0x10  }
0xc1: {  	[sflag:s21] =	ssyncset.done $0x0  }
0xc2: {  	[sflag:s21] =	ssyncadd.s32 $0xFFFFFFF0  }
0xc3: {  	_ =	swait.ge [sflag:s22], $0x10  }
0xc4: {  	[sflag:s22] =	ssyncset.done $0x0  }
0xc5: {  	[sflag:s22] =	ssyncadd.s32 $0xFFFFFFF0  }
0xc6: {  	v3 =	vld [tilespmem:$0x400]  }
0xc7: {  	v4 =	vld [tilespmem:$0x480];
	_ =	sdelay $0x4  }
0xc8: {  	v3 =	vadd.f32 v4, v3;
	_ =	sdelay $0x1  }
0xc9: {  	v3 =	vsub.f32 $0.0e+00, v3;
	_ =	sdelay $0x1  }
0xca: {  	v3 =	vmul.f32 $1.442695020e+00, v3;
	_ =	sdelay $0x1  }
0xcb: {  	(erf) = vpow2.f32 v3;
	_ =	sdelay $0x8  }
0xcc: {  	v3 =	vpop (erf)  }
0xcd: {  	v3 =	vadd.f32 $1.000000000e+00, v3;
	_ =	sdelay $0x1  }
0xce: {  	(erf) = vrcp.f32 v3  }
0xcf: {  	v3 =	vld [tilespmem:$0x500];
	_ =	sdelay $0x4  }
0xd0: {  	v3 =	vadd.s32 v2, v3;
	_ =	sdelay $0x2  }
0xd1: {  	v4 =	vpop (erf)  }
0xd2: {  	s7 =	simm.s32 $0x600;
	[tilespmem:$0x580] =	vst v4  }
0xd3: {  	[tilespmem:v3+s7+$0x0] =	vst.idx.add.f32.msk $0xffff, v4  }
0xd4: {  	s6 =	simm.s32 $0x580;
	[tilespmem:v3+s24+$0x0] =	vst.idx.add.f32.msk $0xffff, v1  }
0xd5: {  	[hbm4b:s8+s0] =	stream.linear.scatter [tilespmem:s6], [sflag:$0x4], $0x10, $0x38;
	[tilespmem:$0x2700] =	vst v63  }
0xd6: {  	_ =	swait.ge [sflag:s15], $0x10  }
0xd7: {  	[sflag:s15] =	ssyncset.done $0x0  }
0xd8: {  	[sflag:s15] =	ssyncadd.s32 $0xFFFFFFF0  }
0xd9: {  	v3 =	vld [tilespmem:s7+$0x0]  }
0xda: {  	s0 =	sand.u32 $0xF0, s0  }
0xdb: {  	v4 =	vld [tilespmem:s0+$0x700];
	_ =	sdelay $0x1  }
0xdc: {  	v5 =	vld [tilespmem:s0+$0x800]  }
0xdd: {  	v3 =	vadd.f32 $0.0e+00, v3  }
0xde: {  	v6 =	vld [tilespmem:s0+$0x900]  }
0xdf: {  	v3 =	vadd.f32 v4, v3  }
0xe0: {  	v4 =	vld [tilespmem:s0+$0xA00]  }
0xe1: {  	v3 =	vadd.f32 v5, v3  }
0xe2: {  	v5 =	vld [tilespmem:s0+$0xB00]  }
0xe3: {  	v3 =	vadd.f32 v6, v3  }
0xe4: {  	v60 =	vld [tilespmem:s0+$0xC00]  }
0xe5: {  	v3 =	vadd.f32 v4, v3  }
0xe6: {  	v4 =	vld [tilespmem:s0+$0xD00]  }
0xe7: {  	v3 =	vadd.f32 v5, v3  }
0xe8: {  	v5 =	vld [tilespmem:s0+$0xE00]  }
0xe9: {  	v3 =	vadd.f32 v60, v3  }
0xea: {  	v61 =	vld [tilespmem:s0+$0xF00]  }
0xeb: {  	v3 =	vadd.f32 v4, v3  }
0xec: {  	v4 =	vld [tilespmem:s0+$0x1000]  }
0xed: {  	v3 =	vadd.f32 v5, v3  }
0xee: {  	v5 =	vld [tilespmem:s0+$0x1100]  }
0xef: {  	v3 =	vadd.f32 v61, v3  }
0xf0: {  	v62 =	vld [tilespmem:s0+$0x1200]  }
0xf1: {  	v3 =	vadd.f32 v4, v3  }
0xf2: {  	v4 =	vld [tilespmem:s0+$0x1300]  }
0xf3: {  	v3 =	vadd.f32 v5, v3  }
0xf4: {  	v5 =	vld [tilespmem:s0+$0x1400]  }
0xf5: {  	v3 =	vadd.f32 v62, v3  }
0xf6: {  	v63 =	vld [tilespmem:s0+$0x1500]  }
0xf7: {  	v3 =	vadd.f32 v4, v3;
	_ =	sdelay $0x1  }
0xf8: {  	v3 =	vadd.f32 v5, v3;
	_ =	sdelay $0x1  }
0xf9: {  	v3 =	vadd.f32 v63, v3  }
0xfa: {  	s0 =	simm.s32 $0x2600  }
0xfb: {  	s3 =	simm.s32 $0x610;
	[tilespmem:s0+$0x0] =	vst v3  }
0xfc: {  	s30 =	simm.s32 $0x10;
	s6 =	simm.s32 $0x20;
	v3 =	vld [tilespmem:s3+$0x0]  }
.LBB2_6:
0xfd: {  	p0 =	sne.s32 s6, $0xF0;
	s7 =	sand.u32 $0xF0, s30;
	s30 =	smov.u32 s6  }
0xfe: {  	v4 =	vld [tilespmem:s7+$0x700];
	_ =	sdelay $0x1  }
0xff: {  	v5 =	vld [tilespmem:s7+$0x800]  }
0x100: {  	v3 =	vadd.f32 $0.0e+00, v3  }
0x101: {  	v6 =	vld [tilespmem:s7+$0x900]  }
0x102: {  	v3 =	vadd.f32 v4, v3  }
0x103: {  	v4 =	vld [tilespmem:s7+$0xA00]  }
0x104: {  	v3 =	vadd.f32 v5, v3  }
0x105: {  	v5 =	vld [tilespmem:s7+$0xB00]  }
0x106: {  	v3 =	vadd.f32 v6, v3  }
0x107: {  	v6 =	vld [tilespmem:s7+$0xC00]  }
0x108: {  	v3 =	vadd.f32 v4, v3  }
0x109: {  	v4 =	vld [tilespmem:s7+$0xD00]  }
0x10a: {  	v3 =	vadd.f32 v5, v3  }
0x10b: {  	v5 =	vld [tilespmem:s7+$0xE00]  }
0x10c: {  	v3 =	vadd.f32 v6, v3  }
0x10d: {  	v6 =	vld [tilespmem:s7+$0xF00]  }
0x10e: {  	v3 =	vadd.f32 v4, v3  }
0x10f: {  	v4 =	vld [tilespmem:s7+$0x1000]  }
0x110: {  	v3 =	vadd.f32 v5, v3  }
0x111: {  	v5 =	vld [tilespmem:s7+$0x1100]  }
0x112: {  	v3 =	vadd.f32 v6, v3  }
0x113: {  	v6 =	vld [tilespmem:s7+$0x1200]  }
0x114: {  	v3 =	vadd.f32 v4, v3  }
0x115: {  	v4 =	vld [tilespmem:s7+$0x1300]  }
0x116: {  	v3 =	vadd.f32 v5, v3  }
0x117: {  	v5 =	vld [tilespmem:s7+$0x1400]  }
0x118: {  	v3 =	vadd.f32 v6, v3  }
0x119: {  	v6 =	vld [tilespmem:s7+$0x1500]  }
0x11a: {  	v3 =	vadd.f32 v4, v3;
	_ =	sdelay $0x1  }
0x11b: {  	v3 =	vadd.f32 v5, v3  }
.Ltmp2:
0x11c: {  	(pc) =	sbr.rel @p0 .LBB2_6-.Ltmp2, $4  }
0x11d: {  	v3 =	vadd.f32 v6, v3  }
0x11e: {  	s0 =	sadd.s32 $0x10, s0  }
0x11f: {  	s3 =	sadd.s32 $0x10, s3;
	[tilespmem:s0+$0x0] =	vst v3  }
0x120: {  	s6 =	sadd.s32 $0x10, s6;
	v3 =	vld [tilespmem:s3+$0x0]  }
0x121: {  	s3 =	sand.u32 $0xF0, s30  }
0x122: {  	v4 =	vld [tilespmem:s3+$0x700];
	_ =	sdelay $0x1  }
0x123: {  	v5 =	vld [tilespmem:s3+$0x800]  }
0x124: {  	v3 =	vadd.f32 $0.0e+00, v3  }
0x125: {  	v6 =	vld [tilespmem:s3+$0x900]  }
0x126: {  	v3 =	vadd.f32 v4, v3  }
0x127: {  	v4 =	vld [tilespmem:s3+$0xA00]  }
0x128: {  	v3 =	vadd.f32 v5, v3  }
0x129: {  	v5 =	vld [tilespmem:s3+$0xB00]  }
0x12a: {  	v3 =	vadd.f32 v6, v3  }
0x12b: {  	v55 =	vld [tilespmem:s3+$0xC00]  }
0x12c: {  	v3 =	vadd.f32 v4, v3  }
0x12d: {  	v4 =	vld [tilespmem:s3+$0xD00]  }
0x12e: {  	v3 =	vadd.f32 v5, v3  }
0x12f: {  	v5 =	vld [tilespmem:s3+$0xE00]  }
0x130: {  	v3 =	vadd.f32 v55, v3  }
0x131: {  	v56 =	vld [tilespmem:s3+$0xF00]  }
0x132: {  	v3 =	vadd.f32 v4, v3  }
0x133: {  	v4 =	vld [tilespmem:s3+$0x1000]  }
0x134: {  	v3 =	vadd.f32 v5, v3  }
0x135: {  	v5 =	vld [tilespmem:s3+$0x1100]  }
0x136: {  	v3 =	vadd.f32 v56, v3  }
0x137: {  	v57 =	vld [tilespmem:s3+$0x1200]  }
0x138: {  	v3 =	vadd.f32 v4, v3  }
0x139: {  	v4 =	vld [tilespmem:s3+$0x1300]  }
0x13a: {  	v3 =	vadd.f32 v5, v3  }
0x13b: {  	v5 =	vld [tilespmem:s3+$0x1400]  }
0x13c: {  	v3 =	vadd.f32 v57, v3  }
0x13d: {  	v58 =	vld [tilespmem:s3+$0x1500]  }
0x13e: {  	v3 =	vadd.f32 v4, v3;
	_ =	sdelay $0x1  }
0x13f: {  	v3 =	vadd.f32 v5, v3;
	_ =	sdelay $0x1  }
0x140: {  	v3 =	vadd.f32 v58, v3  }
0x141: {  	s0 =	sadd.s32 $0x10, s0  }
0x142: {  	s7 =	simm.s32 $0x0;
	[tilespmem:s0+$0x0] =	vst v3;
	s0 =	simm.s32 $0x2600  }
0x143: {  	[hbm4b:s9+s7] =	stream.linear.scatter [tilespmem:s0], [sflag:$0x4], $0x100, $0x38;
	[tilespmem:$0x2700] =	vst v63  }
0x144: {  	_ =	swait.ge [sflag:s15], $0x100  }
0x145: {  	[sflag:s15] =	ssyncset.done $0x0  }
0x146: {  	s6 =	simm.s32 $0x1600;
	[sflag:s15] =	ssyncadd.s32 $0xFFFFFF00  }
0x147: {  	v3 =	vld [tilespmem:s6+$0x0]  }
0x148: {  	s3 =	sand.u32 $0xF0, s7  }
0x149: {  	v4 =	vld [tilespmem:s3+$0x1700];
	_ =	sdelay $0x1  }
0x14a: {  	v5 =	vld [tilespmem:s3+$0x1800]  }
0x14b: {  	v3 =	vadd.f32 $0.0e+00, v3  }
0x14c: {  	v59 =	vld [tilespmem:s3+$0x1900]  }
0x14d: {  	v3 =	vadd.f32 v4, v3  }
0x14e: {  	v4 =	vld [tilespmem:s3+$0x1A00]  }
0x14f: {  	v3 =	vadd.f32 v5, v3  }
0x150: {  	v5 =	vld [tilespmem:s3+$0x1B00]  }
0x151: {  	v3 =	vadd.f32 v59, v3  }
0x152: {  	v60 =	vld [tilespmem:s3+$0x1C00]  }
0x153: {  	v3 =	vadd.f32 v4, v3  }
0x154: {  	v4 =	vld [tilespmem:s3+$0x1D00]  }
0x155: {  	v3 =	vadd.f32 v5, v3  }
0x156: {  	v5 =	vld [tilespmem:s3+$0x1E00]  }
0x157: {  	v3 =	vadd.f32 v60, v3  }
0x158: {  	v61 =	vld [tilespmem:s3+$0x1F00]  }
0x159: {  	v3 =	vadd.f32 v4, v3  }
0x15a: {  	v4 =	vld [tilespmem:s3+$0x2000]  }
0x15b: {  	v3 =	vadd.f32 v5, v3  }
0x15c: {  	v5 =	vld [tilespmem:s3+$0x2100]  }
0x15d: {  	v3 =	vadd.f32 v61, v3  }
0x15e: {  	v62 =	vld [tilespmem:s3+$0x2200]  }
0x15f: {  	v3 =	vadd.f32 v4, v3  }
0x160: {  	v4 =	vld [tilespmem:s3+$0x2300]  }
0x161: {  	v3 =	vadd.f32 v5, v3  }
0x162: {  	v5 =	vld [tilespmem:s3+$0x2400]  }
0x163: {  	v3 =	vadd.f32 v62, v3  }
0x164: {  	v63 =	vld [tilespmem:s3+$0x2500]  }
0x165: {  	v3 =	vadd.f32 v4, v3;
	_ =	sdelay $0x1  }
0x166: {  	v3 =	vadd.f32 v5, v3;
	_ =	sdelay $0x1  }
0x167: {  	v3 =	vadd.f32 v63, v3;
	_ =	sdelay $0x1  }
0x168: {  	s3 =	simm.s32 $0x1610;
	[tilespmem:s0+$0x0] =	vst v3  }
0x169: {  	s30 =	simm.s32 $0x10;
	s6 =	simm.s32 $0x20;
	v3 =	vld [tilespmem:s3+$0x0]  }
.LBB2_8:
0x16a: {  	p0 =	sne.s32 s6, $0xF0;
	s7 =	sand.u32 $0xF0, s30;
	s30 =	smov.u32 s6  }
0x16b: {  	v4 =	vld [tilespmem:s7+$0x1700];
	_ =	sdelay $0x1  }
0x16c: {  	v5 =	vld [tilespmem:s7+$0x1800]  }
0x16d: {  	v3 =	vadd.f32 $0.0e+00, v3  }
0x16e: {  	v6 =	vld [tilespmem:s7+$0x1900]  }
0x16f: {  	v3 =	vadd.f32 v4, v3  }
0x170: {  	v4 =	vld [tilespmem:s7+$0x1A00]  }
0x171: {  	v3 =	vadd.f32 v5, v3  }
0x172: {  	v5 =	vld [tilespmem:s7+$0x1B00]  }
0x173: {  	v3 =	vadd.f32 v6, v3  }
0x174: {  	v6 =	vld [tilespmem:s7+$0x1C00]  }
0x175: {  	v3 =	vadd.f32 v4, v3  }
0x176: {  	v4 =	vld [tilespmem:s7+$0x1D00]  }
0x177: {  	v3 =	vadd.f32 v5, v3  }
0x178: {  	v5 =	vld [tilespmem:s7+$0x1E00]  }
0x179: {  	v3 =	vadd.f32 v6, v3  }
0x17a: {  	v6 =	vld [tilespmem:s7+$0x1F00]  }
0x17b: {  	v3 =	vadd.f32 v4, v3  }
0x17c: {  	v4 =	vld [tilespmem:s7+$0x2000]  }
0x17d: {  	v3 =	vadd.f32 v5, v3  }
0x17e: {  	v5 =	vld [tilespmem:s7+$0x2100]  }
0x17f: {  	v3 =	vadd.f32 v6, v3  }
0x180: {  	v6 =	vld [tilespmem:s7+$0x2200]  }
0x181: {  	v3 =	vadd.f32 v4, v3  }
0x182: {  	v4 =	vld [tilespmem:s7+$0x2300]  }
0x183: {  	v3 =	vadd.f32 v5, v3  }
0x184: {  	v5 =	vld [tilespmem:s7+$0x2400]  }
0x185: {  	v3 =	vadd.f32 v6, v3  }
0x186: {  	v6 =	vld [tilespmem:s7+$0x2500]  }
0x187: {  	v3 =	vadd.f32 v4, v3;
	_ =	sdelay $0x1  }
0x188: {  	v3 =	vadd.f32 v5, v3  }
.Ltmp3:
0x189: {  	(pc) =	sbr.rel @p0 .LBB2_8-.Ltmp3, $4  }
0x18a: {  	v3 =	vadd.f32 v6, v3  }
0x18b: {  	s0 =	sadd.s32 $0x10, s0  }
0x18c: {  	s3 =	sadd.s32 $0x10, s3;
	[tilespmem:s0+$0x0] =	vst v3  }
0x18d: {  	s6 =	sadd.s32 $0x10, s6;
	v3 =	vld [tilespmem:s3+$0x0]  }
0x18e: {  	s3 =	sand.u32 $0xF0, s30  }
0x18f: {  	v4 =	vld [tilespmem:s3+$0x1700];
	_ =	sdelay $0x1  }
0x190: {  	v5 =	vld [tilespmem:s3+$0x1800]  }
0x191: {  	v3 =	vadd.f32 $0.0e+00, v3  }
0x192: {  	v6 =	vld [tilespmem:s3+$0x1900]  }
0x193: {  	v3 =	vadd.f32 v4, v3  }
0x194: {  	v52 =	vld [tilespmem:s3+$0x1A00]  }
0x195: {  	v3 =	vadd.f32 v5, v3  }
0x196: {  	v53 =	vld [tilespmem:s3+$0x1B00]  }
0x197: {  	v3 =	vadd.f32 v6, v3  }
0x198: {  	v54 =	vld [tilespmem:s3+$0x1C00]  }
0x199: {  	v3 =	vadd.f32 v52, v3  }
0x19a: {  	v55 =	vld [tilespmem:s3+$0x1D00]  }
0x19b: {  	v3 =	vadd.f32 v53, v3  }
0x19c: {  	v56 =	vld [tilespmem:s3+$0x1E00]  }
0x19d: {  	v3 =	vadd.f32 v54, v3  }
0x19e: {  	v57 =	vld [tilespmem:s3+$0x1F00]  }
0x19f: {  	v3 =	vadd.f32 v55, v3  }
0x1a0: {  	v58 =	vld [tilespmem:s3+$0x2000]  }
0x1a1: {  	v3 =	vadd.f32 v56, v3  }
0x1a2: {  	v59 =	vld [tilespmem:s3+$0x2100]  }
0x1a3: {  	v3 =	vadd.f32 v57, v3  }
0x1a4: {  	v60 =	vld [tilespmem:s3+$0x2200]  }
0x1a5: {  	v3 =	vadd.f32 v58, v3  }
0x1a6: {  	v61 =	vld [tilespmem:s3+$0x2300]  }
0x1a7: {  	v3 =	vadd.f32 v59, v3  }
0x1a8: {  	v62 =	vld [tilespmem:s3+$0x2400]  }
0x1a9: {  	v3 =	vadd.f32 v60, v3  }
0x1aa: {  	v63 =	vld [tilespmem:s3+$0x2500]  }
0x1ab: {  	v3 =	vadd.f32 v61, v3;
	_ =	sdelay $0x1  }
0x1ac: {  	v3 =	vadd.f32 v62, v3;
	_ =	sdelay $0x1  }
0x1ad: {  	s31 =	sadd.s32 $0x1, s31;
	v3 =	vadd.f32 v63, v3  }
0x1ae: {  	s0 =	sadd.s32 $0x10, s0;
	p0 =	sne.s32 s31, s11  }
.Ltmp4:
0x1af: {  	s30 =	simm.s32 $0x2600;
	[tilespmem:s0+$0x0] =	vst v3;
	(pc) =	sbr.rel @p0 .LBB2_1-.Ltmp4, $4  }
0x1b0: {  	[hbm4b:s10+s4] =	stream.linear.scatter [tilespmem:s30], [sflag:$0x4], $0x100, $0x38;
	[tilespmem:$0x2700] =	vst v63  }
0x1b1: {  	_ =	swait.ge [sflag:s15], $0x100  }
0x1b2: {  	[sflag:s15] =	ssyncset.done $0x0  }
0x1b3: {  	[sflag:s15] =	ssyncadd.s32 $0xFFFFFF00  }
0x1b4: {  	_ =	sfence.sel $0x180000  }
0x1b5: {  	[bflag:$0x0] =	sbarrier.arrive $0xFFFF  }
0x1b6: {  	_ =	strace $0x9000004D  }
0x1b7: {  	s0 =	stileid.u32;
	[bflag:$0x2] =	sbarrier.arrive $0xFFFF  }
0x1b8: {  	p0 =	sne.s32 s0, $0x0;
	s0 =	rddreg [dreg:$0x3]  }
0x1b9: {  	s0 =	sadd.s32 @!p0 $0x100000, s0  }
0x1ba: {  	[sflag:s0] =	ssyncadd.tile.s32 @!p0 $0x1;
	_ =	shalt  }
.Lfunc_end2:
_tile_overlayer_lowered:
.L_overlay_start_2:
0x1bb: {  	(tag) =	ssettag $0x2  }
0x1bc: {  	s0 =	rddreg [dreg:$0x0];
	s2 =	stileid.u32  }
0x1bd: {  	s1 =	rddreg [dreg:$0x1];
	p0 =	sne.s32 s2, $0x0  }
0x1be: {  	s3 =	rddreg [dreg:$0x2];
	[bflag:$0x3] =	sbarrier.arrive $0xFFFF;
	s2 =	simm.s32 @!p0 $0x1C04  }
0x1bf: {  	[timem:s3], [sflag:s2] =	dma.local @!p0 [hbm:s0], s1  }
0x1c0: {  	s0 =	simm.s32 @!p0 $0x4  }
0x1c1: {  	_ =	swait.ge @!p0 [sflag:s0], s1  }
0x1c2: {  	s1 =	ssub.s32 @!p0 $0x0, s1;
	[sflag:s0] =	ssyncset.done @!p0 $0x0  }
0x1c3: {  	[sflag:s0] =	ssyncadd.s32 @!p0 s1  }
0x1c4: {  	[bflag:$0x3] =	sbarrier.arrive $0xFFFF  }
0x1c5: {  	_ =	shalt  }

</sc_bundles>
